<compile_context>
chip_gen: v7x
topology: tpu7x:2x2x1
jax: 0.10.2.dev20260603
libtpu: 0.0.44.dev20260713+nightly
codegen_flags: <defaults>
</compile_context>

<pallas_src>
import functools

import jax
import jax.numpy as jnp
from jax import lax
from jax.experimental import pallas as pl
from jax.experimental.pallas import tpu as pltpu
from jax.experimental.pallas import tpu_sc as plsc

B = 16384
D = 64
NEG = 20
L = 16
NVR = D // L

NC = 2
NS = 16
NW = NC * NS
BPW = B // NW
C = 256
NCH = BPW // C
DP = 128

_mesh = plsc.VectorSubcoreMesh(core_axis_name="c", subcore_axis_name="s")


@functools.partial(
    pl.kernel,
    mesh=_mesh,
    compiler_params=pltpu.CompilerParams(use_tc_tiling_on_sc=False),
    out_type=(
        jax.ShapeDtypeStruct((B, L), jnp.float32),
        jax.ShapeDtypeStruct((B, L), jnp.float32),
    ),
    scratch_types=[
        pltpu.VMEM((C,), jnp.int32),
        pltpu.VMEM((C,), jnp.int32),
        pltpu.VMEM((NEG, C), jnp.int32),
        pltpu.VMEM((C, DP), jnp.float32),
        pltpu.VMEM((C, DP), jnp.float32),
        pltpu.VMEM((C, DP), jnp.float32),
        pltpu.VMEM((C, L), jnp.float32),
        pltpu.VMEM((C, L), jnp.float32),
        pltpu.SemaphoreType.DMA,
        pltpu.SemaphoreType.DMA,
        pltpu.SemaphoreType.DMA,
        pltpu.SemaphoreType.DMA,
    ],
)
def _sc_partials(cidx_hbm, kidx_hbm, nidx_hbm, iemb_hbm, oemb_hbm,
                 posp_hbm, negp_hbm,
                 cidx_v, kidx_v, nidx_v, crow_v, krow_v, acc_v,
                 posp_v, negp_v, sem_c, sem_k, sem_i, sem_n):
    wid = lax.axis_index("s") * NC + lax.axis_index("c")
    for ch in range(NCH):
        base = wid * BPW + ch * C
        pltpu.sync_copy(cidx_hbm.at[pl.ds(base, C)], cidx_v)
        pltpu.sync_copy(kidx_hbm.at[pl.ds(base, C)], kidx_v)
        cp_c = pltpu.async_copy(iemb_hbm.at[cidx_v], crow_v, sem_c)
        cp_k = pltpu.async_copy(oemb_hbm.at[kidx_v], krow_v, sem_k)
        idx_cps = [
            pltpu.async_copy(nidx_hbm.at[n, pl.ds(base, C)], nidx_v.at[n],
                             sem_i)
            for n in range(NEG)
        ]

        def zero_body(r, carry):
            for v in range(NVR):
                acc_v[r, pl.ds(L * v, L)] = jnp.zeros((L,), jnp.float32)
            return carry

        lax.fori_loop(0, C, zero_body, 0)
        for cp in idx_cps:
            cp.wait()

        for n in range(NEG):
            pltpu.async_copy(oemb_hbm.at[nidx_v.at[n]], acc_v, sem_n,
                             add=True)
        for n in range(NEG):
            pltpu.make_async_copy(oemb_hbm.at[nidx_v.at[0]], acc_v,
                                  sem_n).wait()
        cp_c.wait()
        cp_k.wait()

        def row_body(r, carry):
            c = [crow_v[r, pl.ds(L * v, L)] for v in range(NVR)]
            k = [krow_v[r, pl.ds(L * v, L)] for v in range(NVR)]
            a = [acc_v[r, pl.ds(L * v, L)] for v in range(NVR)]
            pp = c[0] * k[0] + c[1] * k[1] + c[2] * k[2] + c[3] * k[3]
            nn = c[0] * a[0] + c[1] * a[1] + c[2] * a[2] + c[3] * a[3]
            posp_v[r, :] = pp
            negp_v[r, :] = nn
            return carry

        lax.fori_loop(0, C, row_body, 0)
        pltpu.sync_copy(posp_v, posp_hbm.at[pl.ds(base, C)])
        pltpu.sync_copy(negp_v, negp_hbm.at[pl.ds(base, C)])


def _tc_loss_body(pp_ref, np_ref, out_ref):
    sp = jnp.sum(pp_ref[...], axis=1, keepdims=True)
    sn = jnp.sum(np_ref[...], axis=1, keepdims=True)

    def logsig(x):
        return jnp.minimum(x, 0.0) - jnp.log(1.0 + jnp.exp(-jnp.abs(x)))

    tot = jnp.sum(logsig(sp) + logsig(-sn))
    out_ref[...] = jnp.full((1, 1), -(tot / B), dtype=jnp.float32)


_tc_loss = pl.pallas_call(
    _tc_loss_body,
    out_shape=jax.ShapeDtypeStruct((1, 1), jnp.float32),
)


def kernel(center_words, context_words, neg_context_words,
           input_embeddings, output_embeddings):
    cidx = center_words.astype(jnp.int32)
    kidx = context_words.astype(jnp.int32)
    izero = lax.optimization_barrier(jnp.int32(0))
    nidx = neg_context_words.astype(jnp.int32).T + izero
    iemb = jnp.pad(input_embeddings, ((0, 0), (0, DP - D)))
    oemb = jnp.pad(output_embeddings, ((0, 0), (0, DP - D)))
    posp, negp = _sc_partials(cidx, kidx, nidx, iemb, oemb)
    fzero = lax.optimization_barrier(jnp.float32(0))
    return _tc_loss(posp + fzero, negp + fzero)[0, 0]

# --- scband reference (transcript-rebuilt; emitter-appended) ---
"""Pipeline reference for scband-skip-gram-model-48043504173207 (READ-ONLY COPY).

The authoritative reference and input builder live on the scoring server;
editing this copy changes nothing except your own understanding.
"""

import jax, jax.numpy as jnp
import numpy as np

VOCAB = 1000000
EMB = 64
BATCH = 16384
NEG = 20

def setup_inputs(seed: int = 0) -> dict:
    key = jax.random.key(seed)
    k1, k2, k3, k4, k5 = jax.random.split(key, 5)
    center_words = jax.random.randint(k1, (BATCH,), 0, VOCAB, dtype=jnp.int64) if jax.config.jax_enable_x64 else jax.random.randint(k1, (BATCH,), 0, VOCAB).astype(jnp.int32)
    context_words = jax.random.randint(k2, (BATCH,), 0, VOCAB).astype(center_words.dtype)
    neg_context_words = jax.random.randint(k3, (BATCH, NEG), 0, VOCAB).astype(center_words.dtype)
    initrange = 0.5 / EMB
    input_embeddings = jax.random.uniform(k4, (VOCAB, EMB), dtype=jnp.float32, minval=-initrange, maxval=initrange)
    output_embeddings = jax.random.uniform(k5, (VOCAB, EMB), dtype=jnp.float32, minval=-initrange, maxval=initrange)
    return {
        "center_words": center_words,
        "context_words": context_words,
        "neg_context_words": neg_context_words,
        "input_embeddings": input_embeddings,
        "output_embeddings": output_embeddings,
    }

def reference(center_words, context_words, neg_context_words, input_embeddings, output_embeddings):
    # Embedding lookups (gather)
    emb_center = jnp.take(input_embeddings, center_words, axis=0)        # [B, D]
    emb_context = jnp.take(output_embeddings, context_words, axis=0)     # [B, D]
    emb_neg_context = jnp.take(output_embeddings, neg_context_words, axis=0)  # [B, NEG, D]
    # Positive score
    pos_score = jax.nn.log_sigmoid(jnp.sum(emb_center * emb_context, axis=1))  # [B]
    # Negative score: bmm([B, NEG, D], [B, D, 1]) -> [B, NEG]
    neg_score = jnp.einsum('bnd,bd->bn', emb_neg_context, emb_center)
    neg_score = jax.nn.log_sigmoid(-jnp.sum(neg_score, axis=1))  # [B]
    return -jnp.mean(pos_score + neg_score)

if __name__ == "__main__":
    import jax
    _d = setup_inputs()
    print(jax.jit(kernel)(*tuple(_d.values())))

</pallas_src>

<mosaic_0001>
#map = affine_map<(d0, d1) -> (0)>
#map1 = affine_map<(d0, d1) -> (0, 0)>
module attributes {stable_mosaic.version = 14 : i64} {
  func.func @_sc_partials(%arg0: i32, %arg1: i32, %arg2: memref<16384xi32, #tpu.memory_space<hbm>>, %arg3: memref<16384xi32, #tpu.memory_space<hbm>>, %arg4: memref<20x16384xi32, #tpu.memory_space<hbm>>, %arg5: memref<1000000x128xf32, #tpu.memory_space<hbm>>, %arg6: memref<1000000x128xf32, #tpu.memory_space<hbm>>, %arg7: memref<16384x16xf32, #tpu.memory_space<hbm>>, %arg8: memref<16384x16xf32, #tpu.memory_space<hbm>>, %arg9: memref<256xi32, #tpu.memory_space<vmem>>, %arg10: memref<256xi32, #tpu.memory_space<vmem>>, %arg11: memref<20x256xi32, #tpu.memory_space<vmem>>, %arg12: memref<256x128xf32, #tpu.memory_space<vmem>>, %arg13: memref<256x128xf32, #tpu.memory_space<vmem>>, %arg14: memref<256x128xf32, #tpu.memory_space<vmem>>, %arg15: memref<256x16xf32, #tpu.memory_space<vmem>>, %arg16: memref<256x16xf32, #tpu.memory_space<vmem>>, %arg17: memref<!tpu.dma_semaphore, #tpu.memory_space<semaphore_mem>>, %arg18: memref<!tpu.dma_semaphore, #tpu.memory_space<semaphore_mem>>, %arg19: memref<!tpu.dma_semaphore, #tpu.memory_space<semaphore_mem>>, %arg20: memref<!tpu.dma_semaphore, #tpu.memory_space<semaphore_mem>>) attributes {dimension_semantics = [#tpu.dimension_semantics<core_parallel>, #tpu.dimension_semantics<subcore_parallel>], iteration_bounds = array<i64: 2, 16>, scalar_prefetch = 0 : i64, scratch_operands = 12 : i64, tpu.core_type = #tpu.core_type<sc_vector_subcore>, window_params = [{transform_indices = #map}, {transform_indices = #map}, {transform_indices = #map1}, {transform_indices = #map1}, {transform_indices = #map1}, {transform_indices = #map1}, {transform_indices = #map1}]} {
    %mul3A = arith.constant 2 : i32
    %mul3A_0 = arith.muli %arg1, %mul3A : i32
    %add3A = arith.addi %mul3A_0, %arg0 : i32
    %mul3A_1 = arith.constant 512 : i32
    %mul3A_2 = arith.muli %add3A, %mul3A_1 : i32
    %add3A_3 = arith.constant 0 : i32
    %add3A_4 = arith.addi %mul3A_2, %add3A_3 : i32
    "tpu.region"() ({
      %run_scoped3A = tpu.sem_alloc : memref<!tpu.dma_semaphore, #tpu.memory_space<semaphore_mem>>
      %dma_start3A_1574 = tpu.memref_slice %arg2[%add3A_4] : memref<16384xi32, #tpu.memory_space<hbm>> -> memref<256xi32, #tpu.memory_space<hbm>>
      %dma_start3A_1575 = tpu.memref_slice %arg2[%add3A_4] : memref<16384xi32, #tpu.memory_space<hbm>> -> memref<256xi32, #tpu.memory_space<hbm>>
      tpu.enqueue_dma source(%dma_start3A_1575 : memref<256xi32, #tpu.memory_space<hbm>>) target(%arg9 : memref<256xi32, #tpu.memory_space<vmem>>) target_semaphore(%run_scoped3A : memref<!tpu.dma_semaphore, #tpu.memory_space<semaphore_mem>>)
      %dma_wait3A_1576 = tpu.memref_slice %arg2[%add3A_4] : memref<16384xi32, #tpu.memory_space<hbm>> -> memref<256xi32, #tpu.memory_space<hbm>>
      %dma_wait3A_1577 = tpu.memref_slice %arg2[%add3A_4] : memref<16384xi32, #tpu.memory_space<hbm>> -> memref<256xi32, #tpu.memory_space<hbm>>
      tpu.wait_dma2 semaphore(%run_scoped3A : memref<!tpu.dma_semaphore, #tpu.memory_space<semaphore_mem>>) src(%dma_wait3A_1577 : memref<256xi32, #tpu.memory_space<hbm>>) dst(%arg9 : memref<256xi32, #tpu.memory_space<vmem>>)
      tpu.yield
    }) : () -> ()
    "tpu.region"() ({
      %run_scoped3A = tpu.sem_alloc : memref<!tpu.dma_semaphore, #tpu.memory_space<semaphore_mem>>
      %dma_start3A_1574 = tpu.memref_slice %arg3[%add3A_4] : memref<16384xi32, #tpu.memory_space<hbm>> -> memref<256xi32, #tpu.memory_space<hbm>>
      %dma_start3A_1575 = tpu.memref_slice %arg3[%add3A_4] : memref<16384xi32, #tpu.memory_space<hbm>> -> memref<256xi32, #tpu.memory_space<hbm>>
      tpu.enqueue_dma source(%dma_start3A_1575 : memref<256xi32, #tpu.memory_space<hbm>>) target(%arg10 : memref<256xi32, #tpu.memory_space<vmem>>) target_semaphore(%run_scoped3A : memref<!tpu.dma_semaphore, #tpu.memory_space<semaphore_mem>>)
      %dma_wait3A_1576 = tpu.memref_slice %arg3[%add3A_4] : memref<16384xi32, #tpu.memory_space<hbm>> -> memref<256xi32, #tpu.memory_space<hbm>>
      %dma_wait3A_1577 = tpu.memref_slice %arg3[%add3A_4] : memref<16384xi32, #tpu.memory_space<hbm>> -> memref<256xi32, #tpu.memory_space<hbm>>
      tpu.wait_dma2 semaphore(%run_scoped3A : memref<!tpu.dma_semaphore, #tpu.memory_space<semaphore_mem>>) src(%dma_wait3A_1577 : memref<256xi32, #tpu.memory_space<hbm>>) dst(%arg10 : memref<256xi32, #tpu.memory_space<vmem>>)
      tpu.yield
    }) : () -> ()
    %dma_start3A = arith.constant 0 : i32
    %dma_start3A_5 = arith.constant 0 : i32
    %dma_start3A_6 = tpu.memref_slice %arg5[%dma_start3A, %dma_start3A_5] : memref<1000000x128xf32, #tpu.memory_space<hbm>> -> memref<1000000x128xf32, #tpu.memory_space<hbm>>
    tpu.enqueue_indirect_dma source(%dma_start3A_6 : memref<1000000x128xf32, #tpu.memory_space<hbm>>) target(%arg12 : memref<256x128xf32, #tpu.memory_space<vmem>>) offsets(%arg9 : memref<256xi32, #tpu.memory_space<vmem>>) semaphore(%arg17 : memref<!tpu.dma_semaphore, #tpu.memory_space<semaphore_mem>>)
    %dma_start3A_7 = arith.constant 0 : i32
    %dma_start3A_8 = arith.constant 0 : i32
    %dma_start3A_9 = tpu.memref_slice %arg6[%dma_start3A_7, %dma_start3A_8] : memref<1000000x128xf32, #tpu.memory_space<hbm>> -> memref<1000000x128xf32, #tpu.memory_space<hbm>>
    tpu.enqueue_indirect_dma source(%dma_start3A_9 : memref<1000000x128xf32, #tpu.memory_space<hbm>>) target(%arg13 : memref<256x128xf32, #tpu.memory_space<vmem>>) offsets(%arg10 : memref<256xi32, #tpu.memory_space<vmem>>) semaphore(%arg18 : memref<!tpu.dma_semaphore, #tpu.memory_space<semaphore_mem>>)
    %dma_start3A_10 = arith.constant 0 : i32
    %dma_start3A_11 = arith.constant 0 : i32
    %dma_start3A_12 = arith.constant 0 : i32
    %dma_start3A_13 = tpu.memref_slice %arg11[%dma_start3A_11, %dma_start3A_12] : memref<20x256xi32, #tpu.memory_space<vmem>> -> memref<1x256xi32, #tpu.memory_space<vmem>>
    %dma_start3A_14 = tpu.memref_squeeze %dma_start3A_13 : memref<1x256xi32, #tpu.memory_space<vmem>> -> memref<256xi32, #tpu.memory_space<vmem>>
    %dma_start3A_15 = tpu.memref_slice %arg4[%dma_start3A_10, %add3A_4] : memref<20x16384xi32, #tpu.memory_space<hbm>> -> memref<1x256xi32, #tpu.memory_space<hbm>>
    %dma_start3A_16 = tpu.memref_squeeze %dma_start3A_15 : memref<1x256xi32, #tpu.memory_space<hbm>> -> memref<256xi32, #tpu.memory_space<hbm>>
    %dma_start3A_17 = arith.constant 0 : i32
    %dma_start3A_18 = tpu.memref_slice %arg11[%dma_start3A_11, %dma_start3A_17] : memref<20x256xi32, #tpu.memory_space<vmem>> -> memref<1x256xi32, #tpu.memory_space<vmem>>
    %dma_start3A_19 = tpu.memref_squeeze %dma_start3A_18 : memref<1x256xi32, #tpu.memory_space<vmem>> -> memref<256xi32, #tpu.memory_space<vmem>>
    %dma_start3A_20 = tpu.memref_slice %arg4[%dma_start3A_10, %add3A_4] : memref<20x16384xi32, #tpu.memory_space<hbm>> -> memref<1x256xi32, #tpu.memory_space<hbm>>
    %dma_start3A_21 = tpu.memref_squeeze %dma_start3A_20 : memref<1x256xi32, #tpu.memory_space<hbm>> -> memref<256xi32, #tpu.memory_space<hbm>>
    tpu.enqueue_dma source(%dma_start3A_21 : memref<256xi32, #tpu.memory_space<hbm>>) target(%dma_start3A_19 : memref<256xi32, #tpu.memory_space<vmem>>) target_semaphore(%arg19 : memref<!tpu.dma_semaphore, #tpu.memory_space<semaphore_mem>>)
    %dma_start3A_22 = arith.constant 1 : i32
    %dma_start3A_23 = arith.constant 1 : i32
    %dma_start3A_24 = arith.constant 0 : i32
    %dma_start3A_25 = tpu.memref_slice %arg11[%dma_start3A_23, %dma_start3A_24] : memref<20x256xi32, #tpu.memory_space<vmem>> -> memref<1x256xi32, #tpu.memory_space<vmem>>
    %dma_start3A_26 = tpu.memref_squeeze %dma_start3A_25 : memref<1x256xi32, #tpu.memory_space<vmem>> -> memref<256xi32, #tpu.memory_space<vmem>>
    %dma_start3A_27 = tpu.memref_slice %arg4[%dma_start3A_22, %add3A_4] : memref<20x16384xi32, #tpu.memory_space<hbm>> -> memref<1x256xi32, #tpu.memory_space<hbm>>
    %dma_start3A_28 = tpu.memref_squeeze %dma_start3A_27 : memref<1x256xi32, #tpu.memory_space<hbm>> -> memref<256xi32, #tpu.memory_space<hbm>>
    %dma_start3A_29 = arith.constant 0 : i32
    %dma_start3A_30 = tpu.memref_slice %arg11[%dma_start3A_23, %dma_start3A_29] : memref<20x256xi32, #tpu.memory_space<vmem>> -> memref<1x256xi32, #tpu.memory_space<vmem>>
    %dma_start3A_31 = tpu.memref_squeeze %dma_start3A_30 : memref<1x256xi32, #tpu.memory_space<vmem>> -> memref<256xi32, #tpu.memory_space<vmem>>
    %dma_start3A_32 = tpu.memref_slice %arg4[%dma_start3A_22, %add3A_4] : memref<20x16384xi32, #tpu.memory_space<hbm>> -> memref<1x256xi32, #tpu.memory_space<hbm>>
    %dma_start3A_33 = tpu.memref_squeeze %dma_start3A_32 : memref<1x256xi32, #tpu.memory_space<hbm>> -> memref<256xi32, #tpu.memory_space<hbm>>
    tpu.enqueue_dma source(%dma_start3A_33 : memref<256xi32, #tpu.memory_space<hbm>>) target(%dma_start3A_31 : memref<256xi32, #tpu.memory_space<vmem>>) target_semaphore(%arg19 : memref<!tpu.dma_semaphore, #tpu.memory_space<semaphore_mem>>)
    %dma_start3A_34 = arith.constant 2 : i32
    %dma_start3A_35 = arith.constant 2 : i32
    %dma_start3A_36 = arith.constant 0 : i32
    %dma_start3A_37 = tpu.memref_slice %arg11[%dma_start3A_35, %dma_start3A_36] : memref<20x256xi32, #tpu.memory_space<vmem>> -> memref<1x256xi32, #tpu.memory_space<vmem>>
    %dma_start3A_38 = tpu.memref_squeeze %dma_start3A_37 : memref<1x256xi32, #tpu.memory_space<vmem>> -> memref<256xi32, #tpu.memory_space<vmem>>
    %dma_start3A_39 = tpu.memref_slice %arg4[%dma_start3A_34, %add3A_4] : memref<20x16384xi32, #tpu.memory_space<hbm>> -> memref<1x256xi32, #tpu.memory_space<hbm>>
    %dma_start3A_40 = tpu.memref_squeeze %dma_start3A_39 : memref<1x256xi32, #tpu.memory_space<hbm>> -> memref<256xi32, #tpu.memory_space<hbm>>
    %dma_start3A_41 = arith.constant 0 : i32
    %dma_start3A_42 = tpu.memref_slice %arg11[%dma_start3A_35, %dma_start3A_41] : memref<20x256xi32, #tpu.memory_space<vmem>> -> memref<1x256xi32, #tpu.memory_space<vmem>>
    %dma_start3A_43 = tpu.memref_squeeze %dma_start3A_42 : memref<1x256xi32, #tpu.memory_space<vmem>> -> memref<256xi32, #tpu.memory_space<vmem>>
    %dma_start3A_44 = tpu.memref_slice %arg4[%dma_start3A_34, %add3A_4] : memref<20x16384xi32, #tpu.memory_space<hbm>> -> memref<1x256xi32, #tpu.memory_space<hbm>>
    %dma_start3A_45 = tpu.memref_squeeze %dma_start3A_44 : memref<1x256xi32, #tpu.memory_space<hbm>> -> memref<256xi32, #tpu.memory_space<hbm>>
    tpu.enqueue_dma source(%dma_start3A_45 : memref<256xi32, #tpu.memory_space<hbm>>) target(%dma_start3A_43 : memref<256xi32, #tpu.memory_space<vmem>>) target_semaphore(%arg19 : memref<!tpu.dma_semaphore, #tpu.memory_space<semaphore_mem>>)
    %dma_start3A_46 = arith.constant 3 : i32
    %dma_start3A_47 = arith.constant 3 : i32
    %dma_start3A_48 = arith.constant 0 : i32
    %dma_start3A_49 = tpu.memref_slice %arg11[%dma_start3A_47, %dma_start3A_48] : memref<20x256xi32, #tpu.memory_space<vmem>> -> memref<1x256xi32, #tpu.memory_space<vmem>>
    %dma_start3A_50 = tpu.memref_squeeze %dma_start3A_49 : memref<1x256xi32, #tpu.memory_space<vmem>> -> memref<256xi32, #tpu.memory_space<vmem>>
    %dma_start3A_51 = tpu.memref_slice %arg4[%dma_start3A_46, %add3A_4] : memref<20x16384xi32, #tpu.memory_space<hbm>> -> memref<1x256xi32, #tpu.memory_space<hbm>>
    %dma_start3A_52 = tpu.memref_squeeze %dma_start3A_51 : memref<1x256xi32, #tpu.memory_space<hbm>> -> memref<256xi32, #tpu.memory_space<hbm>>
    %dma_start3A_53 = arith.constant 0 : i32
    %dma_start3A_54 = tpu.memref_slice %arg11[%dma_start3A_47, %dma_start3A_53] : memref<20x256xi32, #tpu.memory_space<vmem>> -> memref<1x256xi32, #tpu.memory_space<vmem>>
    %dma_start3A_55 = tpu.memref_squeeze %dma_start3A_54 : memref<1x256xi32, #tpu.memory_space<vmem>> -> memref<256xi32, #tpu.memory_space<vmem>>
    %dma_start3A_56 = tpu.memref_slice %arg4[%dma_start3A_46, %add3A_4] : memref<20x16384xi32, #tpu.memory_space<hbm>> -> memref<1x256xi32, #tpu.memory_space<hbm>>
    %dma_start3A_57 = tpu.memref_squeeze %dma_start3A_56 : memref<1x256xi32, #tpu.memory_space<hbm>> -> memref<256xi32, #tpu.memory_space<hbm>>
    tpu.enqueue_dma source(%dma_start3A_57 : memref<256xi32, #tpu.memory_space<hbm>>) target(%dma_start3A_55 : memref<256xi32, #tpu.memory_space<vmem>>) target_semaphore(%arg19 : memref<!tpu.dma_semaphore, #tpu.memory_space<semaphore_mem>>)
    %dma_start3A_58 = arith.constant 4 : i32
    %dma_start3A_59 = arith.constant 4 : i32
    %dma_start3A_60 = arith.constant 0 : i32
    %dma_start3A_61 = tpu.memref_slice %arg11[%dma_start3A_59, %dma_start3A_60] : memref<20x256xi32, #tpu.memory_space<vmem>> -> memref<1x256xi32, #tpu.memory_space<vmem>>
    %dma_start3A_62 = tpu.memref_squeeze %dma_start3A_61 : memref<1x256xi32, #tpu.memory_space<vmem>> -> memref<256xi32, #tpu.memory_space<vmem>>
    %dma_start3A_63 = tpu.memref_slice %arg4[%dma_start3A_58, %add3A_4] : memref<20x16384xi32, #tpu.memory_space<hbm>> -> memref<1x256xi32, #tpu.memory_space<hbm>>
    %dma_start3A_64 = tpu.memref_squeeze %dma_start3A_63 : memref<1x256xi32, #tpu.memory_space<hbm>> -> memref<256xi32, #tpu.memory_space<hbm>>
    %dma_start3A_65 = arith.constant 0 : i32
    %dma_start3A_66 = tpu.memref_slice %arg11[%dma_start3A_59, %dma_start3A_65] : memref<20x256xi32, #tpu.memory_space<vmem>> -> memref<1x256xi32, #tpu.memory_space<vmem>>
    %dma_start3A_67 = tpu.memref_squeeze %dma_start3A_66 : memref<1x256xi32, #tpu.memory_space<vmem>> -> memref<256xi32, #tpu.memory_space<vmem>>
    %dma_start3A_68 = tpu.memref_slice %arg4[%dma_start3A_58, %add3A_4] : memref<20x16384xi32, #tpu.memory_space<hbm>> -> memref<1x256xi32, #tpu.memory_space<hbm>>
    %dma_start3A_69 = tpu.memref_squeeze %dma_start3A_68 : memref<1x256xi32, #tpu.memory_space<hbm>> -> memref<256xi32, #tpu.memory_space<hbm>>
    tpu.enqueue_dma source(%dma_start3A_69 : memref<256xi32, #tpu.memory_space<hbm>>) target(%dma_start3A_67 : memref<256xi32, #tpu.memory_space<vmem>>) target_semaphore(%arg19 : memref<!tpu.dma_semaphore, #tpu.memory_space<semaphore_mem>>)
    %dma_start3A_70 = arith.constant 5 : i32
    %dma_start3A_71 = arith.constant 5 : i32
    %dma_start3A_72 = arith.constant 0 : i32
    %dma_start3A_73 = tpu.memref_slice %arg11[%dma_start3A_71, %dma_start3A_72] : memref<20x256xi32, #tpu.memory_space<vmem>> -> memref<1x256xi32, #tpu.memory_space<vmem>>
    %dma_start3A_74 = tpu.memref_squeeze %dma_start3A_73 : memref<1x256xi32, #tpu.memory_space<vmem>> -> memref<256xi32, #tpu.memory_space<vmem>>
    %dma_start3A_75 = tpu.memref_slice %arg4[%dma_start3A_70, %add3A_4] : memref<20x16384xi32, #tpu.memory_space<hbm>> -> memref<1x256xi32, #tpu.memory_space<hbm>>
    %dma_start3A_76 = tpu.memref_squeeze %dma_start3A_75 : memref<1x256xi32, #tpu.memory_space<hbm>> -> memref<256xi32, #tpu.memory_space<hbm>>
    %dma_start3A_77 = arith.constant 0 : i32
    %dma_start3A_78 = tpu.memref_slice %arg11[%dma_start3A_71, %dma_start3A_77] : memref<20x256xi32, #tpu.memory_space<vmem>> -> memref<1x256xi32, #tpu.memory_space<vmem>>
    %dma_start3A_79 = tpu.memref_squeeze %dma_start3A_78 : memref<1x256xi32, #tpu.memory_space<vmem>> -> memref<256xi32, #tpu.memory_space<vmem>>
    %dma_start3A_80 = tpu.memref_slice %arg4[%dma_start3A_70, %add3A_4] : memref<20x16384xi32, #tpu.memory_space<hbm>> -> memref<1x256xi32, #tpu.memory_space<hbm>>
    %dma_start3A_81 = tpu.memref_squeeze %dma_start3A_80 : memref<1x256xi32, #tpu.memory_space<hbm>> -> memref<256xi32, #tpu.memory_space<hbm>>
    tpu.enqueue_dma source(%dma_start3A_81 : memref<256xi32, #tpu.memory_space<hbm>>) target(%dma_start3A_79 : memref<256xi32, #tpu.memory_space<vmem>>) target_semaphore(%arg19 : memref<!tpu.dma_semaphore, #tpu.memory_space<semaphore_mem>>)
    %dma_start3A_82 = arith.constant 6 : i32
    %dma_start3A_83 = arith.constant 6 : i32
    %dma_start3A_84 = arith.constant 0 : i32
    %dma_start3A_85 = tpu.memref_slice %arg11[%dma_start3A_83, %dma_start3A_84] : memref<20x256xi32, #tpu.memory_space<vmem>> -> memref<1x256xi32, #tpu.memory_space<vmem>>
    %dma_start3A_86 = tpu.memref_squeeze %dma_start3A_85 : memref<1x256xi32, #tpu.memory_space<vmem>> -> memref<256xi32, #tpu.memory_space<vmem>>
    %dma_start3A_87 = tpu.memref_slice %arg4[%dma_start3A_82, %add3A_4] : memref<20x16384xi32, #tpu.memory_space<hbm>> -> memref<1x256xi32, #tpu.memory_space<hbm>>
    %dma_start3A_88 = tpu.memref_squeeze %dma_start3A_87 : memref<1x256xi32, #tpu.memory_space<hbm>> -> memref<256xi32, #tpu.memory_space<hbm>>
    %dma_start3A_89 = arith.constant 0 : i32
    %dma_start3A_90 = tpu.memref_slice %arg11[%dma_start3A_83, %dma_start3A_89] : memref<20x256xi32, #tpu.memory_space<vmem>> -> memref<1x256xi32, #tpu.memory_space<vmem>>
    %dma_start3A_91 = tpu.memref_squeeze %dma_start3A_90 : memref<1x256xi32, #tpu.memory_space<vmem>> -> memref<256xi32, #tpu.memory_space<vmem>>
    %dma_start3A_92 = tpu.memref_slice %arg4[%dma_start3A_82, %add3A_4] : memref<20x16384xi32, #tpu.memory_space<hbm>> -> memref<1x256xi32, #tpu.memory_space<hbm>>
    %dma_start3A_93 = tpu.memref_squeeze %dma_start3A_92 : memref<1x256xi32, #tpu.memory_space<hbm>> -> memref<256xi32, #tpu.memory_space<hbm>>
    tpu.enqueue_dma source(%dma_start3A_93 : memref<256xi32, #tpu.memory_space<hbm>>) target(%dma_start3A_91 : memref<256xi32, #tpu.memory_space<vmem>>) target_semaphore(%arg19 : memref<!tpu.dma_semaphore, #tpu.memory_space<semaphore_mem>>)
    %dma_start3A_94 = arith.constant 7 : i32
    %dma_start3A_95 = arith.constant 7 : i32
    %dma_start3A_96 = arith.constant 0 : i32
    %dma_start3A_97 = tpu.memref_slice %arg11[%dma_start3A_95, %dma_start3A_96] : memref<20x256xi32, #tpu.memory_space<vmem>> -> memref<1x256xi32, #tpu.memory_space<vmem>>
    %dma_start3A_98 = tpu.memref_squeeze %dma_start3A_97 : memref<1x256xi32, #tpu.memory_space<vmem>> -> memref<256xi32, #tpu.memory_space<vmem>>
    %dma_start3A_99 = tpu.memref_slice %arg4[%dma_start3A_94, %add3A_4] : memref<20x16384xi32, #tpu.memory_space<hbm>> -> memref<1x256xi32, #tpu.memory_space<hbm>>
    %dma_start3A_100 = tpu.memref_squeeze %dma_start3A_99 : memref<1x256xi32, #tpu.memory_space<hbm>> -> memref<256xi32, #tpu.memory_space<hbm>>
    %dma_start3A_101 = arith.constant 0 : i32
    %dma_start3A_102 = tpu.memref_slice %arg11[%dma_start3A_95, %dma_start3A_101] : memref<20x256xi32, #tpu.memory_space<vmem>> -> memref<1x256xi32, #tpu.memory_space<vmem>>
    %dma_start3A_103 = tpu.memref_squeeze %dma_start3A_102 : memref<1x256xi32, #tpu.memory_space<vmem>> -> memref<256xi32, #tpu.memory_space<vmem>>
    %dma_start3A_104 = tpu.memref_slice %arg4[%dma_start3A_94, %add3A_4] : memref<20x16384xi32, #tpu.memory_space<hbm>> -> memref<1x256xi32, #tpu.memory_space<hbm>>
    %dma_start3A_105 = tpu.memref_squeeze %dma_start3A_104 : memref<1x256xi32, #tpu.memory_space<hbm>> -> memref<256xi32, #tpu.memory_space<hbm>>
    tpu.enqueue_dma source(%dma_start3A_105 : memref<256xi32, #tpu.memory_space<hbm>>) target(%dma_start3A_103 : memref<256xi32, #tpu.memory_space<vmem>>) target_semaphore(%arg19 : memref<!tpu.dma_semaphore, #tpu.memory_space<semaphore_mem>>)
    %dma_start3A_106 = arith.constant 8 : i32
    %dma_start3A_107 = arith.constant 8 : i32
    %dma_start3A_108 = arith.constant 0 : i32
    %dma_start3A_109 = tpu.memref_slice %arg11[%dma_start3A_107, %dma_start3A_108] : memref<20x256xi32, #tpu.memory_space<vmem>> -> memref<1x256xi32, #tpu.memory_space<vmem>>
    %dma_start3A_110 = tpu.memref_squeeze %dma_start3A_109 : memref<1x256xi32, #tpu.memory_space<vmem>> -> memref<256xi32, #tpu.memory_space<vmem>>
    %dma_start3A_111 = tpu.memref_slice %arg4[%dma_start3A_106, %add3A_4] : memref<20x16384xi32, #tpu.memory_space<hbm>> -> memref<1x256xi32, #tpu.memory_space<hbm>>
    %dma_start3A_112 = tpu.memref_squeeze %dma_start3A_111 : memref<1x256xi32, #tpu.memory_space<hbm>> -> memref<256xi32, #tpu.memory_space<hbm>>
    %dma_start3A_113 = arith.constant 0 : i32
    %dma_start3A_114 = tpu.memref_slice %arg11[%dma_start3A_107, %dma_start3A_113] : memref<20x256xi32, #tpu.memory_space<vmem>> -> memref<1x256xi32, #tpu.memory_space<vmem>>
    %dma_start3A_115 = tpu.memref_squeeze %dma_start3A_114 : memref<1x256xi32, #tpu.memory_space<vmem>> -> memref<256xi32, #tpu.memory_space<vmem>>
    %dma_start3A_116 = tpu.memref_slice %arg4[%dma_start3A_106, %add3A_4] : memref<20x16384xi32, #tpu.memory_space<hbm>> -> memref<1x256xi32, #tpu.memory_space<hbm>>
    %dma_start3A_117 = tpu.memref_squeeze %dma_start3A_116 : memref<1x256xi32, #tpu.memory_space<hbm>> -> memref<256xi32, #tpu.memory_space<hbm>>
    tpu.enqueue_dma source(%dma_start3A_117 : memref<256xi32, #tpu.memory_space<hbm>>) target(%dma_start3A_115 : memref<256xi32, #tpu.memory_space<vmem>>) target_semaphore(%arg19 : memref<!tpu.dma_semaphore, #tpu.memory_space<semaphore_mem>>)
    %dma_start3A_118 = arith.constant 9 : i32
    %dma_start3A_119 = arith.constant 9 : i32
    %dma_start3A_120 = arith.constant 0 : i32
    %dma_start3A_121 = tpu.memref_slice %arg11[%dma_start3A_119, %dma_start3A_120] : memref<20x256xi32, #tpu.memory_space<vmem>> -> memref<1x256xi32, #tpu.memory_space<vmem>>
    %dma_start3A_122 = tpu.memref_squeeze %dma_start3A_121 : memref<1x256xi32, #tpu.memory_space<vmem>> -> memref<256xi32, #tpu.memory_space<vmem>>
    %dma_start3A_123 = tpu.memref_slice %arg4[%dma_start3A_118, %add3A_4] : memref<20x16384xi32, #tpu.memory_space<hbm>> -> memref<1x256xi32, #tpu.memory_space<hbm>>
    %dma_start3A_124 = tpu.memref_squeeze %dma_start3A_123 : memref<1x256xi32, #tpu.memory_space<hbm>> -> memref<256xi32, #tpu.memory_space<hbm>>
    %dma_start3A_125 = arith.constant 0 : i32
    %dma_start3A_126 = tpu.memref_slice %arg11[%dma_start3A_119, %dma_start3A_125] : memref<20x256xi32, #tpu.memory_space<vmem>> -> memref<1x256xi32, #tpu.memory_space<vmem>>
    %dma_start3A_127 = tpu.memref_squeeze %dma_start3A_126 : memref<1x256xi32, #tpu.memory_space<vmem>> -> memref<256xi32, #tpu.memory_space<vmem>>
    %dma_start3A_128 = tpu.memref_slice %arg4[%dma_start3A_118, %add3A_4] : memref<20x16384xi32, #tpu.memory_space<hbm>> -> memref<1x256xi32, #tpu.memory_space<hbm>>
    %dma_start3A_129 = tpu.memref_squeeze %dma_start3A_128 : memref<1x256xi32, #tpu.memory_space<hbm>> -> memref<256xi32, #tpu.memory_space<hbm>>
    tpu.enqueue_dma source(%dma_start3A_129 : memref<256xi32, #tpu.memory_space<hbm>>) target(%dma_start3A_127 : memref<256xi32, #tpu.memory_space<vmem>>) target_semaphore(%arg19 : memref<!tpu.dma_semaphore, #tpu.memory_space<semaphore_mem>>)
    %dma_start3A_130 = arith.constant 10 : i32
    %dma_start3A_131 = arith.constant 10 : i32
    %dma_start3A_132 = arith.constant 0 : i32
    %dma_start3A_133 = tpu.memref_slice %arg11[%dma_start3A_131, %dma_start3A_132] : memref<20x256xi32, #tpu.memory_space<vmem>> -> memref<1x256xi32, #tpu.memory_space<vmem>>
    %dma_start3A_134 = tpu.memref_squeeze %dma_start3A_133 : memref<1x256xi32, #tpu.memory_space<vmem>> -> memref<256xi32, #tpu.memory_space<vmem>>
    %dma_start3A_135 = tpu.memref_slice %arg4[%dma_start3A_130, %add3A_4] : memref<20x16384xi32, #tpu.memory_space<hbm>> -> memref<1x256xi32, #tpu.memory_space<hbm>>
    %dma_start3A_136 = tpu.memref_squeeze %dma_start3A_135 : memref<1x256xi32, #tpu.memory_space<hbm>> -> memref<256xi32, #tpu.memory_space<hbm>>
    %dma_start3A_137 = arith.constant 0 : i32
    %dma_start3A_138 = tpu.memref_slice %arg11[%dma_start3A_131, %dma_start3A_137] : memref<20x256xi32, #tpu.memory_space<vmem>> -> memref<1x256xi32, #tpu.memory_space<vmem>>
    %dma_start3A_139 = tpu.memref_squeeze %dma_start3A_138 : memref<1x256xi32, #tpu.memory_space<vmem>> -> memref<256xi32, #tpu.memory_space<vmem>>
    %dma_start3A_140 = tpu.memref_slice %arg4[%dma_start3A_130, %add3A_4] : memref<20x16384xi32, #tpu.memory_space<hbm>> -> memref<1x256xi32, #tpu.memory_space<hbm>>
    %dma_start3A_141 = tpu.memref_squeeze %dma_start3A_140 : memref<1x256xi32, #tpu.memory_space<hbm>> -> memref<256xi32, #tpu.memory_space<hbm>>
    tpu.enqueue_dma source(%dma_start3A_141 : memref<256xi32, #tpu.memory_space<hbm>>) target(%dma_start3A_139 : memref<256xi32, #tpu.memory_space<vmem>>) target_semaphore(%arg19 : memref<!tpu.dma_semaphore, #tpu.memory_space<semaphore_mem>>)
    %dma_start3A_142 = arith.constant 11 : i32
    %dma_start3A_143 = arith.constant 11 : i32
    %dma_start3A_144 = arith.constant 0 : i32
    %dma_start3A_145 = tpu.memref_slice %arg11[%dma_start3A_143, %dma_start3A_144] : memref<20x256xi32, #tpu.memory_space<vmem>> -> memref<1x256xi32, #tpu.memory_space<vmem>>
    %dma_start3A_146 = tpu.memref_squeeze %dma_start3A_145 : memref<1x256xi32, #tpu.memory_space<vmem>> -> memref<256xi32, #tpu.memory_space<vmem>>
    %dma_start3A_147 = tpu.memref_slice %arg4[%dma_start3A_142, %add3A_4] : memref<20x16384xi32, #tpu.memory_space<hbm>> -> memref<1x256xi32, #tpu.memory_space<hbm>>
    %dma_start3A_148 = tpu.memref_squeeze %dma_start3A_147 : memref<1x256xi32, #tpu.memory_space<hbm>> -> memref<256xi32, #tpu.memory_space<hbm>>
    %dma_start3A_149 = arith.constant 0 : i32
    %dma_start3A_150 = tpu.memref_slice %arg11[%dma_start3A_143, %dma_start3A_149] : memref<20x256xi32, #tpu.memory_space<vmem>> -> memref<1x256xi32, #tpu.memory_space<vmem>>
    %dma_start3A_151 = tpu.memref_squeeze %dma_start3A_150 : memref<1x256xi32, #tpu.memory_space<vmem>> -> memref<256xi32, #tpu.memory_space<vmem>>
    %dma_start3A_152 = tpu.memref_slice %arg4[%dma_start3A_142, %add3A_4] : memref<20x16384xi32, #tpu.memory_space<hbm>> -> memref<1x256xi32, #tpu.memory_space<hbm>>
    %dma_start3A_153 = tpu.memref_squeeze %dma_start3A_152 : memref<1x256xi32, #tpu.memory_space<hbm>> -> memref<256xi32, #tpu.memory_space<hbm>>
    tpu.enqueue_dma source(%dma_start3A_153 : memref<256xi32, #tpu.memory_space<hbm>>) target(%dma_start3A_151 : memref<256xi32, #tpu.memory_space<vmem>>) target_semaphore(%arg19 : memref<!tpu.dma_semaphore, #tpu.memory_space<semaphore_mem>>)
    %dma_start3A_154 = arith.constant 12 : i32
    %dma_start3A_155 = arith.constant 12 : i32
    %dma_start3A_156 = arith.constant 0 : i32
    %dma_start3A_157 = tpu.memref_slice %arg11[%dma_start3A_155, %dma_start3A_156] : memref<20x256xi32, #tpu.memory_space<vmem>> -> memref<1x256xi32, #tpu.memory_space<vmem>>
    %dma_start3A_158 = tpu.memref_squeeze %dma_start3A_157 : memref<1x256xi32, #tpu.memory_space<vmem>> -> memref<256xi32, #tpu.memory_space<vmem>>
    %dma_start3A_159 = tpu.memref_slice %arg4[%dma_start3A_154, %add3A_4] : memref<20x16384xi32, #tpu.memory_space<hbm>> -> memref<1x256xi32, #tpu.memory_space<hbm>>
    %dma_start3A_160 = tpu.memref_squeeze %dma_start3A_159 : memref<1x256xi32, #tpu.memory_space<hbm>> -> memref<256xi32, #tpu.memory_space<hbm>>
    %dma_start3A_161 = arith.constant 0 : i32
    %dma_start3A_162 = tpu.memref_slice %arg11[%dma_start3A_155, %dma_start3A_161] : memref<20x256xi32, #tpu.memory_space<vmem>> -> memref<1x256xi32, #tpu.memory_space<vmem>>
    %dma_start3A_163 = tpu.memref_squeeze %dma_start3A_162 : memref<1x256xi32, #tpu.memory_space<vmem>> -> memref<256xi32, #tpu.memory_space<vmem>>
    %dma_start3A_164 = tpu.memref_slice %arg4[%dma_start3A_154, %add3A_4] : memref<20x16384xi32, #tpu.memory_space<hbm>> -> memref<1x256xi32, #tpu.memory_space<hbm>>
    %dma_start3A_165 = tpu.memref_squeeze %dma_start3A_164 : memref<1x256xi32, #tpu.memory_space<hbm>> -> memref<256xi32, #tpu.memory_space<hbm>>
    tpu.enqueue_dma source(%dma_start3A_165 : memref<256xi32, #tpu.memory_space<hbm>>) target(%dma_start3A_163 : memref<256xi32, #tpu.memory_space<vmem>>) target_semaphore(%arg19 : memref<!tpu.dma_semaphore, #tpu.memory_space<semaphore_mem>>)
    %dma_start3A_166 = arith.constant 13 : i32
    %dma_start3A_167 = arith.constant 13 : i32
    %dma_start3A_168 = arith.constant 0 : i32
    %dma_start3A_169 = tpu.memref_slice %arg11[%dma_start3A_167, %dma_start3A_168] : memref<20x256xi32, #tpu.memory_space<vmem>> -> memref<1x256xi32, #tpu.memory_space<vmem>>
    %dma_start3A_170 = tpu.memref_squeeze %dma_start3A_169 : memref<1x256xi32, #tpu.memory_space<vmem>> -> memref<256xi32, #tpu.memory_space<vmem>>
    %dma_start3A_171 = tpu.memref_slice %arg4[%dma_start3A_166, %add3A_4] : memref<20x16384xi32, #tpu.memory_space<hbm>> -> memref<1x256xi32, #tpu.memory_space<hbm>>
    %dma_start3A_172 = tpu.memref_squeeze %dma_start3A_171 : memref<1x256xi32, #tpu.memory_space<hbm>> -> memref<256xi32, #tpu.memory_space<hbm>>
    %dma_start3A_173 = arith.constant 0 : i32
    %dma_start3A_174 = tpu.memref_slice %arg11[%dma_start3A_167, %dma_start3A_173] : memref<20x256xi32, #tpu.memory_space<vmem>> -> memref<1x256xi32, #tpu.memory_space<vmem>>
    %dma_start3A_175 = tpu.memref_squeeze %dma_start3A_174 : memref<1x256xi32, #tpu.memory_space<vmem>> -> memref<256xi32, #tpu.memory_space<vmem>>
    %dma_start3A_176 = tpu.memref_slice %arg4[%dma_start3A_166, %add3A_4] : memref<20x16384xi32, #tpu.memory_space<hbm>> -> memref<1x256xi32, #tpu.memory_space<hbm>>
    %dma_start3A_177 = tpu.memref_squeeze %dma_start3A_176 : memref<1x256xi32, #tpu.memory_space<hbm>> -> memref<256xi32, #tpu.memory_space<hbm>>
    tpu.enqueue_dma source(%dma_start3A_177 : memref<256xi32, #tpu.memory_space<hbm>>) target(%dma_start3A_175 : memref<256xi32, #tpu.memory_space<vmem>>) target_semaphore(%arg19 : memref<!tpu.dma_semaphore, #tpu.memory_space<semaphore_mem>>)
    %dma_start3A_178 = arith.constant 14 : i32
    %dma_start3A_179 = arith.constant 14 : i32
    %dma_start3A_180 = arith.constant 0 : i32
    %dma_start3A_181 = tpu.memref_slice %arg11[%dma_start3A_179, %dma_start3A_180] : memref<20x256xi32, #tpu.memory_space<vmem>> -> memref<1x256xi32, #tpu.memory_space<vmem>>
    %dma_start3A_182 = tpu.memref_squeeze %dma_start3A_181 : memref<1x256xi32, #tpu.memory_space<vmem>> -> memref<256xi32, #tpu.memory_space<vmem>>
    %dma_start3A_183 = tpu.memref_slice %arg4[%dma_start3A_178, %add3A_4] : memref<20x16384xi32, #tpu.memory_space<hbm>> -> memref<1x256xi32, #tpu.memory_space<hbm>>
    %dma_start3A_184 = tpu.memref_squeeze %dma_start3A_183 : memref<1x256xi32, #tpu.memory_space<hbm>> -> memref<256xi32, #tpu.memory_space<hbm>>
    %dma_start3A_185 = arith.constant 0 : i32
    %dma_start3A_186 = tpu.memref_slice %arg11[%dma_start3A_179, %dma_start3A_185] : memref<20x256xi32, #tpu.memory_space<vmem>> -> memref<1x256xi32, #tpu.memory_space<vmem>>
    %dma_start3A_187 = tpu.memref_squeeze %dma_start3A_186 : memref<1x256xi32, #tpu.memory_space<vmem>> -> memref<256xi32, #tpu.memory_space<vmem>>
    %dma_start3A_188 = tpu.memref_slice %arg4[%dma_start3A_178, %add3A_4] : memref<20x16384xi32, #tpu.memory_space<hbm>> -> memref<1x256xi32, #tpu.memory_space<hbm>>
    %dma_start3A_189 = tpu.memref_squeeze %dma_start3A_188 : memref<1x256xi32, #tpu.memory_space<hbm>> -> memref<256xi32, #tpu.memory_space<hbm>>
    tpu.enqueue_dma source(%dma_start3A_189 : memref<256xi32, #tpu.memory_space<hbm>>) target(%dma_start3A_187 : memref<256xi32, #tpu.memory_space<vmem>>) target_semaphore(%arg19 : memref<!tpu.dma_semaphore, #tpu.memory_space<semaphore_mem>>)
    %dma_start3A_190 = arith.constant 15 : i32
    %dma_start3A_191 = arith.constant 15 : i32
    %dma_start3A_192 = arith.constant 0 : i32
    %dma_start3A_193 = tpu.memref_slice %arg11[%dma_start3A_191, %dma_start3A_192] : memref<20x256xi32, #tpu.memory_space<vmem>> -> memref<1x256xi32, #tpu.memory_space<vmem>>
    %dma_start3A_194 = tpu.memref_squeeze %dma_start3A_193 : memref<1x256xi32, #tpu.memory_space<vmem>> -> memref<256xi32, #tpu.memory_space<vmem>>
    %dma_start3A_195 = tpu.memref_slice %arg4[%dma_start3A_190, %add3A_4] : memref<20x16384xi32, #tpu.memory_space<hbm>> -> memref<1x256xi32, #tpu.memory_space<hbm>>
    %dma_start3A_196 = tpu.memref_squeeze %dma_start3A_195 : memref<1x256xi32, #tpu.memory_space<hbm>> -> memref<256xi32, #tpu.memory_space<hbm>>
    %dma_start3A_197 = arith.constant 0 : i32
    %dma_start3A_198 = tpu.memref_slice %arg11[%dma_start3A_191, %dma_start3A_197] : memref<20x256xi32, #tpu.memory_space<vmem>> -> memref<1x256xi32, #tpu.memory_space<vmem>>
    %dma_start3A_199 = tpu.memref_squeeze %dma_start3A_198 : memref<1x256xi32, #tpu.memory_space<vmem>> -> memref<256xi32, #tpu.memory_space<vmem>>
    %dma_start3A_200 = tpu.memref_slice %arg4[%dma_start3A_190, %add3A_4] : memref<20x16384xi32, #tpu.memory_space<hbm>> -> memref<1x256xi32, #tpu.memory_space<hbm>>
    %dma_start3A_201 = tpu.memref_squeeze %dma_start3A_200 : memref<1x256xi32, #tpu.memory_space<hbm>> -> memref<256xi32, #tpu.memory_space<hbm>>
    tpu.enqueue_dma source(%dma_start3A_201 : memref<256xi32, #tpu.memory_space<hbm>>) target(%dma_start3A_199 : memref<256xi32, #tpu.memory_space<vmem>>) target_semaphore(%arg19 : memref<!tpu.dma_semaphore, #tpu.memory_space<semaphore_mem>>)
    %dma_start3A_202 = arith.constant 16 : i32
    %dma_start3A_203 = arith.constant 16 : i32
    %dma_start3A_204 = arith.constant 0 : i32
    %dma_start3A_205 = tpu.memref_slice %arg11[%dma_start3A_203, %dma_start3A_204] : memref<20x256xi32, #tpu.memory_space<vmem>> -> memref<1x256xi32, #tpu.memory_space<vmem>>
    %dma_start3A_206 = tpu.memref_squeeze %dma_start3A_205 : memref<1x256xi32, #tpu.memory_space<vmem>> -> memref<256xi32, #tpu.memory_space<vmem>>
    %dma_start3A_207 = tpu.memref_slice %arg4[%dma_start3A_202, %add3A_4] : memref<20x16384xi32, #tpu.memory_space<hbm>> -> memref<1x256xi32, #tpu.memory_space<hbm>>
    %dma_start3A_208 = tpu.memref_squeeze %dma_start3A_207 : memref<1x256xi32, #tpu.memory_space<hbm>> -> memref<256xi32, #tpu.memory_space<hbm>>
    %dma_start3A_209 = arith.constant 0 : i32
    %dma_start3A_210 = tpu.memref_slice %arg11[%dma_start3A_203, %dma_start3A_209] : memref<20x256xi32, #tpu.memory_space<vmem>> -> memref<1x256xi32, #tpu.memory_space<vmem>>
    %dma_start3A_211 = tpu.memref_squeeze %dma_start3A_210 : memref<1x256xi32, #tpu.memory_space<vmem>> -> memref<256xi32, #tpu.memory_space<vmem>>
    %dma_start3A_212 = tpu.memref_slice %arg4[%dma_start3A_202, %add3A_4] : memref<20x16384xi32, #tpu.memory_space<hbm>> -> memref<1x256xi32, #tpu.memory_space<hbm>>
    %dma_start3A_213 = tpu.memref_squeeze %dma_start3A_212 : memref<1x256xi32, #tpu.memory_space<hbm>> -> memref<256xi32, #tpu.memory_space<hbm>>
    tpu.enqueue_dma source(%dma_start3A_213 : memref<256xi32, #tpu.memory_space<hbm>>) target(%dma_start3A_211 : memref<256xi32, #tpu.memory_space<vmem>>) target_semaphore(%arg19 : memref<!tpu.dma_semaphore, #tpu.memory_space<semaphore_mem>>)
    %dma_start3A_214 = arith.constant 17 : i32
    %dma_start3A_215 = arith.constant 17 : i32
    %dma_start3A_216 = arith.constant 0 : i32
    %dma_start3A_217 = tpu.memref_slice %arg11[%dma_start3A_215, %dma_start3A_216] : memref<20x256xi32, #tpu.memory_space<vmem>> -> memref<1x256xi32, #tpu.memory_space<vmem>>
    %dma_start3A_218 = tpu.memref_squeeze %dma_start3A_217 : memref<1x256xi32, #tpu.memory_space<vmem>> -> memref<256xi32, #tpu.memory_space<vmem>>
    %dma_start3A_219 = tpu.memref_slice %arg4[%dma_start3A_214, %add3A_4] : memref<20x16384xi32, #tpu.memory_space<hbm>> -> memref<1x256xi32, #tpu.memory_space<hbm>>
    %dma_start3A_220 = tpu.memref_squeeze %dma_start3A_219 : memref<1x256xi32, #tpu.memory_space<hbm>> -> memref<256xi32, #tpu.memory_space<hbm>>
    %dma_start3A_221 = arith.constant 0 : i32
    %dma_start3A_222 = tpu.memref_slice %arg11[%dma_start3A_215, %dma_start3A_221] : memref<20x256xi32, #tpu.memory_space<vmem>> -> memref<1x256xi32, #tpu.memory_space<vmem>>
    %dma_start3A_223 = tpu.memref_squeeze %dma_start3A_222 : memref<1x256xi32, #tpu.memory_space<vmem>> -> memref<256xi32, #tpu.memory_space<vmem>>
    %dma_start3A_224 = tpu.memref_slice %arg4[%dma_start3A_214, %add3A_4] : memref<20x16384xi32, #tpu.memory_space<hbm>> -> memref<1x256xi32, #tpu.memory_space<hbm>>
    %dma_start3A_225 = tpu.memref_squeeze %dma_start3A_224 : memref<1x256xi32, #tpu.memory_space<hbm>> -> memref<256xi32, #tpu.memory_space<hbm>>
    tpu.enqueue_dma source(%dma_start3A_225 : memref<256xi32, #tpu.memory_space<hbm>>) target(%dma_start3A_223 : memref<256xi32, #tpu.memory_space<vmem>>) target_semaphore(%arg19 : memref<!tpu.dma_semaphore, #tpu.memory_space<semaphore_mem>>)
    %dma_start3A_226 = arith.constant 18 : i32
    %dma_start3A_227 = arith.constant 18 : i32
    %dma_start3A_228 = arith.constant 0 : i32
    %dma_start3A_229 = tpu.memref_slice %arg11[%dma_start3A_227, %dma_start3A_228] : memref<20x256xi32, #tpu.memory_space<vmem>> -> memref<1x256xi32, #tpu.memory_space<vmem>>
    %dma_start3A_230 = tpu.memref_squeeze %dma_start3A_229 : memref<1x256xi32, #tpu.memory_space<vmem>> -> memref<256xi32, #tpu.memory_space<vmem>>
    %dma_start3A_231 = tpu.memref_slice %arg4[%dma_start3A_226, %add3A_4] : memref<20x16384xi32, #tpu.memory_space<hbm>> -> memref<1x256xi32, #tpu.memory_space<hbm>>
    %dma_start3A_232 = tpu.memref_squeeze %dma_start3A_231 : memref<1x256xi32, #tpu.memory_space<hbm>> -> memref<256xi32, #tpu.memory_space<hbm>>
    %dma_start3A_233 = arith.constant 0 : i32
    %dma_start3A_234 = tpu.memref_slice %arg11[%dma_start3A_227, %dma_start3A_233] : memref<20x256xi32, #tpu.memory_space<vmem>> -> memref<1x256xi32, #tpu.memory_space<vmem>>
    %dma_start3A_235 = tpu.memref_squeeze %dma_start3A_234 : memref<1x256xi32, #tpu.memory_space<vmem>> -> memref<256xi32, #tpu.memory_space<vmem>>
    %dma_start3A_236 = tpu.memref_slice %arg4[%dma_start3A_226, %add3A_4] : memref<20x16384xi32, #tpu.memory_space<hbm>> -> memref<1x256xi32, #tpu.memory_space<hbm>>
    %dma_start3A_237 = tpu.memref_squeeze %dma_start3A_236 : memref<1x256xi32, #tpu.memory_space<hbm>> -> memref<256xi32, #tpu.memory_space<hbm>>
    tpu.enqueue_dma source(%dma_start3A_237 : memref<256xi32, #tpu.memory_space<hbm>>) target(%dma_start3A_235 : memref<256xi32, #tpu.memory_space<vmem>>) target_semaphore(%arg19 : memref<!tpu.dma_semaphore, #tpu.memory_space<semaphore_mem>>)
    %dma_start3A_238 = arith.constant 19 : i32
    %dma_start3A_239 = arith.constant 19 : i32
    %dma_start3A_240 = arith.constant 0 : i32
    %dma_start3A_241 = tpu.memref_slice %arg11[%dma_start3A_239, %dma_start3A_240] : memref<20x256xi32, #tpu.memory_space<vmem>> -> memref<1x256xi32, #tpu.memory_space<vmem>>
    %dma_start3A_242 = tpu.memref_squeeze %dma_start3A_241 : memref<1x256xi32, #tpu.memory_space<vmem>> -> memref<256xi32, #tpu.memory_space<vmem>>
    %dma_start3A_243 = tpu.memref_slice %arg4[%dma_start3A_238, %add3A_4] : memref<20x16384xi32, #tpu.memory_space<hbm>> -> memref<1x256xi32, #tpu.memory_space<hbm>>
    %dma_start3A_244 = tpu.memref_squeeze %dma_start3A_243 : memref<1x256xi32, #tpu.memory_space<hbm>> -> memref<256xi32, #tpu.memory_space<hbm>>
    %dma_start3A_245 = arith.constant 0 : i32
    %dma_start3A_246 = tpu.memref_slice %arg11[%dma_start3A_239, %dma_start3A_245] : memref<20x256xi32, #tpu.memory_space<vmem>> -> memref<1x256xi32, #tpu.memory_space<vmem>>
    %dma_start3A_247 = tpu.memref_squeeze %dma_start3A_246 : memref<1x256xi32, #tpu.memory_space<vmem>> -> memref<256xi32, #tpu.memory_space<vmem>>
    %dma_start3A_248 = tpu.memref_slice %arg4[%dma_start3A_238, %add3A_4] : memref<20x16384xi32, #tpu.memory_space<hbm>> -> memref<1x256xi32, #tpu.memory_space<hbm>>
    %dma_start3A_249 = tpu.memref_squeeze %dma_start3A_248 : memref<1x256xi32, #tpu.memory_space<hbm>> -> memref<256xi32, #tpu.memory_space<hbm>>
    tpu.enqueue_dma source(%dma_start3A_249 : memref<256xi32, #tpu.memory_space<hbm>>) target(%dma_start3A_247 : memref<256xi32, #tpu.memory_space<vmem>>) target_semaphore(%arg19 : memref<!tpu.dma_semaphore, #tpu.memory_space<semaphore_mem>>)
    %scan3A = arith.constant 0 : i32
    %scan3A_250 = arith.constant 0 : i32
    %scan3A_251 = arith.constant 256 : i32
    %scan3A_252 = arith.addi %scan3A_250, %scan3A_251 : i32
    %scan3A_253 = arith.constant 1 : i32
    scf.for %scan3A_1574 = %scan3A_250 to %scan3A_252 step %scan3A_253  : i32 {
      %broadcast_in_dim3A = arith.constant 0.000000e+00 : f32
      %broadcast_in_dim3A_1575 = vector.broadcast %broadcast_in_dim3A : f32 to vector<16xf32>
      %swap3A = arith.index_cast %scan3A_1574 : i32 to index
      %swap3A_1576 = arith.constant 0 : index
      %swap3A_1577 = tpu.vector_load %arg14[%swap3A, %swap3A_1576] {strides = array<i32>} : memref<256x128xf32, #tpu.memory_space<vmem>>, vector<1x16xf32>,
      %swap3A_1578 = vector.shape_cast %swap3A_1577 : vector<1x16xf32> to vector<16xf32>
      %swap3A_1579 = vector.shape_cast %broadcast_in_dim3A_1575 : vector<16xf32> to vector<1x16xf32>
      tpu.vector_store %arg14[%swap3A, %swap3A_1576], %swap3A_1579 {strides = array<i32>} : memref<256x128xf32, #tpu.memory_space<vmem>>, vector<1x16xf32>,
      %broadcast_in_dim3A_1580 = arith.constant 0.000000e+00 : f32
      %broadcast_in_dim3A_1581 = vector.broadcast %broadcast_in_dim3A_1580 : f32 to vector<16xf32>
      %swap3A_1582 = arith.index_cast %scan3A_1574 : i32 to index
      %swap3A_1583 = arith.constant 16 : index
      %swap3A_1584 = tpu.vector_load %arg14[%swap3A_1582, %swap3A_1583] {strides = array<i32>} : memref<256x128xf32, #tpu.memory_space<vmem>>, vector<1x16xf32>,
      %swap3A_1585 = vector.shape_cast %swap3A_1584 : vector<1x16xf32> to vector<16xf32>
      %swap3A_1586 = vector.shape_cast %broadcast_in_dim3A_1581 : vector<16xf32> to vector<1x16xf32>
      tpu.vector_store %arg14[%swap3A_1582, %swap3A_1583], %swap3A_1586 {strides = array<i32>} : memref<256x128xf32, #tpu.memory_space<vmem>>, vector<1x16xf32>,
      %broadcast_in_dim3A_1587 = arith.constant 0.000000e+00 : f32
      %broadcast_in_dim3A_1588 = vector.broadcast %broadcast_in_dim3A_1587 : f32 to vector<16xf32>
      %swap3A_1589 = arith.index_cast %scan3A_1574 : i32 to index
      %swap3A_1590 = arith.constant 32 : index
      %swap3A_1591 = tpu.vector_load %arg14[%swap3A_1589, %swap3A_1590] {strides = array<i32>} : memref<256x128xf32, #tpu.memory_space<vmem>>, vector<1x16xf32>,
      %swap3A_1592 = vector.shape_cast %swap3A_1591 : vector<1x16xf32> to vector<16xf32>
      %swap3A_1593 = vector.shape_cast %broadcast_in_dim3A_1588 : vector<16xf32> to vector<1x16xf32>
      tpu.vector_store %arg14[%swap3A_1589, %swap3A_1590], %swap3A_1593 {strides = array<i32>} : memref<256x128xf32, #tpu.memory_space<vmem>>, vector<1x16xf32>,
      %broadcast_in_dim3A_1594 = arith.constant 0.000000e+00 : f32
      %broadcast_in_dim3A_1595 = vector.broadcast %broadcast_in_dim3A_1594 : f32 to vector<16xf32>
      %swap3A_1596 = arith.index_cast %scan3A_1574 : i32 to index
      %swap3A_1597 = arith.constant 48 : index
      %swap3A_1598 = tpu.vector_load %arg14[%swap3A_1596, %swap3A_1597] {strides = array<i32>} : memref<256x128xf32, #tpu.memory_space<vmem>>, vector<1x16xf32>,
      %swap3A_1599 = vector.shape_cast %swap3A_1598 : vector<1x16xf32> to vector<16xf32>
      %swap3A_1600 = vector.shape_cast %broadcast_in_dim3A_1595 : vector<16xf32> to vector<1x16xf32>
      tpu.vector_store %arg14[%swap3A_1596, %swap3A_1597], %swap3A_1600 {strides = array<i32>} : memref<256x128xf32, #tpu.memory_space<vmem>>, vector<1x16xf32>,
    }
    %scan3A_254 = arith.constant 256 : i32
    %dma_wait3A = arith.constant 0 : i32
    %dma_wait3A_255 = arith.constant 0 : i32
    %dma_wait3A_256 = arith.constant 0 : i32
    %dma_wait3A_257 = tpu.memref_slice %arg11[%dma_wait3A_255, %dma_wait3A_256] : memref<20x256xi32, #tpu.memory_space<vmem>> -> memref<1x256xi32, #tpu.memory_space<vmem>>
    %dma_wait3A_258 = tpu.memref_squeeze %dma_wait3A_257 : memref<1x256xi32, #tpu.memory_space<vmem>> -> memref<256xi32, #tpu.memory_space<vmem>>
    %dma_wait3A_259 = tpu.memref_slice %arg4[%dma_wait3A, %add3A_4] : memref<20x16384xi32, #tpu.memory_space<hbm>> -> memref<1x256xi32, #tpu.memory_space<hbm>>
    %dma_wait3A_260 = tpu.memref_squeeze %dma_wait3A_259 : memref<1x256xi32, #tpu.memory_space<hbm>> -> memref<256xi32, #tpu.memory_space<hbm>>
    %dma_wait3A_261 = arith.constant 0 : i32
    %dma_wait3A_262 = tpu.memref_slice %arg11[%dma_wait3A_255, %dma_wait3A_261] : memref<20x256xi32, #tpu.memory_space<vmem>> -> memref<1x256xi32, #tpu.memory_space<vmem>>
    %dma_wait3A_263 = tpu.memref_squeeze %dma_wait3A_262 : memref<1x256xi32, #tpu.memory_space<vmem>> -> memref<256xi32, #tpu.memory_space<vmem>>
    %dma_wait3A_264 = tpu.memref_slice %arg4[%dma_wait3A, %add3A_4] : memref<20x16384xi32, #tpu.memory_space<hbm>> -> memref<1x256xi32, #tpu.memory_space<hbm>>
    %dma_wait3A_265 = tpu.memref_squeeze %dma_wait3A_264 : memref<1x256xi32, #tpu.memory_space<hbm>> -> memref<256xi32, #tpu.memory_space<hbm>>
    tpu.wait_dma2 semaphore(%arg19 : memref<!tpu.dma_semaphore, #tpu.memory_space<semaphore_mem>>) src(%dma_wait3A_265 : memref<256xi32, #tpu.memory_space<hbm>>) dst(%dma_wait3A_263 : memref<256xi32, #tpu.memory_space<vmem>>)
    %dma_wait3A_266 = arith.constant 1 : i32
    %dma_wait3A_267 = arith.constant 1 : i32
    %dma_wait3A_268 = arith.constant 0 : i32
    %dma_wait3A_269 = tpu.memref_slice %arg11[%dma_wait3A_267, %dma_wait3A_268] : memref<20x256xi32, #tpu.memory_space<vmem>> -> memref<1x256xi32, #tpu.memory_space<vmem>>
    %dma_wait3A_270 = tpu.memref_squeeze %dma_wait3A_269 : memref<1x256xi32, #tpu.memory_space<vmem>> -> memref<256xi32, #tpu.memory_space<vmem>>
    %dma_wait3A_271 = tpu.memref_slice %arg4[%dma_wait3A_266, %add3A_4] : memref<20x16384xi32, #tpu.memory_space<hbm>> -> memref<1x256xi32, #tpu.memory_space<hbm>>
    %dma_wait3A_272 = tpu.memref_squeeze %dma_wait3A_271 : memref<1x256xi32, #tpu.memory_space<hbm>> -> memref<256xi32, #tpu.memory_space<hbm>>
    %dma_wait3A_273 = arith.constant 0 : i32
    %dma_wait3A_274 = tpu.memref_slice %arg11[%dma_wait3A_267, %dma_wait3A_273] : memref<20x256xi32, #tpu.memory_space<vmem>> -> memref<1x256xi32, #tpu.memory_space<vmem>>
    %dma_wait3A_275 = tpu.memref_squeeze %dma_wait3A_274 : memref<1x256xi32, #tpu.memory_space<vmem>> -> memref<256xi32, #tpu.memory_space<vmem>>
    %dma_wait3A_276 = tpu.memref_slice %arg4[%dma_wait3A_266, %add3A_4] : memref<20x16384xi32, #tpu.memory_space<hbm>> -> memref<1x256xi32, #tpu.memory_space<hbm>>
    %dma_wait3A_277 = tpu.memref_squeeze %dma_wait3A_276 : memref<1x256xi32, #tpu.memory_space<hbm>> -> memref<256xi32, #tpu.memory_space<hbm>>
    tpu.wait_dma2 semaphore(%arg19 : memref<!tpu.dma_semaphore, #tpu.memory_space<semaphore_mem>>) src(%dma_wait3A_277 : memref<256xi32, #tpu.memory_space<hbm>>) dst(%dma_wait3A_275 : memref<256xi32, #tpu.memory_space<vmem>>)
    %dma_wait3A_278 = arith.constant 2 : i32
    %dma_wait3A_279 = arith.constant 2 : i32
    %dma_wait3A_280 = arith.constant 0 : i32
    %dma_wait3A_281 = tpu.memref_slice %arg11[%dma_wait3A_279, %dma_wait3A_280] : memref<20x256xi32, #tpu.memory_space<vmem>> -> memref<1x256xi32, #tpu.memory_space<vmem>>
    %dma_wait3A_282 = tpu.memref_squeeze %dma_wait3A_281 : memref<1x256xi32, #tpu.memory_space<vmem>> -> memref<256xi32, #tpu.memory_space<vmem>>
    %dma_wait3A_283 = tpu.memref_slice %arg4[%dma_wait3A_278, %add3A_4] : memref<20x16384xi32, #tpu.memory_space<hbm>> -> memref<1x256xi32, #tpu.memory_space<hbm>>
    %dma_wait3A_284 = tpu.memref_squeeze %dma_wait3A_283 : memref<1x256xi32, #tpu.memory_space<hbm>> -> memref<256xi32, #tpu.memory_space<hbm>>
    %dma_wait3A_285 = arith.constant 0 : i32
    %dma_wait3A_286 = tpu.memref_slice %arg11[%dma_wait3A_279, %dma_wait3A_285] : memref<20x256xi32, #tpu.memory_space<vmem>> -> memref<1x256xi32, #tpu.memory_space<vmem>>
    %dma_wait3A_287 = tpu.memref_squeeze %dma_wait3A_286 : memref<1x256xi32, #tpu.memory_space<vmem>> -> memref<256xi32, #tpu.memory_space<vmem>>
    %dma_wait3A_288 = tpu.memref_slice %arg4[%dma_wait3A_278, %add3A_4] : memref<20x16384xi32, #tpu.memory_space<hbm>> -> memref<1x256xi32, #tpu.memory_space<hbm>>
    %dma_wait3A_289 = tpu.memref_squeeze %dma_wait3A_288 : memref<1x256xi32, #tpu.memory_space<hbm>> -> memref<256xi32, #tpu.memory_space<hbm>>
    tpu.wait_dma2 semaphore(%arg19 : memref<!tpu.dma_semaphore, #tpu.memory_space<semaphore_mem>>) src(%dma_wait3A_289 : memref<256xi32, #tpu.memory_space<hbm>>) dst(%dma_wait3A_287 : memref<256xi32, #tpu.memory_space<vmem>>)
    %dma_wait3A_290 = arith.constant 3 : i32
    %dma_wait3A_291 = arith.constant 3 : i32
    %dma_wait3A_292 = arith.constant 0 : i32
    %dma_wait3A_293 = tpu.memref_slice %arg11[%dma_wait3A_291, %dma_wait3A_292] : memref<20x256xi32, #tpu.memory_space<vmem>> -> memref<1x256xi32, #tpu.memory_space<vmem>>
    %dma_wait3A_294 = tpu.memref_squeeze %dma_wait3A_293 : memref<1x256xi32, #tpu.memory_space<vmem>> -> memref<256xi32, #tpu.memory_space<vmem>>
    %dma_wait3A_295 = tpu.memref_slice %arg4[%dma_wait3A_290, %add3A_4] : memref<20x16384xi32, #tpu.memory_space<hbm>> -> memref<1x256xi32, #tpu.memory_space<hbm>>
    %dma_wait3A_296 = tpu.memref_squeeze %dma_wait3A_295 : memref<1x256xi32, #tpu.memory_space<hbm>> -> memref<256xi32, #tpu.memory_space<hbm>>
    %dma_wait3A_297 = arith.constant 0 : i32
    %dma_wait3A_298 = tpu.memref_slice %arg11[%dma_wait3A_291, %dma_wait3A_297] : memref<20x256xi32, #tpu.memory_space<vmem>> -> memref<1x256xi32, #tpu.memory_space<vmem>>
    %dma_wait3A_299 = tpu.memref_squeeze %dma_wait3A_298 : memref<1x256xi32, #tpu.memory_space<vmem>> -> memref<256xi32, #tpu.memory_space<vmem>>
    %dma_wait3A_300 = tpu.memref_slice %arg4[%dma_wait3A_290, %add3A_4] : memref<20x16384xi32, #tpu.memory_space<hbm>> -> memref<1x256xi32, #tpu.memory_space<hbm>>
    %dma_wait3A_301 = tpu.memref_squeeze %dma_wait3A_300 : memref<1x256xi32, #tpu.memory_space<hbm>> -> memref<256xi32, #tpu.memory_space<hbm>>
    tpu.wait_dma2 semaphore(%arg19 : memref<!tpu.dma_semaphore, #tpu.memory_space<semaphore_mem>>) src(%dma_wait3A_301 : memref<256xi32, #tpu.memory_space<hbm>>) dst(%dma_wait3A_299 : memref<256xi32, #tpu.memory_space<vmem>>)
    %dma_wait3A_302 = arith.constant 4 : i32
    %dma_wait3A_303 = arith.constant 4 : i32
    %dma_wait3A_304 = arith.constant 0 : i32
    %dma_wait3A_305 = tpu.memref_slice %arg11[%dma_wait3A_303, %dma_wait3A_304] : memref<20x256xi32, #tpu.memory_space<vmem>> -> memref<1x256xi32, #tpu.memory_space<vmem>>
    %dma_wait3A_306 = tpu.memref_squeeze %dma_wait3A_305 : memref<1x256xi32, #tpu.memory_space<vmem>> -> memref<256xi32, #tpu.memory_space<vmem>>
    %dma_wait3A_307 = tpu.memref_slice %arg4[%dma_wait3A_302, %add3A_4] : memref<20x16384xi32, #tpu.memory_space<hbm>> -> memref<1x256xi32, #tpu.memory_space<hbm>>
    %dma_wait3A_308 = tpu.memref_squeeze %dma_wait3A_307 : memref<1x256xi32, #tpu.memory_space<hbm>> -> memref<256xi32, #tpu.memory_space<hbm>>
    %dma_wait3A_309 = arith.constant 0 : i32
    %dma_wait3A_310 = tpu.memref_slice %arg11[%dma_wait3A_303, %dma_wait3A_309] : memref<20x256xi32, #tpu.memory_space<vmem>> -> memref<1x256xi32, #tpu.memory_space<vmem>>
    %dma_wait3A_311 = tpu.memref_squeeze %dma_wait3A_310 : memref<1x256xi32, #tpu.memory_space<vmem>> -> memref<256xi32, #tpu.memory_space<vmem>>
    %dma_wait3A_312 = tpu.memref_slice %arg4[%dma_wait3A_302, %add3A_4] : memref<20x16384xi32, #tpu.memory_space<hbm>> -> memref<1x256xi32, #tpu.memory_space<hbm>>
    %dma_wait3A_313 = tpu.memref_squeeze %dma_wait3A_312 : memref<1x256xi32, #tpu.memory_space<hbm>> -> memref<256xi32, #tpu.memory_space<hbm>>
    tpu.wait_dma2 semaphore(%arg19 : memref<!tpu.dma_semaphore, #tpu.memory_space<semaphore_mem>>) src(%dma_wait3A_313 : memref<256xi32, #tpu.memory_space<hbm>>) dst(%dma_wait3A_311 : memref<256xi32, #tpu.memory_space<vmem>>)
    %dma_wait3A_314 = arith.constant 5 : i32
    %dma_wait3A_315 = arith.constant 5 : i32
    %dma_wait3A_316 = arith.constant 0 : i32
    %dma_wait3A_317 = tpu.memref_slice %arg11[%dma_wait3A_315, %dma_wait3A_316] : memref<20x256xi32, #tpu.memory_space<vmem>> -> memref<1x256xi32, #tpu.memory_space<vmem>>
    %dma_wait3A_318 = tpu.memref_squeeze %dma_wait3A_317 : memref<1x256xi32, #tpu.memory_space<vmem>> -> memref<256xi32, #tpu.memory_space<vmem>>
    %dma_wait3A_319 = tpu.memref_slice %arg4[%dma_wait3A_314, %add3A_4] : memref<20x16384xi32, #tpu.memory_space<hbm>> -> memref<1x256xi32, #tpu.memory_space<hbm>>
    %dma_wait3A_320 = tpu.memref_squeeze %dma_wait3A_319 : memref<1x256xi32, #tpu.memory_space<hbm>> -> memref<256xi32, #tpu.memory_space<hbm>>
    %dma_wait3A_321 = arith.constant 0 : i32
    %dma_wait3A_322 = tpu.memref_slice %arg11[%dma_wait3A_315, %dma_wait3A_321] : memref<20x256xi32, #tpu.memory_space<vmem>> -> memref<1x256xi32, #tpu.memory_space<vmem>>
    %dma_wait3A_323 = tpu.memref_squeeze %dma_wait3A_322 : memref<1x256xi32, #tpu.memory_space<vmem>> -> memref<256xi32, #tpu.memory_space<vmem>>
    %dma_wait3A_324 = tpu.memref_slice %arg4[%dma_wait3A_314, %add3A_4] : memref<20x16384xi32, #tpu.memory_space<hbm>> -> memref<1x256xi32, #tpu.memory_space<hbm>>
    %dma_wait3A_325 = tpu.memref_squeeze %dma_wait3A_324 : memref<1x256xi32, #tpu.memory_space<hbm>> -> memref<256xi32, #tpu.memory_space<hbm>>
    tpu.wait_dma2 semaphore(%arg19 : memref<!tpu.dma_semaphore, #tpu.memory_space<semaphore_mem>>) src(%dma_wait3A_325 : memref<256xi32, #tpu.memory_space<hbm>>) dst(%dma_wait3A_323 : memref<256xi32, #tpu.memory_space<vmem>>)
    %dma_wait3A_326 = arith.constant 6 : i32
    %dma_wait3A_327 = arith.constant 6 : i32
    %dma_wait3A_328 = arith.constant 0 : i32
    %dma_wait3A_329 = tpu.memref_slice %arg11[%dma_wait3A_327, %dma_wait3A_328] : memref<20x256xi32, #tpu.memory_space<vmem>> -> memref<1x256xi32, #tpu.memory_space<vmem>>
    %dma_wait3A_330 = tpu.memref_squeeze %dma_wait3A_329 : memref<1x256xi32, #tpu.memory_space<vmem>> -> memref<256xi32, #tpu.memory_space<vmem>>
    %dma_wait3A_331 = tpu.memref_slice %arg4[%dma_wait3A_326, %add3A_4] : memref<20x16384xi32, #tpu.memory_space<hbm>> -> memref<1x256xi32, #tpu.memory_space<hbm>>
    %dma_wait3A_332 = tpu.memref_squeeze %dma_wait3A_331 : memref<1x256xi32, #tpu.memory_space<hbm>> -> memref<256xi32, #tpu.memory_space<hbm>>
    %dma_wait3A_333 = arith.constant 0 : i32
    %dma_wait3A_334 = tpu.memref_slice %arg11[%dma_wait3A_327, %dma_wait3A_333] : memref<20x256xi32, #tpu.memory_space<vmem>> -> memref<1x256xi32, #tpu.memory_space<vmem>>
    %dma_wait3A_335 = tpu.memref_squeeze %dma_wait3A_334 : memref<1x256xi32, #tpu.memory_space<vmem>> -> memref<256xi32, #tpu.memory_space<vmem>>
    %dma_wait3A_336 = tpu.memref_slice %arg4[%dma_wait3A_326, %add3A_4] : memref<20x16384xi32, #tpu.memory_space<hbm>> -> memref<1x256xi32, #tpu.memory_space<hbm>>
    %dma_wait3A_337 = tpu.memref_squeeze %dma_wait3A_336 : memref<1x256xi32, #tpu.memory_space<hbm>> -> memref<256xi32, #tpu.memory_space<hbm>>
    tpu.wait_dma2 semaphore(%arg19 : memref<!tpu.dma_semaphore, #tpu.memory_space<semaphore_mem>>) src(%dma_wait3A_337 : memref<256xi32, #tpu.memory_space<hbm>>) dst(%dma_wait3A_335 : memref<256xi32, #tpu.memory_space<vmem>>)
    %dma_wait3A_338 = arith.constant 7 : i32
    %dma_wait3A_339 = arith.constant 7 : i32
    %dma_wait3A_340 = arith.constant 0 : i32
    %dma_wait3A_341 = tpu.memref_slice %arg11[%dma_wait3A_339, %dma_wait3A_340] : memref<20x256xi32, #tpu.memory_space<vmem>> -> memref<1x256xi32, #tpu.memory_space<vmem>>
    %dma_wait3A_342 = tpu.memref_squeeze %dma_wait3A_341 : memref<1x256xi32, #tpu.memory_space<vmem>> -> memref<256xi32, #tpu.memory_space<vmem>>
    %dma_wait3A_343 = tpu.memref_slice %arg4[%dma_wait3A_338, %add3A_4] : memref<20x16384xi32, #tpu.memory_space<hbm>> -> memref<1x256xi32, #tpu.memory_space<hbm>>
    %dma_wait3A_344 = tpu.memref_squeeze %dma_wait3A_343 : memref<1x256xi32, #tpu.memory_space<hbm>> -> memref<256xi32, #tpu.memory_space<hbm>>
    %dma_wait3A_345 = arith.constant 0 : i32
    %dma_wait3A_346 = tpu.memref_slice %arg11[%dma_wait3A_339, %dma_wait3A_345] : memref<20x256xi32, #tpu.memory_space<vmem>> -> memref<1x256xi32, #tpu.memory_space<vmem>>
    %dma_wait3A_347 = tpu.memref_squeeze %dma_wait3A_346 : memref<1x256xi32, #tpu.memory_space<vmem>> -> memref<256xi32, #tpu.memory_space<vmem>>
    %dma_wait3A_348 = tpu.memref_slice %arg4[%dma_wait3A_338, %add3A_4] : memref<20x16384xi32, #tpu.memory_space<hbm>> -> memref<1x256xi32, #tpu.memory_space<hbm>>
    %dma_wait3A_349 = tpu.memref_squeeze %dma_wait3A_348 : memref<1x256xi32, #tpu.memory_space<hbm>> -> memref<256xi32, #tpu.memory_space<hbm>>
    tpu.wait_dma2 semaphore(%arg19 : memref<!tpu.dma_semaphore, #tpu.memory_space<semaphore_mem>>) src(%dma_wait3A_349 : memref<256xi32, #tpu.memory_space<hbm>>) dst(%dma_wait3A_347 : memref<256xi32, #tpu.memory_space<vmem>>)
    %dma_wait3A_350 = arith.constant 8 : i32
    %dma_wait3A_351 = arith.constant 8 : i32
    %dma_wait3A_352 = arith.constant 0 : i32
    %dma_wait3A_353 = tpu.memref_slice %arg11[%dma_wait3A_351, %dma_wait3A_352] : memref<20x256xi32, #tpu.memory_space<vmem>> -> memref<1x256xi32, #tpu.memory_space<vmem>>
    %dma_wait3A_354 = tpu.memref_squeeze %dma_wait3A_353 : memref<1x256xi32, #tpu.memory_space<vmem>> -> memref<256xi32, #tpu.memory_space<vmem>>
    %dma_wait3A_355 = tpu.memref_slice %arg4[%dma_wait3A_350, %add3A_4] : memref<20x16384xi32, #tpu.memory_space<hbm>> -> memref<1x256xi32, #tpu.memory_space<hbm>>
    %dma_wait3A_356 = tpu.memref_squeeze %dma_wait3A_355 : memref<1x256xi32, #tpu.memory_space<hbm>> -> memref<256xi32, #tpu.memory_space<hbm>>
    %dma_wait3A_357 = arith.constant 0 : i32
    %dma_wait3A_358 = tpu.memref_slice %arg11[%dma_wait3A_351, %dma_wait3A_357] : memref<20x256xi32, #tpu.memory_space<vmem>> -> memref<1x256xi32, #tpu.memory_space<vmem>>
    %dma_wait3A_359 = tpu.memref_squeeze %dma_wait3A_358 : memref<1x256xi32, #tpu.memory_space<vmem>> -> memref<256xi32, #tpu.memory_space<vmem>>
    %dma_wait3A_360 = tpu.memref_slice %arg4[%dma_wait3A_350, %add3A_4] : memref<20x16384xi32, #tpu.memory_space<hbm>> -> memref<1x256xi32, #tpu.memory_space<hbm>>
    %dma_wait3A_361 = tpu.memref_squeeze %dma_wait3A_360 : memref<1x256xi32, #tpu.memory_space<hbm>> -> memref<256xi32, #tpu.memory_space<hbm>>
    tpu.wait_dma2 semaphore(%arg19 : memref<!tpu.dma_semaphore, #tpu.memory_space<semaphore_mem>>) src(%dma_wait3A_361 : memref<256xi32, #tpu.memory_space<hbm>>) dst(%dma_wait3A_359 : memref<256xi32, #tpu.memory_space<vmem>>)
    %dma_wait3A_362 = arith.constant 9 : i32
    %dma_wait3A_363 = arith.constant 9 : i32
    %dma_wait3A_364 = arith.constant 0 : i32
    %dma_wait3A_365 = tpu.memref_slice %arg11[%dma_wait3A_363, %dma_wait3A_364] : memref<20x256xi32, #tpu.memory_space<vmem>> -> memref<1x256xi32, #tpu.memory_space<vmem>>
    %dma_wait3A_366 = tpu.memref_squeeze %dma_wait3A_365 : memref<1x256xi32, #tpu.memory_space<vmem>> -> memref<256xi32, #tpu.memory_space<vmem>>
    %dma_wait3A_367 = tpu.memref_slice %arg4[%dma_wait3A_362, %add3A_4] : memref<20x16384xi32, #tpu.memory_space<hbm>> -> memref<1x256xi32, #tpu.memory_space<hbm>>
    %dma_wait3A_368 = tpu.memref_squeeze %dma_wait3A_367 : memref<1x256xi32, #tpu.memory_space<hbm>> -> memref<256xi32, #tpu.memory_space<hbm>>
    %dma_wait3A_369 = arith.constant 0 : i32
    %dma_wait3A_370 = tpu.memref_slice %arg11[%dma_wait3A_363, %dma_wait3A_369] : memref<20x256xi32, #tpu.memory_space<vmem>> -> memref<1x256xi32, #tpu.memory_space<vmem>>
    %dma_wait3A_371 = tpu.memref_squeeze %dma_wait3A_370 : memref<1x256xi32, #tpu.memory_space<vmem>> -> memref<256xi32, #tpu.memory_space<vmem>>
    %dma_wait3A_372 = tpu.memref_slice %arg4[%dma_wait3A_362, %add3A_4] : memref<20x16384xi32, #tpu.memory_space<hbm>> -> memref<1x256xi32, #tpu.memory_space<hbm>>
    %dma_wait3A_373 = tpu.memref_squeeze %dma_wait3A_372 : memref<1x256xi32, #tpu.memory_space<hbm>> -> memref<256xi32, #tpu.memory_space<hbm>>
    tpu.wait_dma2 semaphore(%arg19 : memref<!tpu.dma_semaphore, #tpu.memory_space<semaphore_mem>>) src(%dma_wait3A_373 : memref<256xi32, #tpu.memory_space<hbm>>) dst(%dma_wait3A_371 : memref<256xi32, #tpu.memory_space<vmem>>)
    %dma_wait3A_374 = arith.constant 10 : i32
    %dma_wait3A_375 = arith.constant 10 : i32
    %dma_wait3A_376 = arith.constant 0 : i32
    %dma_wait3A_377 = tpu.memref_slice %arg11[%dma_wait3A_375, %dma_wait3A_376] : memref<20x256xi32, #tpu.memory_space<vmem>> -> memref<1x256xi32, #tpu.memory_space<vmem>>
    %dma_wait3A_378 = tpu.memref_squeeze %dma_wait3A_377 : memref<1x256xi32, #tpu.memory_space<vmem>> -> memref<256xi32, #tpu.memory_space<vmem>>
    %dma_wait3A_379 = tpu.memref_slice %arg4[%dma_wait3A_374, %add3A_4] : memref<20x16384xi32, #tpu.memory_space<hbm>> -> memref<1x256xi32, #tpu.memory_space<hbm>>
    %dma_wait3A_380 = tpu.memref_squeeze %dma_wait3A_379 : memref<1x256xi32, #tpu.memory_space<hbm>> -> memref<256xi32, #tpu.memory_space<hbm>>
    %dma_wait3A_381 = arith.constant 0 : i32
    %dma_wait3A_382 = tpu.memref_slice %arg11[%dma_wait3A_375, %dma_wait3A_381] : memref<20x256xi32, #tpu.memory_space<vmem>> -> memref<1x256xi32, #tpu.memory_space<vmem>>
    %dma_wait3A_383 = tpu.memref_squeeze %dma_wait3A_382 : memref<1x256xi32, #tpu.memory_space<vmem>> -> memref<256xi32, #tpu.memory_space<vmem>>
    %dma_wait3A_384 = tpu.memref_slice %arg4[%dma_wait3A_374, %add3A_4] : memref<20x16384xi32, #tpu.memory_space<hbm>> -> memref<1x256xi32, #tpu.memory_space<hbm>>
    %dma_wait3A_385 = tpu.memref_squeeze %dma_wait3A_384 : memref<1x256xi32, #tpu.memory_space<hbm>> -> memref<256xi32, #tpu.memory_space<hbm>>
    tpu.wait_dma2 semaphore(%arg19 : memref<!tpu.dma_semaphore, #tpu.memory_space<semaphore_mem>>) src(%dma_wait3A_385 : memref<256xi32, #tpu.memory_space<hbm>>) dst(%dma_wait3A_383 : memref<256xi32, #tpu.memory_space<vmem>>)
    %dma_wait3A_386 = arith.constant 11 : i32
    %dma_wait3A_387 = arith.constant 11 : i32
    %dma_wait3A_388 = arith.constant 0 : i32
    %dma_wait3A_389 = tpu.memref_slice %arg11[%dma_wait3A_387, %dma_wait3A_388] : memref<20x256xi32, #tpu.memory_space<vmem>> -> memref<1x256xi32, #tpu.memory_space<vmem>>
    %dma_wait3A_390 = tpu.memref_squeeze %dma_wait3A_389 : memref<1x256xi32, #tpu.memory_space<vmem>> -> memref<256xi32, #tpu.memory_space<vmem>>
    %dma_wait3A_391 = tpu.memref_slice %arg4[%dma_wait3A_386, %add3A_4] : memref<20x16384xi32, #tpu.memory_space<hbm>> -> memref<1x256xi32, #tpu.memory_space<hbm>>
    %dma_wait3A_392 = tpu.memref_squeeze %dma_wait3A_391 : memref<1x256xi32, #tpu.memory_space<hbm>> -> memref<256xi32, #tpu.memory_space<hbm>>
    %dma_wait3A_393 = arith.constant 0 : i32
    %dma_wait3A_394 = tpu.memref_slice %arg11[%dma_wait3A_387, %dma_wait3A_393] : memref<20x256xi32, #tpu.memory_space<vmem>> -> memref<1x256xi32, #tpu.memory_space<vmem>>
    %dma_wait3A_395 = tpu.memref_squeeze %dma_wait3A_394 : memref<1x256xi32, #tpu.memory_space<vmem>> -> memref<256xi32, #tpu.memory_space<vmem>>
    %dma_wait3A_396 = tpu.memref_slice %arg4[%dma_wait3A_386, %add3A_4] : memref<20x16384xi32, #tpu.memory_space<hbm>> -> memref<1x256xi32, #tpu.memory_space<hbm>>
    %dma_wait3A_397 = tpu.memref_squeeze %dma_wait3A_396 : memref<1x256xi32, #tpu.memory_space<hbm>> -> memref<256xi32, #tpu.memory_space<hbm>>
    tpu.wait_dma2 semaphore(%arg19 : memref<!tpu.dma_semaphore, #tpu.memory_space<semaphore_mem>>) src(%dma_wait3A_397 : memref<256xi32, #tpu.memory_space<hbm>>) dst(%dma_wait3A_395 : memref<256xi32, #tpu.memory_space<vmem>>)
    %dma_wait3A_398 = arith.constant 12 : i32
    %dma_wait3A_399 = arith.constant 12 : i32
    %dma_wait3A_400 = arith.constant 0 : i32
    %dma_wait3A_401 = tpu.memref_slice %arg11[%dma_wait3A_399, %dma_wait3A_400] : memref<20x256xi32, #tpu.memory_space<vmem>> -> memref<1x256xi32, #tpu.memory_space<vmem>>
    %dma_wait3A_402 = tpu.memref_squeeze %dma_wait3A_401 : memref<1x256xi32, #tpu.memory_space<vmem>> -> memref<256xi32, #tpu.memory_space<vmem>>
    %dma_wait3A_403 = tpu.memref_slice %arg4[%dma_wait3A_398, %add3A_4] : memref<20x16384xi32, #tpu.memory_space<hbm>> -> memref<1x256xi32, #tpu.memory_space<hbm>>
    %dma_wait3A_404 = tpu.memref_squeeze %dma_wait3A_403 : memref<1x256xi32, #tpu.memory_space<hbm>> -> memref<256xi32, #tpu.memory_space<hbm>>
    %dma_wait3A_405 = arith.constant 0 : i32
    %dma_wait3A_406 = tpu.memref_slice %arg11[%dma_wait3A_399, %dma_wait3A_405] : memref<20x256xi32, #tpu.memory_space<vmem>> -> memref<1x256xi32, #tpu.memory_space<vmem>>
    %dma_wait3A_407 = tpu.memref_squeeze %dma_wait3A_406 : memref<1x256xi32, #tpu.memory_space<vmem>> -> memref<256xi32, #tpu.memory_space<vmem>>
    %dma_wait3A_408 = tpu.memref_slice %arg4[%dma_wait3A_398, %add3A_4] : memref<20x16384xi32, #tpu.memory_space<hbm>> -> memref<1x256xi32, #tpu.memory_space<hbm>>
    %dma_wait3A_409 = tpu.memref_squeeze %dma_wait3A_408 : memref<1x256xi32, #tpu.memory_space<hbm>> -> memref<256xi32, #tpu.memory_space<hbm>>
    tpu.wait_dma2 semaphore(%arg19 : memref<!tpu.dma_semaphore, #tpu.memory_space<semaphore_mem>>) src(%dma_wait3A_409 : memref<256xi32, #tpu.memory_space<hbm>>) dst(%dma_wait3A_407 : memref<256xi32, #tpu.memory_space<vmem>>)
    %dma_wait3A_410 = arith.constant 13 : i32
    %dma_wait3A_411 = arith.constant 13 : i32
    %dma_wait3A_412 = arith.constant 0 : i32
    %dma_wait3A_413 = tpu.memref_slice %arg11[%dma_wait3A_411, %dma_wait3A_412] : memref<20x256xi32, #tpu.memory_space<vmem>> -> memref<1x256xi32, #tpu.memory_space<vmem>>
    %dma_wait3A_414 = tpu.memref_squeeze %dma_wait3A_413 : memref<1x256xi32, #tpu.memory_space<vmem>> -> memref<256xi32, #tpu.memory_space<vmem>>
    %dma_wait3A_415 = tpu.memref_slice %arg4[%dma_wait3A_410, %add3A_4] : memref<20x16384xi32, #tpu.memory_space<hbm>> -> memref<1x256xi32, #tpu.memory_space<hbm>>
    %dma_wait3A_416 = tpu.memref_squeeze %dma_wait3A_415 : memref<1x256xi32, #tpu.memory_space<hbm>> -> memref<256xi32, #tpu.memory_space<hbm>>
    %dma_wait3A_417 = arith.constant 0 : i32
    %dma_wait3A_418 = tpu.memref_slice %arg11[%dma_wait3A_411, %dma_wait3A_417] : memref<20x256xi32, #tpu.memory_space<vmem>> -> memref<1x256xi32, #tpu.memory_space<vmem>>
    %dma_wait3A_419 = tpu.memref_squeeze %dma_wait3A_418 : memref<1x256xi32, #tpu.memory_space<vmem>> -> memref<256xi32, #tpu.memory_space<vmem>>
    %dma_wait3A_420 = tpu.memref_slice %arg4[%dma_wait3A_410, %add3A_4] : memref<20x16384xi32, #tpu.memory_space<hbm>> -> memref<1x256xi32, #tpu.memory_space<hbm>>
    %dma_wait3A_421 = tpu.memref_squeeze %dma_wait3A_420 : memref<1x256xi32, #tpu.memory_space<hbm>> -> memref<256xi32, #tpu.memory_space<hbm>>
    tpu.wait_dma2 semaphore(%arg19 : memref<!tpu.dma_semaphore, #tpu.memory_space<semaphore_mem>>) src(%dma_wait3A_421 : memref<256xi32, #tpu.memory_space<hbm>>) dst(%dma_wait3A_419 : memref<256xi32, #tpu.memory_space<vmem>>)
    %dma_wait3A_422 = arith.constant 14 : i32
    %dma_wait3A_423 = arith.constant 14 : i32
    %dma_wait3A_424 = arith.constant 0 : i32
    %dma_wait3A_425 = tpu.memref_slice %arg11[%dma_wait3A_423, %dma_wait3A_424] : memref<20x256xi32, #tpu.memory_space<vmem>> -> memref<1x256xi32, #tpu.memory_space<vmem>>
    %dma_wait3A_426 = tpu.memref_squeeze %dma_wait3A_425 : memref<1x256xi32, #tpu.memory_space<vmem>> -> memref<256xi32, #tpu.memory_space<vmem>>
    %dma_wait3A_427 = tpu.memref_slice %arg4[%dma_wait3A_422, %add3A_4] : memref<20x16384xi32, #tpu.memory_space<hbm>> -> memref<1x256xi32, #tpu.memory_space<hbm>>
    %dma_wait3A_428 = tpu.memref_squeeze %dma_wait3A_427 : memref<1x256xi32, #tpu.memory_space<hbm>> -> memref<256xi32, #tpu.memory_space<hbm>>
    %dma_wait3A_429 = arith.constant 0 : i32
    %dma_wait3A_430 = tpu.memref_slice %arg11[%dma_wait3A_423, %dma_wait3A_429] : memref<20x256xi32, #tpu.memory_space<vmem>> -> memref<1x256xi32, #tpu.memory_space<vmem>>
    %dma_wait3A_431 = tpu.memref_squeeze %dma_wait3A_430 : memref<1x256xi32, #tpu.memory_space<vmem>> -> memref<256xi32, #tpu.memory_space<vmem>>
    %dma_wait3A_432 = tpu.memref_slice %arg4[%dma_wait3A_422, %add3A_4] : memref<20x16384xi32, #tpu.memory_space<hbm>> -> memref<1x256xi32, #tpu.memory_space<hbm>>
    %dma_wait3A_433 = tpu.memref_squeeze %dma_wait3A_432 : memref<1x256xi32, #tpu.memory_space<hbm>> -> memref<256xi32, #tpu.memory_space<hbm>>
    tpu.wait_dma2 semaphore(%arg19 : memref<!tpu.dma_semaphore, #tpu.memory_space<semaphore_mem>>) src(%dma_wait3A_433 : memref<256xi32, #tpu.memory_space<hbm>>) dst(%dma_wait3A_431 : memref<256xi32, #tpu.memory_space<vmem>>)
    %dma_wait3A_434 = arith.constant 15 : i32
    %dma_wait3A_435 = arith.constant 15 : i32
    %dma_wait3A_436 = arith.constant 0 : i32
    %dma_wait3A_437 = tpu.memref_slice %arg11[%dma_wait3A_435, %dma_wait3A_436] : memref<20x256xi32, #tpu.memory_space<vmem>> -> memref<1x256xi32, #tpu.memory_space<vmem>>
    %dma_wait3A_438 = tpu.memref_squeeze %dma_wait3A_437 : memref<1x256xi32, #tpu.memory_space<vmem>> -> memref<256xi32, #tpu.memory_space<vmem>>
    %dma_wait3A_439 = tpu.memref_slice %arg4[%dma_wait3A_434, %add3A_4] : memref<20x16384xi32, #tpu.memory_space<hbm>> -> memref<1x256xi32, #tpu.memory_space<hbm>>
    %dma_wait3A_440 = tpu.memref_squeeze %dma_wait3A_439 : memref<1x256xi32, #tpu.memory_space<hbm>> -> memref<256xi32, #tpu.memory_space<hbm>>
    %dma_wait3A_441 = arith.constant 0 : i32
    %dma_wait3A_442 = tpu.memref_slice %arg11[%dma_wait3A_435, %dma_wait3A_441] : memref<20x256xi32, #tpu.memory_space<vmem>> -> memref<1x256xi32, #tpu.memory_space<vmem>>
    %dma_wait3A_443 = tpu.memref_squeeze %dma_wait3A_442 : memref<1x256xi32, #tpu.memory_space<vmem>> -> memref<256xi32, #tpu.memory_space<vmem>>
    %dma_wait3A_444 = tpu.memref_slice %arg4[%dma_wait3A_434, %add3A_4] : memref<20x16384xi32, #tpu.memory_space<hbm>> -> memref<1x256xi32, #tpu.memory_space<hbm>>
    %dma_wait3A_445 = tpu.memref_squeeze %dma_wait3A_444 : memref<1x256xi32, #tpu.memory_space<hbm>> -> memref<256xi32, #tpu.memory_space<hbm>>
    tpu.wait_dma2 semaphore(%arg19 : memref<!tpu.dma_semaphore, #tpu.memory_space<semaphore_mem>>) src(%dma_wait3A_445 : memref<256xi32, #tpu.memory_space<hbm>>) dst(%dma_wait3A_443 : memref<256xi32, #tpu.memory_space<vmem>>)
    %dma_wait3A_446 = arith.constant 16 : i32
    %dma_wait3A_447 = arith.constant 16 : i32
    %dma_wait3A_448 = arith.constant 0 : i32
    %dma_wait3A_449 = tpu.memref_slice %arg11[%dma_wait3A_447, %dma_wait3A_448] : memref<20x256xi32, #tpu.memory_space<vmem>> -> memref<1x256xi32, #tpu.memory_space<vmem>>
    %dma_wait3A_450 = tpu.memref_squeeze %dma_wait3A_449 : memref<1x256xi32, #tpu.memory_space<vmem>> -> memref<256xi32, #tpu.memory_space<vmem>>
    %dma_wait3A_451 = tpu.memref_slice %arg4[%dma_wait3A_446, %add3A_4] : memref<20x16384xi32, #tpu.memory_space<hbm>> -> memref<1x256xi32, #tpu.memory_space<hbm>>
    %dma_wait3A_452 = tpu.memref_squeeze %dma_wait3A_451 : memref<1x256xi32, #tpu.memory_space<hbm>> -> memref<256xi32, #tpu.memory_space<hbm>>
    %dma_wait3A_453 = arith.constant 0 : i32
    %dma_wait3A_454 = tpu.memref_slice %arg11[%dma_wait3A_447, %dma_wait3A_453] : memref<20x256xi32, #tpu.memory_space<vmem>> -> memref<1x256xi32, #tpu.memory_space<vmem>>
    %dma_wait3A_455 = tpu.memref_squeeze %dma_wait3A_454 : memref<1x256xi32, #tpu.memory_space<vmem>> -> memref<256xi32, #tpu.memory_space<vmem>>
    %dma_wait3A_456 = tpu.memref_slice %arg4[%dma_wait3A_446, %add3A_4] : memref<20x16384xi32, #tpu.memory_space<hbm>> -> memref<1x256xi32, #tpu.memory_space<hbm>>
    %dma_wait3A_457 = tpu.memref_squeeze %dma_wait3A_456 : memref<1x256xi32, #tpu.memory_space<hbm>> -> memref<256xi32, #tpu.memory_space<hbm>>
    tpu.wait_dma2 semaphore(%arg19 : memref<!tpu.dma_semaphore, #tpu.memory_space<semaphore_mem>>) src(%dma_wait3A_457 : memref<256xi32, #tpu.memory_space<hbm>>) dst(%dma_wait3A_455 : memref<256xi32, #tpu.memory_space<vmem>>)
    %dma_wait3A_458 = arith.constant 17 : i32
    %dma_wait3A_459 = arith.constant 17 : i32
    %dma_wait3A_460 = arith.constant 0 : i32
    %dma_wait3A_461 = tpu.memref_slice %arg11[%dma_wait3A_459, %dma_wait3A_460] : memref<20x256xi32, #tpu.memory_space<vmem>> -> memref<1x256xi32, #tpu.memory_space<vmem>>
    %dma_wait3A_462 = tpu.memref_squeeze %dma_wait3A_461 : memref<1x256xi32, #tpu.memory_space<vmem>> -> memref<256xi32, #tpu.memory_space<vmem>>
    %dma_wait3A_463 = tpu.memref_slice %arg4[%dma_wait3A_458, %add3A_4] : memref<20x16384xi32, #tpu.memory_space<hbm>> -> memref<1x256xi32, #tpu.memory_space<hbm>>
    %dma_wait3A_464 = tpu.memref_squeeze %dma_wait3A_463 : memref<1x256xi32, #tpu.memory_space<hbm>> -> memref<256xi32, #tpu.memory_space<hbm>>
    %dma_wait3A_465 = arith.constant 0 : i32
    %dma_wait3A_466 = tpu.memref_slice %arg11[%dma_wait3A_459, %dma_wait3A_465] : memref<20x256xi32, #tpu.memory_space<vmem>> -> memref<1x256xi32, #tpu.memory_space<vmem>>
    %dma_wait3A_467 = tpu.memref_squeeze %dma_wait3A_466 : memref<1x256xi32, #tpu.memory_space<vmem>> -> memref<256xi32, #tpu.memory_space<vmem>>
    %dma_wait3A_468 = tpu.memref_slice %arg4[%dma_wait3A_458, %add3A_4] : memref<20x16384xi32, #tpu.memory_space<hbm>> -> memref<1x256xi32, #tpu.memory_space<hbm>>
    %dma_wait3A_469 = tpu.memref_squeeze %dma_wait3A_468 : memref<1x256xi32, #tpu.memory_space<hbm>> -> memref<256xi32, #tpu.memory_space<hbm>>
    tpu.wait_dma2 semaphore(%arg19 : memref<!tpu.dma_semaphore, #tpu.memory_space<semaphore_mem>>) src(%dma_wait3A_469 : memref<256xi32, #tpu.memory_space<hbm>>) dst(%dma_wait3A_467 : memref<256xi32, #tpu.memory_space<vmem>>)
    %dma_wait3A_470 = arith.constant 18 : i32
    %dma_wait3A_471 = arith.constant 18 : i32
    %dma_wait3A_472 = arith.constant 0 : i32
    %dma_wait3A_473 = tpu.memref_slice %arg11[%dma_wait3A_471, %dma_wait3A_472] : memref<20x256xi32, #tpu.memory_space<vmem>> -> memref<1x256xi32, #tpu.memory_space<vmem>>
    %dma_wait3A_474 = tpu.memref_squeeze %dma_wait3A_473 : memref<1x256xi32, #tpu.memory_space<vmem>> -> memref<256xi32, #tpu.memory_space<vmem>>
    %dma_wait3A_475 = tpu.memref_slice %arg4[%dma_wait3A_470, %add3A_4] : memref<20x16384xi32, #tpu.memory_space<hbm>> -> memref<1x256xi32, #tpu.memory_space<hbm>>
    %dma_wait3A_476 = tpu.memref_squeeze %dma_wait3A_475 : memref<1x256xi32, #tpu.memory_space<hbm>> -> memref<256xi32, #tpu.memory_space<hbm>>
    %dma_wait3A_477 = arith.constant 0 : i32
    %dma_wait3A_478 = tpu.memref_slice %arg11[%dma_wait3A_471, %dma_wait3A_477] : memref<20x256xi32, #tpu.memory_space<vmem>> -> memref<1x256xi32, #tpu.memory_space<vmem>>
    %dma_wait3A_479 = tpu.memref_squeeze %dma_wait3A_478 : memref<1x256xi32, #tpu.memory_space<vmem>> -> memref<256xi32, #tpu.memory_space<vmem>>
    %dma_wait3A_480 = tpu.memref_slice %arg4[%dma_wait3A_470, %add3A_4] : memref<20x16384xi32, #tpu.memory_space<hbm>> -> memref<1x256xi32, #tpu.memory_space<hbm>>
    %dma_wait3A_481 = tpu.memref_squeeze %dma_wait3A_480 : memref<1x256xi32, #tpu.memory_space<hbm>> -> memref<256xi32, #tpu.memory_space<hbm>>
    tpu.wait_dma2 semaphore(%arg19 : memref<!tpu.dma_semaphore, #tpu.memory_space<semaphore_mem>>) src(%dma_wait3A_481 : memref<256xi32, #tpu.memory_space<hbm>>) dst(%dma_wait3A_479 : memref<256xi32, #tpu.memory_space<vmem>>)
    %dma_wait3A_482 = arith.constant 19 : i32
    %dma_wait3A_483 = arith.constant 19 : i32
    %dma_wait3A_484 = arith.constant 0 : i32
    %dma_wait3A_485 = tpu.memref_slice %arg11[%dma_wait3A_483, %dma_wait3A_484] : memref<20x256xi32, #tpu.memory_space<vmem>> -> memref<1x256xi32, #tpu.memory_space<vmem>>
    %dma_wait3A_486 = tpu.memref_squeeze %dma_wait3A_485 : memref<1x256xi32, #tpu.memory_space<vmem>> -> memref<256xi32, #tpu.memory_space<vmem>>
    %dma_wait3A_487 = tpu.memref_slice %arg4[%dma_wait3A_482, %add3A_4] : memref<20x16384xi32, #tpu.memory_space<hbm>> -> memref<1x256xi32, #tpu.memory_space<hbm>>
    %dma_wait3A_488 = tpu.memref_squeeze %dma_wait3A_487 : memref<1x256xi32, #tpu.memory_space<hbm>> -> memref<256xi32, #tpu.memory_space<hbm>>
    %dma_wait3A_489 = arith.constant 0 : i32
    %dma_wait3A_490 = tpu.memref_slice %arg11[%dma_wait3A_483, %dma_wait3A_489] : memref<20x256xi32, #tpu.memory_space<vmem>> -> memref<1x256xi32, #tpu.memory_space<vmem>>
    %dma_wait3A_491 = tpu.memref_squeeze %dma_wait3A_490 : memref<1x256xi32, #tpu.memory_space<vmem>> -> memref<256xi32, #tpu.memory_space<vmem>>
    %dma_wait3A_492 = tpu.memref_slice %arg4[%dma_wait3A_482, %add3A_4] : memref<20x16384xi32, #tpu.memory_space<hbm>> -> memref<1x256xi32, #tpu.memory_space<hbm>>
    %dma_wait3A_493 = tpu.memref_squeeze %dma_wait3A_492 : memref<1x256xi32, #tpu.memory_space<hbm>> -> memref<256xi32, #tpu.memory_space<hbm>>
    tpu.wait_dma2 semaphore(%arg19 : memref<!tpu.dma_semaphore, #tpu.memory_space<semaphore_mem>>) src(%dma_wait3A_493 : memref<256xi32, #tpu.memory_space<hbm>>) dst(%dma_wait3A_491 : memref<256xi32, #tpu.memory_space<vmem>>)
    %dma_start3A_494 = arith.constant 0 : i32
    %dma_start3A_495 = arith.constant 0 : i32
    %dma_start3A_496 = tpu.memref_slice %arg11[%dma_start3A_494, %dma_start3A_495] : memref<20x256xi32, #tpu.memory_space<vmem>> -> memref<1x256xi32, #tpu.memory_space<vmem>>
    %dma_start3A_497 = tpu.memref_squeeze %dma_start3A_496 : memref<1x256xi32, #tpu.memory_space<vmem>> -> memref<256xi32, #tpu.memory_space<vmem>>
    %dma_start3A_498 = arith.constant 0 : i32
    %dma_start3A_499 = arith.constant 0 : i32
    %dma_start3A_500 = tpu.memref_slice %arg6[%dma_start3A_498, %dma_start3A_499] : memref<1000000x128xf32, #tpu.memory_space<hbm>> -> memref<1000000x128xf32, #tpu.memory_space<hbm>>
    tpu.enqueue_indirect_dma source(%dma_start3A_500 : memref<1000000x128xf32, #tpu.memory_space<hbm>>) target(%arg14 : memref<256x128xf32, #tpu.memory_space<vmem>>) offsets(%dma_start3A_497 : memref<256xi32, #tpu.memory_space<vmem>>) semaphore(%arg20 : memref<!tpu.dma_semaphore, #tpu.memory_space<semaphore_mem>>) {add = true}
    %dma_start3A_501 = arith.constant 1 : i32
    %dma_start3A_502 = arith.constant 0 : i32
    %dma_start3A_503 = tpu.memref_slice %arg11[%dma_start3A_501, %dma_start3A_502] : memref<20x256xi32, #tpu.memory_space<vmem>> -> memref<1x256xi32, #tpu.memory_space<vmem>>
    %dma_start3A_504 = tpu.memref_squeeze %dma_start3A_503 : memref<1x256xi32, #tpu.memory_space<vmem>> -> memref<256xi32, #tpu.memory_space<vmem>>
    %dma_start3A_505 = arith.constant 0 : i32
    %dma_start3A_506 = arith.constant 0 : i32
    %dma_start3A_507 = tpu.memref_slice %arg6[%dma_start3A_505, %dma_start3A_506] : memref<1000000x128xf32, #tpu.memory_space<hbm>> -> memref<1000000x128xf32, #tpu.memory_space<hbm>>
    tpu.enqueue_indirect_dma source(%dma_start3A_507 : memref<1000000x128xf32, #tpu.memory_space<hbm>>) target(%arg14 : memref<256x128xf32, #tpu.memory_space<vmem>>) offsets(%dma_start3A_504 : memref<256xi32, #tpu.memory_space<vmem>>) semaphore(%arg20 : memref<!tpu.dma_semaphore, #tpu.memory_space<semaphore_mem>>) {add = true}
    %dma_start3A_508 = arith.constant 2 : i32
    %dma_start3A_509 = arith.constant 0 : i32
    %dma_start3A_510 = tpu.memref_slice %arg11[%dma_start3A_508, %dma_start3A_509] : memref<20x256xi32, #tpu.memory_space<vmem>> -> memref<1x256xi32, #tpu.memory_space<vmem>>
    %dma_start3A_511 = tpu.memref_squeeze %dma_start3A_510 : memref<1x256xi32, #tpu.memory_space<vmem>> -> memref<256xi32, #tpu.memory_space<vmem>>
    %dma_start3A_512 = arith.constant 0 : i32
    %dma_start3A_513 = arith.constant 0 : i32
    %dma_start3A_514 = tpu.memref_slice %arg6[%dma_start3A_512, %dma_start3A_513] : memref<1000000x128xf32, #tpu.memory_space<hbm>> -> memref<1000000x128xf32, #tpu.memory_space<hbm>>
    tpu.enqueue_indirect_dma source(%dma_start3A_514 : memref<1000000x128xf32, #tpu.memory_space<hbm>>) target(%arg14 : memref<256x128xf32, #tpu.memory_space<vmem>>) offsets(%dma_start3A_511 : memref<256xi32, #tpu.memory_space<vmem>>) semaphore(%arg20 : memref<!tpu.dma_semaphore, #tpu.memory_space<semaphore_mem>>) {add = true}
    %dma_start3A_515 = arith.constant 3 : i32
    %dma_start3A_516 = arith.constant 0 : i32
    %dma_start3A_517 = tpu.memref_slice %arg11[%dma_start3A_515, %dma_start3A_516] : memref<20x256xi32, #tpu.memory_space<vmem>> -> memref<1x256xi32, #tpu.memory_space<vmem>>
    %dma_start3A_518 = tpu.memref_squeeze %dma_start3A_517 : memref<1x256xi32, #tpu.memory_space<vmem>> -> memref<256xi32, #tpu.memory_space<vmem>>
    %dma_start3A_519 = arith.constant 0 : i32
    %dma_start3A_520 = arith.constant 0 : i32
    %dma_start3A_521 = tpu.memref_slice %arg6[%dma_start3A_519, %dma_start3A_520] : memref<1000000x128xf32, #tpu.memory_space<hbm>> -> memref<1000000x128xf32, #tpu.memory_space<hbm>>
    tpu.enqueue_indirect_dma source(%dma_start3A_521 : memref<1000000x128xf32, #tpu.memory_space<hbm>>) target(%arg14 : memref<256x128xf32, #tpu.memory_space<vmem>>) offsets(%dma_start3A_518 : memref<256xi32, #tpu.memory_space<vmem>>) semaphore(%arg20 : memref<!tpu.dma_semaphore, #tpu.memory_space<semaphore_mem>>) {add = true}
    %dma_start3A_522 = arith.constant 4 : i32
    %dma_start3A_523 = arith.constant 0 : i32
    %dma_start3A_524 = tpu.memref_slice %arg11[%dma_start3A_522, %dma_start3A_523] : memref<20x256xi32, #tpu.memory_space<vmem>> -> memref<1x256xi32, #tpu.memory_space<vmem>>
    %dma_start3A_525 = tpu.memref_squeeze %dma_start3A_524 : memref<1x256xi32, #tpu.memory_space<vmem>> -> memref<256xi32, #tpu.memory_space<vmem>>
    %dma_start3A_526 = arith.constant 0 : i32
    %dma_start3A_527 = arith.constant 0 : i32
    %dma_start3A_528 = tpu.memref_slice %arg6[%dma_start3A_526, %dma_start3A_527] : memref<1000000x128xf32, #tpu.memory_space<hbm>> -> memref<1000000x128xf32, #tpu.memory_space<hbm>>
    tpu.enqueue_indirect_dma source(%dma_start3A_528 : memref<1000000x128xf32, #tpu.memory_space<hbm>>) target(%arg14 : memref<256x128xf32, #tpu.memory_space<vmem>>) offsets(%dma_start3A_525 : memref<256xi32, #tpu.memory_space<vmem>>) semaphore(%arg20 : memref<!tpu.dma_semaphore, #tpu.memory_space<semaphore_mem>>) {add = true}
    %dma_start3A_529 = arith.constant 5 : i32
    %dma_start3A_530 = arith.constant 0 : i32
    %dma_start3A_531 = tpu.memref_slice %arg11[%dma_start3A_529, %dma_start3A_530] : memref<20x256xi32, #tpu.memory_space<vmem>> -> memref<1x256xi32, #tpu.memory_space<vmem>>
    %dma_start3A_532 = tpu.memref_squeeze %dma_start3A_531 : memref<1x256xi32, #tpu.memory_space<vmem>> -> memref<256xi32, #tpu.memory_space<vmem>>
    %dma_start3A_533 = arith.constant 0 : i32
    %dma_start3A_534 = arith.constant 0 : i32
    %dma_start3A_535 = tpu.memref_slice %arg6[%dma_start3A_533, %dma_start3A_534] : memref<1000000x128xf32, #tpu.memory_space<hbm>> -> memref<1000000x128xf32, #tpu.memory_space<hbm>>
    tpu.enqueue_indirect_dma source(%dma_start3A_535 : memref<1000000x128xf32, #tpu.memory_space<hbm>>) target(%arg14 : memref<256x128xf32, #tpu.memory_space<vmem>>) offsets(%dma_start3A_532 : memref<256xi32, #tpu.memory_space<vmem>>) semaphore(%arg20 : memref<!tpu.dma_semaphore, #tpu.memory_space<semaphore_mem>>) {add = true}
    %dma_start3A_536 = arith.constant 6 : i32
    %dma_start3A_537 = arith.constant 0 : i32
    %dma_start3A_538 = tpu.memref_slice %arg11[%dma_start3A_536, %dma_start3A_537] : memref<20x256xi32, #tpu.memory_space<vmem>> -> memref<1x256xi32, #tpu.memory_space<vmem>>
    %dma_start3A_539 = tpu.memref_squeeze %dma_start3A_538 : memref<1x256xi32, #tpu.memory_space<vmem>> -> memref<256xi32, #tpu.memory_space<vmem>>
    %dma_start3A_540 = arith.constant 0 : i32
    %dma_start3A_541 = arith.constant 0 : i32
    %dma_start3A_542 = tpu.memref_slice %arg6[%dma_start3A_540, %dma_start3A_541] : memref<1000000x128xf32, #tpu.memory_space<hbm>> -> memref<1000000x128xf32, #tpu.memory_space<hbm>>
    tpu.enqueue_indirect_dma source(%dma_start3A_542 : memref<1000000x128xf32, #tpu.memory_space<hbm>>) target(%arg14 : memref<256x128xf32, #tpu.memory_space<vmem>>) offsets(%dma_start3A_539 : memref<256xi32, #tpu.memory_space<vmem>>) semaphore(%arg20 : memref<!tpu.dma_semaphore, #tpu.memory_space<semaphore_mem>>) {add = true}
    %dma_start3A_543 = arith.constant 7 : i32
    %dma_start3A_544 = arith.constant 0 : i32
    %dma_start3A_545 = tpu.memref_slice %arg11[%dma_start3A_543, %dma_start3A_544] : memref<20x256xi32, #tpu.memory_space<vmem>> -> memref<1x256xi32, #tpu.memory_space<vmem>>
    %dma_start3A_546 = tpu.memref_squeeze %dma_start3A_545 : memref<1x256xi32, #tpu.memory_space<vmem>> -> memref<256xi32, #tpu.memory_space<vmem>>
    %dma_start3A_547 = arith.constant 0 : i32
    %dma_start3A_548 = arith.constant 0 : i32
    %dma_start3A_549 = tpu.memref_slice %arg6[%dma_start3A_547, %dma_start3A_548] : memref<1000000x128xf32, #tpu.memory_space<hbm>> -> memref<1000000x128xf32, #tpu.memory_space<hbm>>
    tpu.enqueue_indirect_dma source(%dma_start3A_549 : memref<1000000x128xf32, #tpu.memory_space<hbm>>) target(%arg14 : memref<256x128xf32, #tpu.memory_space<vmem>>) offsets(%dma_start3A_546 : memref<256xi32, #tpu.memory_space<vmem>>) semaphore(%arg20 : memref<!tpu.dma_semaphore, #tpu.memory_space<semaphore_mem>>) {add = true}
    %dma_start3A_550 = arith.constant 8 : i32
    %dma_start3A_551 = arith.constant 0 : i32
    %dma_start3A_552 = tpu.memref_slice %arg11[%dma_start3A_550, %dma_start3A_551] : memref<20x256xi32, #tpu.memory_space<vmem>> -> memref<1x256xi32, #tpu.memory_space<vmem>>
    %dma_start3A_553 = tpu.memref_squeeze %dma_start3A_552 : memref<1x256xi32, #tpu.memory_space<vmem>> -> memref<256xi32, #tpu.memory_space<vmem>>
    %dma_start3A_554 = arith.constant 0 : i32
    %dma_start3A_555 = arith.constant 0 : i32
    %dma_start3A_556 = tpu.memref_slice %arg6[%dma_start3A_554, %dma_start3A_555] : memref<1000000x128xf32, #tpu.memory_space<hbm>> -> memref<1000000x128xf32, #tpu.memory_space<hbm>>
    tpu.enqueue_indirect_dma source(%dma_start3A_556 : memref<1000000x128xf32, #tpu.memory_space<hbm>>) target(%arg14 : memref<256x128xf32, #tpu.memory_space<vmem>>) offsets(%dma_start3A_553 : memref<256xi32, #tpu.memory_space<vmem>>) semaphore(%arg20 : memref<!tpu.dma_semaphore, #tpu.memory_space<semaphore_mem>>) {add = true}
    %dma_start3A_557 = arith.constant 9 : i32
    %dma_start3A_558 = arith.constant 0 : i32
    %dma_start3A_559 = tpu.memref_slice %arg11[%dma_start3A_557, %dma_start3A_558] : memref<20x256xi32, #tpu.memory_space<vmem>> -> memref<1x256xi32, #tpu.memory_space<vmem>>
    %dma_start3A_560 = tpu.memref_squeeze %dma_start3A_559 : memref<1x256xi32, #tpu.memory_space<vmem>> -> memref<256xi32, #tpu.memory_space<vmem>>
    %dma_start3A_561 = arith.constant 0 : i32
    %dma_start3A_562 = arith.constant 0 : i32
    %dma_start3A_563 = tpu.memref_slice %arg6[%dma_start3A_561, %dma_start3A_562] : memref<1000000x128xf32, #tpu.memory_space<hbm>> -> memref<1000000x128xf32, #tpu.memory_space<hbm>>
    tpu.enqueue_indirect_dma source(%dma_start3A_563 : memref<1000000x128xf32, #tpu.memory_space<hbm>>) target(%arg14 : memref<256x128xf32, #tpu.memory_space<vmem>>) offsets(%dma_start3A_560 : memref<256xi32, #tpu.memory_space<vmem>>) semaphore(%arg20 : memref<!tpu.dma_semaphore, #tpu.memory_space<semaphore_mem>>) {add = true}
    %dma_start3A_564 = arith.constant 10 : i32
    %dma_start3A_565 = arith.constant 0 : i32
    %dma_start3A_566 = tpu.memref_slice %arg11[%dma_start3A_564, %dma_start3A_565] : memref<20x256xi32, #tpu.memory_space<vmem>> -> memref<1x256xi32, #tpu.memory_space<vmem>>
    %dma_start3A_567 = tpu.memref_squeeze %dma_start3A_566 : memref<1x256xi32, #tpu.memory_space<vmem>> -> memref<256xi32, #tpu.memory_space<vmem>>
    %dma_start3A_568 = arith.constant 0 : i32
    %dma_start3A_569 = arith.constant 0 : i32
    %dma_start3A_570 = tpu.memref_slice %arg6[%dma_start3A_568, %dma_start3A_569] : memref<1000000x128xf32, #tpu.memory_space<hbm>> -> memref<1000000x128xf32, #tpu.memory_space<hbm>>
    tpu.enqueue_indirect_dma source(%dma_start3A_570 : memref<1000000x128xf32, #tpu.memory_space<hbm>>) target(%arg14 : memref<256x128xf32, #tpu.memory_space<vmem>>) offsets(%dma_start3A_567 : memref<256xi32, #tpu.memory_space<vmem>>) semaphore(%arg20 : memref<!tpu.dma_semaphore, #tpu.memory_space<semaphore_mem>>) {add = true}
    %dma_start3A_571 = arith.constant 11 : i32
    %dma_start3A_572 = arith.constant 0 : i32
    %dma_start3A_573 = tpu.memref_slice %arg11[%dma_start3A_571, %dma_start3A_572] : memref<20x256xi32, #tpu.memory_space<vmem>> -> memref<1x256xi32, #tpu.memory_space<vmem>>
    %dma_start3A_574 = tpu.memref_squeeze %dma_start3A_573 : memref<1x256xi32, #tpu.memory_space<vmem>> -> memref<256xi32, #tpu.memory_space<vmem>>
    %dma_start3A_575 = arith.constant 0 : i32
    %dma_start3A_576 = arith.constant 0 : i32
    %dma_start3A_577 = tpu.memref_slice %arg6[%dma_start3A_575, %dma_start3A_576] : memref<1000000x128xf32, #tpu.memory_space<hbm>> -> memref<1000000x128xf32, #tpu.memory_space<hbm>>
    tpu.enqueue_indirect_dma source(%dma_start3A_577 : memref<1000000x128xf32, #tpu.memory_space<hbm>>) target(%arg14 : memref<256x128xf32, #tpu.memory_space<vmem>>) offsets(%dma_start3A_574 : memref<256xi32, #tpu.memory_space<vmem>>) semaphore(%arg20 : memref<!tpu.dma_semaphore, #tpu.memory_space<semaphore_mem>>) {add = true}
    %dma_start3A_578 = arith.constant 12 : i32
    %dma_start3A_579 = arith.constant 0 : i32
    %dma_start3A_580 = tpu.memref_slice %arg11[%dma_start3A_578, %dma_start3A_579] : memref<20x256xi32, #tpu.memory_space<vmem>> -> memref<1x256xi32, #tpu.memory_space<vmem>>
    %dma_start3A_581 = tpu.memref_squeeze %dma_start3A_580 : memref<1x256xi32, #tpu.memory_space<vmem>> -> memref<256xi32, #tpu.memory_space<vmem>>
    %dma_start3A_582 = arith.constant 0 : i32
    %dma_start3A_583 = arith.constant 0 : i32
    %dma_start3A_584 = tpu.memref_slice %arg6[%dma_start3A_582, %dma_start3A_583] : memref<1000000x128xf32, #tpu.memory_space<hbm>> -> memref<1000000x128xf32, #tpu.memory_space<hbm>>
    tpu.enqueue_indirect_dma source(%dma_start3A_584 : memref<1000000x128xf32, #tpu.memory_space<hbm>>) target(%arg14 : memref<256x128xf32, #tpu.memory_space<vmem>>) offsets(%dma_start3A_581 : memref<256xi32, #tpu.memory_space<vmem>>) semaphore(%arg20 : memref<!tpu.dma_semaphore, #tpu.memory_space<semaphore_mem>>) {add = true}
    %dma_start3A_585 = arith.constant 13 : i32
    %dma_start3A_586 = arith.constant 0 : i32
    %dma_start3A_587 = tpu.memref_slice %arg11[%dma_start3A_585, %dma_start3A_586] : memref<20x256xi32, #tpu.memory_space<vmem>> -> memref<1x256xi32, #tpu.memory_space<vmem>>
    %dma_start3A_588 = tpu.memref_squeeze %dma_start3A_587 : memref<1x256xi32, #tpu.memory_space<vmem>> -> memref<256xi32, #tpu.memory_space<vmem>>
    %dma_start3A_589 = arith.constant 0 : i32
    %dma_start3A_590 = arith.constant 0 : i32
    %dma_start3A_591 = tpu.memref_slice %arg6[%dma_start3A_589, %dma_start3A_590] : memref<1000000x128xf32, #tpu.memory_space<hbm>> -> memref<1000000x128xf32, #tpu.memory_space<hbm>>
    tpu.enqueue_indirect_dma source(%dma_start3A_591 : memref<1000000x128xf32, #tpu.memory_space<hbm>>) target(%arg14 : memref<256x128xf32, #tpu.memory_space<vmem>>) offsets(%dma_start3A_588 : memref<256xi32, #tpu.memory_space<vmem>>) semaphore(%arg20 : memref<!tpu.dma_semaphore, #tpu.memory_space<semaphore_mem>>) {add = true}
    %dma_start3A_592 = arith.constant 14 : i32
    %dma_start3A_593 = arith.constant 0 : i32
    %dma_start3A_594 = tpu.memref_slice %arg11[%dma_start3A_592, %dma_start3A_593] : memref<20x256xi32, #tpu.memory_space<vmem>> -> memref<1x256xi32, #tpu.memory_space<vmem>>
    %dma_start3A_595 = tpu.memref_squeeze %dma_start3A_594 : memref<1x256xi32, #tpu.memory_space<vmem>> -> memref<256xi32, #tpu.memory_space<vmem>>
    %dma_start3A_596 = arith.constant 0 : i32
    %dma_start3A_597 = arith.constant 0 : i32
    %dma_start3A_598 = tpu.memref_slice %arg6[%dma_start3A_596, %dma_start3A_597] : memref<1000000x128xf32, #tpu.memory_space<hbm>> -> memref<1000000x128xf32, #tpu.memory_space<hbm>>
    tpu.enqueue_indirect_dma source(%dma_start3A_598 : memref<1000000x128xf32, #tpu.memory_space<hbm>>) target(%arg14 : memref<256x128xf32, #tpu.memory_space<vmem>>) offsets(%dma_start3A_595 : memref<256xi32, #tpu.memory_space<vmem>>) semaphore(%arg20 : memref<!tpu.dma_semaphore, #tpu.memory_space<semaphore_mem>>) {add = true}
    %dma_start3A_599 = arith.constant 15 : i32
    %dma_start3A_600 = arith.constant 0 : i32
    %dma_start3A_601 = tpu.memref_slice %arg11[%dma_start3A_599, %dma_start3A_600] : memref<20x256xi32, #tpu.memory_space<vmem>> -> memref<1x256xi32, #tpu.memory_space<vmem>>
    %dma_start3A_602 = tpu.memref_squeeze %dma_start3A_601 : memref<1x256xi32, #tpu.memory_space<vmem>> -> memref<256xi32, #tpu.memory_space<vmem>>
    %dma_start3A_603 = arith.constant 0 : i32
    %dma_start3A_604 = arith.constant 0 : i32
    %dma_start3A_605 = tpu.memref_slice %arg6[%dma_start3A_603, %dma_start3A_604] : memref<1000000x128xf32, #tpu.memory_space<hbm>> -> memref<1000000x128xf32, #tpu.memory_space<hbm>>
    tpu.enqueue_indirect_dma source(%dma_start3A_605 : memref<1000000x128xf32, #tpu.memory_space<hbm>>) target(%arg14 : memref<256x128xf32, #tpu.memory_space<vmem>>) offsets(%dma_start3A_602 : memref<256xi32, #tpu.memory_space<vmem>>) semaphore(%arg20 : memref<!tpu.dma_semaphore, #tpu.memory_space<semaphore_mem>>) {add = true}
    %dma_start3A_606 = arith.constant 16 : i32
    %dma_start3A_607 = arith.constant 0 : i32
    %dma_start3A_608 = tpu.memref_slice %arg11[%dma_start3A_606, %dma_start3A_607] : memref<20x256xi32, #tpu.memory_space<vmem>> -> memref<1x256xi32, #tpu.memory_space<vmem>>
    %dma_start3A_609 = tpu.memref_squeeze %dma_start3A_608 : memref<1x256xi32, #tpu.memory_space<vmem>> -> memref<256xi32, #tpu.memory_space<vmem>>
    %dma_start3A_610 = arith.constant 0 : i32
    %dma_start3A_611 = arith.constant 0 : i32
    %dma_start3A_612 = tpu.memref_slice %arg6[%dma_start3A_610, %dma_start3A_611] : memref<1000000x128xf32, #tpu.memory_space<hbm>> -> memref<1000000x128xf32, #tpu.memory_space<hbm>>
    tpu.enqueue_indirect_dma source(%dma_start3A_612 : memref<1000000x128xf32, #tpu.memory_space<hbm>>) target(%arg14 : memref<256x128xf32, #tpu.memory_space<vmem>>) offsets(%dma_start3A_609 : memref<256xi32, #tpu.memory_space<vmem>>) semaphore(%arg20 : memref<!tpu.dma_semaphore, #tpu.memory_space<semaphore_mem>>) {add = true}
    %dma_start3A_613 = arith.constant 17 : i32
    %dma_start3A_614 = arith.constant 0 : i32
    %dma_start3A_615 = tpu.memref_slice %arg11[%dma_start3A_613, %dma_start3A_614] : memref<20x256xi32, #tpu.memory_space<vmem>> -> memref<1x256xi32, #tpu.memory_space<vmem>>
    %dma_start3A_616 = tpu.memref_squeeze %dma_start3A_615 : memref<1x256xi32, #tpu.memory_space<vmem>> -> memref<256xi32, #tpu.memory_space<vmem>>
    %dma_start3A_617 = arith.constant 0 : i32
    %dma_start3A_618 = arith.constant 0 : i32
    %dma_start3A_619 = tpu.memref_slice %arg6[%dma_start3A_617, %dma_start3A_618] : memref<1000000x128xf32, #tpu.memory_space<hbm>> -> memref<1000000x128xf32, #tpu.memory_space<hbm>>
    tpu.enqueue_indirect_dma source(%dma_start3A_619 : memref<1000000x128xf32, #tpu.memory_space<hbm>>) target(%arg14 : memref<256x128xf32, #tpu.memory_space<vmem>>) offsets(%dma_start3A_616 : memref<256xi32, #tpu.memory_space<vmem>>) semaphore(%arg20 : memref<!tpu.dma_semaphore, #tpu.memory_space<semaphore_mem>>) {add = true}
    %dma_start3A_620 = arith.constant 18 : i32
    %dma_start3A_621 = arith.constant 0 : i32
    %dma_start3A_622 = tpu.memref_slice %arg11[%dma_start3A_620, %dma_start3A_621] : memref<20x256xi32, #tpu.memory_space<vmem>> -> memref<1x256xi32, #tpu.memory_space<vmem>>
    %dma_start3A_623 = tpu.memref_squeeze %dma_start3A_622 : memref<1x256xi32, #tpu.memory_space<vmem>> -> memref<256xi32, #tpu.memory_space<vmem>>
    %dma_start3A_624 = arith.constant 0 : i32
    %dma_start3A_625 = arith.constant 0 : i32
    %dma_start3A_626 = tpu.memref_slice %arg6[%dma_start3A_624, %dma_start3A_625] : memref<1000000x128xf32, #tpu.memory_space<hbm>> -> memref<1000000x128xf32, #tpu.memory_space<hbm>>
    tpu.enqueue_indirect_dma source(%dma_start3A_626 : memref<1000000x128xf32, #tpu.memory_space<hbm>>) target(%arg14 : memref<256x128xf32, #tpu.memory_space<vmem>>) offsets(%dma_start3A_623 : memref<256xi32, #tpu.memory_space<vmem>>) semaphore(%arg20 : memref<!tpu.dma_semaphore, #tpu.memory_space<semaphore_mem>>) {add = true}
    %dma_start3A_627 = arith.constant 19 : i32
    %dma_start3A_628 = arith.constant 0 : i32
    %dma_start3A_629 = tpu.memref_slice %arg11[%dma_start3A_627, %dma_start3A_628] : memref<20x256xi32, #tpu.memory_space<vmem>> -> memref<1x256xi32, #tpu.memory_space<vmem>>
    %dma_start3A_630 = tpu.memref_squeeze %dma_start3A_629 : memref<1x256xi32, #tpu.memory_space<vmem>> -> memref<256xi32, #tpu.memory_space<vmem>>
    %dma_start3A_631 = arith.constant 0 : i32
    %dma_start3A_632 = arith.constant 0 : i32
    %dma_start3A_633 = tpu.memref_slice %arg6[%dma_start3A_631, %dma_start3A_632] : memref<1000000x128xf32, #tpu.memory_space<hbm>> -> memref<1000000x128xf32, #tpu.memory_space<hbm>>
    tpu.enqueue_indirect_dma source(%dma_start3A_633 : memref<1000000x128xf32, #tpu.memory_space<hbm>>) target(%arg14 : memref<256x128xf32, #tpu.memory_space<vmem>>) offsets(%dma_start3A_630 : memref<256xi32, #tpu.memory_space<vmem>>) semaphore(%arg20 : memref<!tpu.dma_semaphore, #tpu.memory_space<semaphore_mem>>) {add = true}
    %dma_wait3A_634 = arith.constant 0 : i32
    %dma_wait3A_635 = arith.constant 0 : i32
    %dma_wait3A_636 = tpu.memref_slice %arg11[%dma_wait3A_634, %dma_wait3A_635] : memref<20x256xi32, #tpu.memory_space<vmem>> -> memref<1x256xi32, #tpu.memory_space<vmem>>
    %dma_wait3A_637 = tpu.memref_squeeze %dma_wait3A_636 : memref<1x256xi32, #tpu.memory_space<vmem>> -> memref<256xi32, #tpu.memory_space<vmem>>
    %dma_wait3A_638 = arith.constant 0 : i32
    %dma_wait3A_639 = arith.constant 0 : i32
    %dma_wait3A_640 = tpu.memref_slice %arg6[%dma_wait3A_638, %dma_wait3A_639] : memref<1000000x128xf32, #tpu.memory_space<hbm>> -> memref<1000000x128xf32, #tpu.memory_space<hbm>>
    tpu.wait_indirect_dma semaphore(%arg20 : memref<!tpu.dma_semaphore, #tpu.memory_space<semaphore_mem>>) src(%dma_wait3A_640 : memref<1000000x128xf32, #tpu.memory_space<hbm>>) dst(%arg14 : memref<256x128xf32, #tpu.memory_space<vmem>>)
    %dma_wait3A_641 = arith.constant 0 : i32
    %dma_wait3A_642 = arith.constant 0 : i32
    %dma_wait3A_643 = tpu.memref_slice %arg11[%dma_wait3A_641, %dma_wait3A_642] : memref<20x256xi32, #tpu.memory_space<vmem>> -> memref<1x256xi32, #tpu.memory_space<vmem>>
    %dma_wait3A_644 = tpu.memref_squeeze %dma_wait3A_643 : memref<1x256xi32, #tpu.memory_space<vmem>> -> memref<256xi32, #tpu.memory_space<vmem>>
    %dma_wait3A_645 = arith.constant 0 : i32
    %dma_wait3A_646 = arith.constant 0 : i32
    %dma_wait3A_647 = tpu.memref_slice %arg6[%dma_wait3A_645, %dma_wait3A_646] : memref<1000000x128xf32, #tpu.memory_space<hbm>> -> memref<1000000x128xf32, #tpu.memory_space<hbm>>
    tpu.wait_indirect_dma semaphore(%arg20 : memref<!tpu.dma_semaphore, #tpu.memory_space<semaphore_mem>>) src(%dma_wait3A_647 : memref<1000000x128xf32, #tpu.memory_space<hbm>>) dst(%arg14 : memref<256x128xf32, #tpu.memory_space<vmem>>)
    %dma_wait3A_648 = arith.constant 0 : i32
    %dma_wait3A_649 = arith.constant 0 : i32
    %dma_wait3A_650 = tpu.memref_slice %arg11[%dma_wait3A_648, %dma_wait3A_649] : memref<20x256xi32, #tpu.memory_space<vmem>> -> memref<1x256xi32, #tpu.memory_space<vmem>>
    %dma_wait3A_651 = tpu.memref_squeeze %dma_wait3A_650 : memref<1x256xi32, #tpu.memory_space<vmem>> -> memref<256xi32, #tpu.memory_space<vmem>>
    %dma_wait3A_652 = arith.constant 0 : i32
    %dma_wait3A_653 = arith.constant 0 : i32
    %dma_wait3A_654 = tpu.memref_slice %arg6[%dma_wait3A_652, %dma_wait3A_653] : memref<1000000x128xf32, #tpu.memory_space<hbm>> -> memref<1000000x128xf32, #tpu.memory_space<hbm>>
    tpu.wait_indirect_dma semaphore(%arg20 : memref<!tpu.dma_semaphore, #tpu.memory_space<semaphore_mem>>) src(%dma_wait3A_654 : memref<1000000x128xf32, #tpu.memory_space<hbm>>) dst(%arg14 : memref<256x128xf32, #tpu.memory_space<vmem>>)
    %dma_wait3A_655 = arith.constant 0 : i32
    %dma_wait3A_656 = arith.constant 0 : i32
    %dma_wait3A_657 = tpu.memref_slice %arg11[%dma_wait3A_655, %dma_wait3A_656] : memref<20x256xi32, #tpu.memory_space<vmem>> -> memref<1x256xi32, #tpu.memory_space<vmem>>
    %dma_wait3A_658 = tpu.memref_squeeze %dma_wait3A_657 : memref<1x256xi32, #tpu.memory_space<vmem>> -> memref<256xi32, #tpu.memory_space<vmem>>
    %dma_wait3A_659 = arith.constant 0 : i32
    %dma_wait3A_660 = arith.constant 0 : i32
    %dma_wait3A_661 = tpu.memref_slice %arg6[%dma_wait3A_659, %dma_wait3A_660] : memref<1000000x128xf32, #tpu.memory_space<hbm>> -> memref<1000000x128xf32, #tpu.memory_space<hbm>>
    tpu.wait_indirect_dma semaphore(%arg20 : memref<!tpu.dma_semaphore, #tpu.memory_space<semaphore_mem>>) src(%dma_wait3A_661 : memref<1000000x128xf32, #tpu.memory_space<hbm>>) dst(%arg14 : memref<256x128xf32, #tpu.memory_space<vmem>>)
    %dma_wait3A_662 = arith.constant 0 : i32
    %dma_wait3A_663 = arith.constant 0 : i32
    %dma_wait3A_664 = tpu.memref_slice %arg11[%dma_wait3A_662, %dma_wait3A_663] : memref<20x256xi32, #tpu.memory_space<vmem>> -> memref<1x256xi32, #tpu.memory_space<vmem>>
    %dma_wait3A_665 = tpu.memref_squeeze %dma_wait3A_664 : memref<1x256xi32, #tpu.memory_space<vmem>> -> memref<256xi32, #tpu.memory_space<vmem>>
    %dma_wait3A_666 = arith.constant 0 : i32
    %dma_wait3A_667 = arith.constant 0 : i32
    %dma_wait3A_668 = tpu.memref_slice %arg6[%dma_wait3A_666, %dma_wait3A_667] : memref<1000000x128xf32, #tpu.memory_space<hbm>> -> memref<1000000x128xf32, #tpu.memory_space<hbm>>
    tpu.wait_indirect_dma semaphore(%arg20 : memref<!tpu.dma_semaphore, #tpu.memory_space<semaphore_mem>>) src(%dma_wait3A_668 : memref<1000000x128xf32, #tpu.memory_space<hbm>>) dst(%arg14 : memref<256x128xf32, #tpu.memory_space<vmem>>)
    %dma_wait3A_669 = arith.constant 0 : i32
    %dma_wait3A_670 = arith.constant 0 : i32
    %dma_wait3A_671 = tpu.memref_slice %arg11[%dma_wait3A_669, %dma_wait3A_670] : memref<20x256xi32, #tpu.memory_space<vmem>> -> memref<1x256xi32, #tpu.memory_space<vmem>>
    %dma_wait3A_672 = tpu.memref_squeeze %dma_wait3A_671 : memref<1x256xi32, #tpu.memory_space<vmem>> -> memref<256xi32, #tpu.memory_space<vmem>>
    %dma_wait3A_673 = arith.constant 0 : i32
    %dma_wait3A_674 = arith.constant 0 : i32
    %dma_wait3A_675 = tpu.memref_slice %arg6[%dma_wait3A_673, %dma_wait3A_674] : memref<1000000x128xf32, #tpu.memory_space<hbm>> -> memref<1000000x128xf32, #tpu.memory_space<hbm>>
    tpu.wait_indirect_dma semaphore(%arg20 : memref<!tpu.dma_semaphore, #tpu.memory_space<semaphore_mem>>) src(%dma_wait3A_675 : memref<1000000x128xf32, #tpu.memory_space<hbm>>) dst(%arg14 : memref<256x128xf32, #tpu.memory_space<vmem>>)
    %dma_wait3A_676 = arith.constant 0 : i32
    %dma_wait3A_677 = arith.constant 0 : i32
    %dma_wait3A_678 = tpu.memref_slice %arg11[%dma_wait3A_676, %dma_wait3A_677] : memref<20x256xi32, #tpu.memory_space<vmem>> -> memref<1x256xi32, #tpu.memory_space<vmem>>
    %dma_wait3A_679 = tpu.memref_squeeze %dma_wait3A_678 : memref<1x256xi32, #tpu.memory_space<vmem>> -> memref<256xi32, #tpu.memory_space<vmem>>
    %dma_wait3A_680 = arith.constant 0 : i32
    %dma_wait3A_681 = arith.constant 0 : i32
    %dma_wait3A_682 = tpu.memref_slice %arg6[%dma_wait3A_680, %dma_wait3A_681] : memref<1000000x128xf32, #tpu.memory_space<hbm>> -> memref<1000000x128xf32, #tpu.memory_space<hbm>>
    tpu.wait_indirect_dma semaphore(%arg20 : memref<!tpu.dma_semaphore, #tpu.memory_space<semaphore_mem>>) src(%dma_wait3A_682 : memref<1000000x128xf32, #tpu.memory_space<hbm>>) dst(%arg14 : memref<256x128xf32, #tpu.memory_space<vmem>>)
    %dma_wait3A_683 = arith.constant 0 : i32
    %dma_wait3A_684 = arith.constant 0 : i32
    %dma_wait3A_685 = tpu.memref_slice %arg11[%dma_wait3A_683, %dma_wait3A_684] : memref<20x256xi32, #tpu.memory_space<vmem>> -> memref<1x256xi32, #tpu.memory_space<vmem>>
    %dma_wait3A_686 = tpu.memref_squeeze %dma_wait3A_685 : memref<1x256xi32, #tpu.memory_space<vmem>> -> memref<256xi32, #tpu.memory_space<vmem>>
    %dma_wait3A_687 = arith.constant 0 : i32
    %dma_wait3A_688 = arith.constant 0 : i32
    %dma_wait3A_689 = tpu.memref_slice %arg6[%dma_wait3A_687, %dma_wait3A_688] : memref<1000000x128xf32, #tpu.memory_space<hbm>> -> memref<1000000x128xf32, #tpu.memory_space<hbm>>
    tpu.wait_indirect_dma semaphore(%arg20 : memref<!tpu.dma_semaphore, #tpu.memory_space<semaphore_mem>>) src(%dma_wait3A_689 : memref<1000000x128xf32, #tpu.memory_space<hbm>>) dst(%arg14 : memref<256x128xf32, #tpu.memory_space<vmem>>)
    %dma_wait3A_690 = arith.constant 0 : i32
    %dma_wait3A_691 = arith.constant 0 : i32
    %dma_wait3A_692 = tpu.memref_slice %arg11[%dma_wait3A_690, %dma_wait3A_691] : memref<20x256xi32, #tpu.memory_space<vmem>> -> memref<1x256xi32, #tpu.memory_space<vmem>>
    %dma_wait3A_693 = tpu.memref_squeeze %dma_wait3A_692 : memref<1x256xi32, #tpu.memory_space<vmem>> -> memref<256xi32, #tpu.memory_space<vmem>>
    %dma_wait3A_694 = arith.constant 0 : i32
    %dma_wait3A_695 = arith.constant 0 : i32
    %dma_wait3A_696 = tpu.memref_slice %arg6[%dma_wait3A_694, %dma_wait3A_695] : memref<1000000x128xf32, #tpu.memory_space<hbm>> -> memref<1000000x128xf32, #tpu.memory_space<hbm>>
    tpu.wait_indirect_dma semaphore(%arg20 : memref<!tpu.dma_semaphore, #tpu.memory_space<semaphore_mem>>) src(%dma_wait3A_696 : memref<1000000x128xf32, #tpu.memory_space<hbm>>) dst(%arg14 : memref<256x128xf32, #tpu.memory_space<vmem>>)
    %dma_wait3A_697 = arith.constant 0 : i32
    %dma_wait3A_698 = arith.constant 0 : i32
    %dma_wait3A_699 = tpu.memref_slice %arg11[%dma_wait3A_697, %dma_wait3A_698] : memref<20x256xi32, #tpu.memory_space<vmem>> -> memref<1x256xi32, #tpu.memory_space<vmem>>
    %dma_wait3A_700 = tpu.memref_squeeze %dma_wait3A_699 : memref<1x256xi32, #tpu.memory_space<vmem>> -> memref<256xi32, #tpu.memory_space<vmem>>
    %dma_wait3A_701 = arith.constant 0 : i32
    %dma_wait3A_702 = arith.constant 0 : i32
    %dma_wait3A_703 = tpu.memref_slice %arg6[%dma_wait3A_701, %dma_wait3A_702] : memref<1000000x128xf32, #tpu.memory_space<hbm>> -> memref<1000000x128xf32, #tpu.memory_space<hbm>>
    tpu.wait_indirect_dma semaphore(%arg20 : memref<!tpu.dma_semaphore, #tpu.memory_space<semaphore_mem>>) src(%dma_wait3A_703 : memref<1000000x128xf32, #tpu.memory_space<hbm>>) dst(%arg14 : memref<256x128xf32, #tpu.memory_space<vmem>>)
    %dma_wait3A_704 = arith.constant 0 : i32
    %dma_wait3A_705 = arith.constant 0 : i32
    %dma_wait3A_706 = tpu.memref_slice %arg11[%dma_wait3A_704, %dma_wait3A_705] : memref<20x256xi32, #tpu.memory_space<vmem>> -> memref<1x256xi32, #tpu.memory_space<vmem>>
    %dma_wait3A_707 = tpu.memref_squeeze %dma_wait3A_706 : memref<1x256xi32, #tpu.memory_space<vmem>> -> memref<256xi32, #tpu.memory_space<vmem>>
    %dma_wait3A_708 = arith.constant 0 : i32
    %dma_wait3A_709 = arith.constant 0 : i32
    %dma_wait3A_710 = tpu.memref_slice %arg6[%dma_wait3A_708, %dma_wait3A_709] : memref<1000000x128xf32, #tpu.memory_space<hbm>> -> memref<1000000x128xf32, #tpu.memory_space<hbm>>
    tpu.wait_indirect_dma semaphore(%arg20 : memref<!tpu.dma_semaphore, #tpu.memory_space<semaphore_mem>>) src(%dma_wait3A_710 : memref<1000000x128xf32, #tpu.memory_space<hbm>>) dst(%arg14 : memref<256x128xf32, #tpu.memory_space<vmem>>)
    %dma_wait3A_711 = arith.constant 0 : i32
    %dma_wait3A_712 = arith.constant 0 : i32
    %dma_wait3A_713 = tpu.memref_slice %arg11[%dma_wait3A_711, %dma_wait3A_712] : memref<20x256xi32, #tpu.memory_space<vmem>> -> memref<1x256xi32, #tpu.memory_space<vmem>>
    %dma_wait3A_714 = tpu.memref_squeeze %dma_wait3A_713 : memref<1x256xi32, #tpu.memory_space<vmem>> -> memref<256xi32, #tpu.memory_space<vmem>>
    %dma_wait3A_715 = arith.constant 0 : i32
    %dma_wait3A_716 = arith.constant 0 : i32
    %dma_wait3A_717 = tpu.memref_slice %arg6[%dma_wait3A_715, %dma_wait3A_716] : memref<1000000x128xf32, #tpu.memory_space<hbm>> -> memref<1000000x128xf32, #tpu.memory_space<hbm>>
    tpu.wait_indirect_dma semaphore(%arg20 : memref<!tpu.dma_semaphore, #tpu.memory_space<semaphore_mem>>) src(%dma_wait3A_717 : memref<1000000x128xf32, #tpu.memory_space<hbm>>) dst(%arg14 : memref<256x128xf32, #tpu.memory_space<vmem>>)
    %dma_wait3A_718 = arith.constant 0 : i32
    %dma_wait3A_719 = arith.constant 0 : i32
    %dma_wait3A_720 = tpu.memref_slice %arg11[%dma_wait3A_718, %dma_wait3A_719] : memref<20x256xi32, #tpu.memory_space<vmem>> -> memref<1x256xi32, #tpu.memory_space<vmem>>
    %dma_wait3A_721 = tpu.memref_squeeze %dma_wait3A_720 : memref<1x256xi32, #tpu.memory_space<vmem>> -> memref<256xi32, #tpu.memory_space<vmem>>
    %dma_wait3A_722 = arith.constant 0 : i32
    %dma_wait3A_723 = arith.constant 0 : i32
    %dma_wait3A_724 = tpu.memref_slice %arg6[%dma_wait3A_722, %dma_wait3A_723] : memref<1000000x128xf32, #tpu.memory_space<hbm>> -> memref<1000000x128xf32, #tpu.memory_space<hbm>>
    tpu.wait_indirect_dma semaphore(%arg20 : memref<!tpu.dma_semaphore, #tpu.memory_space<semaphore_mem>>) src(%dma_wait3A_724 : memref<1000000x128xf32, #tpu.memory_space<hbm>>) dst(%arg14 : memref<256x128xf32, #tpu.memory_space<vmem>>)
    %dma_wait3A_725 = arith.constant 0 : i32
    %dma_wait3A_726 = arith.constant 0 : i32
    %dma_wait3A_727 = tpu.memref_slice %arg11[%dma_wait3A_725, %dma_wait3A_726] : memref<20x256xi32, #tpu.memory_space<vmem>> -> memref<1x256xi32, #tpu.memory_space<vmem>>
    %dma_wait3A_728 = tpu.memref_squeeze %dma_wait3A_727 : memref<1x256xi32, #tpu.memory_space<vmem>> -> memref<256xi32, #tpu.memory_space<vmem>>
    %dma_wait3A_729 = arith.constant 0 : i32
    %dma_wait3A_730 = arith.constant 0 : i32
    %dma_wait3A_731 = tpu.memref_slice %arg6[%dma_wait3A_729, %dma_wait3A_730] : memref<1000000x128xf32, #tpu.memory_space<hbm>> -> memref<1000000x128xf32, #tpu.memory_space<hbm>>
    tpu.wait_indirect_dma semaphore(%arg20 : memref<!tpu.dma_semaphore, #tpu.memory_space<semaphore_mem>>) src(%dma_wait3A_731 : memref<1000000x128xf32, #tpu.memory_space<hbm>>) dst(%arg14 : memref<256x128xf32, #tpu.memory_space<vmem>>)
    %dma_wait3A_732 = arith.constant 0 : i32
    %dma_wait3A_733 = arith.constant 0 : i32
    %dma_wait3A_734 = tpu.memref_slice %arg11[%dma_wait3A_732, %dma_wait3A_733] : memref<20x256xi32, #tpu.memory_space<vmem>> -> memref<1x256xi32, #tpu.memory_space<vmem>>
    %dma_wait3A_735 = tpu.memref_squeeze %dma_wait3A_734 : memref<1x256xi32, #tpu.memory_space<vmem>> -> memref<256xi32, #tpu.memory_space<vmem>>
    %dma_wait3A_736 = arith.constant 0 : i32
    %dma_wait3A_737 = arith.constant 0 : i32
    %dma_wait3A_738 = tpu.memref_slice %arg6[%dma_wait3A_736, %dma_wait3A_737] : memref<1000000x128xf32, #tpu.memory_space<hbm>> -> memref<1000000x128xf32, #tpu.memory_space<hbm>>
    tpu.wait_indirect_dma semaphore(%arg20 : memref<!tpu.dma_semaphore, #tpu.memory_space<semaphore_mem>>) src(%dma_wait3A_738 : memref<1000000x128xf32, #tpu.memory_space<hbm>>) dst(%arg14 : memref<256x128xf32, #tpu.memory_space<vmem>>)
    %dma_wait3A_739 = arith.constant 0 : i32
    %dma_wait3A_740 = arith.constant 0 : i32
    %dma_wait3A_741 = tpu.memref_slice %arg11[%dma_wait3A_739, %dma_wait3A_740] : memref<20x256xi32, #tpu.memory_space<vmem>> -> memref<1x256xi32, #tpu.memory_space<vmem>>
    %dma_wait3A_742 = tpu.memref_squeeze %dma_wait3A_741 : memref<1x256xi32, #tpu.memory_space<vmem>> -> memref<256xi32, #tpu.memory_space<vmem>>
    %dma_wait3A_743 = arith.constant 0 : i32
    %dma_wait3A_744 = arith.constant 0 : i32
    %dma_wait3A_745 = tpu.memref_slice %arg6[%dma_wait3A_743, %dma_wait3A_744] : memref<1000000x128xf32, #tpu.memory_space<hbm>> -> memref<1000000x128xf32, #tpu.memory_space<hbm>>
    tpu.wait_indirect_dma semaphore(%arg20 : memref<!tpu.dma_semaphore, #tpu.memory_space<semaphore_mem>>) src(%dma_wait3A_745 : memref<1000000x128xf32, #tpu.memory_space<hbm>>) dst(%arg14 : memref<256x128xf32, #tpu.memory_space<vmem>>)
    %dma_wait3A_746 = arith.constant 0 : i32
    %dma_wait3A_747 = arith.constant 0 : i32
    %dma_wait3A_748 = tpu.memref_slice %arg11[%dma_wait3A_746, %dma_wait3A_747] : memref<20x256xi32, #tpu.memory_space<vmem>> -> memref<1x256xi32, #tpu.memory_space<vmem>>
    %dma_wait3A_749 = tpu.memref_squeeze %dma_wait3A_748 : memref<1x256xi32, #tpu.memory_space<vmem>> -> memref<256xi32, #tpu.memory_space<vmem>>
    %dma_wait3A_750 = arith.constant 0 : i32
    %dma_wait3A_751 = arith.constant 0 : i32
    %dma_wait3A_752 = tpu.memref_slice %arg6[%dma_wait3A_750, %dma_wait3A_751] : memref<1000000x128xf32, #tpu.memory_space<hbm>> -> memref<1000000x128xf32, #tpu.memory_space<hbm>>
    tpu.wait_indirect_dma semaphore(%arg20 : memref<!tpu.dma_semaphore, #tpu.memory_space<semaphore_mem>>) src(%dma_wait3A_752 : memref<1000000x128xf32, #tpu.memory_space<hbm>>) dst(%arg14 : memref<256x128xf32, #tpu.memory_space<vmem>>)
    %dma_wait3A_753 = arith.constant 0 : i32
    %dma_wait3A_754 = arith.constant 0 : i32
    %dma_wait3A_755 = tpu.memref_slice %arg11[%dma_wait3A_753, %dma_wait3A_754] : memref<20x256xi32, #tpu.memory_space<vmem>> -> memref<1x256xi32, #tpu.memory_space<vmem>>
    %dma_wait3A_756 = tpu.memref_squeeze %dma_wait3A_755 : memref<1x256xi32, #tpu.memory_space<vmem>> -> memref<256xi32, #tpu.memory_space<vmem>>
    %dma_wait3A_757 = arith.constant 0 : i32
    %dma_wait3A_758 = arith.constant 0 : i32
    %dma_wait3A_759 = tpu.memref_slice %arg6[%dma_wait3A_757, %dma_wait3A_758] : memref<1000000x128xf32, #tpu.memory_space<hbm>> -> memref<1000000x128xf32, #tpu.memory_space<hbm>>
    tpu.wait_indirect_dma semaphore(%arg20 : memref<!tpu.dma_semaphore, #tpu.memory_space<semaphore_mem>>) src(%dma_wait3A_759 : memref<1000000x128xf32, #tpu.memory_space<hbm>>) dst(%arg14 : memref<256x128xf32, #tpu.memory_space<vmem>>)
    %dma_wait3A_760 = arith.constant 0 : i32
    %dma_wait3A_761 = arith.constant 0 : i32
    %dma_wait3A_762 = tpu.memref_slice %arg11[%dma_wait3A_760, %dma_wait3A_761] : memref<20x256xi32, #tpu.memory_space<vmem>> -> memref<1x256xi32, #tpu.memory_space<vmem>>
    %dma_wait3A_763 = tpu.memref_squeeze %dma_wait3A_762 : memref<1x256xi32, #tpu.memory_space<vmem>> -> memref<256xi32, #tpu.memory_space<vmem>>
    %dma_wait3A_764 = arith.constant 0 : i32
    %dma_wait3A_765 = arith.constant 0 : i32
    %dma_wait3A_766 = tpu.memref_slice %arg6[%dma_wait3A_764, %dma_wait3A_765] : memref<1000000x128xf32, #tpu.memory_space<hbm>> -> memref<1000000x128xf32, #tpu.memory_space<hbm>>
    tpu.wait_indirect_dma semaphore(%arg20 : memref<!tpu.dma_semaphore, #tpu.memory_space<semaphore_mem>>) src(%dma_wait3A_766 : memref<1000000x128xf32, #tpu.memory_space<hbm>>) dst(%arg14 : memref<256x128xf32, #tpu.memory_space<vmem>>)
    %dma_wait3A_767 = arith.constant 0 : i32
    %dma_wait3A_768 = arith.constant 0 : i32
    %dma_wait3A_769 = tpu.memref_slice %arg11[%dma_wait3A_767, %dma_wait3A_768] : memref<20x256xi32, #tpu.memory_space<vmem>> -> memref<1x256xi32, #tpu.memory_space<vmem>>
    %dma_wait3A_770 = tpu.memref_squeeze %dma_wait3A_769 : memref<1x256xi32, #tpu.memory_space<vmem>> -> memref<256xi32, #tpu.memory_space<vmem>>
    %dma_wait3A_771 = arith.constant 0 : i32
    %dma_wait3A_772 = arith.constant 0 : i32
    %dma_wait3A_773 = tpu.memref_slice %arg6[%dma_wait3A_771, %dma_wait3A_772] : memref<1000000x128xf32, #tpu.memory_space<hbm>> -> memref<1000000x128xf32, #tpu.memory_space<hbm>>
    tpu.wait_indirect_dma semaphore(%arg20 : memref<!tpu.dma_semaphore, #tpu.memory_space<semaphore_mem>>) src(%dma_wait3A_773 : memref<1000000x128xf32, #tpu.memory_space<hbm>>) dst(%arg14 : memref<256x128xf32, #tpu.memory_space<vmem>>)
    %dma_wait3A_774 = arith.constant 0 : i32
    %dma_wait3A_775 = arith.constant 0 : i32
    %dma_wait3A_776 = tpu.memref_slice %arg5[%dma_wait3A_774, %dma_wait3A_775] : memref<1000000x128xf32, #tpu.memory_space<hbm>> -> memref<1000000x128xf32, #tpu.memory_space<hbm>>
    tpu.wait_indirect_dma semaphore(%arg17 : memref<!tpu.dma_semaphore, #tpu.memory_space<semaphore_mem>>) src(%dma_wait3A_776 : memref<1000000x128xf32, #tpu.memory_space<hbm>>) dst(%arg12 : memref<256x128xf32, #tpu.memory_space<vmem>>)
    %dma_wait3A_777 = arith.constant 0 : i32
    %dma_wait3A_778 = arith.constant 0 : i32
    %dma_wait3A_779 = tpu.memref_slice %arg6[%dma_wait3A_777, %dma_wait3A_778] : memref<1000000x128xf32, #tpu.memory_space<hbm>> -> memref<1000000x128xf32, #tpu.memory_space<hbm>>
    tpu.wait_indirect_dma semaphore(%arg18 : memref<!tpu.dma_semaphore, #tpu.memory_space<semaphore_mem>>) src(%dma_wait3A_779 : memref<1000000x128xf32, #tpu.memory_space<hbm>>) dst(%arg13 : memref<256x128xf32, #tpu.memory_space<vmem>>)
    %scan3A_780 = arith.constant 0 : i32
    %scan3A_781 = arith.constant 0 : i32
    %scan3A_782 = arith.constant 256 : i32
    %scan3A_783 = arith.addi %scan3A_781, %scan3A_782 : i32
    %scan3A_784 = arith.constant 1 : i32
    scf.for %scan3A_1574 = %scan3A_781 to %scan3A_783 step %scan3A_784  : i32 {
      %get3A = arith.index_cast %scan3A_1574 : i32 to index
      %get3A_1575 = arith.constant 0 : index
      %get3A_1576 = tpu.vector_load %arg12[%get3A, %get3A_1575] {strides = array<i32>} : memref<256x128xf32, #tpu.memory_space<vmem>>, vector<1x16xf32>,
      %get3A_1577 = vector.shape_cast %get3A_1576 : vector<1x16xf32> to vector<16xf32>
      %get3A_1578 = arith.index_cast %scan3A_1574 : i32 to index
      %get3A_1579 = arith.constant 16 : index
      %get3A_1580 = tpu.vector_load %arg12[%get3A_1578, %get3A_1579] {strides = array<i32>} : memref<256x128xf32, #tpu.memory_space<vmem>>, vector<1x16xf32>,
      %get3A_1581 = vector.shape_cast %get3A_1580 : vector<1x16xf32> to vector<16xf32>
      %get3A_1582 = arith.index_cast %scan3A_1574 : i32 to index
      %get3A_1583 = arith.constant 32 : index
      %get3A_1584 = tpu.vector_load %arg12[%get3A_1582, %get3A_1583] {strides = array<i32>} : memref<256x128xf32, #tpu.memory_space<vmem>>, vector<1x16xf32>,
      %get3A_1585 = vector.shape_cast %get3A_1584 : vector<1x16xf32> to vector<16xf32>
      %get3A_1586 = arith.index_cast %scan3A_1574 : i32 to index
      %get3A_1587 = arith.constant 48 : index
      %get3A_1588 = tpu.vector_load %arg12[%get3A_1586, %get3A_1587] {strides = array<i32>} : memref<256x128xf32, #tpu.memory_space<vmem>>, vector<1x16xf32>,
      %get3A_1589 = vector.shape_cast %get3A_1588 : vector<1x16xf32> to vector<16xf32>
      %get3A_1590 = arith.index_cast %scan3A_1574 : i32 to index
      %get3A_1591 = arith.constant 0 : index
      %get3A_1592 = tpu.vector_load %arg13[%get3A_1590, %get3A_1591] {strides = array<i32>} : memref<256x128xf32, #tpu.memory_space<vmem>>, vector<1x16xf32>,
      %get3A_1593 = vector.shape_cast %get3A_1592 : vector<1x16xf32> to vector<16xf32>
      %get3A_1594 = arith.index_cast %scan3A_1574 : i32 to index
      %get3A_1595 = arith.constant 16 : index
      %get3A_1596 = tpu.vector_load %arg13[%get3A_1594, %get3A_1595] {strides = array<i32>} : memref<256x128xf32, #tpu.memory_space<vmem>>, vector<1x16xf32>,
      %get3A_1597 = vector.shape_cast %get3A_1596 : vector<1x16xf32> to vector<16xf32>
      %get3A_1598 = arith.index_cast %scan3A_1574 : i32 to index
      %get3A_1599 = arith.constant 32 : index
      %get3A_1600 = tpu.vector_load %arg13[%get3A_1598, %get3A_1599] {strides = array<i32>} : memref<256x128xf32, #tpu.memory_space<vmem>>, vector<1x16xf32>,
      %get3A_1601 = vector.shape_cast %get3A_1600 : vector<1x16xf32> to vector<16xf32>
      %get3A_1602 = arith.index_cast %scan3A_1574 : i32 to index
      %get3A_1603 = arith.constant 48 : index
      %get3A_1604 = tpu.vector_load %arg13[%get3A_1602, %get3A_1603] {strides = array<i32>} : memref<256x128xf32, #tpu.memory_space<vmem>>, vector<1x16xf32>,
      %get3A_1605 = vector.shape_cast %get3A_1604 : vector<1x16xf32> to vector<16xf32>
      %get3A_1606 = arith.index_cast %scan3A_1574 : i32 to index
      %get3A_1607 = arith.constant 0 : index
      %get3A_1608 = tpu.vector_load %arg14[%get3A_1606, %get3A_1607] {strides = array<i32>} : memref<256x128xf32, #tpu.memory_space<vmem>>, vector<1x16xf32>,
      %get3A_1609 = vector.shape_cast %get3A_1608 : vector<1x16xf32> to vector<16xf32>
      %get3A_1610 = arith.index_cast %scan3A_1574 : i32 to index
      %get3A_1611 = arith.constant 16 : index
      %get3A_1612 = tpu.vector_load %arg14[%get3A_1610, %get3A_1611] {strides = array<i32>} : memref<256x128xf32, #tpu.memory_space<vmem>>, vector<1x16xf32>,
      %get3A_1613 = vector.shape_cast %get3A_1612 : vector<1x16xf32> to vector<16xf32>
      %get3A_1614 = arith.index_cast %scan3A_1574 : i32 to index
      %get3A_1615 = arith.constant 32 : index
      %get3A_1616 = tpu.vector_load %arg14[%get3A_1614, %get3A_1615] {strides = array<i32>} : memref<256x128xf32, #tpu.memory_space<vmem>>, vector<1x16xf32>,
      %get3A_1617 = vector.shape_cast %get3A_1616 : vector<1x16xf32> to vector<16xf32>
      %get3A_1618 = arith.index_cast %scan3A_1574 : i32 to index
      %get3A_1619 = arith.constant 48 : index
      %get3A_1620 = tpu.vector_load %arg14[%get3A_1618, %get3A_1619] {strides = array<i32>} : memref<256x128xf32, #tpu.memory_space<vmem>>, vector<1x16xf32>,
      %get3A_1621 = vector.shape_cast %get3A_1620 : vector<1x16xf32> to vector<16xf32>
      %mul3A_1622 = arith.mulf %get3A_1577, %get3A_1593 : vector<16xf32>
      %mul3A_1623 = arith.mulf %get3A_1581, %get3A_1597 : vector<16xf32>
      %add3A_1624 = arith.addf %mul3A_1622, %mul3A_1623 : vector<16xf32>
      %mul3A_1625 = arith.mulf %get3A_1585, %get3A_1601 : vector<16xf32>
      %add3A_1626 = arith.addf %add3A_1624, %mul3A_1625 : vector<16xf32>
      %mul3A_1627 = arith.mulf %get3A_1589, %get3A_1605 : vector<16xf32>
      %add3A_1628 = arith.addf %add3A_1626, %mul3A_1627 : vector<16xf32>
      %mul3A_1629 = arith.mulf %get3A_1577, %get3A_1609 : vector<16xf32>
      %mul3A_1630 = arith.mulf %get3A_1581, %get3A_1613 : vector<16xf32>
      %add3A_1631 = arith.addf %mul3A_1629, %mul3A_1630 : vector<16xf32>
      %mul3A_1632 = arith.mulf %get3A_1585, %get3A_1617 : vector<16xf32>
      %add3A_1633 = arith.addf %add3A_1631, %mul3A_1632 : vector<16xf32>
      %mul3A_1634 = arith.mulf %get3A_1589, %get3A_1621 : vector<16xf32>
      %add3A_1635 = arith.addf %add3A_1633, %mul3A_1634 : vector<16xf32>
      %swap3A = arith.index_cast %scan3A_1574 : i32 to index
      %swap3A_1636 = arith.constant 0 : index
      %swap3A_1637 = tpu.vector_load %arg15[%swap3A, %swap3A_1636] {strides = array<i32>} : memref<256x16xf32, #tpu.memory_space<vmem>>, vector<1x16xf32>,
      %swap3A_1638 = vector.shape_cast %swap3A_1637 : vector<1x16xf32> to vector<16xf32>
      %swap3A_1639 = vector.shape_cast %add3A_1628 : vector<16xf32> to vector<1x16xf32>
      tpu.vector_store %arg15[%swap3A, %swap3A_1636], %swap3A_1639 {strides = array<i32>} : memref<256x16xf32, #tpu.memory_space<vmem>>, vector<1x16xf32>,
      %swap3A_1640 = arith.index_cast %scan3A_1574 : i32 to index
      %swap3A_1641 = arith.constant 0 : index
      %swap3A_1642 = tpu.vector_load %arg16[%swap3A_1640, %swap3A_1641] {strides = array<i32>} : memref<256x16xf32, #tpu.memory_space<vmem>>, vector<1x16xf32>,
      %swap3A_1643 = vector.shape_cast %swap3A_1642 : vector<1x16xf32> to vector<16xf32>
      %swap3A_1644 = vector.shape_cast %add3A_1635 : vector<16xf32> to vector<1x16xf32>
      tpu.vector_store %arg16[%swap3A_1640, %swap3A_1641], %swap3A_1644 {strides = array<i32>} : memref<256x16xf32, #tpu.memory_space<vmem>>, vector<1x16xf32>,
    }
    %scan3A_785 = arith.constant 256 : i32
    "tpu.region"() ({
      %run_scoped3A = tpu.sem_alloc : memref<!tpu.dma_semaphore, #tpu.memory_space<semaphore_mem>>
      %dma_start3A_1574 = arith.constant 0 : i32
      %dma_start3A_1575 = tpu.memref_slice %arg7[%add3A_4, %dma_start3A_1574] : memref<16384x16xf32, #tpu.memory_space<hbm>> -> memref<256x16xf32, #tpu.memory_space<hbm>>
      %dma_start3A_1576 = arith.constant 0 : i32
      %dma_start3A_1577 = tpu.memref_slice %arg7[%add3A_4, %dma_start3A_1576] : memref<16384x16xf32, #tpu.memory_space<hbm>> -> memref<256x16xf32, #tpu.memory_space<hbm>>
      tpu.enqueue_dma source(%arg15 : memref<256x16xf32, #tpu.memory_space<vmem>>) target(%dma_start3A_1577 : memref<256x16xf32, #tpu.memory_space<hbm>>) target_semaphore(%run_scoped3A : memref<!tpu.dma_semaphore, #tpu.memory_space<semaphore_mem>>)
      %dma_wait3A_1578 = arith.constant 0 : i32
      %dma_wait3A_1579 = tpu.memref_slice %arg7[%add3A_4, %dma_wait3A_1578] : memref<16384x16xf32, #tpu.memory_space<hbm>> -> memref<256x16xf32, #tpu.memory_space<hbm>>
      %dma_wait3A_1580 = arith.constant 0 : i32
      %dma_wait3A_1581 = tpu.memref_slice %arg7[%add3A_4, %dma_wait3A_1580] : memref<16384x16xf32, #tpu.memory_space<hbm>> -> memref<256x16xf32, #tpu.memory_space<hbm>>
      tpu.wait_dma2 semaphore(%run_scoped3A : memref<!tpu.dma_semaphore, #tpu.memory_space<semaphore_mem>>) src(%arg15 : memref<256x16xf32, #tpu.memory_space<vmem>>) dst(%dma_wait3A_1581 : memref<256x16xf32, #tpu.memory_space<hbm>>)
      tpu.yield
    }) : () -> ()
    "tpu.region"() ({
      %run_scoped3A = tpu.sem_alloc : memref<!tpu.dma_semaphore, #tpu.memory_space<semaphore_mem>>
      %dma_start3A_1574 = arith.constant 0 : i32
      %dma_start3A_1575 = tpu.memref_slice %arg8[%add3A_4, %dma_start3A_1574] : memref<16384x16xf32, #tpu.memory_space<hbm>> -> memref<256x16xf32, #tpu.memory_space<hbm>>
      %dma_start3A_1576 = arith.constant 0 : i32
      %dma_start3A_1577 = tpu.memref_slice %arg8[%add3A_4, %dma_start3A_1576] : memref<16384x16xf32, #tpu.memory_space<hbm>> -> memref<256x16xf32, #tpu.memory_space<hbm>>
      tpu.enqueue_dma source(%arg16 : memref<256x16xf32, #tpu.memory_space<vmem>>) target(%dma_start3A_1577 : memref<256x16xf32, #tpu.memory_space<hbm>>) target_semaphore(%run_scoped3A : memref<!tpu.dma_semaphore, #tpu.memory_space<semaphore_mem>>)
      %dma_wait3A_1578 = arith.constant 0 : i32
      %dma_wait3A_1579 = tpu.memref_slice %arg8[%add3A_4, %dma_wait3A_1578] : memref<16384x16xf32, #tpu.memory_space<hbm>> -> memref<256x16xf32, #tpu.memory_space<hbm>>
      %dma_wait3A_1580 = arith.constant 0 : i32
      %dma_wait3A_1581 = tpu.memref_slice %arg8[%add3A_4, %dma_wait3A_1580] : memref<16384x16xf32, #tpu.memory_space<hbm>> -> memref<256x16xf32, #tpu.memory_space<hbm>>
      tpu.wait_dma2 semaphore(%run_scoped3A : memref<!tpu.dma_semaphore, #tpu.memory_space<semaphore_mem>>) src(%arg16 : memref<256x16xf32, #tpu.memory_space<vmem>>) dst(%dma_wait3A_1581 : memref<256x16xf32, #tpu.memory_space<hbm>>)
      tpu.yield
    }) : () -> ()
    %mul3A_786 = arith.constant 512 : i32
    %mul3A_787 = arith.muli %add3A, %mul3A_786 : i32
    %add3A_788 = arith.constant 256 : i32
    %add3A_789 = arith.addi %mul3A_787, %add3A_788 : i32
    "tpu.region"() ({
      %run_scoped3A = tpu.sem_alloc : memref<!tpu.dma_semaphore, #tpu.memory_space<semaphore_mem>>
      %dma_start3A_1574 = tpu.memref_slice %arg2[%add3A_789] : memref<16384xi32, #tpu.memory_space<hbm>> -> memref<256xi32, #tpu.memory_space<hbm>>
      %dma_start3A_1575 = tpu.memref_slice %arg2[%add3A_789] : memref<16384xi32, #tpu.memory_space<hbm>> -> memref<256xi32, #tpu.memory_space<hbm>>
      tpu.enqueue_dma source(%dma_start3A_1575 : memref<256xi32, #tpu.memory_space<hbm>>) target(%arg9 : memref<256xi32, #tpu.memory_space<vmem>>) target_semaphore(%run_scoped3A : memref<!tpu.dma_semaphore, #tpu.memory_space<semaphore_mem>>)
      %dma_wait3A_1576 = tpu.memref_slice %arg2[%add3A_789] : memref<16384xi32, #tpu.memory_space<hbm>> -> memref<256xi32, #tpu.memory_space<hbm>>
      %dma_wait3A_1577 = tpu.memref_slice %arg2[%add3A_789] : memref<16384xi32, #tpu.memory_space<hbm>> -> memref<256xi32, #tpu.memory_space<hbm>>
      tpu.wait_dma2 semaphore(%run_scoped3A : memref<!tpu.dma_semaphore, #tpu.memory_space<semaphore_mem>>) src(%dma_wait3A_1577 : memref<256xi32, #tpu.memory_space<hbm>>) dst(%arg9 : memref<256xi32, #tpu.memory_space<vmem>>)
      tpu.yield
    }) : () -> ()
    "tpu.region"() ({
      %run_scoped3A = tpu.sem_alloc : memref<!tpu.dma_semaphore, #tpu.memory_space<semaphore_mem>>
      %dma_start3A_1574 = tpu.memref_slice %arg3[%add3A_789] : memref<16384xi32, #tpu.memory_space<hbm>> -> memref<256xi32, #tpu.memory_space<hbm>>
      %dma_start3A_1575 = tpu.memref_slice %arg3[%add3A_789] : memref<16384xi32, #tpu.memory_space<hbm>> -> memref<256xi32, #tpu.memory_space<hbm>>
      tpu.enqueue_dma source(%dma_start3A_1575 : memref<256xi32, #tpu.memory_space<hbm>>) target(%arg10 : memref<256xi32, #tpu.memory_space<vmem>>) target_semaphore(%run_scoped3A : memref<!tpu.dma_semaphore, #tpu.memory_space<semaphore_mem>>)
      %dma_wait3A_1576 = tpu.memref_slice %arg3[%add3A_789] : memref<16384xi32, #tpu.memory_space<hbm>> -> memref<256xi32, #tpu.memory_space<hbm>>
      %dma_wait3A_1577 = tpu.memref_slice %arg3[%add3A_789] : memref<16384xi32, #tpu.memory_space<hbm>> -> memref<256xi32, #tpu.memory_space<hbm>>
      tpu.wait_dma2 semaphore(%run_scoped3A : memref<!tpu.dma_semaphore, #tpu.memory_space<semaphore_mem>>) src(%dma_wait3A_1577 : memref<256xi32, #tpu.memory_space<hbm>>) dst(%arg10 : memref<256xi32, #tpu.memory_space<vmem>>)
      tpu.yield
    }) : () -> ()
    %dma_start3A_790 = arith.constant 0 : i32
    %dma_start3A_791 = arith.constant 0 : i32
    %dma_start3A_792 = tpu.memref_slice %arg5[%dma_start3A_790, %dma_start3A_791] : memref<1000000x128xf32, #tpu.memory_space<hbm>> -> memref<1000000x128xf32, #tpu.memory_space<hbm>>
    tpu.enqueue_indirect_dma source(%dma_start3A_792 : memref<1000000x128xf32, #tpu.memory_space<hbm>>) target(%arg12 : memref<256x128xf32, #tpu.memory_space<vmem>>) offsets(%arg9 : memref<256xi32, #tpu.memory_space<vmem>>) semaphore(%arg17 : memref<!tpu.dma_semaphore, #tpu.memory_space<semaphore_mem>>)
    %dma_start3A_793 = arith.constant 0 : i32
    %dma_start3A_794 = arith.constant 0 : i32
    %dma_start3A_795 = tpu.memref_slice %arg6[%dma_start3A_793, %dma_start3A_794] : memref<1000000x128xf32, #tpu.memory_space<hbm>> -> memref<1000000x128xf32, #tpu.memory_space<hbm>>
    tpu.enqueue_indirect_dma source(%dma_start3A_795 : memref<1000000x128xf32, #tpu.memory_space<hbm>>) target(%arg13 : memref<256x128xf32, #tpu.memory_space<vmem>>) offsets(%arg10 : memref<256xi32, #tpu.memory_space<vmem>>) semaphore(%arg18 : memref<!tpu.dma_semaphore, #tpu.memory_space<semaphore_mem>>)
    %dma_start3A_796 = arith.constant 0 : i32
    %dma_start3A_797 = arith.constant 0 : i32
    %dma_start3A_798 = arith.constant 0 : i32
    %dma_start3A_799 = tpu.memref_slice %arg11[%dma_start3A_797, %dma_start3A_798] : memref<20x256xi32, #tpu.memory_space<vmem>> -> memref<1x256xi32, #tpu.memory_space<vmem>>
    %dma_start3A_800 = tpu.memref_squeeze %dma_start3A_799 : memref<1x256xi32, #tpu.memory_space<vmem>> -> memref<256xi32, #tpu.memory_space<vmem>>
    %dma_start3A_801 = tpu.memref_slice %arg4[%dma_start3A_796, %add3A_789] : memref<20x16384xi32, #tpu.memory_space<hbm>> -> memref<1x256xi32, #tpu.memory_space<hbm>>
    %dma_start3A_802 = tpu.memref_squeeze %dma_start3A_801 : memref<1x256xi32, #tpu.memory_space<hbm>> -> memref<256xi32, #tpu.memory_space<hbm>>
    %dma_start3A_803 = arith.constant 0 : i32
    %dma_start3A_804 = tpu.memref_slice %arg11[%dma_start3A_797, %dma_start3A_803] : memref<20x256xi32, #tpu.memory_space<vmem>> -> memref<1x256xi32, #tpu.memory_space<vmem>>
    %dma_start3A_805 = tpu.memref_squeeze %dma_start3A_804 : memref<1x256xi32, #tpu.memory_space<vmem>> -> memref<256xi32, #tpu.memory_space<vmem>>
    %dma_start3A_806 = tpu.memref_slice %arg4[%dma_start3A_796, %add3A_789] : memref<20x16384xi32, #tpu.memory_space<hbm>> -> memref<1x256xi32, #tpu.memory_space<hbm>>
    %dma_start3A_807 = tpu.memref_squeeze %dma_start3A_806 : memref<1x256xi32, #tpu.memory_space<hbm>> -> memref<256xi32, #tpu.memory_space<hbm>>
    tpu.enqueue_dma source(%dma_start3A_807 : memref<256xi32, #tpu.memory_space<hbm>>) target(%dma_start3A_805 : memref<256xi32, #tpu.memory_space<vmem>>) target_semaphore(%arg19 : memref<!tpu.dma_semaphore, #tpu.memory_space<semaphore_mem>>)
    %dma_start3A_808 = arith.constant 1 : i32
    %dma_start3A_809 = arith.constant 1 : i32
    %dma_start3A_810 = arith.constant 0 : i32
    %dma_start3A_811 = tpu.memref_slice %arg11[%dma_start3A_809, %dma_start3A_810] : memref<20x256xi32, #tpu.memory_space<vmem>> -> memref<1x256xi32, #tpu.memory_space<vmem>>
    %dma_start3A_812 = tpu.memref_squeeze %dma_start3A_811 : memref<1x256xi32, #tpu.memory_space<vmem>> -> memref<256xi32, #tpu.memory_space<vmem>>
    %dma_start3A_813 = tpu.memref_slice %arg4[%dma_start3A_808, %add3A_789] : memref<20x16384xi32, #tpu.memory_space<hbm>> -> memref<1x256xi32, #tpu.memory_space<hbm>>
    %dma_start3A_814 = tpu.memref_squeeze %dma_start3A_813 : memref<1x256xi32, #tpu.memory_space<hbm>> -> memref<256xi32, #tpu.memory_space<hbm>>
    %dma_start3A_815 = arith.constant 0 : i32
    %dma_start3A_816 = tpu.memref_slice %arg11[%dma_start3A_809, %dma_start3A_815] : memref<20x256xi32, #tpu.memory_space<vmem>> -> memref<1x256xi32, #tpu.memory_space<vmem>>
    %dma_start3A_817 = tpu.memref_squeeze %dma_start3A_816 : memref<1x256xi32, #tpu.memory_space<vmem>> -> memref<256xi32, #tpu.memory_space<vmem>>
    %dma_start3A_818 = tpu.memref_slice %arg4[%dma_start3A_808, %add3A_789] : memref<20x16384xi32, #tpu.memory_space<hbm>> -> memref<1x256xi32, #tpu.memory_space<hbm>>
    %dma_start3A_819 = tpu.memref_squeeze %dma_start3A_818 : memref<1x256xi32, #tpu.memory_space<hbm>> -> memref<256xi32, #tpu.memory_space<hbm>>
    tpu.enqueue_dma source(%dma_start3A_819 : memref<256xi32, #tpu.memory_space<hbm>>) target(%dma_start3A_817 : memref<256xi32, #tpu.memory_space<vmem>>) target_semaphore(%arg19 : memref<!tpu.dma_semaphore, #tpu.memory_space<semaphore_mem>>)
    %dma_start3A_820 = arith.constant 2 : i32
    %dma_start3A_821 = arith.constant 2 : i32
    %dma_start3A_822 = arith.constant 0 : i32
    %dma_start3A_823 = tpu.memref_slice %arg11[%dma_start3A_821, %dma_start3A_822] : memref<20x256xi32, #tpu.memory_space<vmem>> -> memref<1x256xi32, #tpu.memory_space<vmem>>
    %dma_start3A_824 = tpu.memref_squeeze %dma_start3A_823 : memref<1x256xi32, #tpu.memory_space<vmem>> -> memref<256xi32, #tpu.memory_space<vmem>>
    %dma_start3A_825 = tpu.memref_slice %arg4[%dma_start3A_820, %add3A_789] : memref<20x16384xi32, #tpu.memory_space<hbm>> -> memref<1x256xi32, #tpu.memory_space<hbm>>
    %dma_start3A_826 = tpu.memref_squeeze %dma_start3A_825 : memref<1x256xi32, #tpu.memory_space<hbm>> -> memref<256xi32, #tpu.memory_space<hbm>>
    %dma_start3A_827 = arith.constant 0 : i32
    %dma_start3A_828 = tpu.memref_slice %arg11[%dma_start3A_821, %dma_start3A_827] : memref<20x256xi32, #tpu.memory_space<vmem>> -> memref<1x256xi32, #tpu.memory_space<vmem>>
    %dma_start3A_829 = tpu.memref_squeeze %dma_start3A_828 : memref<1x256xi32, #tpu.memory_space<vmem>> -> memref<256xi32, #tpu.memory_space<vmem>>
    %dma_start3A_830 = tpu.memref_slice %arg4[%dma_start3A_820, %add3A_789] : memref<20x16384xi32, #tpu.memory_space<hbm>> -> memref<1x256xi32, #tpu.memory_space<hbm>>
    %dma_start3A_831 = tpu.memref_squeeze %dma_start3A_830 : memref<1x256xi32, #tpu.memory_space<hbm>> -> memref<256xi32, #tpu.memory_space<hbm>>
    tpu.enqueue_dma source(%dma_start3A_831 : memref<256xi32, #tpu.memory_space<hbm>>) target(%dma_start3A_829 : memref<256xi32, #tpu.memory_space<vmem>>) target_semaphore(%arg19 : memref<!tpu.dma_semaphore, #tpu.memory_space<semaphore_mem>>)
    %dma_start3A_832 = arith.constant 3 : i32
    %dma_start3A_833 = arith.constant 3 : i32
    %dma_start3A_834 = arith.constant 0 : i32
    %dma_start3A_835 = tpu.memref_slice %arg11[%dma_start3A_833, %dma_start3A_834] : memref<20x256xi32, #tpu.memory_space<vmem>> -> memref<1x256xi32, #tpu.memory_space<vmem>>
    %dma_start3A_836 = tpu.memref_squeeze %dma_start3A_835 : memref<1x256xi32, #tpu.memory_space<vmem>> -> memref<256xi32, #tpu.memory_space<vmem>>
    %dma_start3A_837 = tpu.memref_slice %arg4[%dma_start3A_832, %add3A_789] : memref<20x16384xi32, #tpu.memory_space<hbm>> -> memref<1x256xi32, #tpu.memory_space<hbm>>
    %dma_start3A_838 = tpu.memref_squeeze %dma_start3A_837 : memref<1x256xi32, #tpu.memory_space<hbm>> -> memref<256xi32, #tpu.memory_space<hbm>>
    %dma_start3A_839 = arith.constant 0 : i32
    %dma_start3A_840 = tpu.memref_slice %arg11[%dma_start3A_833, %dma_start3A_839] : memref<20x256xi32, #tpu.memory_space<vmem>> -> memref<1x256xi32, #tpu.memory_space<vmem>>
    %dma_start3A_841 = tpu.memref_squeeze %dma_start3A_840 : memref<1x256xi32, #tpu.memory_space<vmem>> -> memref<256xi32, #tpu.memory_space<vmem>>
    %dma_start3A_842 = tpu.memref_slice %arg4[%dma_start3A_832, %add3A_789] : memref<20x16384xi32, #tpu.memory_space<hbm>> -> memref<1x256xi32, #tpu.memory_space<hbm>>
    %dma_start3A_843 = tpu.memref_squeeze %dma_start3A_842 : memref<1x256xi32, #tpu.memory_space<hbm>> -> memref<256xi32, #tpu.memory_space<hbm>>
    tpu.enqueue_dma source(%dma_start3A_843 : memref<256xi32, #tpu.memory_space<hbm>>) target(%dma_start3A_841 : memref<256xi32, #tpu.memory_space<vmem>>) target_semaphore(%arg19 : memref<!tpu.dma_semaphore, #tpu.memory_space<semaphore_mem>>)
    %dma_start3A_844 = arith.constant 4 : i32
    %dma_start3A_845 = arith.constant 4 : i32
    %dma_start3A_846 = arith.constant 0 : i32
    %dma_start3A_847 = tpu.memref_slice %arg11[%dma_start3A_845, %dma_start3A_846] : memref<20x256xi32, #tpu.memory_space<vmem>> -> memref<1x256xi32, #tpu.memory_space<vmem>>
    %dma_start3A_848 = tpu.memref_squeeze %dma_start3A_847 : memref<1x256xi32, #tpu.memory_space<vmem>> -> memref<256xi32, #tpu.memory_space<vmem>>
    %dma_start3A_849 = tpu.memref_slice %arg4[%dma_start3A_844, %add3A_789] : memref<20x16384xi32, #tpu.memory_space<hbm>> -> memref<1x256xi32, #tpu.memory_space<hbm>>
    %dma_start3A_850 = tpu.memref_squeeze %dma_start3A_849 : memref<1x256xi32, #tpu.memory_space<hbm>> -> memref<256xi32, #tpu.memory_space<hbm>>
    %dma_start3A_851 = arith.constant 0 : i32
    %dma_start3A_852 = tpu.memref_slice %arg11[%dma_start3A_845, %dma_start3A_851] : memref<20x256xi32, #tpu.memory_space<vmem>> -> memref<1x256xi32, #tpu.memory_space<vmem>>
    %dma_start3A_853 = tpu.memref_squeeze %dma_start3A_852 : memref<1x256xi32, #tpu.memory_space<vmem>> -> memref<256xi32, #tpu.memory_space<vmem>>
    %dma_start3A_854 = tpu.memref_slice %arg4[%dma_start3A_844, %add3A_789] : memref<20x16384xi32, #tpu.memory_space<hbm>> -> memref<1x256xi32, #tpu.memory_space<hbm>>
    %dma_start3A_855 = tpu.memref_squeeze %dma_start3A_854 : memref<1x256xi32, #tpu.memory_space<hbm>> -> memref<256xi32, #tpu.memory_space<hbm>>
    tpu.enqueue_dma source(%dma_start3A_855 : memref<256xi32, #tpu.memory_space<hbm>>) target(%dma_start3A_853 : memref<256xi32, #tpu.memory_space<vmem>>) target_semaphore(%arg19 : memref<!tpu.dma_semaphore, #tpu.memory_space<semaphore_mem>>)
    %dma_start3A_856 = arith.constant 5 : i32
    %dma_start3A_857 = arith.constant 5 : i32
    %dma_start3A_858 = arith.constant 0 : i32
    %dma_start3A_859 = tpu.memref_slice %arg11[%dma_start3A_857, %dma_start3A_858] : memref<20x256xi32, #tpu.memory_space<vmem>> -> memref<1x256xi32, #tpu.memory_space<vmem>>
    %dma_start3A_860 = tpu.memref_squeeze %dma_start3A_859 : memref<1x256xi32, #tpu.memory_space<vmem>> -> memref<256xi32, #tpu.memory_space<vmem>>
    %dma_start3A_861 = tpu.memref_slice %arg4[%dma_start3A_856, %add3A_789] : memref<20x16384xi32, #tpu.memory_space<hbm>> -> memref<1x256xi32, #tpu.memory_space<hbm>>
    %dma_start3A_862 = tpu.memref_squeeze %dma_start3A_861 : memref<1x256xi32, #tpu.memory_space<hbm>> -> memref<256xi32, #tpu.memory_space<hbm>>
    %dma_start3A_863 = arith.constant 0 : i32
    %dma_start3A_864 = tpu.memref_slice %arg11[%dma_start3A_857, %dma_start3A_863] : memref<20x256xi32, #tpu.memory_space<vmem>> -> memref<1x256xi32, #tpu.memory_space<vmem>>
    %dma_start3A_865 = tpu.memref_squeeze %dma_start3A_864 : memref<1x256xi32, #tpu.memory_space<vmem>> -> memref<256xi32, #tpu.memory_space<vmem>>
    %dma_start3A_866 = tpu.memref_slice %arg4[%dma_start3A_856, %add3A_789] : memref<20x16384xi32, #tpu.memory_space<hbm>> -> memref<1x256xi32, #tpu.memory_space<hbm>>
    %dma_start3A_867 = tpu.memref_squeeze %dma_start3A_866 : memref<1x256xi32, #tpu.memory_space<hbm>> -> memref<256xi32, #tpu.memory_space<hbm>>
    tpu.enqueue_dma source(%dma_start3A_867 : memref<256xi32, #tpu.memory_space<hbm>>) target(%dma_start3A_865 : memref<256xi32, #tpu.memory_space<vmem>>) target_semaphore(%arg19 : memref<!tpu.dma_semaphore, #tpu.memory_space<semaphore_mem>>)
    %dma_start3A_868 = arith.constant 6 : i32
    %dma_start3A_869 = arith.constant 6 : i32
    %dma_start3A_870 = arith.constant 0 : i32
    %dma_start3A_871 = tpu.memref_slice %arg11[%dma_start3A_869, %dma_start3A_870] : memref<20x256xi32, #tpu.memory_space<vmem>> -> memref<1x256xi32, #tpu.memory_space<vmem>>
    %dma_start3A_872 = tpu.memref_squeeze %dma_start3A_871 : memref<1x256xi32, #tpu.memory_space<vmem>> -> memref<256xi32, #tpu.memory_space<vmem>>
    %dma_start3A_873 = tpu.memref_slice %arg4[%dma_start3A_868, %add3A_789] : memref<20x16384xi32, #tpu.memory_space<hbm>> -> memref<1x256xi32, #tpu.memory_space<hbm>>
    %dma_start3A_874 = tpu.memref_squeeze %dma_start3A_873 : memref<1x256xi32, #tpu.memory_space<hbm>> -> memref<256xi32, #tpu.memory_space<hbm>>
    %dma_start3A_875 = arith.constant 0 : i32
    %dma_start3A_876 = tpu.memref_slice %arg11[%dma_start3A_869, %dma_start3A_875] : memref<20x256xi32, #tpu.memory_space<vmem>> -> memref<1x256xi32, #tpu.memory_space<vmem>>
    %dma_start3A_877 = tpu.memref_squeeze %dma_start3A_876 : memref<1x256xi32, #tpu.memory_space<vmem>> -> memref<256xi32, #tpu.memory_space<vmem>>
    %dma_start3A_878 = tpu.memref_slice %arg4[%dma_start3A_868, %add3A_789] : memref<20x16384xi32, #tpu.memory_space<hbm>> -> memref<1x256xi32, #tpu.memory_space<hbm>>
    %dma_start3A_879 = tpu.memref_squeeze %dma_start3A_878 : memref<1x256xi32, #tpu.memory_space<hbm>> -> memref<256xi32, #tpu.memory_space<hbm>>
    tpu.enqueue_dma source(%dma_start3A_879 : memref<256xi32, #tpu.memory_space<hbm>>) target(%dma_start3A_877 : memref<256xi32, #tpu.memory_space<vmem>>) target_semaphore(%arg19 : memref<!tpu.dma_semaphore, #tpu.memory_space<semaphore_mem>>)
    %dma_start3A_880 = arith.constant 7 : i32
    %dma_start3A_881 = arith.constant 7 : i32
    %dma_start3A_882 = arith.constant 0 : i32
    %dma_start3A_883 = tpu.memref_slice %arg11[%dma_start3A_881, %dma_start3A_882] : memref<20x256xi32, #tpu.memory_space<vmem>> -> memref<1x256xi32, #tpu.memory_space<vmem>>
    %dma_start3A_884 = tpu.memref_squeeze %dma_start3A_883 : memref<1x256xi32, #tpu.memory_space<vmem>> -> memref<256xi32, #tpu.memory_space<vmem>>
    %dma_start3A_885 = tpu.memref_slice %arg4[%dma_start3A_880, %add3A_789] : memref<20x16384xi32, #tpu.memory_space<hbm>> -> memref<1x256xi32, #tpu.memory_space<hbm>>
    %dma_start3A_886 = tpu.memref_squeeze %dma_start3A_885 : memref<1x256xi32, #tpu.memory_space<hbm>> -> memref<256xi32, #tpu.memory_space<hbm>>
    %dma_start3A_887 = arith.constant 0 : i32
    %dma_start3A_888 = tpu.memref_slice %arg11[%dma_start3A_881, %dma_start3A_887] : memref<20x256xi32, #tpu.memory_space<vmem>> -> memref<1x256xi32, #tpu.memory_space<vmem>>
    %dma_start3A_889 = tpu.memref_squeeze %dma_start3A_888 : memref<1x256xi32, #tpu.memory_space<vmem>> -> memref<256xi32, #tpu.memory_space<vmem>>
    %dma_start3A_890 = tpu.memref_slice %arg4[%dma_start3A_880, %add3A_789] : memref<20x16384xi32, #tpu.memory_space<hbm>> -> memref<1x256xi32, #tpu.memory_space<hbm>>
    %dma_start3A_891 = tpu.memref_squeeze %dma_start3A_890 : memref<1x256xi32, #tpu.memory_space<hbm>> -> memref<256xi32, #tpu.memory_space<hbm>>
    tpu.enqueue_dma source(%dma_start3A_891 : memref<256xi32, #tpu.memory_space<hbm>>) target(%dma_start3A_889 : memref<256xi32, #tpu.memory_space<vmem>>) target_semaphore(%arg19 : memref<!tpu.dma_semaphore, #tpu.memory_space<semaphore_mem>>)
    %dma_start3A_892 = arith.constant 8 : i32
    %dma_start3A_893 = arith.constant 8 : i32
    %dma_start3A_894 = arith.constant 0 : i32
    %dma_start3A_895 = tpu.memref_slice %arg11[%dma_start3A_893, %dma_start3A_894] : memref<20x256xi32, #tpu.memory_space<vmem>> -> memref<1x256xi32, #tpu.memory_space<vmem>>
    %dma_start3A_896 = tpu.memref_squeeze %dma_start3A_895 : memref<1x256xi32, #tpu.memory_space<vmem>> -> memref<256xi32, #tpu.memory_space<vmem>>
    %dma_start3A_897 = tpu.memref_slice %arg4[%dma_start3A_892, %add3A_789] : memref<20x16384xi32, #tpu.memory_space<hbm>> -> memref<1x256xi32, #tpu.memory_space<hbm>>
    %dma_start3A_898 = tpu.memref_squeeze %dma_start3A_897 : memref<1x256xi32, #tpu.memory_space<hbm>> -> memref<256xi32, #tpu.memory_space<hbm>>
    %dma_start3A_899 = arith.constant 0 : i32
    %dma_start3A_900 = tpu.memref_slice %arg11[%dma_start3A_893, %dma_start3A_899] : memref<20x256xi32, #tpu.memory_space<vmem>> -> memref<1x256xi32, #tpu.memory_space<vmem>>
    %dma_start3A_901 = tpu.memref_squeeze %dma_start3A_900 : memref<1x256xi32, #tpu.memory_space<vmem>> -> memref<256xi32, #tpu.memory_space<vmem>>
    %dma_start3A_902 = tpu.memref_slice %arg4[%dma_start3A_892, %add3A_789] : memref<20x16384xi32, #tpu.memory_space<hbm>> -> memref<1x256xi32, #tpu.memory_space<hbm>>
    %dma_start3A_903 = tpu.memref_squeeze %dma_start3A_902 : memref<1x256xi32, #tpu.memory_space<hbm>> -> memref<256xi32, #tpu.memory_space<hbm>>
    tpu.enqueue_dma source(%dma_start3A_903 : memref<256xi32, #tpu.memory_space<hbm>>) target(%dma_start3A_901 : memref<256xi32, #tpu.memory_space<vmem>>) target_semaphore(%arg19 : memref<!tpu.dma_semaphore, #tpu.memory_space<semaphore_mem>>)
    %dma_start3A_904 = arith.constant 9 : i32
    %dma_start3A_905 = arith.constant 9 : i32
    %dma_start3A_906 = arith.constant 0 : i32
    %dma_start3A_907 = tpu.memref_slice %arg11[%dma_start3A_905, %dma_start3A_906] : memref<20x256xi32, #tpu.memory_space<vmem>> -> memref<1x256xi32, #tpu.memory_space<vmem>>
    %dma_start3A_908 = tpu.memref_squeeze %dma_start3A_907 : memref<1x256xi32, #tpu.memory_space<vmem>> -> memref<256xi32, #tpu.memory_space<vmem>>
    %dma_start3A_909 = tpu.memref_slice %arg4[%dma_start3A_904, %add3A_789] : memref<20x16384xi32, #tpu.memory_space<hbm>> -> memref<1x256xi32, #tpu.memory_space<hbm>>
    %dma_start3A_910 = tpu.memref_squeeze %dma_start3A_909 : memref<1x256xi32, #tpu.memory_space<hbm>> -> memref<256xi32, #tpu.memory_space<hbm>>
    %dma_start3A_911 = arith.constant 0 : i32
    %dma_start3A_912 = tpu.memref_slice %arg11[%dma_start3A_905, %dma_start3A_911] : memref<20x256xi32, #tpu.memory_space<vmem>> -> memref<1x256xi32, #tpu.memory_space<vmem>>
    %dma_start3A_913 = tpu.memref_squeeze %dma_start3A_912 : memref<1x256xi32, #tpu.memory_space<vmem>> -> memref<256xi32, #tpu.memory_space<vmem>>
    %dma_start3A_914 = tpu.memref_slice %arg4[%dma_start3A_904, %add3A_789] : memref<20x16384xi32, #tpu.memory_space<hbm>> -> memref<1x256xi32, #tpu.memory_space<hbm>>
    %dma_start3A_915 = tpu.memref_squeeze %dma_start3A_914 : memref<1x256xi32, #tpu.memory_space<hbm>> -> memref<256xi32, #tpu.memory_space<hbm>>
    tpu.enqueue_dma source(%dma_start3A_915 : memref<256xi32, #tpu.memory_space<hbm>>) target(%dma_start3A_913 : memref<256xi32, #tpu.memory_space<vmem>>) target_semaphore(%arg19 : memref<!tpu.dma_semaphore, #tpu.memory_space<semaphore_mem>>)
    %dma_start3A_916 = arith.constant 10 : i32
    %dma_start3A_917 = arith.constant 10 : i32
    %dma_start3A_918 = arith.constant 0 : i32
    %dma_start3A_919 = tpu.memref_slice %arg11[%dma_start3A_917, %dma_start3A_918] : memref<20x256xi32, #tpu.memory_space<vmem>> -> memref<1x256xi32, #tpu.memory_space<vmem>>
    %dma_start3A_920 = tpu.memref_squeeze %dma_start3A_919 : memref<1x256xi32, #tpu.memory_space<vmem>> -> memref<256xi32, #tpu.memory_space<vmem>>
    %dma_start3A_921 = tpu.memref_slice %arg4[%dma_start3A_916, %add3A_789] : memref<20x16384xi32, #tpu.memory_space<hbm>> -> memref<1x256xi32, #tpu.memory_space<hbm>>
    %dma_start3A_922 = tpu.memref_squeeze %dma_start3A_921 : memref<1x256xi32, #tpu.memory_space<hbm>> -> memref<256xi32, #tpu.memory_space<hbm>>
    %dma_start3A_923 = arith.constant 0 : i32
    %dma_start3A_924 = tpu.memref_slice %arg11[%dma_start3A_917, %dma_start3A_923] : memref<20x256xi32, #tpu.memory_space<vmem>> -> memref<1x256xi32, #tpu.memory_space<vmem>>
    %dma_start3A_925 = tpu.memref_squeeze %dma_start3A_924 : memref<1x256xi32, #tpu.memory_space<vmem>> -> memref<256xi32, #tpu.memory_space<vmem>>
    %dma_start3A_926 = tpu.memref_slice %arg4[%dma_start3A_916, %add3A_789] : memref<20x16384xi32, #tpu.memory_space<hbm>> -> memref<1x256xi32, #tpu.memory_space<hbm>>
    %dma_start3A_927 = tpu.memref_squeeze %dma_start3A_926 : memref<1x256xi32, #tpu.memory_space<hbm>> -> memref<256xi32, #tpu.memory_space<hbm>>
    tpu.enqueue_dma source(%dma_start3A_927 : memref<256xi32, #tpu.memory_space<hbm>>) target(%dma_start3A_925 : memref<256xi32, #tpu.memory_space<vmem>>) target_semaphore(%arg19 : memref<!tpu.dma_semaphore, #tpu.memory_space<semaphore_mem>>)
    %dma_start3A_928 = arith.constant 11 : i32
    %dma_start3A_929 = arith.constant 11 : i32
    %dma_start3A_930 = arith.constant 0 : i32
    %dma_start3A_931 = tpu.memref_slice %arg11[%dma_start3A_929, %dma_start3A_930] : memref<20x256xi32, #tpu.memory_space<vmem>> -> memref<1x256xi32, #tpu.memory_space<vmem>>
    %dma_start3A_932 = tpu.memref_squeeze %dma_start3A_931 : memref<1x256xi32, #tpu.memory_space<vmem>> -> memref<256xi32, #tpu.memory_space<vmem>>
    %dma_start3A_933 = tpu.memref_slice %arg4[%dma_start3A_928, %add3A_789] : memref<20x16384xi32, #tpu.memory_space<hbm>> -> memref<1x256xi32, #tpu.memory_space<hbm>>
    %dma_start3A_934 = tpu.memref_squeeze %dma_start3A_933 : memref<1x256xi32, #tpu.memory_space<hbm>> -> memref<256xi32, #tpu.memory_space<hbm>>
    %dma_start3A_935 = arith.constant 0 : i32
    %dma_start3A_936 = tpu.memref_slice %arg11[%dma_start3A_929, %dma_start3A_935] : memref<20x256xi32, #tpu.memory_space<vmem>> -> memref<1x256xi32, #tpu.memory_space<vmem>>
    %dma_start3A_937 = tpu.memref_squeeze %dma_start3A_936 : memref<1x256xi32, #tpu.memory_space<vmem>> -> memref<256xi32, #tpu.memory_space<vmem>>
    %dma_start3A_938 = tpu.memref_slice %arg4[%dma_start3A_928, %add3A_789] : memref<20x16384xi32, #tpu.memory_space<hbm>> -> memref<1x256xi32, #tpu.memory_space<hbm>>
    %dma_start3A_939 = tpu.memref_squeeze %dma_start3A_938 : memref<1x256xi32, #tpu.memory_space<hbm>> -> memref<256xi32, #tpu.memory_space<hbm>>
    tpu.enqueue_dma source(%dma_start3A_939 : memref<256xi32, #tpu.memory_space<hbm>>) target(%dma_start3A_937 : memref<256xi32, #tpu.memory_space<vmem>>) target_semaphore(%arg19 : memref<!tpu.dma_semaphore, #tpu.memory_space<semaphore_mem>>)
    %dma_start3A_940 = arith.constant 12 : i32
    %dma_start3A_941 = arith.constant 12 : i32
    %dma_start3A_942 = arith.constant 0 : i32
    %dma_start3A_943 = tpu.memref_slice %arg11[%dma_start3A_941, %dma_start3A_942] : memref<20x256xi32, #tpu.memory_space<vmem>> -> memref<1x256xi32, #tpu.memory_space<vmem>>
    %dma_start3A_944 = tpu.memref_squeeze %dma_start3A_943 : memref<1x256xi32, #tpu.memory_space<vmem>> -> memref<256xi32, #tpu.memory_space<vmem>>
    %dma_start3A_945 = tpu.memref_slice %arg4[%dma_start3A_940, %add3A_789] : memref<20x16384xi32, #tpu.memory_space<hbm>> -> memref<1x256xi32, #tpu.memory_space<hbm>>
    %dma_start3A_946 = tpu.memref_squeeze %dma_start3A_945 : memref<1x256xi32, #tpu.memory_space<hbm>> -> memref<256xi32, #tpu.memory_space<hbm>>
    %dma_start3A_947 = arith.constant 0 : i32
    %dma_start3A_948 = tpu.memref_slice %arg11[%dma_start3A_941, %dma_start3A_947] : memref<20x256xi32, #tpu.memory_space<vmem>> -> memref<1x256xi32, #tpu.memory_space<vmem>>
    %dma_start3A_949 = tpu.memref_squeeze %dma_start3A_948 : memref<1x256xi32, #tpu.memory_space<vmem>> -> memref<256xi32, #tpu.memory_space<vmem>>
    %dma_start3A_950 = tpu.memref_slice %arg4[%dma_start3A_940, %add3A_789] : memref<20x16384xi32, #tpu.memory_space<hbm>> -> memref<1x256xi32, #tpu.memory_space<hbm>>
    %dma_start3A_951 = tpu.memref_squeeze %dma_start3A_950 : memref<1x256xi32, #tpu.memory_space<hbm>> -> memref<256xi32, #tpu.memory_space<hbm>>
    tpu.enqueue_dma source(%dma_start3A_951 : memref<256xi32, #tpu.memory_space<hbm>>) target(%dma_start3A_949 : memref<256xi32, #tpu.memory_space<vmem>>) target_semaphore(%arg19 : memref<!tpu.dma_semaphore, #tpu.memory_space<semaphore_mem>>)
    %dma_start3A_952 = arith.constant 13 : i32
    %dma_start3A_953 = arith.constant 13 : i32
    %dma_start3A_954 = arith.constant 0 : i32
    %dma_start3A_955 = tpu.memref_slice %arg11[%dma_start3A_953, %dma_start3A_954] : memref<20x256xi32, #tpu.memory_space<vmem>> -> memref<1x256xi32, #tpu.memory_space<vmem>>
    %dma_start3A_956 = tpu.memref_squeeze %dma_start3A_955 : memref<1x256xi32, #tpu.memory_space<vmem>> -> memref<256xi32, #tpu.memory_space<vmem>>
    %dma_start3A_957 = tpu.memref_slice %arg4[%dma_start3A_952, %add3A_789] : memref<20x16384xi32, #tpu.memory_space<hbm>> -> memref<1x256xi32, #tpu.memory_space<hbm>>
    %dma_start3A_958 = tpu.memref_squeeze %dma_start3A_957 : memref<1x256xi32, #tpu.memory_space<hbm>> -> memref<256xi32, #tpu.memory_space<hbm>>
    %dma_start3A_959 = arith.constant 0 : i32
    %dma_start3A_960 = tpu.memref_slice %arg11[%dma_start3A_953, %dma_start3A_959] : memref<20x256xi32, #tpu.memory_space<vmem>> -> memref<1x256xi32, #tpu.memory_space<vmem>>
    %dma_start3A_961 = tpu.memref_squeeze %dma_start3A_960 : memref<1x256xi32, #tpu.memory_space<vmem>> -> memref<256xi32, #tpu.memory_space<vmem>>
    %dma_start3A_962 = tpu.memref_slice %arg4[%dma_start3A_952, %add3A_789] : memref<20x16384xi32, #tpu.memory_space<hbm>> -> memref<1x256xi32, #tpu.memory_space<hbm>>
    %dma_start3A_963 = tpu.memref_squeeze %dma_start3A_962 : memref<1x256xi32, #tpu.memory_space<hbm>> -> memref<256xi32, #tpu.memory_space<hbm>>
    tpu.enqueue_dma source(%dma_start3A_963 : memref<256xi32, #tpu.memory_space<hbm>>) target(%dma_start3A_961 : memref<256xi32, #tpu.memory_space<vmem>>) target_semaphore(%arg19 : memref<!tpu.dma_semaphore, #tpu.memory_space<semaphore_mem>>)
    %dma_start3A_964 = arith.constant 14 : i32
    %dma_start3A_965 = arith.constant 14 : i32
    %dma_start3A_966 = arith.constant 0 : i32
    %dma_start3A_967 = tpu.memref_slice %arg11[%dma_start3A_965, %dma_start3A_966] : memref<20x256xi32, #tpu.memory_space<vmem>> -> memref<1x256xi32, #tpu.memory_space<vmem>>
    %dma_start3A_968 = tpu.memref_squeeze %dma_start3A_967 : memref<1x256xi32, #tpu.memory_space<vmem>> -> memref<256xi32, #tpu.memory_space<vmem>>
    %dma_start3A_969 = tpu.memref_slice %arg4[%dma_start3A_964, %add3A_789] : memref<20x16384xi32, #tpu.memory_space<hbm>> -> memref<1x256xi32, #tpu.memory_space<hbm>>
    %dma_start3A_970 = tpu.memref_squeeze %dma_start3A_969 : memref<1x256xi32, #tpu.memory_space<hbm>> -> memref<256xi32, #tpu.memory_space<hbm>>
    %dma_start3A_971 = arith.constant 0 : i32
    %dma_start3A_972 = tpu.memref_slice %arg11[%dma_start3A_965, %dma_start3A_971] : memref<20x256xi32, #tpu.memory_space<vmem>> -> memref<1x256xi32, #tpu.memory_space<vmem>>
    %dma_start3A_973 = tpu.memref_squeeze %dma_start3A_972 : memref<1x256xi32, #tpu.memory_space<vmem>> -> memref<256xi32, #tpu.memory_space<vmem>>
    %dma_start3A_974 = tpu.memref_slice %arg4[%dma_start3A_964, %add3A_789] : memref<20x16384xi32, #tpu.memory_space<hbm>> -> memref<1x256xi32, #tpu.memory_space<hbm>>
    %dma_start3A_975 = tpu.memref_squeeze %dma_start3A_974 : memref<1x256xi32, #tpu.memory_space<hbm>> -> memref<256xi32, #tpu.memory_space<hbm>>
    tpu.enqueue_dma source(%dma_start3A_975 : memref<256xi32, #tpu.memory_space<hbm>>) target(%dma_start3A_973 : memref<256xi32, #tpu.memory_space<vmem>>) target_semaphore(%arg19 : memref<!tpu.dma_semaphore, #tpu.memory_space<semaphore_mem>>)
    %dma_start3A_976 = arith.constant 15 : i32
    %dma_start3A_977 = arith.constant 15 : i32
    %dma_start3A_978 = arith.constant 0 : i32
    %dma_start3A_979 = tpu.memref_slice %arg11[%dma_start3A_977, %dma_start3A_978] : memref<20x256xi32, #tpu.memory_space<vmem>> -> memref<1x256xi32, #tpu.memory_space<vmem>>
    %dma_start3A_980 = tpu.memref_squeeze %dma_start3A_979 : memref<1x256xi32, #tpu.memory_space<vmem>> -> memref<256xi32, #tpu.memory_space<vmem>>
    %dma_start3A_981 = tpu.memref_slice %arg4[%dma_start3A_976, %add3A_789] : memref<20x16384xi32, #tpu.memory_space<hbm>> -> memref<1x256xi32, #tpu.memory_space<hbm>>
    %dma_start3A_982 = tpu.memref_squeeze %dma_start3A_981 : memref<1x256xi32, #tpu.memory_space<hbm>> -> memref<256xi32, #tpu.memory_space<hbm>>
    %dma_start3A_983 = arith.constant 0 : i32
    %dma_start3A_984 = tpu.memref_slice %arg11[%dma_start3A_977, %dma_start3A_983] : memref<20x256xi32, #tpu.memory_space<vmem>> -> memref<1x256xi32, #tpu.memory_space<vmem>>
    %dma_start3A_985 = tpu.memref_squeeze %dma_start3A_984 : memref<1x256xi32, #tpu.memory_space<vmem>> -> memref<256xi32, #tpu.memory_space<vmem>>
    %dma_start3A_986 = tpu.memref_slice %arg4[%dma_start3A_976, %add3A_789] : memref<20x16384xi32, #tpu.memory_space<hbm>> -> memref<1x256xi32, #tpu.memory_space<hbm>>
    %dma_start3A_987 = tpu.memref_squeeze %dma_start3A_986 : memref<1x256xi32, #tpu.memory_space<hbm>> -> memref<256xi32, #tpu.memory_space<hbm>>
    tpu.enqueue_dma source(%dma_start3A_987 : memref<256xi32, #tpu.memory_space<hbm>>) target(%dma_start3A_985 : memref<256xi32, #tpu.memory_space<vmem>>) target_semaphore(%arg19 : memref<!tpu.dma_semaphore, #tpu.memory_space<semaphore_mem>>)
    %dma_start3A_988 = arith.constant 16 : i32
    %dma_start3A_989 = arith.constant 16 : i32
    %dma_start3A_990 = arith.constant 0 : i32
    %dma_start3A_991 = tpu.memref_slice %arg11[%dma_start3A_989, %dma_start3A_990] : memref<20x256xi32, #tpu.memory_space<vmem>> -> memref<1x256xi32, #tpu.memory_space<vmem>>
    %dma_start3A_992 = tpu.memref_squeeze %dma_start3A_991 : memref<1x256xi32, #tpu.memory_space<vmem>> -> memref<256xi32, #tpu.memory_space<vmem>>
    %dma_start3A_993 = tpu.memref_slice %arg4[%dma_start3A_988, %add3A_789] : memref<20x16384xi32, #tpu.memory_space<hbm>> -> memref<1x256xi32, #tpu.memory_space<hbm>>
    %dma_start3A_994 = tpu.memref_squeeze %dma_start3A_993 : memref<1x256xi32, #tpu.memory_space<hbm>> -> memref<256xi32, #tpu.memory_space<hbm>>
    %dma_start3A_995 = arith.constant 0 : i32
    %dma_start3A_996 = tpu.memref_slice %arg11[%dma_start3A_989, %dma_start3A_995] : memref<20x256xi32, #tpu.memory_space<vmem>> -> memref<1x256xi32, #tpu.memory_space<vmem>>
    %dma_start3A_997 = tpu.memref_squeeze %dma_start3A_996 : memref<1x256xi32, #tpu.memory_space<vmem>> -> memref<256xi32, #tpu.memory_space<vmem>>
    %dma_start3A_998 = tpu.memref_slice %arg4[%dma_start3A_988, %add3A_789] : memref<20x16384xi32, #tpu.memory_space<hbm>> -> memref<1x256xi32, #tpu.memory_space<hbm>>
    %dma_start3A_999 = tpu.memref_squeeze %dma_start3A_998 : memref<1x256xi32, #tpu.memory_space<hbm>> -> memref<256xi32, #tpu.memory_space<hbm>>
    tpu.enqueue_dma source(%dma_start3A_999 : memref<256xi32, #tpu.memory_space<hbm>>) target(%dma_start3A_997 : memref<256xi32, #tpu.memory_space<vmem>>) target_semaphore(%arg19 : memref<!tpu.dma_semaphore, #tpu.memory_space<semaphore_mem>>)
    %dma_start3A_1000 = arith.constant 17 : i32
    %dma_start3A_1001 = arith.constant 17 : i32
    %dma_start3A_1002 = arith.constant 0 : i32
    %dma_start3A_1003 = tpu.memref_slice %arg11[%dma_start3A_1001, %dma_start3A_1002] : memref<20x256xi32, #tpu.memory_space<vmem>> -> memref<1x256xi32, #tpu.memory_space<vmem>>
    %dma_start3A_1004 = tpu.memref_squeeze %dma_start3A_1003 : memref<1x256xi32, #tpu.memory_space<vmem>> -> memref<256xi32, #tpu.memory_space<vmem>>
    %dma_start3A_1005 = tpu.memref_slice %arg4[%dma_start3A_1000, %add3A_789] : memref<20x16384xi32, #tpu.memory_space<hbm>> -> memref<1x256xi32, #tpu.memory_space<hbm>>
    %dma_start3A_1006 = tpu.memref_squeeze %dma_start3A_1005 : memref<1x256xi32, #tpu.memory_space<hbm>> -> memref<256xi32, #tpu.memory_space<hbm>>
    %dma_start3A_1007 = arith.constant 0 : i32
    %dma_start3A_1008 = tpu.memref_slice %arg11[%dma_start3A_1001, %dma_start3A_1007] : memref<20x256xi32, #tpu.memory_space<vmem>> -> memref<1x256xi32, #tpu.memory_space<vmem>>
    %dma_start3A_1009 = tpu.memref_squeeze %dma_start3A_1008 : memref<1x256xi32, #tpu.memory_space<vmem>> -> memref<256xi32, #tpu.memory_space<vmem>>
    %dma_start3A_1010 = tpu.memref_slice %arg4[%dma_start3A_1000, %add3A_789] : memref<20x16384xi32, #tpu.memory_space<hbm>> -> memref<1x256xi32, #tpu.memory_space<hbm>>
    %dma_start3A_1011 = tpu.memref_squeeze %dma_start3A_1010 : memref<1x256xi32, #tpu.memory_space<hbm>> -> memref<256xi32, #tpu.memory_space<hbm>>
    tpu.enqueue_dma source(%dma_start3A_1011 : memref<256xi32, #tpu.memory_space<hbm>>) target(%dma_start3A_1009 : memref<256xi32, #tpu.memory_space<vmem>>) target_semaphore(%arg19 : memref<!tpu.dma_semaphore, #tpu.memory_space<semaphore_mem>>)
    %dma_start3A_1012 = arith.constant 18 : i32
    %dma_start3A_1013 = arith.constant 18 : i32
    %dma_start3A_1014 = arith.constant 0 : i32
    %dma_start3A_1015 = tpu.memref_slice %arg11[%dma_start3A_1013, %dma_start3A_1014] : memref<20x256xi32, #tpu.memory_space<vmem>> -> memref<1x256xi32, #tpu.memory_space<vmem>>
    %dma_start3A_1016 = tpu.memref_squeeze %dma_start3A_1015 : memref<1x256xi32, #tpu.memory_space<vmem>> -> memref<256xi32, #tpu.memory_space<vmem>>
    %dma_start3A_1017 = tpu.memref_slice %arg4[%dma_start3A_1012, %add3A_789] : memref<20x16384xi32, #tpu.memory_space<hbm>> -> memref<1x256xi32, #tpu.memory_space<hbm>>
    %dma_start3A_1018 = tpu.memref_squeeze %dma_start3A_1017 : memref<1x256xi32, #tpu.memory_space<hbm>> -> memref<256xi32, #tpu.memory_space<hbm>>
    %dma_start3A_1019 = arith.constant 0 : i32
    %dma_start3A_1020 = tpu.memref_slice %arg11[%dma_start3A_1013, %dma_start3A_1019] : memref<20x256xi32, #tpu.memory_space<vmem>> -> memref<1x256xi32, #tpu.memory_space<vmem>>
    %dma_start3A_1021 = tpu.memref_squeeze %dma_start3A_1020 : memref<1x256xi32, #tpu.memory_space<vmem>> -> memref<256xi32, #tpu.memory_space<vmem>>
    %dma_start3A_1022 = tpu.memref_slice %arg4[%dma_start3A_1012, %add3A_789] : memref<20x16384xi32, #tpu.memory_space<hbm>> -> memref<1x256xi32, #tpu.memory_space<hbm>>
    %dma_start3A_1023 = tpu.memref_squeeze %dma_start3A_1022 : memref<1x256xi32, #tpu.memory_space<hbm>> -> memref<256xi32, #tpu.memory_space<hbm>>
    tpu.enqueue_dma source(%dma_start3A_1023 : memref<256xi32, #tpu.memory_space<hbm>>) target(%dma_start3A_1021 : memref<256xi32, #tpu.memory_space<vmem>>) target_semaphore(%arg19 : memref<!tpu.dma_semaphore, #tpu.memory_space<semaphore_mem>>)
    %dma_start3A_1024 = arith.constant 19 : i32
    %dma_start3A_1025 = arith.constant 19 : i32
    %dma_start3A_1026 = arith.constant 0 : i32
    %dma_start3A_1027 = tpu.memref_slice %arg11[%dma_start3A_1025, %dma_start3A_1026] : memref<20x256xi32, #tpu.memory_space<vmem>> -> memref<1x256xi32, #tpu.memory_space<vmem>>
    %dma_start3A_1028 = tpu.memref_squeeze %dma_start3A_1027 : memref<1x256xi32, #tpu.memory_space<vmem>> -> memref<256xi32, #tpu.memory_space<vmem>>
    %dma_start3A_1029 = tpu.memref_slice %arg4[%dma_start3A_1024, %add3A_789] : memref<20x16384xi32, #tpu.memory_space<hbm>> -> memref<1x256xi32, #tpu.memory_space<hbm>>
    %dma_start3A_1030 = tpu.memref_squeeze %dma_start3A_1029 : memref<1x256xi32, #tpu.memory_space<hbm>> -> memref<256xi32, #tpu.memory_space<hbm>>
    %dma_start3A_1031 = arith.constant 0 : i32
    %dma_start3A_1032 = tpu.memref_slice %arg11[%dma_start3A_1025, %dma_start3A_1031] : memref<20x256xi32, #tpu.memory_space<vmem>> -> memref<1x256xi32, #tpu.memory_space<vmem>>
    %dma_start3A_1033 = tpu.memref_squeeze %dma_start3A_1032 : memref<1x256xi32, #tpu.memory_space<vmem>> -> memref<256xi32, #tpu.memory_space<vmem>>
    %dma_start3A_1034 = tpu.memref_slice %arg4[%dma_start3A_1024, %add3A_789] : memref<20x16384xi32, #tpu.memory_space<hbm>> -> memref<1x256xi32, #tpu.memory_space<hbm>>
    %dma_start3A_1035 = tpu.memref_squeeze %dma_start3A_1034 : memref<1x256xi32, #tpu.memory_space<hbm>> -> memref<256xi32, #tpu.memory_space<hbm>>
    tpu.enqueue_dma source(%dma_start3A_1035 : memref<256xi32, #tpu.memory_space<hbm>>) target(%dma_start3A_1033 : memref<256xi32, #tpu.memory_space<vmem>>) target_semaphore(%arg19 : memref<!tpu.dma_semaphore, #tpu.memory_space<semaphore_mem>>)
    %scan3A_1036 = arith.constant 0 : i32
    %scan3A_1037 = arith.constant 0 : i32
    %scan3A_1038 = arith.constant 256 : i32
    %scan3A_1039 = arith.addi %scan3A_1037, %scan3A_1038 : i32
    %scan3A_1040 = arith.constant 1 : i32
    scf.for %scan3A_1574 = %scan3A_1037 to %scan3A_1039 step %scan3A_1040  : i32 {
      %broadcast_in_dim3A = arith.constant 0.000000e+00 : f32
      %broadcast_in_dim3A_1575 = vector.broadcast %broadcast_in_dim3A : f32 to vector<16xf32>
      %swap3A = arith.index_cast %scan3A_1574 : i32 to index
      %swap3A_1576 = arith.constant 0 : index
      %swap3A_1577 = tpu.vector_load %arg14[%swap3A, %swap3A_1576] {strides = array<i32>} : memref<256x128xf32, #tpu.memory_space<vmem>>, vector<1x16xf32>,
      %swap3A_1578 = vector.shape_cast %swap3A_1577 : vector<1x16xf32> to vector<16xf32>
      %swap3A_1579 = vector.shape_cast %broadcast_in_dim3A_1575 : vector<16xf32> to vector<1x16xf32>
      tpu.vector_store %arg14[%swap3A, %swap3A_1576], %swap3A_1579 {strides = array<i32>} : memref<256x128xf32, #tpu.memory_space<vmem>>, vector<1x16xf32>,
      %broadcast_in_dim3A_1580 = arith.constant 0.000000e+00 : f32
      %broadcast_in_dim3A_1581 = vector.broadcast %broadcast_in_dim3A_1580 : f32 to vector<16xf32>
      %swap3A_1582 = arith.index_cast %scan3A_1574 : i32 to index
      %swap3A_1583 = arith.constant 16 : index
      %swap3A_1584 = tpu.vector_load %arg14[%swap3A_1582, %swap3A_1583] {strides = array<i32>} : memref<256x128xf32, #tpu.memory_space<vmem>>, vector<1x16xf32>,
      %swap3A_1585 = vector.shape_cast %swap3A_1584 : vector<1x16xf32> to vector<16xf32>
      %swap3A_1586 = vector.shape_cast %broadcast_in_dim3A_1581 : vector<16xf32> to vector<1x16xf32>
      tpu.vector_store %arg14[%swap3A_1582, %swap3A_1583], %swap3A_1586 {strides = array<i32>} : memref<256x128xf32, #tpu.memory_space<vmem>>, vector<1x16xf32>,
      %broadcast_in_dim3A_1587 = arith.constant 0.000000e+00 : f32
      %broadcast_in_dim3A_1588 = vector.broadcast %broadcast_in_dim3A_1587 : f32 to vector<16xf32>
      %swap3A_1589 = arith.index_cast %scan3A_1574 : i32 to index
      %swap3A_1590 = arith.constant 32 : index
      %swap3A_1591 = tpu.vector_load %arg14[%swap3A_1589, %swap3A_1590] {strides = array<i32>} : memref<256x128xf32, #tpu.memory_space<vmem>>, vector<1x16xf32>,
      %swap3A_1592 = vector.shape_cast %swap3A_1591 : vector<1x16xf32> to vector<16xf32>
      %swap3A_1593 = vector.shape_cast %broadcast_in_dim3A_1588 : vector<16xf32> to vector<1x16xf32>
      tpu.vector_store %arg14[%swap3A_1589, %swap3A_1590], %swap3A_1593 {strides = array<i32>} : memref<256x128xf32, #tpu.memory_space<vmem>>, vector<1x16xf32>,
      %broadcast_in_dim3A_1594 = arith.constant 0.000000e+00 : f32
      %broadcast_in_dim3A_1595 = vector.broadcast %broadcast_in_dim3A_1594 : f32 to vector<16xf32>
      %swap3A_1596 = arith.index_cast %scan3A_1574 : i32 to index
      %swap3A_1597 = arith.constant 48 : index
      %swap3A_1598 = tpu.vector_load %arg14[%swap3A_1596, %swap3A_1597] {strides = array<i32>} : memref<256x128xf32, #tpu.memory_space<vmem>>, vector<1x16xf32>,
      %swap3A_1599 = vector.shape_cast %swap3A_1598 : vector<1x16xf32> to vector<16xf32>
      %swap3A_1600 = vector.shape_cast %broadcast_in_dim3A_1595 : vector<16xf32> to vector<1x16xf32>
      tpu.vector_store %arg14[%swap3A_1596, %swap3A_1597], %swap3A_1600 {strides = array<i32>} : memref<256x128xf32, #tpu.memory_space<vmem>>, vector<1x16xf32>,
    }
    %scan3A_1041 = arith.constant 256 : i32
    %dma_wait3A_1042 = arith.constant 0 : i32
    %dma_wait3A_1043 = arith.constant 0 : i32
    %dma_wait3A_1044 = arith.constant 0 : i32
    %dma_wait3A_1045 = tpu.memref_slice %arg11[%dma_wait3A_1043, %dma_wait3A_1044] : memref<20x256xi32, #tpu.memory_space<vmem>> -> memref<1x256xi32, #tpu.memory_space<vmem>>
    %dma_wait3A_1046 = tpu.memref_squeeze %dma_wait3A_1045 : memref<1x256xi32, #tpu.memory_space<vmem>> -> memref<256xi32, #tpu.memory_space<vmem>>
    %dma_wait3A_1047 = tpu.memref_slice %arg4[%dma_wait3A_1042, %add3A_789] : memref<20x16384xi32, #tpu.memory_space<hbm>> -> memref<1x256xi32, #tpu.memory_space<hbm>>
    %dma_wait3A_1048 = tpu.memref_squeeze %dma_wait3A_1047 : memref<1x256xi32, #tpu.memory_space<hbm>> -> memref<256xi32, #tpu.memory_space<hbm>>
    %dma_wait3A_1049 = arith.constant 0 : i32
    %dma_wait3A_1050 = tpu.memref_slice %arg11[%dma_wait3A_1043, %dma_wait3A_1049] : memref<20x256xi32, #tpu.memory_space<vmem>> -> memref<1x256xi32, #tpu.memory_space<vmem>>
    %dma_wait3A_1051 = tpu.memref_squeeze %dma_wait3A_1050 : memref<1x256xi32, #tpu.memory_space<vmem>> -> memref<256xi32, #tpu.memory_space<vmem>>
    %dma_wait3A_1052 = tpu.memref_slice %arg4[%dma_wait3A_1042, %add3A_789] : memref<20x16384xi32, #tpu.memory_space<hbm>> -> memref<1x256xi32, #tpu.memory_space<hbm>>
    %dma_wait3A_1053 = tpu.memref_squeeze %dma_wait3A_1052 : memref<1x256xi32, #tpu.memory_space<hbm>> -> memref<256xi32, #tpu.memory_space<hbm>>
    tpu.wait_dma2 semaphore(%arg19 : memref<!tpu.dma_semaphore, #tpu.memory_space<semaphore_mem>>) src(%dma_wait3A_1053 : memref<256xi32, #tpu.memory_space<hbm>>) dst(%dma_wait3A_1051 : memref<256xi32, #tpu.memory_space<vmem>>)
    %dma_wait3A_1054 = arith.constant 1 : i32
    %dma_wait3A_1055 = arith.constant 1 : i32
    %dma_wait3A_1056 = arith.constant 0 : i32
    %dma_wait3A_1057 = tpu.memref_slice %arg11[%dma_wait3A_1055, %dma_wait3A_1056] : memref<20x256xi32, #tpu.memory_space<vmem>> -> memref<1x256xi32, #tpu.memory_space<vmem>>
    %dma_wait3A_1058 = tpu.memref_squeeze %dma_wait3A_1057 : memref<1x256xi32, #tpu.memory_space<vmem>> -> memref<256xi32, #tpu.memory_space<vmem>>
    %dma_wait3A_1059 = tpu.memref_slice %arg4[%dma_wait3A_1054, %add3A_789] : memref<20x16384xi32, #tpu.memory_space<hbm>> -> memref<1x256xi32, #tpu.memory_space<hbm>>
    %dma_wait3A_1060 = tpu.memref_squeeze %dma_wait3A_1059 : memref<1x256xi32, #tpu.memory_space<hbm>> -> memref<256xi32, #tpu.memory_space<hbm>>
    %dma_wait3A_1061 = arith.constant 0 : i32
    %dma_wait3A_1062 = tpu.memref_slice %arg11[%dma_wait3A_1055, %dma_wait3A_1061] : memref<20x256xi32, #tpu.memory_space<vmem>> -> memref<1x256xi32, #tpu.memory_space<vmem>>
    %dma_wait3A_1063 = tpu.memref_squeeze %dma_wait3A_1062 : memref<1x256xi32, #tpu.memory_space<vmem>> -> memref<256xi32, #tpu.memory_space<vmem>>
    %dma_wait3A_1064 = tpu.memref_slice %arg4[%dma_wait3A_1054, %add3A_789] : memref<20x16384xi32, #tpu.memory_space<hbm>> -> memref<1x256xi32, #tpu.memory_space<hbm>>
    %dma_wait3A_1065 = tpu.memref_squeeze %dma_wait3A_1064 : memref<1x256xi32, #tpu.memory_space<hbm>> -> memref<256xi32, #tpu.memory_space<hbm>>
    tpu.wait_dma2 semaphore(%arg19 : memref<!tpu.dma_semaphore, #tpu.memory_space<semaphore_mem>>) src(%dma_wait3A_1065 : memref<256xi32, #tpu.memory_space<hbm>>) dst(%dma_wait3A_1063 : memref<256xi32, #tpu.memory_space<vmem>>)
    %dma_wait3A_1066 = arith.constant 2 : i32
    %dma_wait3A_1067 = arith.constant 2 : i32
    %dma_wait3A_1068 = arith.constant 0 : i32
    %dma_wait3A_1069 = tpu.memref_slice %arg11[%dma_wait3A_1067, %dma_wait3A_1068] : memref<20x256xi32, #tpu.memory_space<vmem>> -> memref<1x256xi32, #tpu.memory_space<vmem>>
    %dma_wait3A_1070 = tpu.memref_squeeze %dma_wait3A_1069 : memref<1x256xi32, #tpu.memory_space<vmem>> -> memref<256xi32, #tpu.memory_space<vmem>>
    %dma_wait3A_1071 = tpu.memref_slice %arg4[%dma_wait3A_1066, %add3A_789] : memref<20x16384xi32, #tpu.memory_space<hbm>> -> memref<1x256xi32, #tpu.memory_space<hbm>>
    %dma_wait3A_1072 = tpu.memref_squeeze %dma_wait3A_1071 : memref<1x256xi32, #tpu.memory_space<hbm>> -> memref<256xi32, #tpu.memory_space<hbm>>
    %dma_wait3A_1073 = arith.constant 0 : i32
    %dma_wait3A_1074 = tpu.memref_slice %arg11[%dma_wait3A_1067, %dma_wait3A_1073] : memref<20x256xi32, #tpu.memory_space<vmem>> -> memref<1x256xi32, #tpu.memory_space<vmem>>
    %dma_wait3A_1075 = tpu.memref_squeeze %dma_wait3A_1074 : memref<1x256xi32, #tpu.memory_space<vmem>> -> memref<256xi32, #tpu.memory_space<vmem>>
    %dma_wait3A_1076 = tpu.memref_slice %arg4[%dma_wait3A_1066, %add3A_789] : memref<20x16384xi32, #tpu.memory_space<hbm>> -> memref<1x256xi32, #tpu.memory_space<hbm>>
    %dma_wait3A_1077 = tpu.memref_squeeze %dma_wait3A_1076 : memref<1x256xi32, #tpu.memory_space<hbm>> -> memref<256xi32, #tpu.memory_space<hbm>>
    tpu.wait_dma2 semaphore(%arg19 : memref<!tpu.dma_semaphore, #tpu.memory_space<semaphore_mem>>) src(%dma_wait3A_1077 : memref<256xi32, #tpu.memory_space<hbm>>) dst(%dma_wait3A_1075 : memref<256xi32, #tpu.memory_space<vmem>>)
    %dma_wait3A_1078 = arith.constant 3 : i32
    %dma_wait3A_1079 = arith.constant 3 : i32
    %dma_wait3A_1080 = arith.constant 0 : i32
    %dma_wait3A_1081 = tpu.memref_slice %arg11[%dma_wait3A_1079, %dma_wait3A_1080] : memref<20x256xi32, #tpu.memory_space<vmem>> -> memref<1x256xi32, #tpu.memory_space<vmem>>
    %dma_wait3A_1082 = tpu.memref_squeeze %dma_wait3A_1081 : memref<1x256xi32, #tpu.memory_space<vmem>> -> memref<256xi32, #tpu.memory_space<vmem>>
    %dma_wait3A_1083 = tpu.memref_slice %arg4[%dma_wait3A_1078, %add3A_789] : memref<20x16384xi32, #tpu.memory_space<hbm>> -> memref<1x256xi32, #tpu.memory_space<hbm>>
    %dma_wait3A_1084 = tpu.memref_squeeze %dma_wait3A_1083 : memref<1x256xi32, #tpu.memory_space<hbm>> -> memref<256xi32, #tpu.memory_space<hbm>>
    %dma_wait3A_1085 = arith.constant 0 : i32
    %dma_wait3A_1086 = tpu.memref_slice %arg11[%dma_wait3A_1079, %dma_wait3A_1085] : memref<20x256xi32, #tpu.memory_space<vmem>> -> memref<1x256xi32, #tpu.memory_space<vmem>>
    %dma_wait3A_1087 = tpu.memref_squeeze %dma_wait3A_1086 : memref<1x256xi32, #tpu.memory_space<vmem>> -> memref<256xi32, #tpu.memory_space<vmem>>
    %dma_wait3A_1088 = tpu.memref_slice %arg4[%dma_wait3A_1078, %add3A_789] : memref<20x16384xi32, #tpu.memory_space<hbm>> -> memref<1x256xi32, #tpu.memory_space<hbm>>
    %dma_wait3A_1089 = tpu.memref_squeeze %dma_wait3A_1088 : memref<1x256xi32, #tpu.memory_space<hbm>> -> memref<256xi32, #tpu.memory_space<hbm>>
    tpu.wait_dma2 semaphore(%arg19 : memref<!tpu.dma_semaphore, #tpu.memory_space<semaphore_mem>>) src(%dma_wait3A_1089 : memref<256xi32, #tpu.memory_space<hbm>>) dst(%dma_wait3A_1087 : memref<256xi32, #tpu.memory_space<vmem>>)
    %dma_wait3A_1090 = arith.constant 4 : i32
    %dma_wait3A_1091 = arith.constant 4 : i32
    %dma_wait3A_1092 = arith.constant 0 : i32
    %dma_wait3A_1093 = tpu.memref_slice %arg11[%dma_wait3A_1091, %dma_wait3A_1092] : memref<20x256xi32, #tpu.memory_space<vmem>> -> memref<1x256xi32, #tpu.memory_space<vmem>>
    %dma_wait3A_1094 = tpu.memref_squeeze %dma_wait3A_1093 : memref<1x256xi32, #tpu.memory_space<vmem>> -> memref<256xi32, #tpu.memory_space<vmem>>
    %dma_wait3A_1095 = tpu.memref_slice %arg4[%dma_wait3A_1090, %add3A_789] : memref<20x16384xi32, #tpu.memory_space<hbm>> -> memref<1x256xi32, #tpu.memory_space<hbm>>
    %dma_wait3A_1096 = tpu.memref_squeeze %dma_wait3A_1095 : memref<1x256xi32, #tpu.memory_space<hbm>> -> memref<256xi32, #tpu.memory_space<hbm>>
    %dma_wait3A_1097 = arith.constant 0 : i32
    %dma_wait3A_1098 = tpu.memref_slice %arg11[%dma_wait3A_1091, %dma_wait3A_1097] : memref<20x256xi32, #tpu.memory_space<vmem>> -> memref<1x256xi32, #tpu.memory_space<vmem>>
    %dma_wait3A_1099 = tpu.memref_squeeze %dma_wait3A_1098 : memref<1x256xi32, #tpu.memory_space<vmem>> -> memref<256xi32, #tpu.memory_space<vmem>>
    %dma_wait3A_1100 = tpu.memref_slice %arg4[%dma_wait3A_1090, %add3A_789] : memref<20x16384xi32, #tpu.memory_space<hbm>> -> memref<1x256xi32, #tpu.memory_space<hbm>>
    %dma_wait3A_1101 = tpu.memref_squeeze %dma_wait3A_1100 : memref<1x256xi32, #tpu.memory_space<hbm>> -> memref<256xi32, #tpu.memory_space<hbm>>
    tpu.wait_dma2 semaphore(%arg19 : memref<!tpu.dma_semaphore, #tpu.memory_space<semaphore_mem>>) src(%dma_wait3A_1101 : memref<256xi32, #tpu.memory_space<hbm>>) dst(%dma_wait3A_1099 : memref<256xi32, #tpu.memory_space<vmem>>)
    %dma_wait3A_1102 = arith.constant 5 : i32
    %dma_wait3A_1103 = arith.constant 5 : i32
    %dma_wait3A_1104 = arith.constant 0 : i32
    %dma_wait3A_1105 = tpu.memref_slice %arg11[%dma_wait3A_1103, %dma_wait3A_1104] : memref<20x256xi32, #tpu.memory_space<vmem>> -> memref<1x256xi32, #tpu.memory_space<vmem>>
    %dma_wait3A_1106 = tpu.memref_squeeze %dma_wait3A_1105 : memref<1x256xi32, #tpu.memory_space<vmem>> -> memref<256xi32, #tpu.memory_space<vmem>>
    %dma_wait3A_1107 = tpu.memref_slice %arg4[%dma_wait3A_1102, %add3A_789] : memref<20x16384xi32, #tpu.memory_space<hbm>> -> memref<1x256xi32, #tpu.memory_space<hbm>>
    %dma_wait3A_1108 = tpu.memref_squeeze %dma_wait3A_1107 : memref<1x256xi32, #tpu.memory_space<hbm>> -> memref<256xi32, #tpu.memory_space<hbm>>
    %dma_wait3A_1109 = arith.constant 0 : i32
    %dma_wait3A_1110 = tpu.memref_slice %arg11[%dma_wait3A_1103, %dma_wait3A_1109] : memref<20x256xi32, #tpu.memory_space<vmem>> -> memref<1x256xi32, #tpu.memory_space<vmem>>
    %dma_wait3A_1111 = tpu.memref_squeeze %dma_wait3A_1110 : memref<1x256xi32, #tpu.memory_space<vmem>> -> memref<256xi32, #tpu.memory_space<vmem>>
    %dma_wait3A_1112 = tpu.memref_slice %arg4[%dma_wait3A_1102, %add3A_789] : memref<20x16384xi32, #tpu.memory_space<hbm>> -> memref<1x256xi32, #tpu.memory_space<hbm>>
    %dma_wait3A_1113 = tpu.memref_squeeze %dma_wait3A_1112 : memref<1x256xi32, #tpu.memory_space<hbm>> -> memref<256xi32, #tpu.memory_space<hbm>>
    tpu.wait_dma2 semaphore(%arg19 : memref<!tpu.dma_semaphore, #tpu.memory_space<semaphore_mem>>) src(%dma_wait3A_1113 : memref<256xi32, #tpu.memory_space<hbm>>) dst(%dma_wait3A_1111 : memref<256xi32, #tpu.memory_space<vmem>>)
    %dma_wait3A_1114 = arith.constant 6 : i32
    %dma_wait3A_1115 = arith.constant 6 : i32
    %dma_wait3A_1116 = arith.constant 0 : i32
    %dma_wait3A_1117 = tpu.memref_slice %arg11[%dma_wait3A_1115, %dma_wait3A_1116] : memref<20x256xi32, #tpu.memory_space<vmem>> -> memref<1x256xi32, #tpu.memory_space<vmem>>
    %dma_wait3A_1118 = tpu.memref_squeeze %dma_wait3A_1117 : memref<1x256xi32, #tpu.memory_space<vmem>> -> memref<256xi32, #tpu.memory_space<vmem>>
    %dma_wait3A_1119 = tpu.memref_slice %arg4[%dma_wait3A_1114, %add3A_789] : memref<20x16384xi32, #tpu.memory_space<hbm>> -> memref<1x256xi32, #tpu.memory_space<hbm>>
    %dma_wait3A_1120 = tpu.memref_squeeze %dma_wait3A_1119 : memref<1x256xi32, #tpu.memory_space<hbm>> -> memref<256xi32, #tpu.memory_space<hbm>>
    %dma_wait3A_1121 = arith.constant 0 : i32
    %dma_wait3A_1122 = tpu.memref_slice %arg11[%dma_wait3A_1115, %dma_wait3A_1121] : memref<20x256xi32, #tpu.memory_space<vmem>> -> memref<1x256xi32, #tpu.memory_space<vmem>>
    %dma_wait3A_1123 = tpu.memref_squeeze %dma_wait3A_1122 : memref<1x256xi32, #tpu.memory_space<vmem>> -> memref<256xi32, #tpu.memory_space<vmem>>
    %dma_wait3A_1124 = tpu.memref_slice %arg4[%dma_wait3A_1114, %add3A_789] : memref<20x16384xi32, #tpu.memory_space<hbm>> -> memref<1x256xi32, #tpu.memory_space<hbm>>
    %dma_wait3A_1125 = tpu.memref_squeeze %dma_wait3A_1124 : memref<1x256xi32, #tpu.memory_space<hbm>> -> memref<256xi32, #tpu.memory_space<hbm>>
    tpu.wait_dma2 semaphore(%arg19 : memref<!tpu.dma_semaphore, #tpu.memory_space<semaphore_mem>>) src(%dma_wait3A_1125 : memref<256xi32, #tpu.memory_space<hbm>>) dst(%dma_wait3A_1123 : memref<256xi32, #tpu.memory_space<vmem>>)
    %dma_wait3A_1126 = arith.constant 7 : i32
    %dma_wait3A_1127 = arith.constant 7 : i32
    %dma_wait3A_1128 = arith.constant 0 : i32
    %dma_wait3A_1129 = tpu.memref_slice %arg11[%dma_wait3A_1127, %dma_wait3A_1128] : memref<20x256xi32, #tpu.memory_space<vmem>> -> memref<1x256xi32, #tpu.memory_space<vmem>>
    %dma_wait3A_1130 = tpu.memref_squeeze %dma_wait3A_1129 : memref<1x256xi32, #tpu.memory_space<vmem>> -> memref<256xi32, #tpu.memory_space<vmem>>
    %dma_wait3A_1131 = tpu.memref_slice %arg4[%dma_wait3A_1126, %add3A_789] : memref<20x16384xi32, #tpu.memory_space<hbm>> -> memref<1x256xi32, #tpu.memory_space<hbm>>
    %dma_wait3A_1132 = tpu.memref_squeeze %dma_wait3A_1131 : memref<1x256xi32, #tpu.memory_space<hbm>> -> memref<256xi32, #tpu.memory_space<hbm>>
    %dma_wait3A_1133 = arith.constant 0 : i32
    %dma_wait3A_1134 = tpu.memref_slice %arg11[%dma_wait3A_1127, %dma_wait3A_1133] : memref<20x256xi32, #tpu.memory_space<vmem>> -> memref<1x256xi32, #tpu.memory_space<vmem>>
    %dma_wait3A_1135 = tpu.memref_squeeze %dma_wait3A_1134 : memref<1x256xi32, #tpu.memory_space<vmem>> -> memref<256xi32, #tpu.memory_space<vmem>>
    %dma_wait3A_1136 = tpu.memref_slice %arg4[%dma_wait3A_1126, %add3A_789] : memref<20x16384xi32, #tpu.memory_space<hbm>> -> memref<1x256xi32, #tpu.memory_space<hbm>>
    %dma_wait3A_1137 = tpu.memref_squeeze %dma_wait3A_1136 : memref<1x256xi32, #tpu.memory_space<hbm>> -> memref<256xi32, #tpu.memory_space<hbm>>
    tpu.wait_dma2 semaphore(%arg19 : memref<!tpu.dma_semaphore, #tpu.memory_space<semaphore_mem>>) src(%dma_wait3A_1137 : memref<256xi32, #tpu.memory_space<hbm>>) dst(%dma_wait3A_1135 : memref<256xi32, #tpu.memory_space<vmem>>)
    %dma_wait3A_1138 = arith.constant 8 : i32
    %dma_wait3A_1139 = arith.constant 8 : i32
    %dma_wait3A_1140 = arith.constant 0 : i32
    %dma_wait3A_1141 = tpu.memref_slice %arg11[%dma_wait3A_1139, %dma_wait3A_1140] : memref<20x256xi32, #tpu.memory_space<vmem>> -> memref<1x256xi32, #tpu.memory_space<vmem>>
    %dma_wait3A_1142 = tpu.memref_squeeze %dma_wait3A_1141 : memref<1x256xi32, #tpu.memory_space<vmem>> -> memref<256xi32, #tpu.memory_space<vmem>>
    %dma_wait3A_1143 = tpu.memref_slice %arg4[%dma_wait3A_1138, %add3A_789] : memref<20x16384xi32, #tpu.memory_space<hbm>> -> memref<1x256xi32, #tpu.memory_space<hbm>>
    %dma_wait3A_1144 = tpu.memref_squeeze %dma_wait3A_1143 : memref<1x256xi32, #tpu.memory_space<hbm>> -> memref<256xi32, #tpu.memory_space<hbm>>
    %dma_wait3A_1145 = arith.constant 0 : i32
    %dma_wait3A_1146 = tpu.memref_slice %arg11[%dma_wait3A_1139, %dma_wait3A_1145] : memref<20x256xi32, #tpu.memory_space<vmem>> -> memref<1x256xi32, #tpu.memory_space<vmem>>
    %dma_wait3A_1147 = tpu.memref_squeeze %dma_wait3A_1146 : memref<1x256xi32, #tpu.memory_space<vmem>> -> memref<256xi32, #tpu.memory_space<vmem>>
    %dma_wait3A_1148 = tpu.memref_slice %arg4[%dma_wait3A_1138, %add3A_789] : memref<20x16384xi32, #tpu.memory_space<hbm>> -> memref<1x256xi32, #tpu.memory_space<hbm>>
    %dma_wait3A_1149 = tpu.memref_squeeze %dma_wait3A_1148 : memref<1x256xi32, #tpu.memory_space<hbm>> -> memref<256xi32, #tpu.memory_space<hbm>>
    tpu.wait_dma2 semaphore(%arg19 : memref<!tpu.dma_semaphore, #tpu.memory_space<semaphore_mem>>) src(%dma_wait3A_1149 : memref<256xi32, #tpu.memory_space<hbm>>) dst(%dma_wait3A_1147 : memref<256xi32, #tpu.memory_space<vmem>>)
    %dma_wait3A_1150 = arith.constant 9 : i32
    %dma_wait3A_1151 = arith.constant 9 : i32
    %dma_wait3A_1152 = arith.constant 0 : i32
    %dma_wait3A_1153 = tpu.memref_slice %arg11[%dma_wait3A_1151, %dma_wait3A_1152] : memref<20x256xi32, #tpu.memory_space<vmem>> -> memref<1x256xi32, #tpu.memory_space<vmem>>
    %dma_wait3A_1154 = tpu.memref_squeeze %dma_wait3A_1153 : memref<1x256xi32, #tpu.memory_space<vmem>> -> memref<256xi32, #tpu.memory_space<vmem>>
    %dma_wait3A_1155 = tpu.memref_slice %arg4[%dma_wait3A_1150, %add3A_789] : memref<20x16384xi32, #tpu.memory_space<hbm>> -> memref<1x256xi32, #tpu.memory_space<hbm>>
    %dma_wait3A_1156 = tpu.memref_squeeze %dma_wait3A_1155 : memref<1x256xi32, #tpu.memory_space<hbm>> -> memref<256xi32, #tpu.memory_space<hbm>>
    %dma_wait3A_1157 = arith.constant 0 : i32
    %dma_wait3A_1158 = tpu.memref_slice %arg11[%dma_wait3A_1151, %dma_wait3A_1157] : memref<20x256xi32, #tpu.memory_space<vmem>> -> memref<1x256xi32, #tpu.memory_space<vmem>>
    %dma_wait3A_1159 = tpu.memref_squeeze %dma_wait3A_1158 : memref<1x256xi32, #tpu.memory_space<vmem>> -> memref<256xi32, #tpu.memory_space<vmem>>
    %dma_wait3A_1160 = tpu.memref_slice %arg4[%dma_wait3A_1150, %add3A_789] : memref<20x16384xi32, #tpu.memory_space<hbm>> -> memref<1x256xi32, #tpu.memory_space<hbm>>
    %dma_wait3A_1161 = tpu.memref_squeeze %dma_wait3A_1160 : memref<1x256xi32, #tpu.memory_space<hbm>> -> memref<256xi32, #tpu.memory_space<hbm>>
    tpu.wait_dma2 semaphore(%arg19 : memref<!tpu.dma_semaphore, #tpu.memory_space<semaphore_mem>>) src(%dma_wait3A_1161 : memref<256xi32, #tpu.memory_space<hbm>>) dst(%dma_wait3A_1159 : memref<256xi32, #tpu.memory_space<vmem>>)
    %dma_wait3A_1162 = arith.constant 10 : i32
    %dma_wait3A_1163 = arith.constant 10 : i32
    %dma_wait3A_1164 = arith.constant 0 : i32
    %dma_wait3A_1165 = tpu.memref_slice %arg11[%dma_wait3A_1163, %dma_wait3A_1164] : memref<20x256xi32, #tpu.memory_space<vmem>> -> memref<1x256xi32, #tpu.memory_space<vmem>>
    %dma_wait3A_1166 = tpu.memref_squeeze %dma_wait3A_1165 : memref<1x256xi32, #tpu.memory_space<vmem>> -> memref<256xi32, #tpu.memory_space<vmem>>
    %dma_wait3A_1167 = tpu.memref_slice %arg4[%dma_wait3A_1162, %add3A_789] : memref<20x16384xi32, #tpu.memory_space<hbm>> -> memref<1x256xi32, #tpu.memory_space<hbm>>
    %dma_wait3A_1168 = tpu.memref_squeeze %dma_wait3A_1167 : memref<1x256xi32, #tpu.memory_space<hbm>> -> memref<256xi32, #tpu.memory_space<hbm>>
    %dma_wait3A_1169 = arith.constant 0 : i32
    %dma_wait3A_1170 = tpu.memref_slice %arg11[%dma_wait3A_1163, %dma_wait3A_1169] : memref<20x256xi32, #tpu.memory_space<vmem>> -> memref<1x256xi32, #tpu.memory_space<vmem>>
    %dma_wait3A_1171 = tpu.memref_squeeze %dma_wait3A_1170 : memref<1x256xi32, #tpu.memory_space<vmem>> -> memref<256xi32, #tpu.memory_space<vmem>>
    %dma_wait3A_1172 = tpu.memref_slice %arg4[%dma_wait3A_1162, %add3A_789] : memref<20x16384xi32, #tpu.memory_space<hbm>> -> memref<1x256xi32, #tpu.memory_space<hbm>>
    %dma_wait3A_1173 = tpu.memref_squeeze %dma_wait3A_1172 : memref<1x256xi32, #tpu.memory_space<hbm>> -> memref<256xi32, #tpu.memory_space<hbm>>
    tpu.wait_dma2 semaphore(%arg19 : memref<!tpu.dma_semaphore, #tpu.memory_space<semaphore_mem>>) src(%dma_wait3A_1173 : memref<256xi32, #tpu.memory_space<hbm>>) dst(%dma_wait3A_1171 : memref<256xi32, #tpu.memory_space<vmem>>)
    %dma_wait3A_1174 = arith.constant 11 : i32
    %dma_wait3A_1175 = arith.constant 11 : i32
    %dma_wait3A_1176 = arith.constant 0 : i32
    %dma_wait3A_1177 = tpu.memref_slice %arg11[%dma_wait3A_1175, %dma_wait3A_1176] : memref<20x256xi32, #tpu.memory_space<vmem>> -> memref<1x256xi32, #tpu.memory_space<vmem>>
    %dma_wait3A_1178 = tpu.memref_squeeze %dma_wait3A_1177 : memref<1x256xi32, #tpu.memory_space<vmem>> -> memref<256xi32, #tpu.memory_space<vmem>>
    %dma_wait3A_1179 = tpu.memref_slice %arg4[%dma_wait3A_1174, %add3A_789] : memref<20x16384xi32, #tpu.memory_space<hbm>> -> memref<1x256xi32, #tpu.memory_space<hbm>>
    %dma_wait3A_1180 = tpu.memref_squeeze %dma_wait3A_1179 : memref<1x256xi32, #tpu.memory_space<hbm>> -> memref<256xi32, #tpu.memory_space<hbm>>
    %dma_wait3A_1181 = arith.constant 0 : i32
    %dma_wait3A_1182 = tpu.memref_slice %arg11[%dma_wait3A_1175, %dma_wait3A_1181] : memref<20x256xi32, #tpu.memory_space<vmem>> -> memref<1x256xi32, #tpu.memory_space<vmem>>
    %dma_wait3A_1183 = tpu.memref_squeeze %dma_wait3A_1182 : memref<1x256xi32, #tpu.memory_space<vmem>> -> memref<256xi32, #tpu.memory_space<vmem>>
    %dma_wait3A_1184 = tpu.memref_slice %arg4[%dma_wait3A_1174, %add3A_789] : memref<20x16384xi32, #tpu.memory_space<hbm>> -> memref<1x256xi32, #tpu.memory_space<hbm>>
    %dma_wait3A_1185 = tpu.memref_squeeze %dma_wait3A_1184 : memref<1x256xi32, #tpu.memory_space<hbm>> -> memref<256xi32, #tpu.memory_space<hbm>>
    tpu.wait_dma2 semaphore(%arg19 : memref<!tpu.dma_semaphore, #tpu.memory_space<semaphore_mem>>) src(%dma_wait3A_1185 : memref<256xi32, #tpu.memory_space<hbm>>) dst(%dma_wait3A_1183 : memref<256xi32, #tpu.memory_space<vmem>>)
    %dma_wait3A_1186 = arith.constant 12 : i32
    %dma_wait3A_1187 = arith.constant 12 : i32
    %dma_wait3A_1188 = arith.constant 0 : i32
    %dma_wait3A_1189 = tpu.memref_slice %arg11[%dma_wait3A_1187, %dma_wait3A_1188] : memref<20x256xi32, #tpu.memory_space<vmem>> -> memref<1x256xi32, #tpu.memory_space<vmem>>
    %dma_wait3A_1190 = tpu.memref_squeeze %dma_wait3A_1189 : memref<1x256xi32, #tpu.memory_space<vmem>> -> memref<256xi32, #tpu.memory_space<vmem>>
    %dma_wait3A_1191 = tpu.memref_slice %arg4[%dma_wait3A_1186, %add3A_789] : memref<20x16384xi32, #tpu.memory_space<hbm>> -> memref<1x256xi32, #tpu.memory_space<hbm>>
    %dma_wait3A_1192 = tpu.memref_squeeze %dma_wait3A_1191 : memref<1x256xi32, #tpu.memory_space<hbm>> -> memref<256xi32, #tpu.memory_space<hbm>>
    %dma_wait3A_1193 = arith.constant 0 : i32
    %dma_wait3A_1194 = tpu.memref_slice %arg11[%dma_wait3A_1187, %dma_wait3A_1193] : memref<20x256xi32, #tpu.memory_space<vmem>> -> memref<1x256xi32, #tpu.memory_space<vmem>>
    %dma_wait3A_1195 = tpu.memref_squeeze %dma_wait3A_1194 : memref<1x256xi32, #tpu.memory_space<vmem>> -> memref<256xi32, #tpu.memory_space<vmem>>
    %dma_wait3A_1196 = tpu.memref_slice %arg4[%dma_wait3A_1186, %add3A_789] : memref<20x16384xi32, #tpu.memory_space<hbm>> -> memref<1x256xi32, #tpu.memory_space<hbm>>
    %dma_wait3A_1197 = tpu.memref_squeeze %dma_wait3A_1196 : memref<1x256xi32, #tpu.memory_space<hbm>> -> memref<256xi32, #tpu.memory_space<hbm>>
    tpu.wait_dma2 semaphore(%arg19 : memref<!tpu.dma_semaphore, #tpu.memory_space<semaphore_mem>>) src(%dma_wait3A_1197 : memref<256xi32, #tpu.memory_space<hbm>>) dst(%dma_wait3A_1195 : memref<256xi32, #tpu.memory_space<vmem>>)
    %dma_wait3A_1198 = arith.constant 13 : i32
    %dma_wait3A_1199 = arith.constant 13 : i32
    %dma_wait3A_1200 = arith.constant 0 : i32
    %dma_wait3A_1201 = tpu.memref_slice %arg11[%dma_wait3A_1199, %dma_wait3A_1200] : memref<20x256xi32, #tpu.memory_space<vmem>> -> memref<1x256xi32, #tpu.memory_space<vmem>>
    %dma_wait3A_1202 = tpu.memref_squeeze %dma_wait3A_1201 : memref<1x256xi32, #tpu.memory_space<vmem>> -> memref<256xi32, #tpu.memory_space<vmem>>
    %dma_wait3A_1203 = tpu.memref_slice %arg4[%dma_wait3A_1198, %add3A_789] : memref<20x16384xi32, #tpu.memory_space<hbm>> -> memref<1x256xi32, #tpu.memory_space<hbm>>
    %dma_wait3A_1204 = tpu.memref_squeeze %dma_wait3A_1203 : memref<1x256xi32, #tpu.memory_space<hbm>> -> memref<256xi32, #tpu.memory_space<hbm>>
    %dma_wait3A_1205 = arith.constant 0 : i32
    %dma_wait3A_1206 = tpu.memref_slice %arg11[%dma_wait3A_1199, %dma_wait3A_1205] : memref<20x256xi32, #tpu.memory_space<vmem>> -> memref<1x256xi32, #tpu.memory_space<vmem>>
    %dma_wait3A_1207 = tpu.memref_squeeze %dma_wait3A_1206 : memref<1x256xi32, #tpu.memory_space<vmem>> -> memref<256xi32, #tpu.memory_space<vmem>>
    %dma_wait3A_1208 = tpu.memref_slice %arg4[%dma_wait3A_1198, %add3A_789] : memref<20x16384xi32, #tpu.memory_space<hbm>> -> memref<1x256xi32, #tpu.memory_space<hbm>>
    %dma_wait3A_1209 = tpu.memref_squeeze %dma_wait3A_1208 : memref<1x256xi32, #tpu.memory_space<hbm>> -> memref<256xi32, #tpu.memory_space<hbm>>
    tpu.wait_dma2 semaphore(%arg19 : memref<!tpu.dma_semaphore, #tpu.memory_space<semaphore_mem>>) src(%dma_wait3A_1209 : memref<256xi32, #tpu.memory_space<hbm>>) dst(%dma_wait3A_1207 : memref<256xi32, #tpu.memory_space<vmem>>)
    %dma_wait3A_1210 = arith.constant 14 : i32
    %dma_wait3A_1211 = arith.constant 14 : i32
    %dma_wait3A_1212 = arith.constant 0 : i32
    %dma_wait3A_1213 = tpu.memref_slice %arg11[%dma_wait3A_1211, %dma_wait3A_1212] : memref<20x256xi32, #tpu.memory_space<vmem>> -> memref<1x256xi32, #tpu.memory_space<vmem>>
    %dma_wait3A_1214 = tpu.memref_squeeze %dma_wait3A_1213 : memref<1x256xi32, #tpu.memory_space<vmem>> -> memref<256xi32, #tpu.memory_space<vmem>>
    %dma_wait3A_1215 = tpu.memref_slice %arg4[%dma_wait3A_1210, %add3A_789] : memref<20x16384xi32, #tpu.memory_space<hbm>> -> memref<1x256xi32, #tpu.memory_space<hbm>>
    %dma_wait3A_1216 = tpu.memref_squeeze %dma_wait3A_1215 : memref<1x256xi32, #tpu.memory_space<hbm>> -> memref<256xi32, #tpu.memory_space<hbm>>
    %dma_wait3A_1217 = arith.constant 0 : i32
    %dma_wait3A_1218 = tpu.memref_slice %arg11[%dma_wait3A_1211, %dma_wait3A_1217] : memref<20x256xi32, #tpu.memory_space<vmem>> -> memref<1x256xi32, #tpu.memory_space<vmem>>
    %dma_wait3A_1219 = tpu.memref_squeeze %dma_wait3A_1218 : memref<1x256xi32, #tpu.memory_space<vmem>> -> memref<256xi32, #tpu.memory_space<vmem>>
    %dma_wait3A_1220 = tpu.memref_slice %arg4[%dma_wait3A_1210, %add3A_789] : memref<20x16384xi32, #tpu.memory_space<hbm>> -> memref<1x256xi32, #tpu.memory_space<hbm>>
    %dma_wait3A_1221 = tpu.memref_squeeze %dma_wait3A_1220 : memref<1x256xi32, #tpu.memory_space<hbm>> -> memref<256xi32, #tpu.memory_space<hbm>>
    tpu.wait_dma2 semaphore(%arg19 : memref<!tpu.dma_semaphore, #tpu.memory_space<semaphore_mem>>) src(%dma_wait3A_1221 : memref<256xi32, #tpu.memory_space<hbm>>) dst(%dma_wait3A_1219 : memref<256xi32, #tpu.memory_space<vmem>>)
    %dma_wait3A_1222 = arith.constant 15 : i32
    %dma_wait3A_1223 = arith.constant 15 : i32
    %dma_wait3A_1224 = arith.constant 0 : i32
    %dma_wait3A_1225 = tpu.memref_slice %arg11[%dma_wait3A_1223, %dma_wait3A_1224] : memref<20x256xi32, #tpu.memory_space<vmem>> -> memref<1x256xi32, #tpu.memory_space<vmem>>
    %dma_wait3A_1226 = tpu.memref_squeeze %dma_wait3A_1225 : memref<1x256xi32, #tpu.memory_space<vmem>> -> memref<256xi32, #tpu.memory_space<vmem>>
    %dma_wait3A_1227 = tpu.memref_slice %arg4[%dma_wait3A_1222, %add3A_789] : memref<20x16384xi32, #tpu.memory_space<hbm>> -> memref<1x256xi32, #tpu.memory_space<hbm>>
    %dma_wait3A_1228 = tpu.memref_squeeze %dma_wait3A_1227 : memref<1x256xi32, #tpu.memory_space<hbm>> -> memref<256xi32, #tpu.memory_space<hbm>>
    %dma_wait3A_1229 = arith.constant 0 : i32
    %dma_wait3A_1230 = tpu.memref_slice %arg11[%dma_wait3A_1223, %dma_wait3A_1229] : memref<20x256xi32, #tpu.memory_space<vmem>> -> memref<1x256xi32, #tpu.memory_space<vmem>>
    %dma_wait3A_1231 = tpu.memref_squeeze %dma_wait3A_1230 : memref<1x256xi32, #tpu.memory_space<vmem>> -> memref<256xi32, #tpu.memory_space<vmem>>
    %dma_wait3A_1232 = tpu.memref_slice %arg4[%dma_wait3A_1222, %add3A_789] : memref<20x16384xi32, #tpu.memory_space<hbm>> -> memref<1x256xi32, #tpu.memory_space<hbm>>
    %dma_wait3A_1233 = tpu.memref_squeeze %dma_wait3A_1232 : memref<1x256xi32, #tpu.memory_space<hbm>> -> memref<256xi32, #tpu.memory_space<hbm>>
    tpu.wait_dma2 semaphore(%arg19 : memref<!tpu.dma_semaphore, #tpu.memory_space<semaphore_mem>>) src(%dma_wait3A_1233 : memref<256xi32, #tpu.memory_space<hbm>>) dst(%dma_wait3A_1231 : memref<256xi32, #tpu.memory_space<vmem>>)
    %dma_wait3A_1234 = arith.constant 16 : i32
    %dma_wait3A_1235 = arith.constant 16 : i32
    %dma_wait3A_1236 = arith.constant 0 : i32
    %dma_wait3A_1237 = tpu.memref_slice %arg11[%dma_wait3A_1235, %dma_wait3A_1236] : memref<20x256xi32, #tpu.memory_space<vmem>> -> memref<1x256xi32, #tpu.memory_space<vmem>>
    %dma_wait3A_1238 = tpu.memref_squeeze %dma_wait3A_1237 : memref<1x256xi32, #tpu.memory_space<vmem>> -> memref<256xi32, #tpu.memory_space<vmem>>
    %dma_wait3A_1239 = tpu.memref_slice %arg4[%dma_wait3A_1234, %add3A_789] : memref<20x16384xi32, #tpu.memory_space<hbm>> -> memref<1x256xi32, #tpu.memory_space<hbm>>
    %dma_wait3A_1240 = tpu.memref_squeeze %dma_wait3A_1239 : memref<1x256xi32, #tpu.memory_space<hbm>> -> memref<256xi32, #tpu.memory_space<hbm>>
    %dma_wait3A_1241 = arith.constant 0 : i32
    %dma_wait3A_1242 = tpu.memref_slice %arg11[%dma_wait3A_1235, %dma_wait3A_1241] : memref<20x256xi32, #tpu.memory_space<vmem>> -> memref<1x256xi32, #tpu.memory_space<vmem>>
    %dma_wait3A_1243 = tpu.memref_squeeze %dma_wait3A_1242 : memref<1x256xi32, #tpu.memory_space<vmem>> -> memref<256xi32, #tpu.memory_space<vmem>>
    %dma_wait3A_1244 = tpu.memref_slice %arg4[%dma_wait3A_1234, %add3A_789] : memref<20x16384xi32, #tpu.memory_space<hbm>> -> memref<1x256xi32, #tpu.memory_space<hbm>>
    %dma_wait3A_1245 = tpu.memref_squeeze %dma_wait3A_1244 : memref<1x256xi32, #tpu.memory_space<hbm>> -> memref<256xi32, #tpu.memory_space<hbm>>
    tpu.wait_dma2 semaphore(%arg19 : memref<!tpu.dma_semaphore, #tpu.memory_space<semaphore_mem>>) src(%dma_wait3A_1245 : memref<256xi32, #tpu.memory_space<hbm>>) dst(%dma_wait3A_1243 : memref<256xi32, #tpu.memory_space<vmem>>)
    %dma_wait3A_1246 = arith.constant 17 : i32
    %dma_wait3A_1247 = arith.constant 17 : i32
    %dma_wait3A_1248 = arith.constant 0 : i32
    %dma_wait3A_1249 = tpu.memref_slice %arg11[%dma_wait3A_1247, %dma_wait3A_1248] : memref<20x256xi32, #tpu.memory_space<vmem>> -> memref<1x256xi32, #tpu.memory_space<vmem>>
    %dma_wait3A_1250 = tpu.memref_squeeze %dma_wait3A_1249 : memref<1x256xi32, #tpu.memory_space<vmem>> -> memref<256xi32, #tpu.memory_space<vmem>>
    %dma_wait3A_1251 = tpu.memref_slice %arg4[%dma_wait3A_1246, %add3A_789] : memref<20x16384xi32, #tpu.memory_space<hbm>> -> memref<1x256xi32, #tpu.memory_space<hbm>>
    %dma_wait3A_1252 = tpu.memref_squeeze %dma_wait3A_1251 : memref<1x256xi32, #tpu.memory_space<hbm>> -> memref<256xi32, #tpu.memory_space<hbm>>
    %dma_wait3A_1253 = arith.constant 0 : i32
    %dma_wait3A_1254 = tpu.memref_slice %arg11[%dma_wait3A_1247, %dma_wait3A_1253] : memref<20x256xi32, #tpu.memory_space<vmem>> -> memref<1x256xi32, #tpu.memory_space<vmem>>
    %dma_wait3A_1255 = tpu.memref_squeeze %dma_wait3A_1254 : memref<1x256xi32, #tpu.memory_space<vmem>> -> memref<256xi32, #tpu.memory_space<vmem>>
    %dma_wait3A_1256 = tpu.memref_slice %arg4[%dma_wait3A_1246, %add3A_789] : memref<20x16384xi32, #tpu.memory_space<hbm>> -> memref<1x256xi32, #tpu.memory_space<hbm>>
    %dma_wait3A_1257 = tpu.memref_squeeze %dma_wait3A_1256 : memref<1x256xi32, #tpu.memory_space<hbm>> -> memref<256xi32, #tpu.memory_space<hbm>>
    tpu.wait_dma2 semaphore(%arg19 : memref<!tpu.dma_semaphore, #tpu.memory_space<semaphore_mem>>) src(%dma_wait3A_1257 : memref<256xi32, #tpu.memory_space<hbm>>) dst(%dma_wait3A_1255 : memref<256xi32, #tpu.memory_space<vmem>>)
    %dma_wait3A_1258 = arith.constant 18 : i32
    %dma_wait3A_1259 = arith.constant 18 : i32
    %dma_wait3A_1260 = arith.constant 0 : i32
    %dma_wait3A_1261 = tpu.memref_slice %arg11[%dma_wait3A_1259, %dma_wait3A_1260] : memref<20x256xi32, #tpu.memory_space<vmem>> -> memref<1x256xi32, #tpu.memory_space<vmem>>
    %dma_wait3A_1262 = tpu.memref_squeeze %dma_wait3A_1261 : memref<1x256xi32, #tpu.memory_space<vmem>> -> memref<256xi32, #tpu.memory_space<vmem>>
    %dma_wait3A_1263 = tpu.memref_slice %arg4[%dma_wait3A_1258, %add3A_789] : memref<20x16384xi32, #tpu.memory_space<hbm>> -> memref<1x256xi32, #tpu.memory_space<hbm>>
    %dma_wait3A_1264 = tpu.memref_squeeze %dma_wait3A_1263 : memref<1x256xi32, #tpu.memory_space<hbm>> -> memref<256xi32, #tpu.memory_space<hbm>>
    %dma_wait3A_1265 = arith.constant 0 : i32
    %dma_wait3A_1266 = tpu.memref_slice %arg11[%dma_wait3A_1259, %dma_wait3A_1265] : memref<20x256xi32, #tpu.memory_space<vmem>> -> memref<1x256xi32, #tpu.memory_space<vmem>>
    %dma_wait3A_1267 = tpu.memref_squeeze %dma_wait3A_1266 : memref<1x256xi32, #tpu.memory_space<vmem>> -> memref<256xi32, #tpu.memory_space<vmem>>
    %dma_wait3A_1268 = tpu.memref_slice %arg4[%dma_wait3A_1258, %add3A_789] : memref<20x16384xi32, #tpu.memory_space<hbm>> -> memref<1x256xi32, #tpu.memory_space<hbm>>
    %dma_wait3A_1269 = tpu.memref_squeeze %dma_wait3A_1268 : memref<1x256xi32, #tpu.memory_space<hbm>> -> memref<256xi32, #tpu.memory_space<hbm>>
    tpu.wait_dma2 semaphore(%arg19 : memref<!tpu.dma_semaphore, #tpu.memory_space<semaphore_mem>>) src(%dma_wait3A_1269 : memref<256xi32, #tpu.memory_space<hbm>>) dst(%dma_wait3A_1267 : memref<256xi32, #tpu.memory_space<vmem>>)
    %dma_wait3A_1270 = arith.constant 19 : i32
    %dma_wait3A_1271 = arith.constant 19 : i32
    %dma_wait3A_1272 = arith.constant 0 : i32
    %dma_wait3A_1273 = tpu.memref_slice %arg11[%dma_wait3A_1271, %dma_wait3A_1272] : memref<20x256xi32, #tpu.memory_space<vmem>> -> memref<1x256xi32, #tpu.memory_space<vmem>>
    %dma_wait3A_1274 = tpu.memref_squeeze %dma_wait3A_1273 : memref<1x256xi32, #tpu.memory_space<vmem>> -> memref<256xi32, #tpu.memory_space<vmem>>
    %dma_wait3A_1275 = tpu.memref_slice %arg4[%dma_wait3A_1270, %add3A_789] : memref<20x16384xi32, #tpu.memory_space<hbm>> -> memref<1x256xi32, #tpu.memory_space<hbm>>
    %dma_wait3A_1276 = tpu.memref_squeeze %dma_wait3A_1275 : memref<1x256xi32, #tpu.memory_space<hbm>> -> memref<256xi32, #tpu.memory_space<hbm>>
    %dma_wait3A_1277 = arith.constant 0 : i32
    %dma_wait3A_1278 = tpu.memref_slice %arg11[%dma_wait3A_1271, %dma_wait3A_1277] : memref<20x256xi32, #tpu.memory_space<vmem>> -> memref<1x256xi32, #tpu.memory_space<vmem>>
    %dma_wait3A_1279 = tpu.memref_squeeze %dma_wait3A_1278 : memref<1x256xi32, #tpu.memory_space<vmem>> -> memref<256xi32, #tpu.memory_space<vmem>>
    %dma_wait3A_1280 = tpu.memref_slice %arg4[%dma_wait3A_1270, %add3A_789] : memref<20x16384xi32, #tpu.memory_space<hbm>> -> memref<1x256xi32, #tpu.memory_space<hbm>>
    %dma_wait3A_1281 = tpu.memref_squeeze %dma_wait3A_1280 : memref<1x256xi32, #tpu.memory_space<hbm>> -> memref<256xi32, #tpu.memory_space<hbm>>
    tpu.wait_dma2 semaphore(%arg19 : memref<!tpu.dma_semaphore, #tpu.memory_space<semaphore_mem>>) src(%dma_wait3A_1281 : memref<256xi32, #tpu.memory_space<hbm>>) dst(%dma_wait3A_1279 : memref<256xi32, #tpu.memory_space<vmem>>)
    %dma_start3A_1282 = arith.constant 0 : i32
    %dma_start3A_1283 = arith.constant 0 : i32
    %dma_start3A_1284 = tpu.memref_slice %arg11[%dma_start3A_1282, %dma_start3A_1283] : memref<20x256xi32, #tpu.memory_space<vmem>> -> memref<1x256xi32, #tpu.memory_space<vmem>>
    %dma_start3A_1285 = tpu.memref_squeeze %dma_start3A_1284 : memref<1x256xi32, #tpu.memory_space<vmem>> -> memref<256xi32, #tpu.memory_space<vmem>>
    %dma_start3A_1286 = arith.constant 0 : i32
    %dma_start3A_1287 = arith.constant 0 : i32
    %dma_start3A_1288 = tpu.memref_slice %arg6[%dma_start3A_1286, %dma_start3A_1287] : memref<1000000x128xf32, #tpu.memory_space<hbm>> -> memref<1000000x128xf32, #tpu.memory_space<hbm>>
    tpu.enqueue_indirect_dma source(%dma_start3A_1288 : memref<1000000x128xf32, #tpu.memory_space<hbm>>) target(%arg14 : memref<256x128xf32, #tpu.memory_space<vmem>>) offsets(%dma_start3A_1285 : memref<256xi32, #tpu.memory_space<vmem>>) semaphore(%arg20 : memref<!tpu.dma_semaphore, #tpu.memory_space<semaphore_mem>>) {add = true}
    %dma_start3A_1289 = arith.constant 1 : i32
    %dma_start3A_1290 = arith.constant 0 : i32
    %dma_start3A_1291 = tpu.memref_slice %arg11[%dma_start3A_1289, %dma_start3A_1290] : memref<20x256xi32, #tpu.memory_space<vmem>> -> memref<1x256xi32, #tpu.memory_space<vmem>>
    %dma_start3A_1292 = tpu.memref_squeeze %dma_start3A_1291 : memref<1x256xi32, #tpu.memory_space<vmem>> -> memref<256xi32, #tpu.memory_space<vmem>>
    %dma_start3A_1293 = arith.constant 0 : i32
    %dma_start3A_1294 = arith.constant 0 : i32
    %dma_start3A_1295 = tpu.memref_slice %arg6[%dma_start3A_1293, %dma_start3A_1294] : memref<1000000x128xf32, #tpu.memory_space<hbm>> -> memref<1000000x128xf32, #tpu.memory_space<hbm>>
    tpu.enqueue_indirect_dma source(%dma_start3A_1295 : memref<1000000x128xf32, #tpu.memory_space<hbm>>) target(%arg14 : memref<256x128xf32, #tpu.memory_space<vmem>>) offsets(%dma_start3A_1292 : memref<256xi32, #tpu.memory_space<vmem>>) semaphore(%arg20 : memref<!tpu.dma_semaphore, #tpu.memory_space<semaphore_mem>>) {add = true}
    %dma_start3A_1296 = arith.constant 2 : i32
    %dma_start3A_1297 = arith.constant 0 : i32
    %dma_start3A_1298 = tpu.memref_slice %arg11[%dma_start3A_1296, %dma_start3A_1297] : memref<20x256xi32, #tpu.memory_space<vmem>> -> memref<1x256xi32, #tpu.memory_space<vmem>>
    %dma_start3A_1299 = tpu.memref_squeeze %dma_start3A_1298 : memref<1x256xi32, #tpu.memory_space<vmem>> -> memref<256xi32, #tpu.memory_space<vmem>>
    %dma_start3A_1300 = arith.constant 0 : i32
    %dma_start3A_1301 = arith.constant 0 : i32
    %dma_start3A_1302 = tpu.memref_slice %arg6[%dma_start3A_1300, %dma_start3A_1301] : memref<1000000x128xf32, #tpu.memory_space<hbm>> -> memref<1000000x128xf32, #tpu.memory_space<hbm>>
    tpu.enqueue_indirect_dma source(%dma_start3A_1302 : memref<1000000x128xf32, #tpu.memory_space<hbm>>) target(%arg14 : memref<256x128xf32, #tpu.memory_space<vmem>>) offsets(%dma_start3A_1299 : memref<256xi32, #tpu.memory_space<vmem>>) semaphore(%arg20 : memref<!tpu.dma_semaphore, #tpu.memory_space<semaphore_mem>>) {add = true}
    %dma_start3A_1303 = arith.constant 3 : i32
    %dma_start3A_1304 = arith.constant 0 : i32
    %dma_start3A_1305 = tpu.memref_slice %arg11[%dma_start3A_1303, %dma_start3A_1304] : memref<20x256xi32, #tpu.memory_space<vmem>> -> memref<1x256xi32, #tpu.memory_space<vmem>>
    %dma_start3A_1306 = tpu.memref_squeeze %dma_start3A_1305 : memref<1x256xi32, #tpu.memory_space<vmem>> -> memref<256xi32, #tpu.memory_space<vmem>>
    %dma_start3A_1307 = arith.constant 0 : i32
    %dma_start3A_1308 = arith.constant 0 : i32
    %dma_start3A_1309 = tpu.memref_slice %arg6[%dma_start3A_1307, %dma_start3A_1308] : memref<1000000x128xf32, #tpu.memory_space<hbm>> -> memref<1000000x128xf32, #tpu.memory_space<hbm>>
    tpu.enqueue_indirect_dma source(%dma_start3A_1309 : memref<1000000x128xf32, #tpu.memory_space<hbm>>) target(%arg14 : memref<256x128xf32, #tpu.memory_space<vmem>>) offsets(%dma_start3A_1306 : memref<256xi32, #tpu.memory_space<vmem>>) semaphore(%arg20 : memref<!tpu.dma_semaphore, #tpu.memory_space<semaphore_mem>>) {add = true}
    %dma_start3A_1310 = arith.constant 4 : i32
    %dma_start3A_1311 = arith.constant 0 : i32
    %dma_start3A_1312 = tpu.memref_slice %arg11[%dma_start3A_1310, %dma_start3A_1311] : memref<20x256xi32, #tpu.memory_space<vmem>> -> memref<1x256xi32, #tpu.memory_space<vmem>>
    %dma_start3A_1313 = tpu.memref_squeeze %dma_start3A_1312 : memref<1x256xi32, #tpu.memory_space<vmem>> -> memref<256xi32, #tpu.memory_space<vmem>>
    %dma_start3A_1314 = arith.constant 0 : i32
    %dma_start3A_1315 = arith.constant 0 : i32
    %dma_start3A_1316 = tpu.memref_slice %arg6[%dma_start3A_1314, %dma_start3A_1315] : memref<1000000x128xf32, #tpu.memory_space<hbm>> -> memref<1000000x128xf32, #tpu.memory_space<hbm>>
    tpu.enqueue_indirect_dma source(%dma_start3A_1316 : memref<1000000x128xf32, #tpu.memory_space<hbm>>) target(%arg14 : memref<256x128xf32, #tpu.memory_space<vmem>>) offsets(%dma_start3A_1313 : memref<256xi32, #tpu.memory_space<vmem>>) semaphore(%arg20 : memref<!tpu.dma_semaphore, #tpu.memory_space<semaphore_mem>>) {add = true}
    %dma_start3A_1317 = arith.constant 5 : i32
    %dma_start3A_1318 = arith.constant 0 : i32
    %dma_start3A_1319 = tpu.memref_slice %arg11[%dma_start3A_1317, %dma_start3A_1318] : memref<20x256xi32, #tpu.memory_space<vmem>> -> memref<1x256xi32, #tpu.memory_space<vmem>>
    %dma_start3A_1320 = tpu.memref_squeeze %dma_start3A_1319 : memref<1x256xi32, #tpu.memory_space<vmem>> -> memref<256xi32, #tpu.memory_space<vmem>>
    %dma_start3A_1321 = arith.constant 0 : i32
    %dma_start3A_1322 = arith.constant 0 : i32
    %dma_start3A_1323 = tpu.memref_slice %arg6[%dma_start3A_1321, %dma_start3A_1322] : memref<1000000x128xf32, #tpu.memory_space<hbm>> -> memref<1000000x128xf32, #tpu.memory_space<hbm>>
    tpu.enqueue_indirect_dma source(%dma_start3A_1323 : memref<1000000x128xf32, #tpu.memory_space<hbm>>) target(%arg14 : memref<256x128xf32, #tpu.memory_space<vmem>>) offsets(%dma_start3A_1320 : memref<256xi32, #tpu.memory_space<vmem>>) semaphore(%arg20 : memref<!tpu.dma_semaphore, #tpu.memory_space<semaphore_mem>>) {add = true}
    %dma_start3A_1324 = arith.constant 6 : i32
    %dma_start3A_1325 = arith.constant 0 : i32
    %dma_start3A_1326 = tpu.memref_slice %arg11[%dma_start3A_1324, %dma_start3A_1325] : memref<20x256xi32, #tpu.memory_space<vmem>> -> memref<1x256xi32, #tpu.memory_space<vmem>>
    %dma_start3A_1327 = tpu.memref_squeeze %dma_start3A_1326 : memref<1x256xi32, #tpu.memory_space<vmem>> -> memref<256xi32, #tpu.memory_space<vmem>>
    %dma_start3A_1328 = arith.constant 0 : i32
    %dma_start3A_1329 = arith.constant 0 : i32
    %dma_start3A_1330 = tpu.memref_slice %arg6[%dma_start3A_1328, %dma_start3A_1329] : memref<1000000x128xf32, #tpu.memory_space<hbm>> -> memref<1000000x128xf32, #tpu.memory_space<hbm>>
    tpu.enqueue_indirect_dma source(%dma_start3A_1330 : memref<1000000x128xf32, #tpu.memory_space<hbm>>) target(%arg14 : memref<256x128xf32, #tpu.memory_space<vmem>>) offsets(%dma_start3A_1327 : memref<256xi32, #tpu.memory_space<vmem>>) semaphore(%arg20 : memref<!tpu.dma_semaphore, #tpu.memory_space<semaphore_mem>>) {add = true}
    %dma_start3A_1331 = arith.constant 7 : i32
    %dma_start3A_1332 = arith.constant 0 : i32
    %dma_start3A_1333 = tpu.memref_slice %arg11[%dma_start3A_1331, %dma_start3A_1332] : memref<20x256xi32, #tpu.memory_space<vmem>> -> memref<1x256xi32, #tpu.memory_space<vmem>>
    %dma_start3A_1334 = tpu.memref_squeeze %dma_start3A_1333 : memref<1x256xi32, #tpu.memory_space<vmem>> -> memref<256xi32, #tpu.memory_space<vmem>>
    %dma_start3A_1335 = arith.constant 0 : i32
    %dma_start3A_1336 = arith.constant 0 : i32
    %dma_start3A_1337 = tpu.memref_slice %arg6[%dma_start3A_1335, %dma_start3A_1336] : memref<1000000x128xf32, #tpu.memory_space<hbm>> -> memref<1000000x128xf32, #tpu.memory_space<hbm>>
    tpu.enqueue_indirect_dma source(%dma_start3A_1337 : memref<1000000x128xf32, #tpu.memory_space<hbm>>) target(%arg14 : memref<256x128xf32, #tpu.memory_space<vmem>>) offsets(%dma_start3A_1334 : memref<256xi32, #tpu.memory_space<vmem>>) semaphore(%arg20 : memref<!tpu.dma_semaphore, #tpu.memory_space<semaphore_mem>>) {add = true}
    %dma_start3A_1338 = arith.constant 8 : i32
    %dma_start3A_1339 = arith.constant 0 : i32
    %dma_start3A_1340 = tpu.memref_slice %arg11[%dma_start3A_1338, %dma_start3A_1339] : memref<20x256xi32, #tpu.memory_space<vmem>> -> memref<1x256xi32, #tpu.memory_space<vmem>>
    %dma_start3A_1341 = tpu.memref_squeeze %dma_start3A_1340 : memref<1x256xi32, #tpu.memory_space<vmem>> -> memref<256xi32, #tpu.memory_space<vmem>>
    %dma_start3A_1342 = arith.constant 0 : i32
    %dma_start3A_1343 = arith.constant 0 : i32
    %dma_start3A_1344 = tpu.memref_slice %arg6[%dma_start3A_1342, %dma_start3A_1343] : memref<1000000x128xf32, #tpu.memory_space<hbm>> -> memref<1000000x128xf32, #tpu.memory_space<hbm>>
    tpu.enqueue_indirect_dma source(%dma_start3A_1344 : memref<1000000x128xf32, #tpu.memory_space<hbm>>) target(%arg14 : memref<256x128xf32, #tpu.memory_space<vmem>>) offsets(%dma_start3A_1341 : memref<256xi32, #tpu.memory_space<vmem>>) semaphore(%arg20 : memref<!tpu.dma_semaphore, #tpu.memory_space<semaphore_mem>>) {add = true}
    %dma_start3A_1345 = arith.constant 9 : i32
    %dma_start3A_1346 = arith.constant 0 : i32
    %dma_start3A_1347 = tpu.memref_slice %arg11[%dma_start3A_1345, %dma_start3A_1346] : memref<20x256xi32, #tpu.memory_space<vmem>> -> memref<1x256xi32, #tpu.memory_space<vmem>>
    %dma_start3A_1348 = tpu.memref_squeeze %dma_start3A_1347 : memref<1x256xi32, #tpu.memory_space<vmem>> -> memref<256xi32, #tpu.memory_space<vmem>>
    %dma_start3A_1349 = arith.constant 0 : i32
    %dma_start3A_1350 = arith.constant 0 : i32
    %dma_start3A_1351 = tpu.memref_slice %arg6[%dma_start3A_1349, %dma_start3A_1350] : memref<1000000x128xf32, #tpu.memory_space<hbm>> -> memref<1000000x128xf32, #tpu.memory_space<hbm>>
    tpu.enqueue_indirect_dma source(%dma_start3A_1351 : memref<1000000x128xf32, #tpu.memory_space<hbm>>) target(%arg14 : memref<256x128xf32, #tpu.memory_space<vmem>>) offsets(%dma_start3A_1348 : memref<256xi32, #tpu.memory_space<vmem>>) semaphore(%arg20 : memref<!tpu.dma_semaphore, #tpu.memory_space<semaphore_mem>>) {add = true}
    %dma_start3A_1352 = arith.constant 10 : i32
    %dma_start3A_1353 = arith.constant 0 : i32
    %dma_start3A_1354 = tpu.memref_slice %arg11[%dma_start3A_1352, %dma_start3A_1353] : memref<20x256xi32, #tpu.memory_space<vmem>> -> memref<1x256xi32, #tpu.memory_space<vmem>>
    %dma_start3A_1355 = tpu.memref_squeeze %dma_start3A_1354 : memref<1x256xi32, #tpu.memory_space<vmem>> -> memref<256xi32, #tpu.memory_space<vmem>>
    %dma_start3A_1356 = arith.constant 0 : i32
    %dma_start3A_1357 = arith.constant 0 : i32
    %dma_start3A_1358 = tpu.memref_slice %arg6[%dma_start3A_1356, %dma_start3A_1357] : memref<1000000x128xf32, #tpu.memory_space<hbm>> -> memref<1000000x128xf32, #tpu.memory_space<hbm>>
    tpu.enqueue_indirect_dma source(%dma_start3A_1358 : memref<1000000x128xf32, #tpu.memory_space<hbm>>) target(%arg14 : memref<256x128xf32, #tpu.memory_space<vmem>>) offsets(%dma_start3A_1355 : memref<256xi32, #tpu.memory_space<vmem>>) semaphore(%arg20 : memref<!tpu.dma_semaphore, #tpu.memory_space<semaphore_mem>>) {add = true}
    %dma_start3A_1359 = arith.constant 11 : i32
    %dma_start3A_1360 = arith.constant 0 : i32
    %dma_start3A_1361 = tpu.memref_slice %arg11[%dma_start3A_1359, %dma_start3A_1360] : memref<20x256xi32, #tpu.memory_space<vmem>> -> memref<1x256xi32, #tpu.memory_space<vmem>>
    %dma_start3A_1362 = tpu.memref_squeeze %dma_start3A_1361 : memref<1x256xi32, #tpu.memory_space<vmem>> -> memref<256xi32, #tpu.memory_space<vmem>>
    %dma_start3A_1363 = arith.constant 0 : i32
    %dma_start3A_1364 = arith.constant 0 : i32
    %dma_start3A_1365 = tpu.memref_slice %arg6[%dma_start3A_1363, %dma_start3A_1364] : memref<1000000x128xf32, #tpu.memory_space<hbm>> -> memref<1000000x128xf32, #tpu.memory_space<hbm>>
    tpu.enqueue_indirect_dma source(%dma_start3A_1365 : memref<1000000x128xf32, #tpu.memory_space<hbm>>) target(%arg14 : memref<256x128xf32, #tpu.memory_space<vmem>>) offsets(%dma_start3A_1362 : memref<256xi32, #tpu.memory_space<vmem>>) semaphore(%arg20 : memref<!tpu.dma_semaphore, #tpu.memory_space<semaphore_mem>>) {add = true}
    %dma_start3A_1366 = arith.constant 12 : i32
    %dma_start3A_1367 = arith.constant 0 : i32
    %dma_start3A_1368 = tpu.memref_slice %arg11[%dma_start3A_1366, %dma_start3A_1367] : memref<20x256xi32, #tpu.memory_space<vmem>> -> memref<1x256xi32, #tpu.memory_space<vmem>>
    %dma_start3A_1369 = tpu.memref_squeeze %dma_start3A_1368 : memref<1x256xi32, #tpu.memory_space<vmem>> -> memref<256xi32, #tpu.memory_space<vmem>>
    %dma_start3A_1370 = arith.constant 0 : i32
    %dma_start3A_1371 = arith.constant 0 : i32
    %dma_start3A_1372 = tpu.memref_slice %arg6[%dma_start3A_1370, %dma_start3A_1371] : memref<1000000x128xf32, #tpu.memory_space<hbm>> -> memref<1000000x128xf32, #tpu.memory_space<hbm>>
    tpu.enqueue_indirect_dma source(%dma_start3A_1372 : memref<1000000x128xf32, #tpu.memory_space<hbm>>) target(%arg14 : memref<256x128xf32, #tpu.memory_space<vmem>>) offsets(%dma_start3A_1369 : memref<256xi32, #tpu.memory_space<vmem>>) semaphore(%arg20 : memref<!tpu.dma_semaphore, #tpu.memory_space<semaphore_mem>>) {add = true}
    %dma_start3A_1373 = arith.constant 13 : i32
    %dma_start3A_1374 = arith.constant 0 : i32
    %dma_start3A_1375 = tpu.memref_slice %arg11[%dma_start3A_1373, %dma_start3A_1374] : memref<20x256xi32, #tpu.memory_space<vmem>> -> memref<1x256xi32, #tpu.memory_space<vmem>>
    %dma_start3A_1376 = tpu.memref_squeeze %dma_start3A_1375 : memref<1x256xi32, #tpu.memory_space<vmem>> -> memref<256xi32, #tpu.memory_space<vmem>>
    %dma_start3A_1377 = arith.constant 0 : i32
    %dma_start3A_1378 = arith.constant 0 : i32
    %dma_start3A_1379 = tpu.memref_slice %arg6[%dma_start3A_1377, %dma_start3A_1378] : memref<1000000x128xf32, #tpu.memory_space<hbm>> -> memref<1000000x128xf32, #tpu.memory_space<hbm>>
    tpu.enqueue_indirect_dma source(%dma_start3A_1379 : memref<1000000x128xf32, #tpu.memory_space<hbm>>) target(%arg14 : memref<256x128xf32, #tpu.memory_space<vmem>>) offsets(%dma_start3A_1376 : memref<256xi32, #tpu.memory_space<vmem>>) semaphore(%arg20 : memref<!tpu.dma_semaphore, #tpu.memory_space<semaphore_mem>>) {add = true}
    %dma_start3A_1380 = arith.constant 14 : i32
    %dma_start3A_1381 = arith.constant 0 : i32
    %dma_start3A_1382 = tpu.memref_slice %arg11[%dma_start3A_1380, %dma_start3A_1381] : memref<20x256xi32, #tpu.memory_space<vmem>> -> memref<1x256xi32, #tpu.memory_space<vmem>>
    %dma_start3A_1383 = tpu.memref_squeeze %dma_start3A_1382 : memref<1x256xi32, #tpu.memory_space<vmem>> -> memref<256xi32, #tpu.memory_space<vmem>>
    %dma_start3A_1384 = arith.constant 0 : i32
    %dma_start3A_1385 = arith.constant 0 : i32
    %dma_start3A_1386 = tpu.memref_slice %arg6[%dma_start3A_1384, %dma_start3A_1385] : memref<1000000x128xf32, #tpu.memory_space<hbm>> -> memref<1000000x128xf32, #tpu.memory_space<hbm>>
    tpu.enqueue_indirect_dma source(%dma_start3A_1386 : memref<1000000x128xf32, #tpu.memory_space<hbm>>) target(%arg14 : memref<256x128xf32, #tpu.memory_space<vmem>>) offsets(%dma_start3A_1383 : memref<256xi32, #tpu.memory_space<vmem>>) semaphore(%arg20 : memref<!tpu.dma_semaphore, #tpu.memory_space<semaphore_mem>>) {add = true}
    %dma_start3A_1387 = arith.constant 15 : i32
    %dma_start3A_1388 = arith.constant 0 : i32
    %dma_start3A_1389 = tpu.memref_slice %arg11[%dma_start3A_1387, %dma_start3A_1388] : memref<20x256xi32, #tpu.memory_space<vmem>> -> memref<1x256xi32, #tpu.memory_space<vmem>>
    %dma_start3A_1390 = tpu.memref_squeeze %dma_start3A_1389 : memref<1x256xi32, #tpu.memory_space<vmem>> -> memref<256xi32, #tpu.memory_space<vmem>>
    %dma_start3A_1391 = arith.constant 0 : i32
    %dma_start3A_1392 = arith.constant 0 : i32
    %dma_start3A_1393 = tpu.memref_slice %arg6[%dma_start3A_1391, %dma_start3A_1392] : memref<1000000x128xf32, #tpu.memory_space<hbm>> -> memref<1000000x128xf32, #tpu.memory_space<hbm>>
    tpu.enqueue_indirect_dma source(%dma_start3A_1393 : memref<1000000x128xf32, #tpu.memory_space<hbm>>) target(%arg14 : memref<256x128xf32, #tpu.memory_space<vmem>>) offsets(%dma_start3A_1390 : memref<256xi32, #tpu.memory_space<vmem>>) semaphore(%arg20 : memref<!tpu.dma_semaphore, #tpu.memory_space<semaphore_mem>>) {add = true}
    %dma_start3A_1394 = arith.constant 16 : i32
    %dma_start3A_1395 = arith.constant 0 : i32
    %dma_start3A_1396 = tpu.memref_slice %arg11[%dma_start3A_1394, %dma_start3A_1395] : memref<20x256xi32, #tpu.memory_space<vmem>> -> memref<1x256xi32, #tpu.memory_space<vmem>>
    %dma_start3A_1397 = tpu.memref_squeeze %dma_start3A_1396 : memref<1x256xi32, #tpu.memory_space<vmem>> -> memref<256xi32, #tpu.memory_space<vmem>>
    %dma_start3A_1398 = arith.constant 0 : i32
    %dma_start3A_1399 = arith.constant 0 : i32
    %dma_start3A_1400 = tpu.memref_slice %arg6[%dma_start3A_1398, %dma_start3A_1399] : memref<1000000x128xf32, #tpu.memory_space<hbm>> -> memref<1000000x128xf32, #tpu.memory_space<hbm>>
    tpu.enqueue_indirect_dma source(%dma_start3A_1400 : memref<1000000x128xf32, #tpu.memory_space<hbm>>) target(%arg14 : memref<256x128xf32, #tpu.memory_space<vmem>>) offsets(%dma_start3A_1397 : memref<256xi32, #tpu.memory_space<vmem>>) semaphore(%arg20 : memref<!tpu.dma_semaphore, #tpu.memory_space<semaphore_mem>>) {add = true}
    %dma_start3A_1401 = arith.constant 17 : i32
    %dma_start3A_1402 = arith.constant 0 : i32
    %dma_start3A_1403 = tpu.memref_slice %arg11[%dma_start3A_1401, %dma_start3A_1402] : memref<20x256xi32, #tpu.memory_space<vmem>> -> memref<1x256xi32, #tpu.memory_space<vmem>>
    %dma_start3A_1404 = tpu.memref_squeeze %dma_start3A_1403 : memref<1x256xi32, #tpu.memory_space<vmem>> -> memref<256xi32, #tpu.memory_space<vmem>>
    %dma_start3A_1405 = arith.constant 0 : i32
    %dma_start3A_1406 = arith.constant 0 : i32
    %dma_start3A_1407 = tpu.memref_slice %arg6[%dma_start3A_1405, %dma_start3A_1406] : memref<1000000x128xf32, #tpu.memory_space<hbm>> -> memref<1000000x128xf32, #tpu.memory_space<hbm>>
    tpu.enqueue_indirect_dma source(%dma_start3A_1407 : memref<1000000x128xf32, #tpu.memory_space<hbm>>) target(%arg14 : memref<256x128xf32, #tpu.memory_space<vmem>>) offsets(%dma_start3A_1404 : memref<256xi32, #tpu.memory_space<vmem>>) semaphore(%arg20 : memref<!tpu.dma_semaphore, #tpu.memory_space<semaphore_mem>>) {add = true}
    %dma_start3A_1408 = arith.constant 18 : i32
    %dma_start3A_1409 = arith.constant 0 : i32
    %dma_start3A_1410 = tpu.memref_slice %arg11[%dma_start3A_1408, %dma_start3A_1409] : memref<20x256xi32, #tpu.memory_space<vmem>> -> memref<1x256xi32, #tpu.memory_space<vmem>>
    %dma_start3A_1411 = tpu.memref_squeeze %dma_start3A_1410 : memref<1x256xi32, #tpu.memory_space<vmem>> -> memref<256xi32, #tpu.memory_space<vmem>>
    %dma_start3A_1412 = arith.constant 0 : i32
    %dma_start3A_1413 = arith.constant 0 : i32
    %dma_start3A_1414 = tpu.memref_slice %arg6[%dma_start3A_1412, %dma_start3A_1413] : memref<1000000x128xf32, #tpu.memory_space<hbm>> -> memref<1000000x128xf32, #tpu.memory_space<hbm>>
    tpu.enqueue_indirect_dma source(%dma_start3A_1414 : memref<1000000x128xf32, #tpu.memory_space<hbm>>) target(%arg14 : memref<256x128xf32, #tpu.memory_space<vmem>>) offsets(%dma_start3A_1411 : memref<256xi32, #tpu.memory_space<vmem>>) semaphore(%arg20 : memref<!tpu.dma_semaphore, #tpu.memory_space<semaphore_mem>>) {add = true}
    %dma_start3A_1415 = arith.constant 19 : i32
    %dma_start3A_1416 = arith.constant 0 : i32
    %dma_start3A_1417 = tpu.memref_slice %arg11[%dma_start3A_1415, %dma_start3A_1416] : memref<20x256xi32, #tpu.memory_space<vmem>> -> memref<1x256xi32, #tpu.memory_space<vmem>>
    %dma_start3A_1418 = tpu.memref_squeeze %dma_start3A_1417 : memref<1x256xi32, #tpu.memory_space<vmem>> -> memref<256xi32, #tpu.memory_space<vmem>>
    %dma_start3A_1419 = arith.constant 0 : i32
    %dma_start3A_1420 = arith.constant 0 : i32
    %dma_start3A_1421 = tpu.memref_slice %arg6[%dma_start3A_1419, %dma_start3A_1420] : memref<1000000x128xf32, #tpu.memory_space<hbm>> -> memref<1000000x128xf32, #tpu.memory_space<hbm>>
    tpu.enqueue_indirect_dma source(%dma_start3A_1421 : memref<1000000x128xf32, #tpu.memory_space<hbm>>) target(%arg14 : memref<256x128xf32, #tpu.memory_space<vmem>>) offsets(%dma_start3A_1418 : memref<256xi32, #tpu.memory_space<vmem>>) semaphore(%arg20 : memref<!tpu.dma_semaphore, #tpu.memory_space<semaphore_mem>>) {add = true}
    %dma_wait3A_1422 = arith.constant 0 : i32
    %dma_wait3A_1423 = arith.constant 0 : i32
    %dma_wait3A_1424 = tpu.memref_slice %arg11[%dma_wait3A_1422, %dma_wait3A_1423] : memref<20x256xi32, #tpu.memory_space<vmem>> -> memref<1x256xi32, #tpu.memory_space<vmem>>
    %dma_wait3A_1425 = tpu.memref_squeeze %dma_wait3A_1424 : memref<1x256xi32, #tpu.memory_space<vmem>> -> memref<256xi32, #tpu.memory_space<vmem>>
    %dma_wait3A_1426 = arith.constant 0 : i32
    %dma_wait3A_1427 = arith.constant 0 : i32
    %dma_wait3A_1428 = tpu.memref_slice %arg6[%dma_wait3A_1426, %dma_wait3A_1427] : memref<1000000x128xf32, #tpu.memory_space<hbm>> -> memref<1000000x128xf32, #tpu.memory_space<hbm>>
    tpu.wait_indirect_dma semaphore(%arg20 : memref<!tpu.dma_semaphore, #tpu.memory_space<semaphore_mem>>) src(%dma_wait3A_1428 : memref<1000000x128xf32, #tpu.memory_space<hbm>>) dst(%arg14 : memref<256x128xf32, #tpu.memory_space<vmem>>)
    %dma_wait3A_1429 = arith.constant 0 : i32
    %dma_wait3A_1430 = arith.constant 0 : i32
    %dma_wait3A_1431 = tpu.memref_slice %arg11[%dma_wait3A_1429, %dma_wait3A_1430] : memref<20x256xi32, #tpu.memory_space<vmem>> -> memref<1x256xi32, #tpu.memory_space<vmem>>
    %dma_wait3A_1432 = tpu.memref_squeeze %dma_wait3A_1431 : memref<1x256xi32, #tpu.memory_space<vmem>> -> memref<256xi32, #tpu.memory_space<vmem>>
    %dma_wait3A_1433 = arith.constant 0 : i32
    %dma_wait3A_1434 = arith.constant 0 : i32
    %dma_wait3A_1435 = tpu.memref_slice %arg6[%dma_wait3A_1433, %dma_wait3A_1434] : memref<1000000x128xf32, #tpu.memory_space<hbm>> -> memref<1000000x128xf32, #tpu.memory_space<hbm>>
    tpu.wait_indirect_dma semaphore(%arg20 : memref<!tpu.dma_semaphore, #tpu.memory_space<semaphore_mem>>) src(%dma_wait3A_1435 : memref<1000000x128xf32, #tpu.memory_space<hbm>>) dst(%arg14 : memref<256x128xf32, #tpu.memory_space<vmem>>)
    %dma_wait3A_1436 = arith.constant 0 : i32
    %dma_wait3A_1437 = arith.constant 0 : i32
    %dma_wait3A_1438 = tpu.memref_slice %arg11[%dma_wait3A_1436, %dma_wait3A_1437] : memref<20x256xi32, #tpu.memory_space<vmem>> -> memref<1x256xi32, #tpu.memory_space<vmem>>
    %dma_wait3A_1439 = tpu.memref_squeeze %dma_wait3A_1438 : memref<1x256xi32, #tpu.memory_space<vmem>> -> memref<256xi32, #tpu.memory_space<vmem>>
    %dma_wait3A_1440 = arith.constant 0 : i32
    %dma_wait3A_1441 = arith.constant 0 : i32
    %dma_wait3A_1442 = tpu.memref_slice %arg6[%dma_wait3A_1440, %dma_wait3A_1441] : memref<1000000x128xf32, #tpu.memory_space<hbm>> -> memref<1000000x128xf32, #tpu.memory_space<hbm>>
    tpu.wait_indirect_dma semaphore(%arg20 : memref<!tpu.dma_semaphore, #tpu.memory_space<semaphore_mem>>) src(%dma_wait3A_1442 : memref<1000000x128xf32, #tpu.memory_space<hbm>>) dst(%arg14 : memref<256x128xf32, #tpu.memory_space<vmem>>)
    %dma_wait3A_1443 = arith.constant 0 : i32
    %dma_wait3A_1444 = arith.constant 0 : i32
    %dma_wait3A_1445 = tpu.memref_slice %arg11[%dma_wait3A_1443, %dma_wait3A_1444] : memref<20x256xi32, #tpu.memory_space<vmem>> -> memref<1x256xi32, #tpu.memory_space<vmem>>
    %dma_wait3A_1446 = tpu.memref_squeeze %dma_wait3A_1445 : memref<1x256xi32, #tpu.memory_space<vmem>> -> memref<256xi32, #tpu.memory_space<vmem>>
    %dma_wait3A_1447 = arith.constant 0 : i32
    %dma_wait3A_1448 = arith.constant 0 : i32
    %dma_wait3A_1449 = tpu.memref_slice %arg6[%dma_wait3A_1447, %dma_wait3A_1448] : memref<1000000x128xf32, #tpu.memory_space<hbm>> -> memref<1000000x128xf32, #tpu.memory_space<hbm>>
    tpu.wait_indirect_dma semaphore(%arg20 : memref<!tpu.dma_semaphore, #tpu.memory_space<semaphore_mem>>) src(%dma_wait3A_1449 : memref<1000000x128xf32, #tpu.memory_space<hbm>>) dst(%arg14 : memref<256x128xf32, #tpu.memory_space<vmem>>)
    %dma_wait3A_1450 = arith.constant 0 : i32
    %dma_wait3A_1451 = arith.constant 0 : i32
    %dma_wait3A_1452 = tpu.memref_slice %arg11[%dma_wait3A_1450, %dma_wait3A_1451] : memref<20x256xi32, #tpu.memory_space<vmem>> -> memref<1x256xi32, #tpu.memory_space<vmem>>
    %dma_wait3A_1453 = tpu.memref_squeeze %dma_wait3A_1452 : memref<1x256xi32, #tpu.memory_space<vmem>> -> memref<256xi32, #tpu.memory_space<vmem>>
    %dma_wait3A_1454 = arith.constant 0 : i32
    %dma_wait3A_1455 = arith.constant 0 : i32
    %dma_wait3A_1456 = tpu.memref_slice %arg6[%dma_wait3A_1454, %dma_wait3A_1455] : memref<1000000x128xf32, #tpu.memory_space<hbm>> -> memref<1000000x128xf32, #tpu.memory_space<hbm>>
    tpu.wait_indirect_dma semaphore(%arg20 : memref<!tpu.dma_semaphore, #tpu.memory_space<semaphore_mem>>) src(%dma_wait3A_1456 : memref<1000000x128xf32, #tpu.memory_space<hbm>>) dst(%arg14 : memref<256x128xf32, #tpu.memory_space<vmem>>)
    %dma_wait3A_1457 = arith.constant 0 : i32
    %dma_wait3A_1458 = arith.constant 0 : i32
    %dma_wait3A_1459 = tpu.memref_slice %arg11[%dma_wait3A_1457, %dma_wait3A_1458] : memref<20x256xi32, #tpu.memory_space<vmem>> -> memref<1x256xi32, #tpu.memory_space<vmem>>
    %dma_wait3A_1460 = tpu.memref_squeeze %dma_wait3A_1459 : memref<1x256xi32, #tpu.memory_space<vmem>> -> memref<256xi32, #tpu.memory_space<vmem>>
    %dma_wait3A_1461 = arith.constant 0 : i32
    %dma_wait3A_1462 = arith.constant 0 : i32
    %dma_wait3A_1463 = tpu.memref_slice %arg6[%dma_wait3A_1461, %dma_wait3A_1462] : memref<1000000x128xf32, #tpu.memory_space<hbm>> -> memref<1000000x128xf32, #tpu.memory_space<hbm>>
    tpu.wait_indirect_dma semaphore(%arg20 : memref<!tpu.dma_semaphore, #tpu.memory_space<semaphore_mem>>) src(%dma_wait3A_1463 : memref<1000000x128xf32, #tpu.memory_space<hbm>>) dst(%arg14 : memref<256x128xf32, #tpu.memory_space<vmem>>)
    %dma_wait3A_1464 = arith.constant 0 : i32
    %dma_wait3A_1465 = arith.constant 0 : i32
    %dma_wait3A_1466 = tpu.memref_slice %arg11[%dma_wait3A_1464, %dma_wait3A_1465] : memref<20x256xi32, #tpu.memory_space<vmem>> -> memref<1x256xi32, #tpu.memory_space<vmem>>
    %dma_wait3A_1467 = tpu.memref_squeeze %dma_wait3A_1466 : memref<1x256xi32, #tpu.memory_space<vmem>> -> memref<256xi32, #tpu.memory_space<vmem>>
    %dma_wait3A_1468 = arith.constant 0 : i32
    %dma_wait3A_1469 = arith.constant 0 : i32
    %dma_wait3A_1470 = tpu.memref_slice %arg6[%dma_wait3A_1468, %dma_wait3A_1469] : memref<1000000x128xf32, #tpu.memory_space<hbm>> -> memref<1000000x128xf32, #tpu.memory_space<hbm>>
    tpu.wait_indirect_dma semaphore(%arg20 : memref<!tpu.dma_semaphore, #tpu.memory_space<semaphore_mem>>) src(%dma_wait3A_1470 : memref<1000000x128xf32, #tpu.memory_space<hbm>>) dst(%arg14 : memref<256x128xf32, #tpu.memory_space<vmem>>)
    %dma_wait3A_1471 = arith.constant 0 : i32
    %dma_wait3A_1472 = arith.constant 0 : i32
    %dma_wait3A_1473 = tpu.memref_slice %arg11[%dma_wait3A_1471, %dma_wait3A_1472] : memref<20x256xi32, #tpu.memory_space<vmem>> -> memref<1x256xi32, #tpu.memory_space<vmem>>
    %dma_wait3A_1474 = tpu.memref_squeeze %dma_wait3A_1473 : memref<1x256xi32, #tpu.memory_space<vmem>> -> memref<256xi32, #tpu.memory_space<vmem>>
    %dma_wait3A_1475 = arith.constant 0 : i32
    %dma_wait3A_1476 = arith.constant 0 : i32
    %dma_wait3A_1477 = tpu.memref_slice %arg6[%dma_wait3A_1475, %dma_wait3A_1476] : memref<1000000x128xf32, #tpu.memory_space<hbm>> -> memref<1000000x128xf32, #tpu.memory_space<hbm>>
    tpu.wait_indirect_dma semaphore(%arg20 : memref<!tpu.dma_semaphore, #tpu.memory_space<semaphore_mem>>) src(%dma_wait3A_1477 : memref<1000000x128xf32, #tpu.memory_space<hbm>>) dst(%arg14 : memref<256x128xf32, #tpu.memory_space<vmem>>)
    %dma_wait3A_1478 = arith.constant 0 : i32
    %dma_wait3A_1479 = arith.constant 0 : i32
    %dma_wait3A_1480 = tpu.memref_slice %arg11[%dma_wait3A_1478, %dma_wait3A_1479] : memref<20x256xi32, #tpu.memory_space<vmem>> -> memref<1x256xi32, #tpu.memory_space<vmem>>
    %dma_wait3A_1481 = tpu.memref_squeeze %dma_wait3A_1480 : memref<1x256xi32, #tpu.memory_space<vmem>> -> memref<256xi32, #tpu.memory_space<vmem>>
    %dma_wait3A_1482 = arith.constant 0 : i32
    %dma_wait3A_1483 = arith.constant 0 : i32
    %dma_wait3A_1484 = tpu.memref_slice %arg6[%dma_wait3A_1482, %dma_wait3A_1483] : memref<1000000x128xf32, #tpu.memory_space<hbm>> -> memref<1000000x128xf32, #tpu.memory_space<hbm>>
    tpu.wait_indirect_dma semaphore(%arg20 : memref<!tpu.dma_semaphore, #tpu.memory_space<semaphore_mem>>) src(%dma_wait3A_1484 : memref<1000000x128xf32, #tpu.memory_space<hbm>>) dst(%arg14 : memref<256x128xf32, #tpu.memory_space<vmem>>)
    %dma_wait3A_1485 = arith.constant 0 : i32
    %dma_wait3A_1486 = arith.constant 0 : i32
    %dma_wait3A_1487 = tpu.memref_slice %arg11[%dma_wait3A_1485, %dma_wait3A_1486] : memref<20x256xi32, #tpu.memory_space<vmem>> -> memref<1x256xi32, #tpu.memory_space<vmem>>
    %dma_wait3A_1488 = tpu.memref_squeeze %dma_wait3A_1487 : memref<1x256xi32, #tpu.memory_space<vmem>> -> memref<256xi32, #tpu.memory_space<vmem>>
    %dma_wait3A_1489 = arith.constant 0 : i32
    %dma_wait3A_1490 = arith.constant 0 : i32
    %dma_wait3A_1491 = tpu.memref_slice %arg6[%dma_wait3A_1489, %dma_wait3A_1490] : memref<1000000x128xf32, #tpu.memory_space<hbm>> -> memref<1000000x128xf32, #tpu.memory_space<hbm>>
    tpu.wait_indirect_dma semaphore(%arg20 : memref<!tpu.dma_semaphore, #tpu.memory_space<semaphore_mem>>) src(%dma_wait3A_1491 : memref<1000000x128xf32, #tpu.memory_space<hbm>>) dst(%arg14 : memref<256x128xf32, #tpu.memory_space<vmem>>)
    %dma_wait3A_1492 = arith.constant 0 : i32
    %dma_wait3A_1493 = arith.constant 0 : i32
    %dma_wait3A_1494 = tpu.memref_slice %arg11[%dma_wait3A_1492, %dma_wait3A_1493] : memref<20x256xi32, #tpu.memory_space<vmem>> -> memref<1x256xi32, #tpu.memory_space<vmem>>
    %dma_wait3A_1495 = tpu.memref_squeeze %dma_wait3A_1494 : memref<1x256xi32, #tpu.memory_space<vmem>> -> memref<256xi32, #tpu.memory_space<vmem>>
    %dma_wait3A_1496 = arith.constant 0 : i32
    %dma_wait3A_1497 = arith.constant 0 : i32
    %dma_wait3A_1498 = tpu.memref_slice %arg6[%dma_wait3A_1496, %dma_wait3A_1497] : memref<1000000x128xf32, #tpu.memory_space<hbm>> -> memref<1000000x128xf32, #tpu.memory_space<hbm>>
    tpu.wait_indirect_dma semaphore(%arg20 : memref<!tpu.dma_semaphore, #tpu.memory_space<semaphore_mem>>) src(%dma_wait3A_1498 : memref<1000000x128xf32, #tpu.memory_space<hbm>>) dst(%arg14 : memref<256x128xf32, #tpu.memory_space<vmem>>)
    %dma_wait3A_1499 = arith.constant 0 : i32
    %dma_wait3A_1500 = arith.constant 0 : i32
    %dma_wait3A_1501 = tpu.memref_slice %arg11[%dma_wait3A_1499, %dma_wait3A_1500] : memref<20x256xi32, #tpu.memory_space<vmem>> -> memref<1x256xi32, #tpu.memory_space<vmem>>
    %dma_wait3A_1502 = tpu.memref_squeeze %dma_wait3A_1501 : memref<1x256xi32, #tpu.memory_space<vmem>> -> memref<256xi32, #tpu.memory_space<vmem>>
    %dma_wait3A_1503 = arith.constant 0 : i32
    %dma_wait3A_1504 = arith.constant 0 : i32
    %dma_wait3A_1505 = tpu.memref_slice %arg6[%dma_wait3A_1503, %dma_wait3A_1504] : memref<1000000x128xf32, #tpu.memory_space<hbm>> -> memref<1000000x128xf32, #tpu.memory_space<hbm>>
    tpu.wait_indirect_dma semaphore(%arg20 : memref<!tpu.dma_semaphore, #tpu.memory_space<semaphore_mem>>) src(%dma_wait3A_1505 : memref<1000000x128xf32, #tpu.memory_space<hbm>>) dst(%arg14 : memref<256x128xf32, #tpu.memory_space<vmem>>)
    %dma_wait3A_1506 = arith.constant 0 : i32
    %dma_wait3A_1507 = arith.constant 0 : i32
    %dma_wait3A_1508 = tpu.memref_slice %arg11[%dma_wait3A_1506, %dma_wait3A_1507] : memref<20x256xi32, #tpu.memory_space<vmem>> -> memref<1x256xi32, #tpu.memory_space<vmem>>
    %dma_wait3A_1509 = tpu.memref_squeeze %dma_wait3A_1508 : memref<1x256xi32, #tpu.memory_space<vmem>> -> memref<256xi32, #tpu.memory_space<vmem>>
    %dma_wait3A_1510 = arith.constant 0 : i32
    %dma_wait3A_1511 = arith.constant 0 : i32
    %dma_wait3A_1512 = tpu.memref_slice %arg6[%dma_wait3A_1510, %dma_wait3A_1511] : memref<1000000x128xf32, #tpu.memory_space<hbm>> -> memref<1000000x128xf32, #tpu.memory_space<hbm>>
    tpu.wait_indirect_dma semaphore(%arg20 : memref<!tpu.dma_semaphore, #tpu.memory_space<semaphore_mem>>) src(%dma_wait3A_1512 : memref<1000000x128xf32, #tpu.memory_space<hbm>>) dst(%arg14 : memref<256x128xf32, #tpu.memory_space<vmem>>)
    %dma_wait3A_1513 = arith.constant 0 : i32
    %dma_wait3A_1514 = arith.constant 0 : i32
    %dma_wait3A_1515 = tpu.memref_slice %arg11[%dma_wait3A_1513, %dma_wait3A_1514] : memref<20x256xi32, #tpu.memory_space<vmem>> -> memref<1x256xi32, #tpu.memory_space<vmem>>
    %dma_wait3A_1516 = tpu.memref_squeeze %dma_wait3A_1515 : memref<1x256xi32, #tpu.memory_space<vmem>> -> memref<256xi32, #tpu.memory_space<vmem>>
    %dma_wait3A_1517 = arith.constant 0 : i32
    %dma_wait3A_1518 = arith.constant 0 : i32
    %dma_wait3A_1519 = tpu.memref_slice %arg6[%dma_wait3A_1517, %dma_wait3A_1518] : memref<1000000x128xf32, #tpu.memory_space<hbm>> -> memref<1000000x128xf32, #tpu.memory_space<hbm>>
    tpu.wait_indirect_dma semaphore(%arg20 : memref<!tpu.dma_semaphore, #tpu.memory_space<semaphore_mem>>) src(%dma_wait3A_1519 : memref<1000000x128xf32, #tpu.memory_space<hbm>>) dst(%arg14 : memref<256x128xf32, #tpu.memory_space<vmem>>)
    %dma_wait3A_1520 = arith.constant 0 : i32
    %dma_wait3A_1521 = arith.constant 0 : i32
    %dma_wait3A_1522 = tpu.memref_slice %arg11[%dma_wait3A_1520, %dma_wait3A_1521] : memref<20x256xi32, #tpu.memory_space<vmem>> -> memref<1x256xi32, #tpu.memory_space<vmem>>
    %dma_wait3A_1523 = tpu.memref_squeeze %dma_wait3A_1522 : memref<1x256xi32, #tpu.memory_space<vmem>> -> memref<256xi32, #tpu.memory_space<vmem>>
    %dma_wait3A_1524 = arith.constant 0 : i32
    %dma_wait3A_1525 = arith.constant 0 : i32
    %dma_wait3A_1526 = tpu.memref_slice %arg6[%dma_wait3A_1524, %dma_wait3A_1525] : memref<1000000x128xf32, #tpu.memory_space<hbm>> -> memref<1000000x128xf32, #tpu.memory_space<hbm>>
    tpu.wait_indirect_dma semaphore(%arg20 : memref<!tpu.dma_semaphore, #tpu.memory_space<semaphore_mem>>) src(%dma_wait3A_1526 : memref<1000000x128xf32, #tpu.memory_space<hbm>>) dst(%arg14 : memref<256x128xf32, #tpu.memory_space<vmem>>)
    %dma_wait3A_1527 = arith.constant 0 : i32
    %dma_wait3A_1528 = arith.constant 0 : i32
    %dma_wait3A_1529 = tpu.memref_slice %arg11[%dma_wait3A_1527, %dma_wait3A_1528] : memref<20x256xi32, #tpu.memory_space<vmem>> -> memref<1x256xi32, #tpu.memory_space<vmem>>
    %dma_wait3A_1530 = tpu.memref_squeeze %dma_wait3A_1529 : memref<1x256xi32, #tpu.memory_space<vmem>> -> memref<256xi32, #tpu.memory_space<vmem>>
    %dma_wait3A_1531 = arith.constant 0 : i32
    %dma_wait3A_1532 = arith.constant 0 : i32
    %dma_wait3A_1533 = tpu.memref_slice %arg6[%dma_wait3A_1531, %dma_wait3A_1532] : memref<1000000x128xf32, #tpu.memory_space<hbm>> -> memref<1000000x128xf32, #tpu.memory_space<hbm>>
    tpu.wait_indirect_dma semaphore(%arg20 : memref<!tpu.dma_semaphore, #tpu.memory_space<semaphore_mem>>) src(%dma_wait3A_1533 : memref<1000000x128xf32, #tpu.memory_space<hbm>>) dst(%arg14 : memref<256x128xf32, #tpu.memory_space<vmem>>)
    %dma_wait3A_1534 = arith.constant 0 : i32
    %dma_wait3A_1535 = arith.constant 0 : i32
    %dma_wait3A_1536 = tpu.memref_slice %arg11[%dma_wait3A_1534, %dma_wait3A_1535] : memref<20x256xi32, #tpu.memory_space<vmem>> -> memref<1x256xi32, #tpu.memory_space<vmem>>
    %dma_wait3A_1537 = tpu.memref_squeeze %dma_wait3A_1536 : memref<1x256xi32, #tpu.memory_space<vmem>> -> memref<256xi32, #tpu.memory_space<vmem>>
    %dma_wait3A_1538 = arith.constant 0 : i32
    %dma_wait3A_1539 = arith.constant 0 : i32
    %dma_wait3A_1540 = tpu.memref_slice %arg6[%dma_wait3A_1538, %dma_wait3A_1539] : memref<1000000x128xf32, #tpu.memory_space<hbm>> -> memref<1000000x128xf32, #tpu.memory_space<hbm>>
    tpu.wait_indirect_dma semaphore(%arg20 : memref<!tpu.dma_semaphore, #tpu.memory_space<semaphore_mem>>) src(%dma_wait3A_1540 : memref<1000000x128xf32, #tpu.memory_space<hbm>>) dst(%arg14 : memref<256x128xf32, #tpu.memory_space<vmem>>)
    %dma_wait3A_1541 = arith.constant 0 : i32
    %dma_wait3A_1542 = arith.constant 0 : i32
    %dma_wait3A_1543 = tpu.memref_slice %arg11[%dma_wait3A_1541, %dma_wait3A_1542] : memref<20x256xi32, #tpu.memory_space<vmem>> -> memref<1x256xi32, #tpu.memory_space<vmem>>
    %dma_wait3A_1544 = tpu.memref_squeeze %dma_wait3A_1543 : memref<1x256xi32, #tpu.memory_space<vmem>> -> memref<256xi32, #tpu.memory_space<vmem>>
    %dma_wait3A_1545 = arith.constant 0 : i32
    %dma_wait3A_1546 = arith.constant 0 : i32
    %dma_wait3A_1547 = tpu.memref_slice %arg6[%dma_wait3A_1545, %dma_wait3A_1546] : memref<1000000x128xf32, #tpu.memory_space<hbm>> -> memref<1000000x128xf32, #tpu.memory_space<hbm>>
    tpu.wait_indirect_dma semaphore(%arg20 : memref<!tpu.dma_semaphore, #tpu.memory_space<semaphore_mem>>) src(%dma_wait3A_1547 : memref<1000000x128xf32, #tpu.memory_space<hbm>>) dst(%arg14 : memref<256x128xf32, #tpu.memory_space<vmem>>)
    %dma_wait3A_1548 = arith.constant 0 : i32
    %dma_wait3A_1549 = arith.constant 0 : i32
    %dma_wait3A_1550 = tpu.memref_slice %arg11[%dma_wait3A_1548, %dma_wait3A_1549] : memref<20x256xi32, #tpu.memory_space<vmem>> -> memref<1x256xi32, #tpu.memory_space<vmem>>
    %dma_wait3A_1551 = tpu.memref_squeeze %dma_wait3A_1550 : memref<1x256xi32, #tpu.memory_space<vmem>> -> memref<256xi32, #tpu.memory_space<vmem>>
    %dma_wait3A_1552 = arith.constant 0 : i32
    %dma_wait3A_1553 = arith.constant 0 : i32
    %dma_wait3A_1554 = tpu.memref_slice %arg6[%dma_wait3A_1552, %dma_wait3A_1553] : memref<1000000x128xf32, #tpu.memory_space<hbm>> -> memref<1000000x128xf32, #tpu.memory_space<hbm>>
    tpu.wait_indirect_dma semaphore(%arg20 : memref<!tpu.dma_semaphore, #tpu.memory_space<semaphore_mem>>) src(%dma_wait3A_1554 : memref<1000000x128xf32, #tpu.memory_space<hbm>>) dst(%arg14 : memref<256x128xf32, #tpu.memory_space<vmem>>)
    %dma_wait3A_1555 = arith.constant 0 : i32
    %dma_wait3A_1556 = arith.constant 0 : i32
    %dma_wait3A_1557 = tpu.memref_slice %arg11[%dma_wait3A_1555, %dma_wait3A_1556] : memref<20x256xi32, #tpu.memory_space<vmem>> -> memref<1x256xi32, #tpu.memory_space<vmem>>
    %dma_wait3A_1558 = tpu.memref_squeeze %dma_wait3A_1557 : memref<1x256xi32, #tpu.memory_space<vmem>> -> memref<256xi32, #tpu.memory_space<vmem>>
    %dma_wait3A_1559 = arith.constant 0 : i32
    %dma_wait3A_1560 = arith.constant 0 : i32
    %dma_wait3A_1561 = tpu.memref_slice %arg6[%dma_wait3A_1559, %dma_wait3A_1560] : memref<1000000x128xf32, #tpu.memory_space<hbm>> -> memref<1000000x128xf32, #tpu.memory_space<hbm>>
    tpu.wait_indirect_dma semaphore(%arg20 : memref<!tpu.dma_semaphore, #tpu.memory_space<semaphore_mem>>) src(%dma_wait3A_1561 : memref<1000000x128xf32, #tpu.memory_space<hbm>>) dst(%arg14 : memref<256x128xf32, #tpu.memory_space<vmem>>)
    %dma_wait3A_1562 = arith.constant 0 : i32
    %dma_wait3A_1563 = arith.constant 0 : i32
    %dma_wait3A_1564 = tpu.memref_slice %arg5[%dma_wait3A_1562, %dma_wait3A_1563] : memref<1000000x128xf32, #tpu.memory_space<hbm>> -> memref<1000000x128xf32, #tpu.memory_space<hbm>>
    tpu.wait_indirect_dma semaphore(%arg17 : memref<!tpu.dma_semaphore, #tpu.memory_space<semaphore_mem>>) src(%dma_wait3A_1564 : memref<1000000x128xf32, #tpu.memory_space<hbm>>) dst(%arg12 : memref<256x128xf32, #tpu.memory_space<vmem>>)
    %dma_wait3A_1565 = arith.constant 0 : i32
    %dma_wait3A_1566 = arith.constant 0 : i32
    %dma_wait3A_1567 = tpu.memref_slice %arg6[%dma_wait3A_1565, %dma_wait3A_1566] : memref<1000000x128xf32, #tpu.memory_space<hbm>> -> memref<1000000x128xf32, #tpu.memory_space<hbm>>
    tpu.wait_indirect_dma semaphore(%arg18 : memref<!tpu.dma_semaphore, #tpu.memory_space<semaphore_mem>>) src(%dma_wait3A_1567 : memref<1000000x128xf32, #tpu.memory_space<hbm>>) dst(%arg13 : memref<256x128xf32, #tpu.memory_space<vmem>>)
    %scan3A_1568 = arith.constant 0 : i32
    %scan3A_1569 = arith.constant 0 : i32
    %scan3A_1570 = arith.constant 256 : i32
    %scan3A_1571 = arith.addi %scan3A_1569, %scan3A_1570 : i32
    %scan3A_1572 = arith.constant 1 : i32
    scf.for %scan3A_1574 = %scan3A_1569 to %scan3A_1571 step %scan3A_1572  : i32 {
      %get3A = arith.index_cast %scan3A_1574 : i32 to index
      %get3A_1575 = arith.constant 0 : index
      %get3A_1576 = tpu.vector_load %arg12[%get3A, %get3A_1575] {strides = array<i32>} : memref<256x128xf32, #tpu.memory_space<vmem>>, vector<1x16xf32>,
      %get3A_1577 = vector.shape_cast %get3A_1576 : vector<1x16xf32> to vector<16xf32>
      %get3A_1578 = arith.index_cast %scan3A_1574 : i32 to index
      %get3A_1579 = arith.constant 16 : index
      %get3A_1580 = tpu.vector_load %arg12[%get3A_1578, %get3A_1579] {strides = array<i32>} : memref<256x128xf32, #tpu.memory_space<vmem>>, vector<1x16xf32>,
      %get3A_1581 = vector.shape_cast %get3A_1580 : vector<1x16xf32> to vector<16xf32>
      %get3A_1582 = arith.index_cast %scan3A_1574 : i32 to index
      %get3A_1583 = arith.constant 32 : index
      %get3A_1584 = tpu.vector_load %arg12[%get3A_1582, %get3A_1583] {strides = array<i32>} : memref<256x128xf32, #tpu.memory_space<vmem>>, vector<1x16xf32>,
      %get3A_1585 = vector.shape_cast %get3A_1584 : vector<1x16xf32> to vector<16xf32>
      %get3A_1586 = arith.index_cast %scan3A_1574 : i32 to index
      %get3A_1587 = arith.constant 48 : index
      %get3A_1588 = tpu.vector_load %arg12[%get3A_1586, %get3A_1587] {strides = array<i32>} : memref<256x128xf32, #tpu.memory_space<vmem>>, vector<1x16xf32>,
      %get3A_1589 = vector.shape_cast %get3A_1588 : vector<1x16xf32> to vector<16xf32>
      %get3A_1590 = arith.index_cast %scan3A_1574 : i32 to index
      %get3A_1591 = arith.constant 0 : index
      %get3A_1592 = tpu.vector_load %arg13[%get3A_1590, %get3A_1591] {strides = array<i32>} : memref<256x128xf32, #tpu.memory_space<vmem>>, vector<1x16xf32>,
      %get3A_1593 = vector.shape_cast %get3A_1592 : vector<1x16xf32> to vector<16xf32>
      %get3A_1594 = arith.index_cast %scan3A_1574 : i32 to index
      %get3A_1595 = arith.constant 16 : index
      %get3A_1596 = tpu.vector_load %arg13[%get3A_1594, %get3A_1595] {strides = array<i32>} : memref<256x128xf32, #tpu.memory_space<vmem>>, vector<1x16xf32>,
      %get3A_1597 = vector.shape_cast %get3A_1596 : vector<1x16xf32> to vector<16xf32>
      %get3A_1598 = arith.index_cast %scan3A_1574 : i32 to index
      %get3A_1599 = arith.constant 32 : index
      %get3A_1600 = tpu.vector_load %arg13[%get3A_1598, %get3A_1599] {strides = array<i32>} : memref<256x128xf32, #tpu.memory_space<vmem>>, vector<1x16xf32>,
      %get3A_1601 = vector.shape_cast %get3A_1600 : vector<1x16xf32> to vector<16xf32>
      %get3A_1602 = arith.index_cast %scan3A_1574 : i32 to index
      %get3A_1603 = arith.constant 48 : index
      %get3A_1604 = tpu.vector_load %arg13[%get3A_1602, %get3A_1603] {strides = array<i32>} : memref<256x128xf32, #tpu.memory_space<vmem>>, vector<1x16xf32>,
      %get3A_1605 = vector.shape_cast %get3A_1604 : vector<1x16xf32> to vector<16xf32>
      %get3A_1606 = arith.index_cast %scan3A_1574 : i32 to index
      %get3A_1607 = arith.constant 0 : index
      %get3A_1608 = tpu.vector_load %arg14[%get3A_1606, %get3A_1607] {strides = array<i32>} : memref<256x128xf32, #tpu.memory_space<vmem>>, vector<1x16xf32>,
      %get3A_1609 = vector.shape_cast %get3A_1608 : vector<1x16xf32> to vector<16xf32>
      %get3A_1610 = arith.index_cast %scan3A_1574 : i32 to index
      %get3A_1611 = arith.constant 16 : index
      %get3A_1612 = tpu.vector_load %arg14[%get3A_1610, %get3A_1611] {strides = array<i32>} : memref<256x128xf32, #tpu.memory_space<vmem>>, vector<1x16xf32>,
      %get3A_1613 = vector.shape_cast %get3A_1612 : vector<1x16xf32> to vector<16xf32>
      %get3A_1614 = arith.index_cast %scan3A_1574 : i32 to index
      %get3A_1615 = arith.constant 32 : index
      %get3A_1616 = tpu.vector_load %arg14[%get3A_1614, %get3A_1615] {strides = array<i32>} : memref<256x128xf32, #tpu.memory_space<vmem>>, vector<1x16xf32>,
      %get3A_1617 = vector.shape_cast %get3A_1616 : vector<1x16xf32> to vector<16xf32>
      %get3A_1618 = arith.index_cast %scan3A_1574 : i32 to index
      %get3A_1619 = arith.constant 48 : index
      %get3A_1620 = tpu.vector_load %arg14[%get3A_1618, %get3A_1619] {strides = array<i32>} : memref<256x128xf32, #tpu.memory_space<vmem>>, vector<1x16xf32>,
      %get3A_1621 = vector.shape_cast %get3A_1620 : vector<1x16xf32> to vector<16xf32>
      %mul3A_1622 = arith.mulf %get3A_1577, %get3A_1593 : vector<16xf32>
      %mul3A_1623 = arith.mulf %get3A_1581, %get3A_1597 : vector<16xf32>
      %add3A_1624 = arith.addf %mul3A_1622, %mul3A_1623 : vector<16xf32>
      %mul3A_1625 = arith.mulf %get3A_1585, %get3A_1601 : vector<16xf32>
      %add3A_1626 = arith.addf %add3A_1624, %mul3A_1625 : vector<16xf32>
      %mul3A_1627 = arith.mulf %get3A_1589, %get3A_1605 : vector<16xf32>
      %add3A_1628 = arith.addf %add3A_1626, %mul3A_1627 : vector<16xf32>
      %mul3A_1629 = arith.mulf %get3A_1577, %get3A_1609 : vector<16xf32>
      %mul3A_1630 = arith.mulf %get3A_1581, %get3A_1613 : vector<16xf32>
      %add3A_1631 = arith.addf %mul3A_1629, %mul3A_1630 : vector<16xf32>
      %mul3A_1632 = arith.mulf %get3A_1585, %get3A_1617 : vector<16xf32>
      %add3A_1633 = arith.addf %add3A_1631, %mul3A_1632 : vector<16xf32>
      %mul3A_1634 = arith.mulf %get3A_1589, %get3A_1621 : vector<16xf32>
      %add3A_1635 = arith.addf %add3A_1633, %mul3A_1634 : vector<16xf32>
      %swap3A = arith.index_cast %scan3A_1574 : i32 to index
      %swap3A_1636 = arith.constant 0 : index
      %swap3A_1637 = tpu.vector_load %arg15[%swap3A, %swap3A_1636] {strides = array<i32>} : memref<256x16xf32, #tpu.memory_space<vmem>>, vector<1x16xf32>,
      %swap3A_1638 = vector.shape_cast %swap3A_1637 : vector<1x16xf32> to vector<16xf32>
      %swap3A_1639 = vector.shape_cast %add3A_1628 : vector<16xf32> to vector<1x16xf32>
      tpu.vector_store %arg15[%swap3A, %swap3A_1636], %swap3A_1639 {strides = array<i32>} : memref<256x16xf32, #tpu.memory_space<vmem>>, vector<1x16xf32>,
      %swap3A_1640 = arith.index_cast %scan3A_1574 : i32 to index
      %swap3A_1641 = arith.constant 0 : index
      %swap3A_1642 = tpu.vector_load %arg16[%swap3A_1640, %swap3A_1641] {strides = array<i32>} : memref<256x16xf32, #tpu.memory_space<vmem>>, vector<1x16xf32>,
      %swap3A_1643 = vector.shape_cast %swap3A_1642 : vector<1x16xf32> to vector<16xf32>
      %swap3A_1644 = vector.shape_cast %add3A_1635 : vector<16xf32> to vector<1x16xf32>
      tpu.vector_store %arg16[%swap3A_1640, %swap3A_1641], %swap3A_1644 {strides = array<i32>} : memref<256x16xf32, #tpu.memory_space<vmem>>, vector<1x16xf32>,
    }
    %scan3A_1573 = arith.constant 256 : i32
    "tpu.region"() ({
      %run_scoped3A = tpu.sem_alloc : memref<!tpu.dma_semaphore, #tpu.memory_space<semaphore_mem>>
      %dma_start3A_1574 = arith.constant 0 : i32
      %dma_start3A_1575 = tpu.memref_slice %arg7[%add3A_789, %dma_start3A_1574] : memref<16384x16xf32, #tpu.memory_space<hbm>> -> memref<256x16xf32, #tpu.memory_space<hbm>>
      %dma_start3A_1576 = arith.constant 0 : i32
      %dma_start3A_1577 = tpu.memref_slice %arg7[%add3A_789, %dma_start3A_1576] : memref<16384x16xf32, #tpu.memory_space<hbm>> -> memref<256x16xf32, #tpu.memory_space<hbm>>
      tpu.enqueue_dma source(%arg15 : memref<256x16xf32, #tpu.memory_space<vmem>>) target(%dma_start3A_1577 : memref<256x16xf32, #tpu.memory_space<hbm>>) target_semaphore(%run_scoped3A : memref<!tpu.dma_semaphore, #tpu.memory_space<semaphore_mem>>)
      %dma_wait3A_1578 = arith.constant 0 : i32
      %dma_wait3A_1579 = tpu.memref_slice %arg7[%add3A_789, %dma_wait3A_1578] : memref<16384x16xf32, #tpu.memory_space<hbm>> -> memref<256x16xf32, #tpu.memory_space<hbm>>
      %dma_wait3A_1580 = arith.constant 0 : i32
      %dma_wait3A_1581 = tpu.memref_slice %arg7[%add3A_789, %dma_wait3A_1580] : memref<16384x16xf32, #tpu.memory_space<hbm>> -> memref<256x16xf32, #tpu.memory_space<hbm>>
      tpu.wait_dma2 semaphore(%run_scoped3A : memref<!tpu.dma_semaphore, #tpu.memory_space<semaphore_mem>>) src(%arg15 : memref<256x16xf32, #tpu.memory_space<vmem>>) dst(%dma_wait3A_1581 : memref<256x16xf32, #tpu.memory_space<hbm>>)
      tpu.yield
    }) : () -> ()
    "tpu.region"() ({
      %run_scoped3A = tpu.sem_alloc : memref<!tpu.dma_semaphore, #tpu.memory_space<semaphore_mem>>
      %dma_start3A_1574 = arith.constant 0 : i32
      %dma_start3A_1575 = tpu.memref_slice %arg8[%add3A_789, %dma_start3A_1574] : memref<16384x16xf32, #tpu.memory_space<hbm>> -> memref<256x16xf32, #tpu.memory_space<hbm>>
      %dma_start3A_1576 = arith.constant 0 : i32
      %dma_start3A_1577 = tpu.memref_slice %arg8[%add3A_789, %dma_start3A_1576] : memref<16384x16xf32, #tpu.memory_space<hbm>> -> memref<256x16xf32, #tpu.memory_space<hbm>>
      tpu.enqueue_dma source(%arg16 : memref<256x16xf32, #tpu.memory_space<vmem>>) target(%dma_start3A_1577 : memref<256x16xf32, #tpu.memory_space<hbm>>) target_semaphore(%run_scoped3A : memref<!tpu.dma_semaphore, #tpu.memory_space<semaphore_mem>>)
      %dma_wait3A_1578 = arith.constant 0 : i32
      %dma_wait3A_1579 = tpu.memref_slice %arg8[%add3A_789, %dma_wait3A_1578] : memref<16384x16xf32, #tpu.memory_space<hbm>> -> memref<256x16xf32, #tpu.memory_space<hbm>>
      %dma_wait3A_1580 = arith.constant 0 : i32
      %dma_wait3A_1581 = tpu.memref_slice %arg8[%add3A_789, %dma_wait3A_1580] : memref<16384x16xf32, #tpu.memory_space<hbm>> -> memref<256x16xf32, #tpu.memory_space<hbm>>
      tpu.wait_dma2 semaphore(%run_scoped3A : memref<!tpu.dma_semaphore, #tpu.memory_space<semaphore_mem>>) src(%arg16 : memref<256x16xf32, #tpu.memory_space<vmem>>) dst(%dma_wait3A_1581 : memref<256x16xf32, #tpu.memory_space<hbm>>)
      tpu.yield
    }) : () -> ()
    return
  }
}

module attributes {stable_mosaic.version = 14 : i64} {
  func.func @_tc_loss_body(%arg0: memref<16384x16xf32, #tpu.memory_space<vmem>>, %arg1: memref<16384x16xf32, #tpu.memory_space<vmem>>, %arg2: memref<1x1xf32, #tpu.memory_space<vmem>>) attributes {dimension_semantics = [], scalar_prefetch = 0 : i64, scratch_operands = 0 : i64, tpu.core_type = #tpu.core_type<tc>} {
    %get3A = arith.constant 0 : index
    %get3A_0 = arith.constant 0 : index
    %get3A_1 = vector.load %arg0[%get3A, %get3A_0] : memref<16384x16xf32, #tpu.memory_space<vmem>>, vector<16384x16xf32>
    %reduce_sum3A = arith.constant dense<0.000000e+00> : vector<16384xf32>
    %reduce_sum3A_2 = vector.multi_reduction <add>, %get3A_1, %reduce_sum3A [1] : vector<16384x16xf32> to vector<16384xf32>
    %broadcast_in_dim3A = vector.shape_cast %reduce_sum3A_2 : vector<16384xf32> to vector<16384x1xf32>
    %get3A_3 = arith.constant 0 : index
    %get3A_4 = arith.constant 0 : index
    %get3A_5 = vector.load %arg1[%get3A_3, %get3A_4] : memref<16384x16xf32, #tpu.memory_space<vmem>>, vector<16384x16xf32>
    %reduce_sum3A_6 = arith.constant dense<0.000000e+00> : vector<16384xf32>
    %reduce_sum3A_7 = vector.multi_reduction <add>, %get3A_5, %reduce_sum3A_6 [1] : vector<16384x16xf32> to vector<16384xf32>
    %broadcast_in_dim3A_8 = vector.shape_cast %reduce_sum3A_7 : vector<16384xf32> to vector<16384x1xf32>
    %min3A = arith.constant 0.000000e+00 : f32
    %min3A_9 = vector.broadcast %min3A : f32 to vector<16384x1xf32>
    %min3A_10 = arith.minimumf %broadcast_in_dim3A, %min3A_9 : vector<16384x1xf32>
    %abs3A = math.absf %broadcast_in_dim3A : vector<16384x1xf32>
    %neg3A = arith.constant 0.000000e+00 : f32
    %neg3A_11 = vector.broadcast %neg3A : f32 to vector<16384x1xf32>
    %neg3A_12 = arith.subf %neg3A_11, %abs3A : vector<16384x1xf32>
    %exp3A = math.exp %neg3A_12 : vector<16384x1xf32>
    %add3A = arith.constant 1.000000e+00 : f32
    %add3A_13 = vector.broadcast %add3A : f32 to vector<16384x1xf32>
    %add3A_14 = arith.addf %add3A_13, %exp3A : vector<16384x1xf32>
    %log3A = math.log %add3A_14 : vector<16384x1xf32>
    %sub3A = arith.subf %min3A_10, %log3A : vector<16384x1xf32>
    %neg3A_15 = arith.constant 0.000000e+00 : f32
    %neg3A_16 = vector.broadcast %neg3A_15 : f32 to vector<16384x1xf32>
    %neg3A_17 = arith.subf %neg3A_16, %broadcast_in_dim3A_8 : vector<16384x1xf32>
    %min3A_18 = arith.constant 0.000000e+00 : f32
    %min3A_19 = vector.broadcast %min3A_18 : f32 to vector<16384x1xf32>
    %min3A_20 = arith.minimumf %neg3A_17, %min3A_19 : vector<16384x1xf32>
    %abs3A_21 = math.absf %neg3A_17 : vector<16384x1xf32>
    %neg3A_22 = arith.constant 0.000000e+00 : f32
    %neg3A_23 = vector.broadcast %neg3A_22 : f32 to vector<16384x1xf32>
    %neg3A_24 = arith.subf %neg3A_23, %abs3A_21 : vector<16384x1xf32>
    %exp3A_25 = math.exp %neg3A_24 : vector<16384x1xf32>
    %add3A_26 = arith.constant 1.000000e+00 : f32
    %add3A_27 = vector.broadcast %add3A_26 : f32 to vector<16384x1xf32>
    %add3A_28 = arith.addf %add3A_27, %exp3A_25 : vector<16384x1xf32>
    %log3A_29 = math.log %add3A_28 : vector<16384x1xf32>
    %sub3A_30 = arith.subf %min3A_20, %log3A_29 : vector<16384x1xf32>
    %add3A_31 = arith.addf %sub3A, %sub3A_30 : vector<16384x1xf32>
    %reduce_sum3A_32 = vector.shape_cast %add3A_31 : vector<16384x1xf32> to vector<1x16384x1xf32>
    %reduce_sum3A_33 = arith.constant dense<0.000000e+00> : vector<1xf32>
    %reduce_sum3A_34 = vector.multi_reduction <add>, %reduce_sum3A_32, %reduce_sum3A_33 [1, 2] : vector<1x16384x1xf32> to vector<1xf32>
    %reduce_sum3A_35 = vector.shape_cast %reduce_sum3A_34 : vector<1xf32> to vector<1x1x1xf32>
    %reduce_sum3A_36 = vector.extract %reduce_sum3A_35[0, 0, 0] : f32 from vector<1x1x1xf32>
    %div3A = arith.constant 1.638400e+04 : f32
    %div3A_37 = arith.divf %reduce_sum3A_36, %div3A : f32
    %neg3A_38 = arith.constant 0.000000e+00 : f32
    %neg3A_39 = arith.subf %neg3A_38, %div3A_37 : f32
    %broadcast_in_dim3A_40 = vector.broadcast %neg3A_39 : f32 to vector<1x1xf32>
    %swap3A = arith.constant 0 : index
    %swap3A_41 = arith.constant 0 : index
    %swap3A_42 = vector.load %arg2[%swap3A, %swap3A_41] : memref<1x1xf32, #tpu.memory_space<vmem>>, vector<1x1xf32>
    tpu.vector_store %arg2[%swap3A, %swap3A_41], %broadcast_in_dim3A_40 {strides = array<i32>} : memref<1x1xf32, #tpu.memory_space<vmem>>, vector<1x1xf32>,
    return
  }
}

</mosaic_0001>

<sc_bundles>
// kernel: kernel.4.cloned.1.call-start
scs
__scs_entry_jumppad:
0x0: {  	(pc) =	sbr.rel $0x88, $3  }
0x1: {  	(tag) =	ssettag $0x0;
	lr =	simm.s32 $0x1  }
0x2: {  	[smem:$0x3F9C] =	sst lr;
	_ =	strace $0xD0000000  }
0x3: {  	_ = 	snop  }
0x4: {  	_ = 	snop  }
0x5: {  	_ = 	snop  }
0x6: {  	_ = 	snop  }
0x7: {  	_ = 	snop  }
__scs_overlays_trampoline_lowered:
0x8: {  	[smem:$0x3FAB] =	sst s0  }
0x9: {  	[smem:$0x3FAC] =	sst s1  }
0xa: {  	[smem:$0x3FAD] =	sst s2  }
0xb: {  	[smem:$0x3FAE] =	sst s3  }
0xc: {  	[smem:$0x3FAF] =	sst s4  }
0xd: {  	[smem:$0x3FB0] =	sst s5  }
0xe: {  	[smem:$0x3FB1] =	sst s6  }
0xf: {  	[smem:$0x3FB2] =	sst s7  }
0x10: {  	[smem:$0x3FB3] =	sst s8  }
0x11: {  	[smem:$0x3FB4] =	sst s9;
	s0 =	simm.s32 @!p0 $0x0  }
0x12: {  	s1 =	sld [smem:$0x3F9A];
	s0 =	simm.s32 @p0 $0x1  }
0x13: {  	[smem:$0x3FB5] =	sst s0;
	s0 =	simm.s32 @!p1 $0x0  }
0x14: {  	s2 =	sld [smem:$0x3F99];
	s0 =	simm.s32 @p1 $0x1  }
0x15: {  	[smem:$0x3FB6] =	sst s0;
	s0 =	simm.s32 @!p2 $0x0  }
0x16: {  	s3 =	sld [smem:$0x3FDB];
	s0 =	simm.s32 @p2 $0x1  }
0x17: {  	s4 =	simm.s32 $0x1BF5;
	[smem:$0x3FB8] =	sst s0  }
0x18: {  	s0 =	sld [smem:$0x3F9B];
	_ =	swait.ge [sflag:s4], $0x0  }
0x19: {  	s7 =	sld [smem:$0x3F9C]  }
0x1a: {  	s8 =	sadd.s32 $0xFFFFE003, lr  }
0x1b: {  	s9 =	sadd.s32 $0xFFFFFEF7, lr;
	s5 =	simm.s32 $0xFFFFFFFF;
	p2 =	slt.u32 s8, $0xFFFFF086  }
0x1c: {  	p1 =	slt.u32 s9, $0xF7A;
	s5 =	simm.s32 @!p2 $0x0  }
0x1d: {  	s5 =	simm.s32 @p1 $0x1;
	p0 =	seq.s32 s7, s2  }
0x1e: {  	s7 =	smul.u32 @!p0 $0xF7A, s2;
	p2 =	seq.s32 @!p0 s5, $0x0  }
0x1f: {  	s9 =	smul.u32 $0xF7A, s1;
	s8 =	simm.s32 @!p0 $0x1BF5;
	p2 =	por !p2, p0  }
0x20: {  	[sflag:s8] =	ssyncset.s32 @!p0 $0xFFFFF086;
	s6 =	sadd.s32 @!p0 s3, s7;
	s7 =	simm.s32 @!p0 $0x108  }
0x21: {  	s3 =	sadd.s32 s3, s9;
	s6 =	sadd.s32 @!p0 $0x88, s6;
	s7 =	simm.s32 @p2 $0x1082  }
0x22: {  	[simem:s7], [sflag:s8] =	dma.local @!p0 [hbm:s6], $0xF7A  }
0x23: {  	s9 =	sor.u32 $0xD0000000, s2;
	s6 =	simm.s32 $0x108;
	_ =	swait.ge @!p0 [sflag:s8], $0x0  }
0x24: {  	s3 =	sadd.s32 $0x88, s3;
	s6 =	simm.s32 @!p1 $0x1082;
	[sflag:s4] =	ssyncset.s32 $0xFFFFF086  }
0x25: {  	[simem:s6], [sflag:s4] =	dma.local [hbm:s3], $0xF7A  }
0x26: {  	[smem:$0x3F9C] =	sst s1;
	(tag) =	ssettag s2;
	_ =	strace s9  }
0x27: {  	s1 =	sld [smem:$0x3FAC]  }
0x28: {  	s2 =	sld [smem:$0x3FAD]  }
0x29: {  	s4 =	sld [smem:$0x3FAF]  }
0x2a: {  	p0 =	seq.s32 s5, $0x0;
	s5 =	sld [smem:$0x3FB0]  }
0x2b: {  	s6 =	sld [smem:$0x3FB1]  }
0x2c: {  	s7 =	sld [smem:$0x3FB2]  }
0x2d: {  	s3 =	simm.s32 $0x108;
	s8 =	sld [smem:$0x3FB3]  }
0x2e: {  	s3 =	simm.s32 @!p0 $0x1082;
	s9 =	sld [smem:$0x3FB4]  }
0x2f: {  	lr =	sadd.s32 s0, s3;
	s0 =	sld [smem:$0x3FAB]  }
0x30: {  	s3 =	sld [smem:$0x3FAE]  }
0x31: {  	[smem:$0x3FB7] =	sst s10  }
0x32: {  	s10 =	sld [smem:$0x3FB5];
	_ =	sdelay $0x3  }
0x33: {  	p0 =	seq.s32 s10, $0x1;
	s10 =	sld [smem:$0x3FB7];
	_ =	sdelay $0x3  }
0x34: {  	[smem:$0x3FB7] =	sst s10  }
0x35: {  	s10 =	sld [smem:$0x3FB6];
	_ =	sdelay $0x3  }
0x36: {  	p1 =	seq.s32 s10, $0x1;
	s10 =	sld [smem:$0x3FB7];
	_ =	sdelay $0x3  }
0x37: {  	[smem:$0x3FB7] =	sst s10  }
0x38: {  	s10 =	sld [smem:$0x3FB8]  }
0x39: {  	_ = 	snop;
	(pc) =	sbr.ind lr, $3  }
0x3a: {  	_ = 	snop  }
0x3b: {  	_ = 	snop  }
0x3c: {  	p2 =	seq.s32 s10, $0x1;
	s10 =	sld [smem:$0x3FB7]  }
0x3d: {  	_ =	shalt  }
0x3e: {  	_ =	shalt  }
0x3f: {  	_ =	shalt  }
0x40: {  	_ =	shalt  }
0x41: {  	_ =	shalt  }
0x42: {  	_ =	shalt  }
0x43: {  	_ =	shalt  }
0x44: {  	_ =	shalt  }
0x45: {  	_ =	shalt  }
0x46: {  	_ =	shalt  }
0x47: {  	_ =	shalt  }
0x48: {  	_ =	shalt  }
0x49: {  	_ =	shalt  }
0x4a: {  	_ =	shalt  }
0x4b: {  	_ =	shalt  }
0x4c: {  	_ =	shalt  }
0x4d: {  	_ =	shalt  }
0x4e: {  	_ =	shalt  }
0x4f: {  	_ =	shalt  }
0x50: {  	_ =	shalt  }
0x51: {  	_ =	shalt  }
0x52: {  	_ =	shalt  }
0x53: {  	_ =	shalt  }
0x54: {  	_ =	shalt  }
0x55: {  	_ =	shalt  }
0x56: {  	_ =	shalt  }
0x57: {  	_ =	shalt  }
0x58: {  	_ =	shalt  }
0x59: {  	_ =	shalt  }
0x5a: {  	_ =	shalt  }
0x5b: {  	_ =	shalt  }
0x5c: {  	_ =	shalt  }
0x5d: {  	_ =	shalt  }
0x5e: {  	_ =	shalt  }
0x5f: {  	_ =	shalt  }
0x60: {  	_ =	shalt  }
0x61: {  	_ =	shalt  }
0x62: {  	_ =	shalt  }
0x63: {  	_ =	shalt  }
0x64: {  	_ =	shalt  }
0x65: {  	_ =	shalt  }
0x66: {  	_ =	shalt  }
0x67: {  	_ =	shalt  }
0x68: {  	_ =	shalt  }
0x69: {  	_ =	shalt  }
0x6a: {  	_ =	shalt  }
0x6b: {  	_ =	shalt  }
0x6c: {  	_ =	shalt  }
0x6d: {  	_ =	shalt  }
0x6e: {  	_ =	shalt  }
0x6f: {  	_ =	shalt  }
0x70: {  	_ =	shalt  }
0x71: {  	_ =	shalt  }
0x72: {  	_ =	shalt  }
0x73: {  	_ =	shalt  }
0x74: {  	_ =	shalt  }
0x75: {  	_ =	shalt  }
0x76: {  	_ =	shalt  }
0x77: {  	_ =	shalt  }
0x78: {  	_ =	shalt  }
0x79: {  	_ =	shalt  }
0x7a: {  	_ =	shalt  }
0x7b: {  	_ =	shalt  }
0x7c: {  	_ =	shalt  }
0x7d: {  	_ =	shalt  }
0x7e: {  	_ =	shalt  }
0x7f: {  	_ =	shalt  }
0x80: {  	_ =	shalt  }
0x81: {  	_ =	shalt  }
0x82: {  	_ =	shalt  }
0x83: {  	_ =	shalt  }
0x84: {  	_ =	shalt  }
0x85: {  	_ =	shalt  }
0x86: {  	_ =	shalt  }
0x87: {  	_ =	shalt  }
.Lfunc_end0:
.L_simem_size_0:
called_computation_lowered:
.L_overlay_start_0:
0x88: {  	s2 =	sld [smem:$0x3FD9]  }
0x89: {  	s3 =	sld [smem:$0x3FFE];
	_ =	sdelay $0x1  }
0x8a: {  	s1 =	srdreg.scid  }
0x8b: {  	s0 =	sand.u32 $0x1, s1  }
0x8c: {  	s17 =	sshll.u32 s0, $0xA;
	s2 =	sadd.s32 s3, s2  }
0x8d: {  	s2 =	sadd.s32 s2, s17  }
0x8e: {  	[smem:$0x3FC3] =	sst s2  }
0x8f: {  	_ = 	snop  }
0x90: {  	s2 =	sld [smem:$0x3FC9]  }
0x91: {  	s18 =	sld [smem:$0x3FC8];
	(tm) =	ssettm $0x1  }
0x92: {  	s4 =	sld [smem:$0x3FFB];
	_ =	sdelay $0x3  }
0x93: {  	_ =	strace s4  }
0x94: {  	s4 =	sld [smem:$0x3FFC];
	_ =	sdelay $0x3  }
0x95: {  	_ =	strace s4  }
0x96: {  	s4 =	sld [smem:$0x3FFD];
	_ =	sdelay $0x3  }
0x97: {  	_ =	strace s4  }
0x98: {  	_ =	strace $0x8FFFFFFF  }
0x99: {  	s19 =	sld [smem:$0x3FDB];
	_ =	sdelay $0x1  }
0x9a: {  	s5 =	simm.s32 $_scs_section_size  }
0x9b: {  	s6 =	simm.s32 $_size__tile_overlayer_lowered;
	s7 =	simm.s32 $_tile_overlayer_lowered  }
0x9c: {  	s22 =	simm.s32 $0x1BFF;
	s21 =	sshll.u32 s7, $0x1;
	s4 =	sadd.s32 s5, s19  }
0x9d: {  	s8 =	simm.s32 $0x0;
	s20 =	sshll.u32 s6, $0x1;
	s6 =	sadd.s32 s21, s4  }
0x9e: {  	[timem:s8], [sflag:s22] =	dma.local [hbm:s6], s20  }
0x9f: {  	_ =	swait.ge [sflag:s22], s20  }
0xa0: {  	s5 =	ssub.s32 $0x0, s20;
	[sflag:s22] =	ssyncset.done $0x0  }
0xa1: {  	[sflag:s22] =	ssyncadd.s32 s5;
	_ =	sdelay $0x1  }
0xa2: {  	s23 =	simm.s32 $0x1B8B  }
0xa3: {  	_ =	swait.ge [sflag:s23], $0x1  }
0xa4: {  	[sflag:s23] =	ssyncset.done $0x0  }
0xa5: {  	s25 =	simm.s32 $0x1B8E;
	s24 =	sld [smem:$0x3FFE];
	[sflag:s23] =	ssyncadd.s32 $0xFFFFFFFF  }
0xa6: {  	s26 =	simm.s32 $execute0_lowered;
	[smem:$0x3FD2] =	sst s25  }
0xa7: {  	s6 =	sshll.u32 s26, $0x1;
	_ =	strace $0x80000046;
	[dreg:$0x1] =	wrdreg $0xFFFFFFFF  }
0xa8: {  	s28 =	simm.s32 $_size_execute0_lowered;
	s4 =	sadd.s32 s4, s6;
	[dreg:$0x0] =	wrdreg $0x0  }
0xa9: {  	s6 =	sshll.u32 s28, $0x1;
	[dreg:$0x2] =	wrdreg s4  }
0xaa: {  	[dreg:$0x3] =	wrdreg s6  }
0xab: {  	[dreg:$0x4] =	wrdreg $0xC0  }
0xac: {  	_ =	task [dreg:s8], $0x5FFFF  }
0xad: {  	[dreg:$0x1] =	wrdreg $0xFFFFFFFF  }
0xae: {  	[dreg:$0x0] =	wrdreg $0x60  }
0xaf: {  	[dreg:$0x2] =	wrdreg s2  }
0xb0: {  	[dreg:$0x3] =	wrdreg s18  }
0xb1: {  	[dreg:$0x4] =	wrdreg s24  }
0xb2: {  	[dreg:$0x5] =	wrdreg $0x9  }
0xb3: {  	_ =	task.clear_ibuf [dreg:s8], $0x6FFFF;
	_ =	strace $0x90000046  }
0xb4: {  	s29 =	simm.s32 $0x9;
	_ =	strace $0x80000048  }
0xb5: {  	_ =	swait.ge [sflag:s29], $0x1  }
0xb6: {  	[sflag:s29] =	ssyncadd.s32 $0xFFFFFFFF  }
0xb7: {  	_ =	strace $0x90000048  }
0xb8: {  	_ =	sfence  }
0xb9: {  	s30 =	sld [smem:$0x0];
	_ =	sdelay $0x2  }
0xba: {  	s31 =	sshll.u32 s1, $0xD;
	s1 =	sshrl.u32 s1, $0x2  }
0xbb: {  	s3 =	sand.u32 $0x4000, s31;
	s1 =	sadd.s32 s1, s30  }
0xbc: {  	s0 =	sor.u32 s3, s0;
	s1 =	sshll.u32 s1, $0x11  }
0xbd: {  	s0 =	sor.u32 s1, s0  }
0xbe: {  	s0 =	sadd.s32 $0x8F2B, s0  }
0xbf: {  	[sflag:s0] =	ssyncadd.remote.s32 $0x1  }
0xc0: {  	_ =	sfence.sel $0xFFFF  }
0xc1: {  	[dreg:$0x0] =	wrdreg $0xFFFFFFFF;
	(pc) =	sbr.abs _section_cstart, $3  }
0xc2: {  	[dreg:$0x1] =	wrdreg $0xFFFFFFFF  }
0xc3: {  	_ =	task.clear_ibuf [dreg:s8], $0x2FFFF;
	_ =	strace $0x9FFFFFFF  }
0xc4: {  	(tm) =	ssettm $0x7FFFFFFF  }
0xc5: {  	_ =	shalt  }
tec
execute0_lowered:
.L_overlay_start_1:
0x0: {  	(tag) =	ssettag $0x1  }
0x1: {  	s0 =	rddreg [dreg:$0x0]  }
0x2: {  	s2 =	rddreg [dreg:$0x1]  }
0x3: {  	s3 =	rddreg [dreg:$0x2]  }
0x4: {  	s1 =	simm.s32 $0x0;
	s4 =	srdreg.scid;
	s7 =	stileid.u32  }
0x5: {  	[smem:$0x7FF] =	sst s1;
	s6 =	sadd.s32 $0xF43200, s3;
	s5 =	sand.u32 $0x1, s4  }
0x6: {  	s18 =	sadd.s32 $0xE00, s3;
	s7 =	sshll.u32 s7, $0xA;
	s4 =	sadd.s32 $0x1E85600, s3  }
0x7: {  	_ =	strace $0x80000047;
	s8 =	sshll.u32 s5, $0x9;
	s5 =	ssub.s32 $0x2, s5  }
0x8: {  	[dreg:$0x4] =	wrdreg s18;
	s7 =	sor.u32 s8, s7;
	s9 =	sshrl.u32 s5, $0x1  }
0x9: {  	s8 =	sadd.s32 $0xF55200, s3;
	s10 =	sshrl.u32 s7, $0x3;
	s9 =	ssub.s32 s5, s9  }
0xa: {  	s25 =	sor.u32 $0x100, s7;
	s7 =	sshll.u32 s7, $0x1;
	s11 =	sadd.s32 s0, s10  }
0xb: {  	s5 =	sadd.s32 s6, s10;
	s10 =	sadd.s32 s2, s10;
	[dreg:$0x5] =	wrdreg s11  }
0xc: {  	s3 =	sadd.s32 $0xF4D200, s3;
	s17 =	sadd.s32 s8, s7;
	[dreg:$0x6] =	wrdreg s10  }
0xd: {  	s18 =	sadd.s32 s3, s7;
	[dreg:$0x13] =	wrdreg s17  }
0xe: {  	s19 =	sadd.s32 $0x800, s5;
	[dreg:$0x14] =	wrdreg s18  }
0xf: {  	s20 =	sadd.s32 $0x1000, s5;
	[dreg:$0x7] =	wrdreg s19  }
0x10: {  	s21 =	sadd.s32 $0x1800, s5;
	[dreg:$0x8] =	wrdreg s20  }
0x11: {  	s22 =	sadd.s32 $0x2000, s5;
	[dreg:$0x9] =	wrdreg s21  }
0x12: {  	s23 =	sadd.s32 $0x2800, s5;
	[dreg:$0xa] =	wrdreg s22  }
0x13: {  	s24 =	sadd.s32 $0x3000, s5;
	[dreg:$0xb] =	wrdreg s23  }
0x14: {  	s26 =	sadd.s32 $0x3800, s5;
	[dreg:$0xc] =	wrdreg s24  }
0x15: {  	s13 =	sshrl.u32 s25, $0x3;
	s12 =	sadd.s32 $0x4000, s5;
	[dreg:$0xd] =	wrdreg s26  }
0x16: {  	s0 =	sadd.s32 s0, s13;
	[dreg:$0xe] =	wrdreg s12  }
0x17: {  	s14 =	sadd.s32 s2, s13;
	[dreg:$0x10] =	wrdreg s0  }
0x18: {  	s15 =	sadd.s32 s6, s13;
	[dreg:$0x11] =	wrdreg s14  }
0x19: {  	s16 =	sshll.u32 s25, $0x1;
	s25 =	sadd.s32 $0x7000, s5;
	[dreg:$0x12] =	wrdreg s15  }
0x1a: {  	s2 =	sadd.s32 $0x8000, s5;
	[dreg:$0x1c] =	wrdreg s25  }
0x1b: {  	s6 =	sadd.s32 $0x9000, s5;
	[dreg:$0x1e] =	wrdreg s2  }
0x1c: {  	s7 =	sadd.s32 $0x9800, s5;
	[smem:$0x7E9] =	sst s6  }
0x1d: {  	s10 =	sadd.s32 $0x1820, s5;
	[smem:$0x7EA] =	sst s7  }
0x1e: {  	s11 =	sadd.s32 $0x2020, s5;
	[smem:$0x7ED] =	sst s10  }
0x1f: {  	s13 =	sadd.s32 $0x3020, s5;
	[smem:$0x7EE] =	sst s11  }
0x20: {  	s17 =	sadd.s32 $0x5020, s5;
	[smem:$0x7F0] =	sst s13  }
0x21: {  	s18 =	sadd.s32 $0x5820, s5;
	[smem:$0x7F4] =	sst s17  }
0x22: {  	s12 =	sadd.s32 $0x4800, s5;
	[smem:$0x7F5] =	sst s18  }
0x23: {  	s19 =	sadd.s32 s8, s16;
	[dreg:$0xf] =	wrdreg s12  }
0x24: {  	s0 =	sadd.s32 s3, s16;
	[dreg:$0x15] =	wrdreg s19  }
0x25: {  	s20 =	sadd.s32 $0x5000, s5;
	[dreg:$0x16] =	wrdreg s0  }
0x26: {  	s21 =	smax.u32 s9, $0x1;
	[dreg:$0x17] =	wrdreg s20  }
0x27: {  	s22 =	sadd.s32 $0x5800, s5;
	[dreg:$0x18] =	wrdreg s21  }
0x28: {  	s23 =	sadd.s32 $0x6000, s5;
	[dreg:$0x19] =	wrdreg s22  }
0x29: {  	s28 =	simm.s32 $0x5;
	s24 =	sadd.s32 $0x6800, s5;
	[dreg:$0x1a] =	wrdreg s23  }
0x2a: {  	s29 =	simm.s32 $0x100;
	s26 =	sadd.s32 $0x7800, s5;
	[dreg:$0x1b] =	wrdreg s24  }
0x2b: {  	s30 =	simm.s32 $0x1000;
	s3 =	sadd.s32 $0x8800, s5;
	[dreg:$0x1d] =	wrdreg s26  }
0x2c: {  	s31 =	simm.s32 $0x1200;
	s8 =	sadd.s32 $0x820, s5;
	[dreg:$0x1f] =	wrdreg s3  }
0x2d: {  	s9 =	sadd.s32 $0x1020, s5;
	s14 =	sadd.s32 $0x3820, s5;
	[smem:$0x7EB] =	sst s8  }
0x2e: {  	s15 =	sadd.s32 $0x4020, s5;
	s16 =	sadd.s32 $0x4820, s5;
	[smem:$0x7EC] =	sst s9  }
0x2f: {  	s25 =	sadd.s32 $0x9020, s5;
	s7 =	simm.s32 $0x200;
	[smem:$0x7F1] =	sst s14  }
0x30: {  	s10 =	simm.s32 $0x800;
	s11 =	simm.s32 $0x900;
	[smem:$0x7F2] =	sst s15  }
0x31: {  	s13 =	simm.s32 $0xB00;
	s17 =	simm.s32 $0xF00;
	[smem:$0x7F3] =	sst s16  }
0x32: {  	s18 =	simm.s32 $0x1100;
	s12 =	sadd.s32 $0x2820, s5;
	[smem:$0x7FC] =	sst s25  }
0x33: {  	s19 =	sadd.s32 $0x6020, s5;
	s20 =	sadd.s32 $0x6820, s5;
	[smem:$0x7EF] =	sst s12  }
0x34: {  	s21 =	sadd.s32 $0x7020, s5;
	s22 =	sadd.s32 $0x7820, s5;
	[smem:$0x7F6] =	sst s19  }
0x35: {  	s23 =	sadd.s32 $0x8020, s5;
	s24 =	sadd.s32 $0x8820, s5;
	[smem:$0x7F7] =	sst s20  }
0x36: {  	s26 =	sadd.s32 $0x9820, s5;
	s8 =	simm.s32 $0x600;
	[smem:$0x7F8] =	sst s21  }
0x37: {  	s9 =	simm.s32 $0x700;
	s14 =	simm.s32 $0xC00;
	[smem:$0x7F9] =	sst s22  }
0x38: {  	s15 =	simm.s32 $0xD00;
	s16 =	simm.s32 $0xE00;
	[smem:$0x7FA] =	sst s23  }
0x39: {  	s25 =	simm.s32 $0x1;
	s3 =	simm.s32 $0x0;
	[smem:$0x7FB] =	sst s24  }
0x3a: {  	[smem:$0x7FD] =	sst s26;
	s12 =	simm.s32 $0xA00;
	s19 =	simm.s32 $0x1300  }
0x3b: {  	s20 =	simm.s32 $0x1400;
	s21 =	simm.s32 $0x1500;
	s22 =	simm.s32 $0x3  }
0x3c: {  	v0 =	vimm.f32 $0.0e+00;
	s23 =	simm.s32 $0x11600;
	s24 =	simm.s32 $0x4;
	s26 =	simm.s32 $0x2  }
.LBB2_1:
0x3d: {  	s0 =	rddreg [dreg:$0x5]  }
0x3e: {  	[tilespmem:s1], [sflag:$0x5] =	stream.linear.gather [hbm4b:s0+s1], $0x100, $0x38;
	[tilespmem:$0x1B600] =	vst v63  }
0x3f: {  	_ =	swait.ge [sflag:s28], $0x100  }
0x40: {  	[sflag:s28] =	ssyncset.done $0x0  }
0x41: {  	s2 =	rddreg [dreg:$0x6];
	[sflag:s28] =	ssyncadd.s32 $0xFFFFFF00  }
0x42: {  	[tilespmem:s29], [sflag:$0x5] =	stream.linear.gather [hbm4b:s2+s1], $0x100, $0x38;
	[tilespmem:$0x1B600] =	vst v63  }
0x43: {  	_ =	swait.ge [sflag:s28], $0x100  }
0x44: {  	[sflag:s28] =	ssyncset.done $0x0  }
0x45: {  	s2 =	simm.s32 $0x1600;
	s6 =	rddreg [dreg:$0x4];
	[sflag:s28] =	ssyncadd.s32 $0xFFFFFF00  }
0x46: {  	[tilespmem:s2], [sflag:$0x1] =	stream.indirect.gather [hbm4b:s6+s29], $0x80, s1, s29, $0xb8;
	[tilespmem:$0x1B600] =	vst v63  }
0x47: {  	s6 =	simm.s32 $0x9600  }
0x48: {  	[tilespmem:s6], [sflag:$0x2] =	stream.indirect.gather [hbm4b:s4+s29], $0x80, s29, s29, $0xb8;
	[tilespmem:$0x1B600] =	vst v63  }
0x49: {  	_ = 	snop  }
0x4a: {  	[tilespmem:s7], [sflag:$0x3] =	stream.linear.gather [hbm4b:s5+s1], $0x100, $0x38;
	[tilespmem:$0x1B600] =	vst v63  }
0x4b: {  	s2 =	rddreg [dreg:$0x7];
	s6 =	simm.s32 $0x300  }
0x4c: {  	[tilespmem:s6], [sflag:$0x3] =	stream.linear.gather [hbm4b:s2+s1], $0x100, $0x38;
	[tilespmem:$0x1B600] =	vst v63  }
0x4d: {  	s2 =	rddreg [dreg:$0x8];
	s6 =	simm.s32 $0x400  }
0x4e: {  	[tilespmem:s6], [sflag:$0x3] =	stream.linear.gather [hbm4b:s2+s1], $0x100, $0x38;
	[tilespmem:$0x1B600] =	vst v63  }
0x4f: {  	s2 =	rddreg [dreg:$0x9];
	s6 =	simm.s32 $0x500  }
0x50: {  	[tilespmem:s6], [sflag:$0x3] =	stream.linear.gather [hbm4b:s2+s1], $0x100, $0x38;
	[tilespmem:$0x1B600] =	vst v63  }
0x51: {  	s2 =	rddreg [dreg:$0xa]  }
0x52: {  	s6 =	rddreg [dreg:$0xb]  }
0x53: {  	[tilespmem:s8], [sflag:$0x3] =	stream.linear.gather [hbm4b:s2+s1], $0x100, $0x38;
	[tilespmem:$0x1B600] =	vst v63  }
0x54: {  	s2 =	rddreg [dreg:$0xc]  }
0x55: {  	[tilespmem:s9], [sflag:$0x3] =	stream.linear.gather [hbm4b:s6+s1], $0x100, $0x38;
	[tilespmem:$0x1B600] =	vst v63  }
0x56: {  	s6 =	rddreg [dreg:$0xd]  }
0x57: {  	[tilespmem:s10], [sflag:$0x3] =	stream.linear.gather [hbm4b:s2+s1], $0x100, $0x38;
	[tilespmem:$0x1B600] =	vst v63  }
0x58: {  	s2 =	rddreg [dreg:$0xe]  }
0x59: {  	[tilespmem:s11], [sflag:$0x3] =	stream.linear.gather [hbm4b:s6+s1], $0x100, $0x38;
	[tilespmem:$0x1B600] =	vst v63  }
0x5a: {  	s6 =	rddreg [dreg:$0xf]  }
0x5b: {  	[tilespmem:s12], [sflag:$0x3] =	stream.linear.gather [hbm4b:s2+s1], $0x100, $0x38;
	[tilespmem:$0x1B600] =	vst v63  }
0x5c: {  	s2 =	rddreg [dreg:$0x17]  }
0x5d: {  	[tilespmem:s13], [sflag:$0x3] =	stream.linear.gather [hbm4b:s6+s1], $0x100, $0x38;
	[tilespmem:$0x1B600] =	vst v63  }
0x5e: {  	s6 =	rddreg [dreg:$0x19]  }
0x5f: {  	[tilespmem:s14], [sflag:$0x3] =	stream.linear.gather [hbm4b:s2+s1], $0x100, $0x38;
	[tilespmem:$0x1B600] =	vst v63  }
0x60: {  	s2 =	rddreg [dreg:$0x1a]  }
0x61: {  	[tilespmem:s15], [sflag:$0x3] =	stream.linear.gather [hbm4b:s6+s1], $0x100, $0x38;
	[tilespmem:$0x1B600] =	vst v63  }
0x62: {  	s6 =	rddreg [dreg:$0x1b]  }
0x63: {  	[tilespmem:s16], [sflag:$0x3] =	stream.linear.gather [hbm4b:s2+s1], $0x100, $0x38;
	[tilespmem:$0x1B600] =	vst v63  }
0x64: {  	s2 =	rddreg [dreg:$0x1c]  }
0x65: {  	[tilespmem:s17], [sflag:$0x3] =	stream.linear.gather [hbm4b:s6+s1], $0x100, $0x38;
	[tilespmem:$0x1B600] =	vst v63  }
0x66: {  	s6 =	rddreg [dreg:$0x1d]  }
0x67: {  	[tilespmem:s30], [sflag:$0x3] =	stream.linear.gather [hbm4b:s2+s1], $0x100, $0x38;
	[tilespmem:$0x1B600] =	vst v63  }
0x68: {  	s2 =	rddreg [dreg:$0x1e]  }
0x69: {  	[tilespmem:s18], [sflag:$0x3] =	stream.linear.gather [hbm4b:s6+s1], $0x100, $0x38;
	[tilespmem:$0x1B600] =	vst v63  }
0x6a: {  	s6 =	rddreg [dreg:$0x1f]  }
0x6b: {  	[tilespmem:s31], [sflag:$0x3] =	stream.linear.gather [hbm4b:s2+s1], $0x100, $0x38;
	[tilespmem:$0x1B600] =	vst v63  }
0x6c: {  	s2 =	sld [smem:$0x7E9]  }
0x6d: {  	[tilespmem:s19], [sflag:$0x3] =	stream.linear.gather [hbm4b:s6+s1], $0x100, $0x38;
	[tilespmem:$0x1B600] =	vst v63  }
0x6e: {  	s6 =	sld [smem:$0x7EA]  }
0x6f: {  	[tilespmem:s20], [sflag:$0x3] =	stream.linear.gather [hbm4b:s2+s1], $0x100, $0x38;
	[tilespmem:$0x1B600] =	vst v63  }
0x70: {  	s0 =	simm.s32 $0x0;
	s2 =	simm.s32 $0x200  }
0x71: {  	[tilespmem:s21], [sflag:$0x3] =	stream.linear.gather [hbm4b:s6+s1], $0x100, $0x38;
	[tilespmem:$0x1B600] =	vst v63  }
.LBB2_2:
0x72: {  	p0 =	sne.s32 s2, $0x1FE00;
	[tilespmem:s0+$0x11630] =	vst v0;
	s6 =	smov.u32 s2;
	s2 =	sadd.s32 $0x200, s2  }
.Ltmp0:
0x73: {  	[tilespmem:s0+$0x11620] =	vst v0;
	(pc) =	sbr.rel @p0 .LBB2_2-.Ltmp0, $3  }
0x74: {  	[tilespmem:s0+$0x11600] =	vst v0  }
0x75: {  	[tilespmem:s0+$0x11610] =	vst v0;
	_ =	sdelay $0x1  }
0x76: {  	s0 =	sshra.s32 s6, $0x2  }
0x77: {  	[tilespmem:s0+$0x11630] =	vst v0  }
0x78: {  	[tilespmem:s0+$0x11620] =	vst v0  }
0x79: {  	[tilespmem:s0+$0x11600] =	vst v0  }
0x7a: {  	[tilespmem:s0+$0x11610] =	vst v0  }
0x7b: {  	_ =	swait.ge [sflag:s22], $0x100  }
0x7c: {  	[sflag:s22] =	ssyncset.done $0x0  }
0x7d: {  	[sflag:s22] =	ssyncadd.s32 $0xFFFFFF00  }
0x7e: {  	_ =	swait.ge [sflag:s22], $0x100  }
0x7f: {  	[sflag:s22] =	ssyncset.done $0x0  }
0x80: {  	[sflag:s22] =	ssyncadd.s32 $0xFFFFFF00  }
0x81: {  	_ =	swait.ge [sflag:s22], $0x100  }
0x82: {  	[sflag:s22] =	ssyncset.done $0x0  }
0x83: {  	[sflag:s22] =	ssyncadd.s32 $0xFFFFFF00  }
0x84: {  	_ =	swait.ge [sflag:s22], $0x100  }
0x85: {  	[sflag:s22] =	ssyncset.done $0x0  }
0x86: {  	[sflag:s22] =	ssyncadd.s32 $0xFFFFFF00  }
0x87: {  	_ =	swait.ge [sflag:s22], $0x100  }
0x88: {  	[sflag:s22] =	ssyncset.done $0x0  }
0x89: {  	[sflag:s22] =	ssyncadd.s32 $0xFFFFFF00  }
0x8a: {  	_ =	swait.ge [sflag:s22], $0x100  }
0x8b: {  	[sflag:s22] =	ssyncset.done $0x0  }
0x8c: {  	[sflag:s22] =	ssyncadd.s32 $0xFFFFFF00  }
0x8d: {  	_ =	swait.ge [sflag:s22], $0x100  }
0x8e: {  	[sflag:s22] =	ssyncset.done $0x0  }
0x8f: {  	[sflag:s22] =	ssyncadd.s32 $0xFFFFFF00  }
0x90: {  	_ =	swait.ge [sflag:s22], $0x100  }
0x91: {  	[sflag:s22] =	ssyncset.done $0x0  }
0x92: {  	[sflag:s22] =	ssyncadd.s32 $0xFFFFFF00  }
0x93: {  	_ =	swait.ge [sflag:s22], $0x100  }
0x94: {  	[sflag:s22] =	ssyncset.done $0x0  }
0x95: {  	[sflag:s22] =	ssyncadd.s32 $0xFFFFFF00  }
0x96: {  	_ =	swait.ge [sflag:s22], $0x100  }
0x97: {  	[sflag:s22] =	ssyncset.done $0x0  }
0x98: {  	[sflag:s22] =	ssyncadd.s32 $0xFFFFFF00  }
0x99: {  	_ =	swait.ge [sflag:s22], $0x100  }
0x9a: {  	[sflag:s22] =	ssyncset.done $0x0  }
0x9b: {  	[sflag:s22] =	ssyncadd.s32 $0xFFFFFF00  }
0x9c: {  	_ =	swait.ge [sflag:s22], $0x100  }
0x9d: {  	[sflag:s22] =	ssyncset.done $0x0  }
0x9e: {  	[sflag:s22] =	ssyncadd.s32 $0xFFFFFF00  }
0x9f: {  	_ =	swait.ge [sflag:s22], $0x100  }
0xa0: {  	[sflag:s22] =	ssyncset.done $0x0  }
0xa1: {  	[sflag:s22] =	ssyncadd.s32 $0xFFFFFF00  }
0xa2: {  	_ =	swait.ge [sflag:s22], $0x100  }
0xa3: {  	[sflag:s22] =	ssyncset.done $0x0  }
0xa4: {  	[sflag:s22] =	ssyncadd.s32 $0xFFFFFF00  }
0xa5: {  	_ =	swait.ge [sflag:s22], $0x100  }
0xa6: {  	[sflag:s22] =	ssyncset.done $0x0  }
0xa7: {  	[sflag:s22] =	ssyncadd.s32 $0xFFFFFF00  }
0xa8: {  	_ =	swait.ge [sflag:s22], $0x100  }
0xa9: {  	[sflag:s22] =	ssyncset.done $0x0  }
0xaa: {  	[sflag:s22] =	ssyncadd.s32 $0xFFFFFF00  }
0xab: {  	_ =	swait.ge [sflag:s22], $0x100  }
0xac: {  	[sflag:s22] =	ssyncset.done $0x0  }
0xad: {  	[sflag:s22] =	ssyncadd.s32 $0xFFFFFF00  }
0xae: {  	_ =	swait.ge [sflag:s22], $0x100  }
0xaf: {  	[sflag:s22] =	ssyncset.done $0x0  }
0xb0: {  	[sflag:s22] =	ssyncadd.s32 $0xFFFFFF00  }
0xb1: {  	_ =	swait.ge [sflag:s22], $0x100  }
0xb2: {  	[sflag:s22] =	ssyncset.done $0x0  }
0xb3: {  	[sflag:s22] =	ssyncadd.s32 $0xFFFFFF00  }
0xb4: {  	_ =	swait.ge [sflag:s22], $0x100  }
0xb5: {  	[sflag:s22] =	ssyncset.done $0x0  }
0xb6: {  	[sflag:s22] =	ssyncadd.s32 $0xFFFFFF00  }
0xb7: {  	[tilespmem:s23], [sflag:$0x4] =	stream.indirect.gather.add.f32 [hbm:s4], $0x80, s7, s29, $0xb8;
	[tilespmem:$0x1B600] =	vst v63  }
0xb8: {  	s7 =	simm.s32 $0x300  }
0xb9: {  	[tilespmem:s23], [sflag:$0x4] =	stream.indirect.gather.add.f32 [hbm:s4], $0x80, s7, s29, $0xb8;
	[tilespmem:$0x1B600] =	vst v63  }
0xba: {  	s2 =	simm.s32 $0x400  }
0xbb: {  	[tilespmem:s23], [sflag:$0x4] =	stream.indirect.gather.add.f32 [hbm:s4], $0x80, s2, s29, $0xb8;
	[tilespmem:$0x1B600] =	vst v63  }
0xbc: {  	s6 =	simm.s32 $0x500  }
0xbd: {  	[tilespmem:s23], [sflag:$0x4] =	stream.indirect.gather.add.f32 [hbm:s4], $0x80, s6, s29, $0xb8;
	[tilespmem:$0x1B600] =	vst v63  }
0xbe: {  	_ = 	snop  }
0xbf: {  	[tilespmem:s23], [sflag:$0x4] =	stream.indirect.gather.add.f32 [hbm:s4], $0x80, s8, s29, $0xb8;
	[tilespmem:$0x1B600] =	vst v63  }
0xc0: {  	_ = 	snop  }
0xc1: {  	[tilespmem:s23], [sflag:$0x4] =	stream.indirect.gather.add.f32 [hbm:s4], $0x80, s9, s29, $0xb8;
	[tilespmem:$0x1B600] =	vst v63  }
0xc2: {  	_ = 	snop  }
0xc3: {  	[tilespmem:s23], [sflag:$0x4] =	stream.indirect.gather.add.f32 [hbm:s4], $0x80, s10, s29, $0xb8;
	[tilespmem:$0x1B600] =	vst v63  }
0xc4: {  	_ = 	snop  }
0xc5: {  	[tilespmem:s23], [sflag:$0x4] =	stream.indirect.gather.add.f32 [hbm:s4], $0x80, s11, s29, $0xb8;
	[tilespmem:$0x1B600] =	vst v63  }
0xc6: {  	_ = 	snop  }
0xc7: {  	[tilespmem:s23], [sflag:$0x4] =	stream.indirect.gather.add.f32 [hbm:s4], $0x80, s12, s29, $0xb8;
	[tilespmem:$0x1B600] =	vst v63  }
0xc8: {  	_ = 	snop  }
0xc9: {  	[tilespmem:s23], [sflag:$0x4] =	stream.indirect.gather.add.f32 [hbm:s4], $0x80, s13, s29, $0xb8;
	[tilespmem:$0x1B600] =	vst v63  }
0xca: {  	_ = 	snop  }
0xcb: {  	[tilespmem:s23], [sflag:$0x4] =	stream.indirect.gather.add.f32 [hbm:s4], $0x80, s14, s29, $0xb8;
	[tilespmem:$0x1B600] =	vst v63  }
0xcc: {  	_ = 	snop  }
0xcd: {  	[tilespmem:s23], [sflag:$0x4] =	stream.indirect.gather.add.f32 [hbm:s4], $0x80, s15, s29, $0xb8;
	[tilespmem:$0x1B600] =	vst v63  }
0xce: {  	_ = 	snop  }
0xcf: {  	[tilespmem:s23], [sflag:$0x4] =	stream.indirect.gather.add.f32 [hbm:s4], $0x80, s16, s29, $0xb8;
	[tilespmem:$0x1B600] =	vst v63  }
0xd0: {  	_ = 	snop  }
0xd1: {  	[tilespmem:s23], [sflag:$0x4] =	stream.indirect.gather.add.f32 [hbm:s4], $0x80, s17, s29, $0xb8;
	[tilespmem:$0x1B600] =	vst v63  }
0xd2: {  	_ = 	snop  }
0xd3: {  	[tilespmem:s23], [sflag:$0x4] =	stream.indirect.gather.add.f32 [hbm:s4], $0x80, s30, s29, $0xb8;
	[tilespmem:$0x1B600] =	vst v63  }
0xd4: {  	_ = 	snop  }
0xd5: {  	[tilespmem:s23], [sflag:$0x4] =	stream.indirect.gather.add.f32 [hbm:s4], $0x80, s18, s29, $0xb8;
	[tilespmem:$0x1B600] =	vst v63  }
0xd6: {  	_ = 	snop  }
0xd7: {  	[tilespmem:s23], [sflag:$0x4] =	stream.indirect.gather.add.f32 [hbm:s4], $0x80, s31, s29, $0xb8;
	[tilespmem:$0x1B600] =	vst v63  }
0xd8: {  	_ = 	snop  }
0xd9: {  	[tilespmem:s23], [sflag:$0x4] =	stream.indirect.gather.add.f32 [hbm:s4], $0x80, s19, s29, $0xb8;
	[tilespmem:$0x1B600] =	vst v63  }
0xda: {  	_ = 	snop  }
0xdb: {  	[tilespmem:s23], [sflag:$0x4] =	stream.indirect.gather.add.f32 [hbm:s4], $0x80, s20, s29, $0xb8;
	[tilespmem:$0x1B600] =	vst v63  }
0xdc: {  	_ = 	snop  }
0xdd: {  	[tilespmem:s23], [sflag:$0x4] =	stream.indirect.gather.add.f32 [hbm:s4], $0x80, s21, s29, $0xb8;
	[tilespmem:$0x1B600] =	vst v63  }
0xde: {  	_ =	swait.ge [sflag:s24], $0x8000  }
0xdf: {  	[sflag:s24] =	ssyncset.done $0x0  }
0xe0: {  	[sflag:s24] =	ssyncadd.s32 $0xFFFF8000  }
0xe1: {  	_ =	swait.ge [sflag:s24], $0x8000  }
0xe2: {  	[sflag:s24] =	ssyncset.done $0x0  }
0xe3: {  	[sflag:s24] =	ssyncadd.s32 $0xFFFF8000  }
0xe4: {  	_ =	swait.ge [sflag:s24], $0x8000  }
0xe5: {  	[sflag:s24] =	ssyncset.done $0x0  }
0xe6: {  	[sflag:s24] =	ssyncadd.s32 $0xFFFF8000  }
0xe7: {  	_ =	swait.ge [sflag:s24], $0x8000  }
0xe8: {  	[sflag:s24] =	ssyncset.done $0x0  }
0xe9: {  	[sflag:s24] =	ssyncadd.s32 $0xFFFF8000  }
0xea: {  	_ =	swait.ge [sflag:s24], $0x8000  }
0xeb: {  	[sflag:s24] =	ssyncset.done $0x0  }
0xec: {  	[sflag:s24] =	ssyncadd.s32 $0xFFFF8000  }
0xed: {  	_ =	swait.ge [sflag:s24], $0x8000  }
0xee: {  	[sflag:s24] =	ssyncset.done $0x0  }
0xef: {  	[sflag:s24] =	ssyncadd.s32 $0xFFFF8000  }
0xf0: {  	_ =	swait.ge [sflag:s24], $0x8000  }
0xf1: {  	[sflag:s24] =	ssyncset.done $0x0  }
0xf2: {  	[sflag:s24] =	ssyncadd.s32 $0xFFFF8000  }
0xf3: {  	_ =	swait.ge [sflag:s24], $0x8000  }
0xf4: {  	[sflag:s24] =	ssyncset.done $0x0  }
0xf5: {  	[sflag:s24] =	ssyncadd.s32 $0xFFFF8000  }
0xf6: {  	_ =	swait.ge [sflag:s24], $0x8000  }
0xf7: {  	[sflag:s24] =	ssyncset.done $0x0  }
0xf8: {  	[sflag:s24] =	ssyncadd.s32 $0xFFFF8000  }
0xf9: {  	_ =	swait.ge [sflag:s24], $0x8000  }
0xfa: {  	[sflag:s24] =	ssyncset.done $0x0  }
0xfb: {  	[sflag:s24] =	ssyncadd.s32 $0xFFFF8000  }
0xfc: {  	_ =	swait.ge [sflag:s24], $0x8000  }
0xfd: {  	[sflag:s24] =	ssyncset.done $0x0  }
0xfe: {  	[sflag:s24] =	ssyncadd.s32 $0xFFFF8000  }
0xff: {  	_ =	swait.ge [sflag:s24], $0x8000  }
0x100: {  	[sflag:s24] =	ssyncset.done $0x0  }
0x101: {  	[sflag:s24] =	ssyncadd.s32 $0xFFFF8000  }
0x102: {  	_ =	swait.ge [sflag:s24], $0x8000  }
0x103: {  	[sflag:s24] =	ssyncset.done $0x0  }
0x104: {  	[sflag:s24] =	ssyncadd.s32 $0xFFFF8000  }
0x105: {  	_ =	swait.ge [sflag:s24], $0x8000  }
0x106: {  	[sflag:s24] =	ssyncset.done $0x0  }
0x107: {  	[sflag:s24] =	ssyncadd.s32 $0xFFFF8000  }
0x108: {  	_ =	swait.ge [sflag:s24], $0x8000  }
0x109: {  	[sflag:s24] =	ssyncset.done $0x0  }
0x10a: {  	[sflag:s24] =	ssyncadd.s32 $0xFFFF8000  }
0x10b: {  	_ =	swait.ge [sflag:s24], $0x8000  }
0x10c: {  	[sflag:s24] =	ssyncset.done $0x0  }
0x10d: {  	[sflag:s24] =	ssyncadd.s32 $0xFFFF8000  }
0x10e: {  	_ =	swait.ge [sflag:s24], $0x8000  }
0x10f: {  	[sflag:s24] =	ssyncset.done $0x0  }
0x110: {  	[sflag:s24] =	ssyncadd.s32 $0xFFFF8000  }
0x111: {  	_ =	swait.ge [sflag:s24], $0x8000  }
0x112: {  	[sflag:s24] =	ssyncset.done $0x0  }
0x113: {  	[sflag:s24] =	ssyncadd.s32 $0xFFFF8000  }
0x114: {  	_ =	swait.ge [sflag:s24], $0x8000  }
0x115: {  	[sflag:s24] =	ssyncset.done $0x0  }
0x116: {  	[sflag:s24] =	ssyncadd.s32 $0xFFFF8000  }
0x117: {  	_ =	swait.ge [sflag:s24], $0x8000  }
0x118: {  	[sflag:s24] =	ssyncset.done $0x0  }
0x119: {  	[sflag:s24] =	ssyncadd.s32 $0xFFFF8000  }
0x11a: {  	_ =	swait.ge [sflag:s25], $0x8000  }
0x11b: {  	[sflag:s25] =	ssyncset.done $0x0  }
0x11c: {  	[sflag:s25] =	ssyncadd.s32 $0xFFFF8000  }
0x11d: {  	_ =	swait.ge [sflag:s26], $0x8000  }
0x11e: {  	[sflag:s26] =	ssyncset.done $0x0  }
0x11f: {  	s7 =	simm.s32 $0x0;
	[sflag:s26] =	ssyncadd.s32 $0xFFFF8000  }
0x120: {  	v1 =	vld [tilespmem:s7+$0x9630]  }
0x121: {  	v2 =	vld [tilespmem:s7+$0x9620]  }
0x122: {  	v3 =	vld [tilespmem:s7+$0x11600]  }
0x123: {  	v4 =	vld [tilespmem:s7+$0x9600]  }
0x124: {  	v5 =	vld [tilespmem:s7+$0x9610]  }
0x125: {  	v6 =	vld [tilespmem:s7+$0x1600]  }
0x126: {  	v7 =	vld [tilespmem:s7+$0x1610]  }
0x127: {  	v8 =	vld [tilespmem:s7+$0x11610]  }
0x128: {  	v9 =	vld [tilespmem:s7+$0x1620]  }
0x129: {  	v10 =	vld [tilespmem:s7+$0x11620]  }
0x12a: {  	v11 =	vld [tilespmem:s7+$0x1630]  }
0x12b: {  	v12 =	vld [tilespmem:s7+$0x11630];
	v4 =	vmul.f32 v4, v6;
	v5 =	vmul.f32 v5, v7  }
0x12c: {  	v3 =	vmul.f32 v3, v6;
	v6 =	vmul.f32 v8, v7  }
0x12d: {  	v2 =	vmul.f32 v2, v9;
	v4 =	vadd.f32 v5, v4  }
0x12e: {  	v3 =	vadd.f32 v6, v3;
	v5 =	vmul.f32 v10, v9  }
0x12f: {  	v1 =	vmul.f32 v1, v11;
	v2 =	vadd.f32 v2, v4  }
0x130: {  	v3 =	vadd.f32 v5, v3;
	v4 =	vmul.f32 v12, v11  }
0x131: {  	v1 =	vadd.f32 v1, v2  }
0x132: {  	s0 =	simm.s32 $0x19600;
	v2 =	vadd.f32 v4, v3  }
0x133: {  	s2 =	simm.s32 $0x1A600;
	[tilespmem:s0+$0x0] =	vst v1  }
0x134: {  	s7 =	simm.s32 $0x80;
	[tilespmem:s2+$0x0] =	vst v2  }
0x135: {  	v1 =	vld [tilespmem:s7+$0x9630]  }
0x136: {  	v2 =	vld [tilespmem:s7+$0x9620]  }
0x137: {  	v3 =	vld [tilespmem:s7+$0x11600]  }
0x138: {  	v4 =	vld [tilespmem:s7+$0x9600]  }
0x139: {  	v6 =	vld [tilespmem:s7+$0x9610]  }
0x13a: {  	v5 =	vld [tilespmem:s7+$0x1600]  }
0x13b: {  	s6 =	simm.s32 $0x400;
	v7 =	vld [tilespmem:s7+$0x1610]  }
.LBB2_4:
0x13c: {  	p0 =	sne.s32 s6, $0x1FE00;
	v8 =	vld [tilespmem:s7+$0x11610]  }
0x13d: {  	v9 =	vld [tilespmem:s7+$0x1620]  }
0x13e: {  	v10 =	vld [tilespmem:s7+$0x11620]  }
0x13f: {  	v11 =	vld [tilespmem:s7+$0x1630]  }
0x140: {  	v4 =	vmul.f32 v4, v5;
	v12 =	vld [tilespmem:s7+$0x11630];
	v6 =	vmul.f32 v6, v7  }
0x141: {  	v3 =	vmul.f32 v3, v5;
	v5 =	vmul.f32 v8, v7  }
0x142: {  	v4 =	vadd.f32 v6, v4;
	v2 =	vmul.f32 v2, v9  }
0x143: {  	v3 =	vadd.f32 v5, v3;
	v5 =	vmul.f32 v10, v9  }
0x144: {  	v2 =	vadd.f32 v2, v4;
	v1 =	vmul.f32 v1, v11  }
0x145: {  	v3 =	vadd.f32 v5, v3;
	v4 =	vmul.f32 v12, v11  }
0x146: {  	v1 =	vadd.f32 v1, v2  }
0x147: {  	s0 =	sadd.s32 $0x10, s0;
	v2 =	vadd.f32 v4, v3  }
0x148: {  	s2 =	sadd.s32 $0x10, s2;
	[tilespmem:s0+$0x0] =	vst v1  }
0x149: {  	s7 =	sshra.s32 s6, $0x2;
	[tilespmem:s2+$0x0] =	vst v2  }
0x14a: {  	v1 =	vld [tilespmem:s7+$0x9630]  }
0x14b: {  	v2 =	vld [tilespmem:s7+$0x9620]  }
.Ltmp1:
0x14c: {  	v3 =	vld [tilespmem:s7+$0x11600];
	(pc) =	sbr.rel @p0 .LBB2_4-.Ltmp1, $4  }
0x14d: {  	v4 =	vld [tilespmem:s7+$0x9600]  }
0x14e: {  	v6 =	vld [tilespmem:s7+$0x9610]  }
0x14f: {  	v5 =	vld [tilespmem:s7+$0x1600]  }
0x150: {  	s6 =	sadd.s32 $0x200, s6;
	v7 =	vld [tilespmem:s7+$0x1610]  }
0x151: {  	v8 =	vld [tilespmem:s7+$0x11610]  }
0x152: {  	v9 =	vld [tilespmem:s7+$0x1620]  }
0x153: {  	v10 =	vld [tilespmem:s7+$0x11620]  }
0x154: {  	v11 =	vld [tilespmem:s7+$0x1630]  }
0x155: {  	v12 =	vld [tilespmem:s7+$0x11630];
	v4 =	vmul.f32 v4, v5;
	v6 =	vmul.f32 v6, v7  }
0x156: {  	v3 =	vmul.f32 v3, v5;
	v61 =	vmul.f32 v8, v7  }
0x157: {  	v2 =	vmul.f32 v2, v9;
	v4 =	vadd.f32 v6, v4  }
0x158: {  	v62 =	vmul.f32 v10, v9;
	v3 =	vadd.f32 v61, v3  }
0x159: {  	v1 =	vmul.f32 v1, v11;
	v2 =	vadd.f32 v2, v4  }
0x15a: {  	v63 =	vmul.f32 v12, v11;
	v3 =	vadd.f32 v62, v3  }
0x15b: {  	v1 =	vadd.f32 v1, v2  }
0x15c: {  	s0 =	sadd.s32 $0x10, s0;
	v2 =	vadd.f32 v63, v3  }
0x15d: {  	s6 =	sadd.s32 $0x10, s2;
	[tilespmem:s0+$0x0] =	vst v1  }
0x15e: {  	s7 =	rddreg [dreg:$0x13];
	s0 =	simm.s32 $0x0;
	[tilespmem:s6+$0x0] =	vst v2;
	s6 =	simm.s32 $0x19600  }
0x15f: {  	[hbm4b:s7+s0] =	stream.linear.scatter [tilespmem:s6], [sflag:$0x5], $0x1000, $0x38;
	[tilespmem:$0x1B600] =	vst v63  }
0x160: {  	_ =	swait.ge [sflag:s28], $0x1000  }
0x161: {  	[sflag:s28] =	ssyncset.done $0x0  }
0x162: {  	s7 =	simm.s32 $0x1A600;
	s6 =	rddreg [dreg:$0x14];
	[sflag:s28] =	ssyncadd.s32 $0xFFFFF000  }
0x163: {  	[hbm4b:s6+s0] =	stream.linear.scatter [tilespmem:s7], [sflag:$0x5], $0x1000, $0x38;
	[tilespmem:$0x1B600] =	vst v63  }
0x164: {  	_ =	swait.ge [sflag:s28], $0x1000  }
0x165: {  	[sflag:s28] =	ssyncset.done $0x0  }
0x166: {  	s6 =	rddreg [dreg:$0x10];
	[sflag:s28] =	ssyncadd.s32 $0xFFFFF000  }
0x167: {  	[tilespmem:s0], [sflag:$0x5] =	stream.linear.gather [hbm4b:s6+s0], $0x100, $0x38;
	[tilespmem:$0x1B600] =	vst v63  }
0x168: {  	_ =	swait.ge [sflag:s28], $0x100  }
0x169: {  	[sflag:s28] =	ssyncset.done $0x0  }
0x16a: {  	s7 =	rddreg [dreg:$0x11];
	[sflag:s28] =	ssyncadd.s32 $0xFFFFFF00  }
0x16b: {  	[tilespmem:s29], [sflag:$0x5] =	stream.linear.gather [hbm4b:s7+s0], $0x100, $0x38;
	[tilespmem:$0x1B600] =	vst v63  }
0x16c: {  	_ =	swait.ge [sflag:s28], $0x100  }
0x16d: {  	[sflag:s28] =	ssyncset.done $0x0  }
0x16e: {  	s7 =	simm.s32 $0x1600;
	s6 =	rddreg [dreg:$0x4];
	[sflag:s28] =	ssyncadd.s32 $0xFFFFFF00  }
0x16f: {  	[tilespmem:s7], [sflag:$0x1] =	stream.indirect.gather [hbm4b:s6+s29], $0x80, s0, s29, $0xb8;
	[tilespmem:$0x1B600] =	vst v63  }
0x170: {  	s2 =	sld [smem:$0x7EB];
	s7 =	simm.s32 $0x9600  }
0x171: {  	[tilespmem:s7], [sflag:$0x2] =	stream.indirect.gather [hbm4b:s4+s29], $0x80, s29, s29, $0xb8;
	[tilespmem:$0x1B600] =	vst v63  }
0x172: {  	s6 =	rddreg [dreg:$0x12];
	s7 =	simm.s32 $0x200  }
0x173: {  	[tilespmem:s7], [sflag:$0x3] =	stream.linear.gather [hbm4b:s6+s0], $0x100, $0x38;
	[tilespmem:$0x1B600] =	vst v63  }
0x174: {  	s6 =	simm.s32 $0x300  }
0x175: {  	[tilespmem:s6], [sflag:$0x3] =	stream.linear.gather [hbm4b:s2+s0], $0x100, $0x38;
	[tilespmem:$0x1B600] =	vst v63  }
0x176: {  	s2 =	sld [smem:$0x7EC];
	_ =	sdelay $0x1  }
0x177: {  	s6 =	simm.s32 $0x400  }
0x178: {  	[tilespmem:s6], [sflag:$0x3] =	stream.linear.gather [hbm4b:s2+s0], $0x100, $0x38;
	[tilespmem:$0x1B600] =	vst v63  }
0x179: {  	s2 =	sld [smem:$0x7ED];
	_ =	sdelay $0x1  }
0x17a: {  	s6 =	simm.s32 $0x500  }
0x17b: {  	[tilespmem:s6], [sflag:$0x3] =	stream.linear.gather [hbm4b:s2+s0], $0x100, $0x38;
	[tilespmem:$0x1B600] =	vst v63  }
0x17c: {  	s6 =	sld [smem:$0x7EE];
	_ =	sdelay $0x2  }
0x17d: {  	[tilespmem:s8], [sflag:$0x3] =	stream.linear.gather [hbm4b:s6+s0], $0x100, $0x38;
	[tilespmem:$0x1B600] =	vst v63  }
0x17e: {  	s6 =	sld [smem:$0x7EF];
	_ =	sdelay $0x2  }
0x17f: {  	[tilespmem:s9], [sflag:$0x3] =	stream.linear.gather [hbm4b:s6+s0], $0x100, $0x38;
	[tilespmem:$0x1B600] =	vst v63  }
0x180: {  	s6 =	sld [smem:$0x7F0];
	_ =	sdelay $0x2  }
0x181: {  	[tilespmem:s10], [sflag:$0x3] =	stream.linear.gather [hbm4b:s6+s0], $0x100, $0x38;
	[tilespmem:$0x1B600] =	vst v63  }
0x182: {  	s6 =	sld [smem:$0x7F1];
	_ =	sdelay $0x2  }
0x183: {  	[tilespmem:s11], [sflag:$0x3] =	stream.linear.gather [hbm4b:s6+s0], $0x100, $0x38;
	[tilespmem:$0x1B600] =	vst v63  }
0x184: {  	s6 =	sld [smem:$0x7F2];
	_ =	sdelay $0x2  }
0x185: {  	[tilespmem:s12], [sflag:$0x3] =	stream.linear.gather [hbm4b:s6+s0], $0x100, $0x38;
	[tilespmem:$0x1B600] =	vst v63  }
0x186: {  	s6 =	sld [smem:$0x7F3];
	_ =	sdelay $0x2  }
0x187: {  	[tilespmem:s13], [sflag:$0x3] =	stream.linear.gather [hbm4b:s6+s0], $0x100, $0x38;
	[tilespmem:$0x1B600] =	vst v63  }
0x188: {  	s6 =	sld [smem:$0x7F4];
	_ =	sdelay $0x2  }
0x189: {  	[tilespmem:s14], [sflag:$0x3] =	stream.linear.gather [hbm4b:s6+s0], $0x100, $0x38;
	[tilespmem:$0x1B600] =	vst v63  }
0x18a: {  	s6 =	sld [smem:$0x7F5];
	_ =	sdelay $0x2  }
0x18b: {  	[tilespmem:s15], [sflag:$0x3] =	stream.linear.gather [hbm4b:s6+s0], $0x100, $0x38;
	[tilespmem:$0x1B600] =	vst v63  }
0x18c: {  	s6 =	sld [smem:$0x7F6];
	_ =	sdelay $0x2  }
0x18d: {  	[tilespmem:s16], [sflag:$0x3] =	stream.linear.gather [hbm4b:s6+s0], $0x100, $0x38;
	[tilespmem:$0x1B600] =	vst v63  }
0x18e: {  	s6 =	sld [smem:$0x7F7];
	_ =	sdelay $0x2  }
0x18f: {  	[tilespmem:s17], [sflag:$0x3] =	stream.linear.gather [hbm4b:s6+s0], $0x100, $0x38;
	[tilespmem:$0x1B600] =	vst v63  }
0x190: {  	s6 =	sld [smem:$0x7F8];
	_ =	sdelay $0x2  }
0x191: {  	[tilespmem:s30], [sflag:$0x3] =	stream.linear.gather [hbm4b:s6+s0], $0x100, $0x38;
	[tilespmem:$0x1B600] =	vst v63  }
0x192: {  	s6 =	sld [smem:$0x7F9];
	_ =	sdelay $0x2  }
0x193: {  	[tilespmem:s18], [sflag:$0x3] =	stream.linear.gather [hbm4b:s6+s0], $0x100, $0x38;
	[tilespmem:$0x1B600] =	vst v63  }
0x194: {  	s6 =	sld [smem:$0x7FA];
	_ =	sdelay $0x2  }
0x195: {  	[tilespmem:s31], [sflag:$0x3] =	stream.linear.gather [hbm4b:s6+s0], $0x100, $0x38;
	[tilespmem:$0x1B600] =	vst v63  }
0x196: {  	s6 =	sld [smem:$0x7FB];
	_ =	sdelay $0x2  }
0x197: {  	[tilespmem:s19], [sflag:$0x3] =	stream.linear.gather [hbm4b:s6+s0], $0x100, $0x38;
	[tilespmem:$0x1B600] =	vst v63  }
0x198: {  	s6 =	sld [smem:$0x7FC];
	_ =	sdelay $0x2  }
0x199: {  	[tilespmem:s20], [sflag:$0x3] =	stream.linear.gather [hbm4b:s6+s0], $0x100, $0x38;
	[tilespmem:$0x1B600] =	vst v63  }
0x19a: {  	s6 =	sld [smem:$0x7FD];
	_ =	sdelay $0x2  }
0x19b: {  	[tilespmem:s21], [sflag:$0x3] =	stream.linear.gather [hbm4b:s6+s0], $0x100, $0x38;
	[tilespmem:$0x1B600] =	vst v63  }
0x19c: {  	s2 =	simm.s32 $0x200;
	s0 =	simm.s32 $0x0  }
.LBB2_6:
0x19d: {  	p0 =	sne.s32 s2, $0x1FE00;
	[tilespmem:s0+$0x11630] =	vst v0;
	s6 =	smov.u32 s2;
	s2 =	sadd.s32 $0x200, s2  }
.Ltmp2:
0x19e: {  	[tilespmem:s0+$0x11620] =	vst v0;
	(pc) =	sbr.rel @p0 .LBB2_6-.Ltmp2, $3  }
0x19f: {  	[tilespmem:s0+$0x11600] =	vst v0  }
0x1a0: {  	[tilespmem:s0+$0x11610] =	vst v0;
	_ =	sdelay $0x1  }
0x1a1: {  	s0 =	sshra.s32 s6, $0x2  }
0x1a2: {  	[tilespmem:s0+$0x11630] =	vst v0  }
0x1a3: {  	[tilespmem:s0+$0x11620] =	vst v0  }
0x1a4: {  	[tilespmem:s0+$0x11600] =	vst v0  }
0x1a5: {  	[tilespmem:s0+$0x11610] =	vst v0  }
0x1a6: {  	_ =	swait.ge [sflag:s22], $0x100  }
0x1a7: {  	[sflag:s22] =	ssyncset.done $0x0  }
0x1a8: {  	[sflag:s22] =	ssyncadd.s32 $0xFFFFFF00  }
0x1a9: {  	_ =	swait.ge [sflag:s22], $0x100  }
0x1aa: {  	[sflag:s22] =	ssyncset.done $0x0  }
0x1ab: {  	[sflag:s22] =	ssyncadd.s32 $0xFFFFFF00  }
0x1ac: {  	_ =	swait.ge [sflag:s22], $0x100  }
0x1ad: {  	[sflag:s22] =	ssyncset.done $0x0  }
0x1ae: {  	[sflag:s22] =	ssyncadd.s32 $0xFFFFFF00  }
0x1af: {  	_ =	swait.ge [sflag:s22], $0x100  }
0x1b0: {  	[sflag:s22] =	ssyncset.done $0x0  }
0x1b1: {  	[sflag:s22] =	ssyncadd.s32 $0xFFFFFF00  }
0x1b2: {  	_ =	swait.ge [sflag:s22], $0x100  }
0x1b3: {  	[sflag:s22] =	ssyncset.done $0x0  }
0x1b4: {  	[sflag:s22] =	ssyncadd.s32 $0xFFFFFF00  }
0x1b5: {  	_ =	swait.ge [sflag:s22], $0x100  }
0x1b6: {  	[sflag:s22] =	ssyncset.done $0x0  }
0x1b7: {  	[sflag:s22] =	ssyncadd.s32 $0xFFFFFF00  }
0x1b8: {  	_ =	swait.ge [sflag:s22], $0x100  }
0x1b9: {  	[sflag:s22] =	ssyncset.done $0x0  }
0x1ba: {  	[sflag:s22] =	ssyncadd.s32 $0xFFFFFF00  }
0x1bb: {  	_ =	swait.ge [sflag:s22], $0x100  }
0x1bc: {  	[sflag:s22] =	ssyncset.done $0x0  }
0x1bd: {  	[sflag:s22] =	ssyncadd.s32 $0xFFFFFF00  }
0x1be: {  	_ =	swait.ge [sflag:s22], $0x100  }
0x1bf: {  	[sflag:s22] =	ssyncset.done $0x0  }
0x1c0: {  	[sflag:s22] =	ssyncadd.s32 $0xFFFFFF00  }
0x1c1: {  	_ =	swait.ge [sflag:s22], $0x100  }
0x1c2: {  	[sflag:s22] =	ssyncset.done $0x0  }
0x1c3: {  	[sflag:s22] =	ssyncadd.s32 $0xFFFFFF00  }
0x1c4: {  	_ =	swait.ge [sflag:s22], $0x100  }
0x1c5: {  	[sflag:s22] =	ssyncset.done $0x0  }
0x1c6: {  	[sflag:s22] =	ssyncadd.s32 $0xFFFFFF00  }
0x1c7: {  	_ =	swait.ge [sflag:s22], $0x100  }
0x1c8: {  	[sflag:s22] =	ssyncset.done $0x0  }
0x1c9: {  	[sflag:s22] =	ssyncadd.s32 $0xFFFFFF00  }
0x1ca: {  	_ =	swait.ge [sflag:s22], $0x100  }
0x1cb: {  	[sflag:s22] =	ssyncset.done $0x0  }
0x1cc: {  	[sflag:s22] =	ssyncadd.s32 $0xFFFFFF00  }
0x1cd: {  	_ =	swait.ge [sflag:s22], $0x100  }
0x1ce: {  	[sflag:s22] =	ssyncset.done $0x0  }
0x1cf: {  	[sflag:s22] =	ssyncadd.s32 $0xFFFFFF00  }
0x1d0: {  	_ =	swait.ge [sflag:s22], $0x100  }
0x1d1: {  	[sflag:s22] =	ssyncset.done $0x0  }
0x1d2: {  	[sflag:s22] =	ssyncadd.s32 $0xFFFFFF00  }
0x1d3: {  	_ =	swait.ge [sflag:s22], $0x100  }
0x1d4: {  	[sflag:s22] =	ssyncset.done $0x0  }
0x1d5: {  	[sflag:s22] =	ssyncadd.s32 $0xFFFFFF00  }
0x1d6: {  	_ =	swait.ge [sflag:s22], $0x100  }
0x1d7: {  	[sflag:s22] =	ssyncset.done $0x0  }
0x1d8: {  	[sflag:s22] =	ssyncadd.s32 $0xFFFFFF00  }
0x1d9: {  	_ =	swait.ge [sflag:s22], $0x100  }
0x1da: {  	[sflag:s22] =	ssyncset.done $0x0  }
0x1db: {  	[sflag:s22] =	ssyncadd.s32 $0xFFFFFF00  }
0x1dc: {  	_ =	swait.ge [sflag:s22], $0x100  }
0x1dd: {  	[sflag:s22] =	ssyncset.done $0x0  }
0x1de: {  	[sflag:s22] =	ssyncadd.s32 $0xFFFFFF00  }
0x1df: {  	_ =	swait.ge [sflag:s22], $0x100  }
0x1e0: {  	[sflag:s22] =	ssyncset.done $0x0  }
0x1e1: {  	[sflag:s22] =	ssyncadd.s32 $0xFFFFFF00  }
0x1e2: {  	[tilespmem:s23], [sflag:$0x4] =	stream.indirect.gather.add.f32 [hbm:s4], $0x80, s7, s29, $0xb8;
	[tilespmem:$0x1B600] =	vst v63  }
0x1e3: {  	s7 =	simm.s32 $0x300  }
0x1e4: {  	[tilespmem:s23], [sflag:$0x4] =	stream.indirect.gather.add.f32 [hbm:s4], $0x80, s7, s29, $0xb8;
	[tilespmem:$0x1B600] =	vst v63  }
0x1e5: {  	s2 =	simm.s32 $0x400  }
0x1e6: {  	[tilespmem:s23], [sflag:$0x4] =	stream.indirect.gather.add.f32 [hbm:s4], $0x80, s2, s29, $0xb8;
	[tilespmem:$0x1B600] =	vst v63  }
0x1e7: {  	s6 =	simm.s32 $0x500  }
0x1e8: {  	[tilespmem:s23], [sflag:$0x4] =	stream.indirect.gather.add.f32 [hbm:s4], $0x80, s6, s29, $0xb8;
	[tilespmem:$0x1B600] =	vst v63  }
0x1e9: {  	_ = 	snop  }
0x1ea: {  	[tilespmem:s23], [sflag:$0x4] =	stream.indirect.gather.add.f32 [hbm:s4], $0x80, s8, s29, $0xb8;
	[tilespmem:$0x1B600] =	vst v63  }
0x1eb: {  	_ = 	snop  }
0x1ec: {  	[tilespmem:s23], [sflag:$0x4] =	stream.indirect.gather.add.f32 [hbm:s4], $0x80, s9, s29, $0xb8;
	[tilespmem:$0x1B600] =	vst v63  }
0x1ed: {  	_ = 	snop  }
0x1ee: {  	[tilespmem:s23], [sflag:$0x4] =	stream.indirect.gather.add.f32 [hbm:s4], $0x80, s10, s29, $0xb8;
	[tilespmem:$0x1B600] =	vst v63  }
0x1ef: {  	_ = 	snop  }
0x1f0: {  	[tilespmem:s23], [sflag:$0x4] =	stream.indirect.gather.add.f32 [hbm:s4], $0x80, s11, s29, $0xb8;
	[tilespmem:$0x1B600] =	vst v63  }
0x1f1: {  	_ = 	snop  }
0x1f2: {  	[tilespmem:s23], [sflag:$0x4] =	stream.indirect.gather.add.f32 [hbm:s4], $0x80, s12, s29, $0xb8;
	[tilespmem:$0x1B600] =	vst v63  }
0x1f3: {  	_ = 	snop  }
0x1f4: {  	[tilespmem:s23], [sflag:$0x4] =	stream.indirect.gather.add.f32 [hbm:s4], $0x80, s13, s29, $0xb8;
	[tilespmem:$0x1B600] =	vst v63  }
0x1f5: {  	_ = 	snop  }
0x1f6: {  	[tilespmem:s23], [sflag:$0x4] =	stream.indirect.gather.add.f32 [hbm:s4], $0x80, s14, s29, $0xb8;
	[tilespmem:$0x1B600] =	vst v63  }
0x1f7: {  	_ = 	snop  }
0x1f8: {  	[tilespmem:s23], [sflag:$0x4] =	stream.indirect.gather.add.f32 [hbm:s4], $0x80, s15, s29, $0xb8;
	[tilespmem:$0x1B600] =	vst v63  }
0x1f9: {  	_ = 	snop  }
0x1fa: {  	[tilespmem:s23], [sflag:$0x4] =	stream.indirect.gather.add.f32 [hbm:s4], $0x80, s16, s29, $0xb8;
	[tilespmem:$0x1B600] =	vst v63  }
0x1fb: {  	_ = 	snop  }
0x1fc: {  	[tilespmem:s23], [sflag:$0x4] =	stream.indirect.gather.add.f32 [hbm:s4], $0x80, s17, s29, $0xb8;
	[tilespmem:$0x1B600] =	vst v63  }
0x1fd: {  	_ = 	snop  }
0x1fe: {  	[tilespmem:s23], [sflag:$0x4] =	stream.indirect.gather.add.f32 [hbm:s4], $0x80, s30, s29, $0xb8;
	[tilespmem:$0x1B600] =	vst v63  }
0x1ff: {  	_ = 	snop  }
0x200: {  	[tilespmem:s23], [sflag:$0x4] =	stream.indirect.gather.add.f32 [hbm:s4], $0x80, s18, s29, $0xb8;
	[tilespmem:$0x1B600] =	vst v63  }
0x201: {  	_ = 	snop  }
0x202: {  	[tilespmem:s23], [sflag:$0x4] =	stream.indirect.gather.add.f32 [hbm:s4], $0x80, s31, s29, $0xb8;
	[tilespmem:$0x1B600] =	vst v63  }
0x203: {  	_ = 	snop  }
0x204: {  	[tilespmem:s23], [sflag:$0x4] =	stream.indirect.gather.add.f32 [hbm:s4], $0x80, s19, s29, $0xb8;
	[tilespmem:$0x1B600] =	vst v63  }
0x205: {  	_ = 	snop  }
0x206: {  	[tilespmem:s23], [sflag:$0x4] =	stream.indirect.gather.add.f32 [hbm:s4], $0x80, s20, s29, $0xb8;
	[tilespmem:$0x1B600] =	vst v63  }
0x207: {  	_ = 	snop  }
0x208: {  	[tilespmem:s23], [sflag:$0x4] =	stream.indirect.gather.add.f32 [hbm:s4], $0x80, s21, s29, $0xb8;
	[tilespmem:$0x1B600] =	vst v63  }
0x209: {  	_ =	swait.ge [sflag:s24], $0x8000  }
0x20a: {  	[sflag:s24] =	ssyncset.done $0x0  }
0x20b: {  	[sflag:s24] =	ssyncadd.s32 $0xFFFF8000  }
0x20c: {  	_ =	swait.ge [sflag:s24], $0x8000  }
0x20d: {  	[sflag:s24] =	ssyncset.done $0x0  }
0x20e: {  	[sflag:s24] =	ssyncadd.s32 $0xFFFF8000  }
0x20f: {  	_ =	swait.ge [sflag:s24], $0x8000  }
0x210: {  	[sflag:s24] =	ssyncset.done $0x0  }
0x211: {  	[sflag:s24] =	ssyncadd.s32 $0xFFFF8000  }
0x212: {  	_ =	swait.ge [sflag:s24], $0x8000  }
0x213: {  	[sflag:s24] =	ssyncset.done $0x0  }
0x214: {  	[sflag:s24] =	ssyncadd.s32 $0xFFFF8000  }
0x215: {  	_ =	swait.ge [sflag:s24], $0x8000  }
0x216: {  	[sflag:s24] =	ssyncset.done $0x0  }
0x217: {  	[sflag:s24] =	ssyncadd.s32 $0xFFFF8000  }
0x218: {  	_ =	swait.ge [sflag:s24], $0x8000  }
0x219: {  	[sflag:s24] =	ssyncset.done $0x0  }
0x21a: {  	[sflag:s24] =	ssyncadd.s32 $0xFFFF8000  }
0x21b: {  	_ =	swait.ge [sflag:s24], $0x8000  }
0x21c: {  	[sflag:s24] =	ssyncset.done $0x0  }
0x21d: {  	[sflag:s24] =	ssyncadd.s32 $0xFFFF8000  }
0x21e: {  	_ =	swait.ge [sflag:s24], $0x8000  }
0x21f: {  	[sflag:s24] =	ssyncset.done $0x0  }
0x220: {  	[sflag:s24] =	ssyncadd.s32 $0xFFFF8000  }
0x221: {  	_ =	swait.ge [sflag:s24], $0x8000  }
0x222: {  	[sflag:s24] =	ssyncset.done $0x0  }
0x223: {  	[sflag:s24] =	ssyncadd.s32 $0xFFFF8000  }
0x224: {  	_ =	swait.ge [sflag:s24], $0x8000  }
0x225: {  	[sflag:s24] =	ssyncset.done $0x0  }
0x226: {  	[sflag:s24] =	ssyncadd.s32 $0xFFFF8000  }
0x227: {  	_ =	swait.ge [sflag:s24], $0x8000  }
0x228: {  	[sflag:s24] =	ssyncset.done $0x0  }
0x229: {  	[sflag:s24] =	ssyncadd.s32 $0xFFFF8000  }
0x22a: {  	_ =	swait.ge [sflag:s24], $0x8000  }
0x22b: {  	[sflag:s24] =	ssyncset.done $0x0  }
0x22c: {  	[sflag:s24] =	ssyncadd.s32 $0xFFFF8000  }
0x22d: {  	_ =	swait.ge [sflag:s24], $0x8000  }
0x22e: {  	[sflag:s24] =	ssyncset.done $0x0  }
0x22f: {  	[sflag:s24] =	ssyncadd.s32 $0xFFFF8000  }
0x230: {  	_ =	swait.ge [sflag:s24], $0x8000  }
0x231: {  	[sflag:s24] =	ssyncset.done $0x0  }
0x232: {  	[sflag:s24] =	ssyncadd.s32 $0xFFFF8000  }
0x233: {  	_ =	swait.ge [sflag:s24], $0x8000  }
0x234: {  	[sflag:s24] =	ssyncset.done $0x0  }
0x235: {  	[sflag:s24] =	ssyncadd.s32 $0xFFFF8000  }
0x236: {  	_ =	swait.ge [sflag:s24], $0x8000  }
0x237: {  	[sflag:s24] =	ssyncset.done $0x0  }
0x238: {  	[sflag:s24] =	ssyncadd.s32 $0xFFFF8000  }
0x239: {  	_ =	swait.ge [sflag:s24], $0x8000  }
0x23a: {  	[sflag:s24] =	ssyncset.done $0x0  }
0x23b: {  	[sflag:s24] =	ssyncadd.s32 $0xFFFF8000  }
0x23c: {  	_ =	swait.ge [sflag:s24], $0x8000  }
0x23d: {  	[sflag:s24] =	ssyncset.done $0x0  }
0x23e: {  	[sflag:s24] =	ssyncadd.s32 $0xFFFF8000  }
0x23f: {  	_ =	swait.ge [sflag:s24], $0x8000  }
0x240: {  	[sflag:s24] =	ssyncset.done $0x0  }
0x241: {  	[sflag:s24] =	ssyncadd.s32 $0xFFFF8000  }
0x242: {  	_ =	swait.ge [sflag:s24], $0x8000  }
0x243: {  	[sflag:s24] =	ssyncset.done $0x0  }
0x244: {  	[sflag:s24] =	ssyncadd.s32 $0xFFFF8000  }
0x245: {  	_ =	swait.ge [sflag:s25], $0x8000  }
0x246: {  	[sflag:s25] =	ssyncset.done $0x0  }
0x247: {  	[sflag:s25] =	ssyncadd.s32 $0xFFFF8000  }
0x248: {  	_ =	swait.ge [sflag:s26], $0x8000  }
0x249: {  	[sflag:s26] =	ssyncset.done $0x0  }
0x24a: {  	s7 =	simm.s32 $0x0;
	[sflag:s26] =	ssyncadd.s32 $0xFFFF8000  }
0x24b: {  	v1 =	vld [tilespmem:s7+$0x9630]  }
0x24c: {  	v2 =	vld [tilespmem:s7+$0x9620]  }
0x24d: {  	v3 =	vld [tilespmem:s7+$0x11600]  }
0x24e: {  	v4 =	vld [tilespmem:s7+$0x9600]  }
0x24f: {  	v5 =	vld [tilespmem:s7+$0x9610]  }
0x250: {  	v6 =	vld [tilespmem:s7+$0x1600]  }
0x251: {  	v7 =	vld [tilespmem:s7+$0x1610]  }
0x252: {  	v8 =	vld [tilespmem:s7+$0x11610]  }
0x253: {  	v9 =	vld [tilespmem:s7+$0x1620]  }
0x254: {  	v10 =	vld [tilespmem:s7+$0x11620]  }
0x255: {  	v11 =	vld [tilespmem:s7+$0x1630]  }
0x256: {  	v12 =	vld [tilespmem:s7+$0x11630];
	v4 =	vmul.f32 v4, v6;
	v5 =	vmul.f32 v5, v7  }
0x257: {  	v3 =	vmul.f32 v3, v6;
	v6 =	vmul.f32 v8, v7  }
0x258: {  	v2 =	vmul.f32 v2, v9;
	v4 =	vadd.f32 v5, v4  }
0x259: {  	v3 =	vadd.f32 v6, v3;
	v5 =	vmul.f32 v10, v9  }
0x25a: {  	v1 =	vmul.f32 v1, v11;
	v2 =	vadd.f32 v2, v4  }
0x25b: {  	v3 =	vadd.f32 v5, v3;
	v4 =	vmul.f32 v12, v11  }
0x25c: {  	v1 =	vadd.f32 v1, v2  }
0x25d: {  	s0 =	simm.s32 $0x19600;
	v2 =	vadd.f32 v4, v3  }
0x25e: {  	s2 =	simm.s32 $0x1A600;
	[tilespmem:s0+$0x0] =	vst v1  }
0x25f: {  	s7 =	simm.s32 $0x80;
	[tilespmem:s2+$0x0] =	vst v2  }
0x260: {  	v1 =	vld [tilespmem:s7+$0x9630]  }
0x261: {  	v2 =	vld [tilespmem:s7+$0x9620]  }
0x262: {  	v3 =	vld [tilespmem:s7+$0x11600]  }
0x263: {  	v4 =	vld [tilespmem:s7+$0x9600]  }
0x264: {  	v6 =	vld [tilespmem:s7+$0x9610]  }
0x265: {  	v5 =	vld [tilespmem:s7+$0x1600]  }
0x266: {  	s6 =	simm.s32 $0x400;
	v7 =	vld [tilespmem:s7+$0x1610]  }
.LBB2_8:
0x267: {  	p0 =	sne.s32 s6, $0x1FE00;
	v8 =	vld [tilespmem:s7+$0x11610]  }
0x268: {  	v9 =	vld [tilespmem:s7+$0x1620]  }
0x269: {  	v10 =	vld [tilespmem:s7+$0x11620]  }
0x26a: {  	v11 =	vld [tilespmem:s7+$0x1630]  }
0x26b: {  	v4 =	vmul.f32 v4, v5;
	v12 =	vld [tilespmem:s7+$0x11630];
	v6 =	vmul.f32 v6, v7  }
0x26c: {  	v3 =	vmul.f32 v3, v5;
	v5 =	vmul.f32 v8, v7  }
0x26d: {  	v4 =	vadd.f32 v6, v4;
	v2 =	vmul.f32 v2, v9  }
0x26e: {  	v3 =	vadd.f32 v5, v3;
	v5 =	vmul.f32 v10, v9  }
0x26f: {  	v2 =	vadd.f32 v2, v4;
	v1 =	vmul.f32 v1, v11  }
0x270: {  	v3 =	vadd.f32 v5, v3;
	v4 =	vmul.f32 v12, v11  }
0x271: {  	v1 =	vadd.f32 v1, v2  }
0x272: {  	s0 =	sadd.s32 $0x10, s0;
	v2 =	vadd.f32 v4, v3  }
0x273: {  	s2 =	sadd.s32 $0x10, s2;
	[tilespmem:s0+$0x0] =	vst v1  }
0x274: {  	s7 =	sshra.s32 s6, $0x2;
	[tilespmem:s2+$0x0] =	vst v2  }
0x275: {  	v1 =	vld [tilespmem:s7+$0x9630]  }
0x276: {  	v2 =	vld [tilespmem:s7+$0x9620]  }
.Ltmp3:
0x277: {  	v3 =	vld [tilespmem:s7+$0x11600];
	(pc) =	sbr.rel @p0 .LBB2_8-.Ltmp3, $4  }
0x278: {  	v4 =	vld [tilespmem:s7+$0x9600]  }
0x279: {  	v6 =	vld [tilespmem:s7+$0x9610]  }
0x27a: {  	v5 =	vld [tilespmem:s7+$0x1600]  }
0x27b: {  	s6 =	sadd.s32 $0x200, s6;
	v7 =	vld [tilespmem:s7+$0x1610]  }
0x27c: {  	v8 =	vld [tilespmem:s7+$0x11610]  }
0x27d: {  	v9 =	vld [tilespmem:s7+$0x1620]  }
0x27e: {  	v10 =	vld [tilespmem:s7+$0x11620]  }
0x27f: {  	v11 =	vld [tilespmem:s7+$0x1630]  }
0x280: {  	v12 =	vld [tilespmem:s7+$0x11630];
	v4 =	vmul.f32 v4, v5;
	v6 =	vmul.f32 v6, v7  }
0x281: {  	v3 =	vmul.f32 v3, v5;
	v61 =	vmul.f32 v8, v7  }
0x282: {  	v2 =	vmul.f32 v2, v9;
	v4 =	vadd.f32 v6, v4  }
0x283: {  	v62 =	vmul.f32 v10, v9;
	v3 =	vadd.f32 v61, v3  }
0x284: {  	v1 =	vmul.f32 v1, v11;
	v2 =	vadd.f32 v2, v4  }
0x285: {  	v63 =	vmul.f32 v12, v11;
	v3 =	vadd.f32 v62, v3  }
0x286: {  	v1 =	vadd.f32 v1, v2  }
0x287: {  	s0 =	sadd.s32 $0x10, s0;
	v2 =	vadd.f32 v63, v3  }
0x288: {  	s2 =	sadd.s32 $0x10, s2;
	[tilespmem:s0+$0x0] =	vst v1  }
0x289: {  	s6 =	rddreg [dreg:$0x15];
	s7 =	simm.s32 $0x19600;
	[tilespmem:s2+$0x0] =	vst v2  }
0x28a: {  	[hbm4b:s6+s1] =	stream.linear.scatter [tilespmem:s7], [sflag:$0x5], $0x1000, $0x38;
	[tilespmem:$0x1B600] =	vst v63  }
0x28b: {  	_ =	swait.ge [sflag:s28], $0x1000  }
0x28c: {  	[sflag:s28] =	ssyncset.done $0x0  }
0x28d: {  	s6 =	simm.s32 $0x1A600;
	s2 =	rddreg [dreg:$0x16];
	[sflag:s28] =	ssyncadd.s32 $0xFFFFF000  }
0x28e: {  	[hbm4b:s2+s1] =	stream.linear.scatter [tilespmem:s6], [sflag:$0x5], $0x1000, $0x38;
	[tilespmem:$0x1B600] =	vst v63  }
0x28f: {  	_ =	swait.ge [sflag:s28], $0x1000  }
0x290: {  	s3 =	sadd.s32 $0x1, s3;
	s7 =	rddreg [dreg:$0x18]  }
0x291: {  	p0 =	sne.s32 s3, s7  }
.Ltmp4:
0x292: {  	_ = 	snop;
	(pc) =	sbr.rel @p0 .LBB2_1-.Ltmp4, $3  }
0x293: {  	_ =	sdelay $0x1  }
0x294: {  	[sflag:s28] =	ssyncset.done $0x0  }
0x295: {  	[sflag:s28] =	ssyncadd.s32 $0xFFFFF000;
	s7 =	simm.s32 $0x200  }
0x296: {  	_ =	sfence.sel $0x180000  }
0x297: {  	[bflag:$0x0] =	sbarrier.arrive $0xFFFF  }
0x298: {  	_ =	strace $0x90000047  }
0x299: {  	s0 =	stileid.u32;
	[bflag:$0x2] =	sbarrier.arrive $0xFFFF  }
0x29a: {  	p0 =	sne.s32 s0, $0x0;
	s0 =	rddreg [dreg:$0x3]  }
0x29b: {  	s0 =	sadd.s32 @!p0 $0x100000, s0  }
0x29c: {  	[sflag:s0] =	ssyncadd.tile.s32 @!p0 $0x1;
	_ =	shalt  }
.Lfunc_end2:
_tile_overlayer_lowered:
.L_overlay_start_2:
0x29d: {  	(tag) =	ssettag $0x2  }
0x29e: {  	s0 =	rddreg [dreg:$0x0];
	s2 =	stileid.u32  }
0x29f: {  	s1 =	rddreg [dreg:$0x1];
	p0 =	sne.s32 s2, $0x0  }
0x2a0: {  	s3 =	rddreg [dreg:$0x2];
	[bflag:$0x3] =	sbarrier.arrive $0xFFFF;
	s2 =	simm.s32 @!p0 $0x1C05  }
0x2a1: {  	[timem:s3], [sflag:s2] =	dma.local @!p0 [hbm:s0], s1  }
0x2a2: {  	s0 =	simm.s32 @!p0 $0x5  }
0x2a3: {  	_ =	swait.ge @!p0 [sflag:s0], s1  }
0x2a4: {  	s1 =	ssub.s32 @!p0 $0x0, s1;
	[sflag:s0] =	ssyncset.done @!p0 $0x0  }
0x2a5: {  	[sflag:s0] =	ssyncadd.s32 @!p0 s1  }
0x2a6: {  	[bflag:$0x3] =	sbarrier.arrive $0xFFFF  }
0x2a7: {  	_ =	shalt  }

</sc_bundles>
